<compile_context>
chip_gen: v7x
topology: tpu7x:2x2x1
jax: 0.10.2.dev20260603
libtpu: 0.0.44.dev20260713+nightly
codegen_flags: <defaults>
</compile_context>

<pallas_src>
import jax
import jax.numpy as jnp
from jax import lax
from jax.experimental import pallas as pl
from jax.experimental.pallas import tpu as pltpu
from jax.experimental.pallas import tpu_sc as plsc

N_NODES = 10000
N_EDGES = 320000
D_FEAT = 128

NC = 2
NS = 16
DH = D_FEAT // NC
CHUNK = 125
ROWS_PER_TILE = N_EDGES // (NS * CHUNK)
N_PAD = 10240
NODES_PER_TILE = N_PAD // NS
ZROWS = 32
K = 2
NG = ROWS_PER_TILE // K
DROWS = N_PAD // 16
DROWS_PER_TILE = DROWS // NS


def _sc_body(h2_hbm, src_hbm, dst_hbm, out_hbm,
             src_v, dst_v,
             ba0, ba1, bb0, bb1,
             dloc, idx5, idx6, idx7, zrow_v, acc_sh, deg_sh,
             gsem_a, gsem_b, ssem):
    c = lax.axis_index("c")
    s = lax.axis_index("s")
    bufs_a = [ba0, ba1]
    bufs_b = [bb0, bb1]

    zero16 = jnp.zeros((16,), jnp.float32)
    one16 = jnp.ones((16,), jnp.float32)
    iota16 = lax.broadcasted_iota(jnp.int32, (16,), 0)
    tail_mask = iota16 >= (16 - (CHUNK - (CHUNK // 16) * 16))
    cvec = jnp.broadcast_to(c, (16,))

    stage_src = pltpu.async_copy(
        src_hbm.at[pl.ds(s * ROWS_PER_TILE, ROWS_PER_TILE)], src_v, gsem_a)
    stage_dst = pltpu.async_copy(
        dst_hbm.at[pl.ds(s * ROWS_PER_TILE, ROWS_PER_TILE)], dst_v, gsem_b)

    def fill_zrow(i, carry):
        for k in range(DH // 16):
            zrow_v[i, pl.ds(k * 16, 16)] = zero16
        return carry

    lax.fori_loop(0, ZROWS, fill_zrow, 0)

    zcopies = []
    for i in range(NODES_PER_TILE // ZROWS):
        r0 = s * NODES_PER_TILE + i * ZROWS
        zcopies.append(pltpu.async_copy(zrow_v, acc_sh.at[pl.ds(r0, ZROWS)],
                                        ssem))

    def fill_dloc(i, carry):
        dloc[i, :] = zero16
        return carry

    lax.fori_loop(0, DROWS, fill_dloc, 0)

    zcopies.append(pltpu.async_copy(
        dloc.at[pl.ds(0, DROWS_PER_TILE)],
        deg_sh.at[pl.ds(s * DROWS_PER_TILE, DROWS_PER_TILE)], ssem))

    for r in range(DROWS // 128):
        for k in range(8):
            idx5[r, pl.ds(16 * k, 16)] = iota16 + (128 * r + 16 * k)

    obase = 2 * NODES_PER_TILE * s + c
    for r in range(5):
        for k in range(7):
            idx6[r, pl.ds(16 * k, 16)] = 2 * iota16 + (2 * (125 * r + 16 * k)) + obase
        idx6[r, pl.ds(109, 16)] = 2 * iota16 + (2 * (125 * r + 109)) + obase
    for t, off in enumerate((624, 375, 384)):
        idx7[t, :] = 2 * iota16 + 2 * off + obase

    def xform_row(i):
        vals = [src_v[i, pl.ds(16 * k, 16)] for k in range(7)]
        vtail = src_v[i, pl.ds(109, 16)]
        for k in range(7):
            src_v[i, pl.ds(16 * k, 16)] = vals[k] + vals[k] + cvec
        src_v[i, pl.ds(109, 16)] = vtail + vtail + cvec

    stage_src.wait()
    stage_dst.wait()
    for b in range(K):
        xform_row(b)

    def hist_row(j):
        for k in range(CHUNK // 16):
            d16 = dst_v[j, pl.ds(16 * k, 16)]
            plsc.addupdate_scatter(
                dloc, [lax.shift_right_logical(d16, 4), d16 & 15], one16)
        d16 = dst_v[j, pl.ds(CHUNK - 16, 16)]
        plsc.addupdate_scatter(
            dloc, [lax.shift_right_logical(d16, 4), d16 & 15], one16,
            mask=tail_mask)

    def do_group(g, bufs, gsem, obufs, ogsem):
        @pl.when(g + 1 < NG)
        def _():
            for b in range(K):
                xform_row((g + 1) * K + b)
                pltpu.async_copy(h2_hbm.at[src_v.at[(g + 1) * K + b]],
                                 obufs[b], ogsem)

        for b in range(K):
            pltpu.make_async_copy(h2_hbm.at[src_v.at[g * K + b]],
                                  bufs[b], gsem).wait()

        scat = []
        for b in range(K):
            scat.append(pltpu.async_copy(bufs[b], acc_sh.at[dst_v.at[g * K + b]],
                                         ssem, add=True))

        for b in range(K):
            hist_row(g * K + b)

        for x in scat:
            x.wait()

    for z in zcopies:
        z.wait()
    plsc.subcore_barrier()

    for b in range(K):
        pltpu.async_copy(h2_hbm.at[src_v.at[b]], bufs_a[b], gsem_a)

    def outer(t, carry):
        do_group(2 * t, bufs_a, gsem_a, bufs_b, gsem_b)
        do_group(2 * t + 1, bufs_b, gsem_b, bufs_a, gsem_a)
        return carry

    lax.fori_loop(0, NG // 2, outer, 0)

    hcopies = [pltpu.async_copy(dloc.at[pl.ds(128 * r, 128)],
                                deg_sh.at[idx5.at[r]], ssem, add=True)
               for r in range(DROWS // 128)]
    for hcp in hcopies:
        hcp.wait()

    plsc.subcore_barrier()

    pltpu.sync_copy(deg_sh.at[pl.ds(s * DROWS_PER_TILE, DROWS_PER_TILE)],
                    dloc.at[pl.ds(0, DROWS_PER_TILE)])

    def expand(i, carry):
        r = DROWS_PER_TILE - 1 - i
        v = 1.0 / jnp.maximum(dloc[r, :], 1.0)
        for lane in range(16):
            dloc[16 * r + lane, :] = jnp.broadcast_to(v[lane], (16,))
        return carry

    lax.fori_loop(0, DROWS_PER_TILE, expand, 0)

    def mul_rows(buf, o, length):
        def mul_row(j, carry):
            iv = dloc[o + j, :]
            for k in range(DH // 16):
                buf[j, pl.ds(16 * k, 16)] = buf[j, pl.ds(16 * k, 16)] * iv
            return carry

        lax.fori_loop(0, length, mul_row, 0)

    def stage_in(buf, o, length, sem):
        return pltpu.async_copy(
            acc_sh.at[pl.ds(s * NODES_PER_TILE + o, length)],
            buf.at[pl.ds(0, length)], sem)

    def flush(chunks):
        outs = {}
        cin = stage_in(bufs_a[0], chunks[0][0], chunks[0][1], gsem_a)
        for t, (o, length, idxref, irow) in enumerate(chunks):
            buf = (bufs_a if t % 2 == 0 else bufs_b)[0]
            cin.wait()
            if t + 1 < len(chunks):
                nbuf = (bufs_a if t % 2 == 1 else bufs_b)[0]
                nsem = gsem_a if t % 2 == 1 else gsem_b
                if t - 1 in outs:
                    outs[t - 1].wait()
                cin = stage_in(nbuf, chunks[t + 1][0], chunks[t + 1][1], nsem)
            mul_rows(buf, o, length)
            outs[t] = pltpu.async_copy(buf.at[pl.ds(0, length)],
                                       out_hbm.at[idxref.at[irow]], ssem)
        for t in (len(chunks) - 2, len(chunks) - 1):
            if t in outs:
                outs[t].wait()

    @pl.when(s < NS - 1)
    def _():
        flush([(125 * r, 125, idx6, r) for r in range(5)] + [(624, 16, idx7, 0)])

    @pl.when(s == NS - 1)
    def _():
        flush([(125 * r, 125, idx6, r) for r in range(3)]
              + [(375, 16, idx7, 1), (384, 16, idx7, 2)])


def kernel(h, edge_index):
    ei = edge_index.astype(jnp.int32)
    src = ei[0].reshape(N_EDGES // CHUNK, CHUNK)
    dst = ei[1].reshape(N_EDGES // CHUNK, CHUNK)
    h2 = h.reshape(NC * N_NODES, DH)

    mesh = plsc.VectorSubcoreMesh(core_axis_name="c", subcore_axis_name="s")

    sc_call = pl.kernel(
        _sc_body,
        mesh=mesh,
        compiler_params=pltpu.CompilerParams(use_tc_tiling_on_sc=False,
                                             needs_layout_passes=False),
        out_type=[
            jax.ShapeDtypeStruct((NC * N_NODES, DH), jnp.float32),
        ],
        scratch_types=[
            pltpu.VMEM((ROWS_PER_TILE, CHUNK), jnp.int32),
            pltpu.VMEM((ROWS_PER_TILE, CHUNK), jnp.int32),
        ] + [pltpu.VMEM((CHUNK, DH), jnp.float32)] * (2 * K) + [
            pltpu.VMEM((N_PAD // 16, 16), jnp.float32),
            pltpu.VMEM((N_PAD // 16 // 128, 128), jnp.int32),
            pltpu.VMEM((5, CHUNK), jnp.int32),
            pltpu.VMEM((3, 16), jnp.int32),
            pltpu.VMEM((ZROWS, DH), jnp.float32),
            pltpu.VMEM_SHARED((N_PAD, DH), jnp.float32),
            pltpu.VMEM_SHARED((N_PAD // 16, 16), jnp.float32),
            pltpu.SemaphoreType.DMA,
            pltpu.SemaphoreType.DMA,
            pltpu.SemaphoreType.DMA,
        ],
    )
    (out2,) = sc_call(h2, src, dst)
    return out2.reshape(N_NODES, D_FEAT)

# --- scband reference (transcript-rebuilt; emitter-appended) ---
"""Pipeline reference for scband-mean-aggregator-11433202942740 (READ-ONLY COPY).

The authoritative reference and input builder live on the scoring server;
editing this copy changes nothing except your own understanding.
"""

import jax, jax.numpy as jnp
import numpy as np

N_NODES = 10000
N_EDGES = 320000
D_FEAT = 128


def setup_inputs(seed: int = 0) -> dict:
    key = jax.random.key(seed)
    k1, k2 = jax.random.split(key)
    h = jax.random.normal(k1, (N_NODES, D_FEAT), dtype=jnp.float32)
    edge_index = jax.random.randint(k2, (2, N_EDGES), 0, N_NODES, dtype=jnp.int64)
    return {"h": h, "edge_index": edge_index}


def reference(h, edge_index):
    # DGL block mean aggregation: for each dst node, mean of h over incoming src neighbors.
    # Here the block is represented as edge_index[0]=src ids, edge_index[1]=dst ids,
    # with number_of_dst_nodes() == h.shape[0] (dst nodes are a prefix of src nodes).
    src = edge_index[0]
    dst = edge_index[1]
    n_dst = h.shape[0]
    # copy_u('h','m'): gather source features along edges
    msgs = jnp.take(h, src, axis=0)
    # mean('m','neigh'): segment mean over destination nodes
    summed = jax.ops.segment_sum(msgs, dst, num_segments=n_dst)
    deg = jax.ops.segment_sum(jnp.ones((dst.shape[0],), dtype=h.dtype), dst, num_segments=n_dst)
    neigh = summed / jnp.clip(deg, 1.0, None)[:, None]
    return neigh

if __name__ == "__main__":
    import jax
    _d = setup_inputs()
    print(jax.jit(kernel)(*tuple(_d.values())))

</pallas_src>

<mosaic_0001>
#map = affine_map<(d0, d1) -> (0, 0)>
module attributes {stable_mosaic.version = 14 : i64} {
  func.func @_sc_body(%arg0: i32, %arg1: i32, %arg2: memref<20000x64xf32, #tpu.memory_space<hbm>>, %arg3: memref<2560x125xi32, #tpu.memory_space<hbm>>, %arg4: memref<2560x125xi32, #tpu.memory_space<hbm>>, %arg5: memref<20000x64xf32, #tpu.memory_space<hbm>>, %arg6: memref<160x125xi32, #tpu.memory_space<vmem>>, %arg7: memref<160x125xi32, #tpu.memory_space<vmem>>, %arg8: memref<125x64xf32, #tpu.memory_space<vmem>>, %arg9: memref<125x64xf32, #tpu.memory_space<vmem>>, %arg10: memref<125x64xf32, #tpu.memory_space<vmem>>, %arg11: memref<125x64xf32, #tpu.memory_space<vmem>>, %arg12: memref<640x16xf32, #tpu.memory_space<vmem>>, %arg13: memref<5x128xi32, #tpu.memory_space<vmem>>, %arg14: memref<5x125xi32, #tpu.memory_space<vmem>>, %arg15: memref<3x16xi32, #tpu.memory_space<vmem>>, %arg16: memref<32x64xf32, #tpu.memory_space<vmem>>, %arg17: memref<10240x64xf32, #tpu.memory_space<vmem_shared>>, %arg18: memref<640x16xf32, #tpu.memory_space<vmem_shared>>, %arg19: memref<!tpu.dma_semaphore, #tpu.memory_space<semaphore_mem>>, %arg20: memref<!tpu.dma_semaphore, #tpu.memory_space<semaphore_mem>>, %arg21: memref<!tpu.dma_semaphore, #tpu.memory_space<semaphore_mem>>) attributes {dimension_semantics = [#tpu.dimension_semantics<core_parallel>, #tpu.dimension_semantics<subcore_parallel>], iteration_bounds = array<i64: 2, 16>, scalar_prefetch = 0 : i64, scratch_operands = 16 : i64, tpu.core_type = #tpu.core_type<sc_vector_subcore>, window_params = [{transform_indices = #map}, {transform_indices = #map}, {transform_indices = #map}, {transform_indices = #map}]} {
    %broadcast_in_dim3A = arith.constant 0.000000e+00 : f32
    %broadcast_in_dim3A_0 = vector.broadcast %broadcast_in_dim3A : f32 to vector<16xf32>
    %broadcast_in_dim3A_1 = arith.constant 1.000000e+00 : f32
    %broadcast_in_dim3A_2 = vector.broadcast %broadcast_in_dim3A_1 : f32 to vector<16xf32>
    %iota3A = tpu.iota {dimensions = array<i32: 0>} : vector<16xi32>
    %ge3A = arith.constant 3 : i32
    %ge3A_3 = vector.broadcast %ge3A : i32 to vector<16xi32>
    %ge3A_4 = arith.cmpi sge, %iota3A, %ge3A_3 : vector<16xi32>
    %broadcast_in_dim3A_5 = vector.broadcast %arg0 : i32 to vector<16xi32>
    %mul3A = arith.constant 160 : i32
    %mul3A_6 = arith.muli %arg1, %mul3A : i32
    %dma_start3A = arith.constant 0 : i32
    %dma_start3A_7 = tpu.memref_slice %arg3[%mul3A_6, %dma_start3A] : memref<2560x125xi32, #tpu.memory_space<hbm>> -> memref<160x125xi32, #tpu.memory_space<hbm>>
    %dma_start3A_8 = arith.constant 0 : i32
    %dma_start3A_9 = tpu.memref_slice %arg3[%mul3A_6, %dma_start3A_8] : memref<2560x125xi32, #tpu.memory_space<hbm>> -> memref<160x125xi32, #tpu.memory_space<hbm>>
    tpu.enqueue_dma source(%dma_start3A_9 : memref<160x125xi32, #tpu.memory_space<hbm>>) target(%arg6 : memref<160x125xi32, #tpu.memory_space<vmem>>) target_semaphore(%arg19 : memref<!tpu.dma_semaphore, #tpu.memory_space<semaphore_mem>>)
    %mul3A_10 = arith.constant 160 : i32
    %mul3A_11 = arith.muli %arg1, %mul3A_10 : i32
    %dma_start3A_12 = arith.constant 0 : i32
    %dma_start3A_13 = tpu.memref_slice %arg4[%mul3A_11, %dma_start3A_12] : memref<2560x125xi32, #tpu.memory_space<hbm>> -> memref<160x125xi32, #tpu.memory_space<hbm>>
    %dma_start3A_14 = arith.constant 0 : i32
    %dma_start3A_15 = tpu.memref_slice %arg4[%mul3A_11, %dma_start3A_14] : memref<2560x125xi32, #tpu.memory_space<hbm>> -> memref<160x125xi32, #tpu.memory_space<hbm>>
    tpu.enqueue_dma source(%dma_start3A_15 : memref<160x125xi32, #tpu.memory_space<hbm>>) target(%arg7 : memref<160x125xi32, #tpu.memory_space<vmem>>) target_semaphore(%arg20 : memref<!tpu.dma_semaphore, #tpu.memory_space<semaphore_mem>>)
    %scan3A = arith.constant 0 : i32
    %scan3A_16 = arith.constant 0 : i32
    %scan3A_17 = arith.constant 32 : i32
    %scan3A_18 = arith.addi %scan3A_16, %scan3A_17 : i32
    %scan3A_19 = arith.constant 1 : i32
    scf.for %scan3A_1387 = %scan3A_16 to %scan3A_18 step %scan3A_19  : i32 {
      %swap3A_1388 = arith.index_cast %scan3A_1387 : i32 to index
      %swap3A_1389 = arith.constant 0 : index
      %swap3A_1390 = tpu.vector_load %arg16[%swap3A_1388, %swap3A_1389] {strides = array<i32>} : memref<32x64xf32, #tpu.memory_space<vmem>>, vector<16xf32>,
      tpu.vector_store %arg16[%swap3A_1388, %swap3A_1389], %broadcast_in_dim3A_0 {strides = array<i32>} : memref<32x64xf32, #tpu.memory_space<vmem>>, vector<16xf32>,
      %swap3A_1391 = arith.index_cast %scan3A_1387 : i32 to index
      %swap3A_1392 = arith.constant 16 : index
      %swap3A_1393 = tpu.vector_load %arg16[%swap3A_1391, %swap3A_1392] {strides = array<i32>} : memref<32x64xf32, #tpu.memory_space<vmem>>, vector<16xf32>,
      tpu.vector_store %arg16[%swap3A_1391, %swap3A_1392], %broadcast_in_dim3A_0 {strides = array<i32>} : memref<32x64xf32, #tpu.memory_space<vmem>>, vector<16xf32>,
      %swap3A_1394 = arith.index_cast %scan3A_1387 : i32 to index
      %swap3A_1395 = arith.constant 32 : index
      %swap3A_1396 = tpu.vector_load %arg16[%swap3A_1394, %swap3A_1395] {strides = array<i32>} : memref<32x64xf32, #tpu.memory_space<vmem>>, vector<16xf32>,
      tpu.vector_store %arg16[%swap3A_1394, %swap3A_1395], %broadcast_in_dim3A_0 {strides = array<i32>} : memref<32x64xf32, #tpu.memory_space<vmem>>, vector<16xf32>,
      %swap3A_1397 = arith.index_cast %scan3A_1387 : i32 to index
      %swap3A_1398 = arith.constant 48 : index
      %swap3A_1399 = tpu.vector_load %arg16[%swap3A_1397, %swap3A_1398] {strides = array<i32>} : memref<32x64xf32, #tpu.memory_space<vmem>>, vector<16xf32>,
      tpu.vector_store %arg16[%swap3A_1397, %swap3A_1398], %broadcast_in_dim3A_0 {strides = array<i32>} : memref<32x64xf32, #tpu.memory_space<vmem>>, vector<16xf32>,
    }
    %scan3A_20 = arith.constant 32 : i32
    %mul3A_21 = arith.constant 640 : i32
    %mul3A_22 = arith.muli %arg1, %mul3A_21 : i32
    %add3A = arith.constant 0 : i32
    %add3A_23 = arith.addi %mul3A_22, %add3A : i32
    %dma_start3A_24 = arith.constant 0 : i32
    %dma_start3A_25 = tpu.memref_slice %arg17[%add3A_23, %dma_start3A_24] : memref<10240x64xf32, #tpu.memory_space<vmem_shared>> -> memref<32x64xf32, #tpu.memory_space<vmem_shared>>
    %dma_start3A_26 = arith.constant 0 : i32
    %dma_start3A_27 = tpu.memref_slice %arg17[%add3A_23, %dma_start3A_26] : memref<10240x64xf32, #tpu.memory_space<vmem_shared>> -> memref<32x64xf32, #tpu.memory_space<vmem_shared>>
    tpu.enqueue_dma source(%arg16 : memref<32x64xf32, #tpu.memory_space<vmem>>) target(%dma_start3A_27 : memref<32x64xf32, #tpu.memory_space<vmem_shared>>) target_semaphore(%arg21 : memref<!tpu.dma_semaphore, #tpu.memory_space<semaphore_mem>>)
    %mul3A_28 = arith.constant 640 : i32
    %mul3A_29 = arith.muli %arg1, %mul3A_28 : i32
    %add3A_30 = arith.constant 32 : i32
    %add3A_31 = arith.addi %mul3A_29, %add3A_30 : i32
    %dma_start3A_32 = arith.constant 0 : i32
    %dma_start3A_33 = tpu.memref_slice %arg17[%add3A_31, %dma_start3A_32] : memref<10240x64xf32, #tpu.memory_space<vmem_shared>> -> memref<32x64xf32, #tpu.memory_space<vmem_shared>>
    %dma_start3A_34 = arith.constant 0 : i32
    %dma_start3A_35 = tpu.memref_slice %arg17[%add3A_31, %dma_start3A_34] : memref<10240x64xf32, #tpu.memory_space<vmem_shared>> -> memref<32x64xf32, #tpu.memory_space<vmem_shared>>
    tpu.enqueue_dma source(%arg16 : memref<32x64xf32, #tpu.memory_space<vmem>>) target(%dma_start3A_35 : memref<32x64xf32, #tpu.memory_space<vmem_shared>>) target_semaphore(%arg21 : memref<!tpu.dma_semaphore, #tpu.memory_space<semaphore_mem>>)
    %mul3A_36 = arith.constant 640 : i32
    %mul3A_37 = arith.muli %arg1, %mul3A_36 : i32
    %add3A_38 = arith.constant 64 : i32
    %add3A_39 = arith.addi %mul3A_37, %add3A_38 : i32
    %dma_start3A_40 = arith.constant 0 : i32
    %dma_start3A_41 = tpu.memref_slice %arg17[%add3A_39, %dma_start3A_40] : memref<10240x64xf32, #tpu.memory_space<vmem_shared>> -> memref<32x64xf32, #tpu.memory_space<vmem_shared>>
    %dma_start3A_42 = arith.constant 0 : i32
    %dma_start3A_43 = tpu.memref_slice %arg17[%add3A_39, %dma_start3A_42] : memref<10240x64xf32, #tpu.memory_space<vmem_shared>> -> memref<32x64xf32, #tpu.memory_space<vmem_shared>>
    tpu.enqueue_dma source(%arg16 : memref<32x64xf32, #tpu.memory_space<vmem>>) target(%dma_start3A_43 : memref<32x64xf32, #tpu.memory_space<vmem_shared>>) target_semaphore(%arg21 : memref<!tpu.dma_semaphore, #tpu.memory_space<semaphore_mem>>)
    %mul3A_44 = arith.constant 640 : i32
    %mul3A_45 = arith.muli %arg1, %mul3A_44 : i32
    %add3A_46 = arith.constant 96 : i32
    %add3A_47 = arith.addi %mul3A_45, %add3A_46 : i32
    %dma_start3A_48 = arith.constant 0 : i32
    %dma_start3A_49 = tpu.memref_slice %arg17[%add3A_47, %dma_start3A_48] : memref<10240x64xf32, #tpu.memory_space<vmem_shared>> -> memref<32x64xf32, #tpu.memory_space<vmem_shared>>
    %dma_start3A_50 = arith.constant 0 : i32
    %dma_start3A_51 = tpu.memref_slice %arg17[%add3A_47, %dma_start3A_50] : memref<10240x64xf32, #tpu.memory_space<vmem_shared>> -> memref<32x64xf32, #tpu.memory_space<vmem_shared>>
    tpu.enqueue_dma source(%arg16 : memref<32x64xf32, #tpu.memory_space<vmem>>) target(%dma_start3A_51 : memref<32x64xf32, #tpu.memory_space<vmem_shared>>) target_semaphore(%arg21 : memref<!tpu.dma_semaphore, #tpu.memory_space<semaphore_mem>>)
    %mul3A_52 = arith.constant 640 : i32
    %mul3A_53 = arith.muli %arg1, %mul3A_52 : i32
    %add3A_54 = arith.constant 128 : i32
    %add3A_55 = arith.addi %mul3A_53, %add3A_54 : i32
    %dma_start3A_56 = arith.constant 0 : i32
    %dma_start3A_57 = tpu.memref_slice %arg17[%add3A_55, %dma_start3A_56] : memref<10240x64xf32, #tpu.memory_space<vmem_shared>> -> memref<32x64xf32, #tpu.memory_space<vmem_shared>>
    %dma_start3A_58 = arith.constant 0 : i32
    %dma_start3A_59 = tpu.memref_slice %arg17[%add3A_55, %dma_start3A_58] : memref<10240x64xf32, #tpu.memory_space<vmem_shared>> -> memref<32x64xf32, #tpu.memory_space<vmem_shared>>
    tpu.enqueue_dma source(%arg16 : memref<32x64xf32, #tpu.memory_space<vmem>>) target(%dma_start3A_59 : memref<32x64xf32, #tpu.memory_space<vmem_shared>>) target_semaphore(%arg21 : memref<!tpu.dma_semaphore, #tpu.memory_space<semaphore_mem>>)
    %mul3A_60 = arith.constant 640 : i32
    %mul3A_61 = arith.muli %arg1, %mul3A_60 : i32
    %add3A_62 = arith.constant 160 : i32
    %add3A_63 = arith.addi %mul3A_61, %add3A_62 : i32
    %dma_start3A_64 = arith.constant 0 : i32
    %dma_start3A_65 = tpu.memref_slice %arg17[%add3A_63, %dma_start3A_64] : memref<10240x64xf32, #tpu.memory_space<vmem_shared>> -> memref<32x64xf32, #tpu.memory_space<vmem_shared>>
    %dma_start3A_66 = arith.constant 0 : i32
    %dma_start3A_67 = tpu.memref_slice %arg17[%add3A_63, %dma_start3A_66] : memref<10240x64xf32, #tpu.memory_space<vmem_shared>> -> memref<32x64xf32, #tpu.memory_space<vmem_shared>>
    tpu.enqueue_dma source(%arg16 : memref<32x64xf32, #tpu.memory_space<vmem>>) target(%dma_start3A_67 : memref<32x64xf32, #tpu.memory_space<vmem_shared>>) target_semaphore(%arg21 : memref<!tpu.dma_semaphore, #tpu.memory_space<semaphore_mem>>)
    %mul3A_68 = arith.constant 640 : i32
    %mul3A_69 = arith.muli %arg1, %mul3A_68 : i32
    %add3A_70 = arith.constant 192 : i32
    %add3A_71 = arith.addi %mul3A_69, %add3A_70 : i32
    %dma_start3A_72 = arith.constant 0 : i32
    %dma_start3A_73 = tpu.memref_slice %arg17[%add3A_71, %dma_start3A_72] : memref<10240x64xf32, #tpu.memory_space<vmem_shared>> -> memref<32x64xf32, #tpu.memory_space<vmem_shared>>
    %dma_start3A_74 = arith.constant 0 : i32
    %dma_start3A_75 = tpu.memref_slice %arg17[%add3A_71, %dma_start3A_74] : memref<10240x64xf32, #tpu.memory_space<vmem_shared>> -> memref<32x64xf32, #tpu.memory_space<vmem_shared>>
    tpu.enqueue_dma source(%arg16 : memref<32x64xf32, #tpu.memory_space<vmem>>) target(%dma_start3A_75 : memref<32x64xf32, #tpu.memory_space<vmem_shared>>) target_semaphore(%arg21 : memref<!tpu.dma_semaphore, #tpu.memory_space<semaphore_mem>>)
    %mul3A_76 = arith.constant 640 : i32
    %mul3A_77 = arith.muli %arg1, %mul3A_76 : i32
    %add3A_78 = arith.constant 224 : i32
    %add3A_79 = arith.addi %mul3A_77, %add3A_78 : i32
    %dma_start3A_80 = arith.constant 0 : i32
    %dma_start3A_81 = tpu.memref_slice %arg17[%add3A_79, %dma_start3A_80] : memref<10240x64xf32, #tpu.memory_space<vmem_shared>> -> memref<32x64xf32, #tpu.memory_space<vmem_shared>>
    %dma_start3A_82 = arith.constant 0 : i32
    %dma_start3A_83 = tpu.memref_slice %arg17[%add3A_79, %dma_start3A_82] : memref<10240x64xf32, #tpu.memory_space<vmem_shared>> -> memref<32x64xf32, #tpu.memory_space<vmem_shared>>
    tpu.enqueue_dma source(%arg16 : memref<32x64xf32, #tpu.memory_space<vmem>>) target(%dma_start3A_83 : memref<32x64xf32, #tpu.memory_space<vmem_shared>>) target_semaphore(%arg21 : memref<!tpu.dma_semaphore, #tpu.memory_space<semaphore_mem>>)
    %mul3A_84 = arith.constant 640 : i32
    %mul3A_85 = arith.muli %arg1, %mul3A_84 : i32
    %add3A_86 = arith.constant 256 : i32
    %add3A_87 = arith.addi %mul3A_85, %add3A_86 : i32
    %dma_start3A_88 = arith.constant 0 : i32
    %dma_start3A_89 = tpu.memref_slice %arg17[%add3A_87, %dma_start3A_88] : memref<10240x64xf32, #tpu.memory_space<vmem_shared>> -> memref<32x64xf32, #tpu.memory_space<vmem_shared>>
    %dma_start3A_90 = arith.constant 0 : i32
    %dma_start3A_91 = tpu.memref_slice %arg17[%add3A_87, %dma_start3A_90] : memref<10240x64xf32, #tpu.memory_space<vmem_shared>> -> memref<32x64xf32, #tpu.memory_space<vmem_shared>>
    tpu.enqueue_dma source(%arg16 : memref<32x64xf32, #tpu.memory_space<vmem>>) target(%dma_start3A_91 : memref<32x64xf32, #tpu.memory_space<vmem_shared>>) target_semaphore(%arg21 : memref<!tpu.dma_semaphore, #tpu.memory_space<semaphore_mem>>)
    %mul3A_92 = arith.constant 640 : i32
    %mul3A_93 = arith.muli %arg1, %mul3A_92 : i32
    %add3A_94 = arith.constant 288 : i32
    %add3A_95 = arith.addi %mul3A_93, %add3A_94 : i32
    %dma_start3A_96 = arith.constant 0 : i32
    %dma_start3A_97 = tpu.memref_slice %arg17[%add3A_95, %dma_start3A_96] : memref<10240x64xf32, #tpu.memory_space<vmem_shared>> -> memref<32x64xf32, #tpu.memory_space<vmem_shared>>
    %dma_start3A_98 = arith.constant 0 : i32
    %dma_start3A_99 = tpu.memref_slice %arg17[%add3A_95, %dma_start3A_98] : memref<10240x64xf32, #tpu.memory_space<vmem_shared>> -> memref<32x64xf32, #tpu.memory_space<vmem_shared>>
    tpu.enqueue_dma source(%arg16 : memref<32x64xf32, #tpu.memory_space<vmem>>) target(%dma_start3A_99 : memref<32x64xf32, #tpu.memory_space<vmem_shared>>) target_semaphore(%arg21 : memref<!tpu.dma_semaphore, #tpu.memory_space<semaphore_mem>>)
    %mul3A_100 = arith.constant 640 : i32
    %mul3A_101 = arith.muli %arg1, %mul3A_100 : i32
    %add3A_102 = arith.constant 320 : i32
    %add3A_103 = arith.addi %mul3A_101, %add3A_102 : i32
    %dma_start3A_104 = arith.constant 0 : i32
    %dma_start3A_105 = tpu.memref_slice %arg17[%add3A_103, %dma_start3A_104] : memref<10240x64xf32, #tpu.memory_space<vmem_shared>> -> memref<32x64xf32, #tpu.memory_space<vmem_shared>>
    %dma_start3A_106 = arith.constant 0 : i32
    %dma_start3A_107 = tpu.memref_slice %arg17[%add3A_103, %dma_start3A_106] : memref<10240x64xf32, #tpu.memory_space<vmem_shared>> -> memref<32x64xf32, #tpu.memory_space<vmem_shared>>
    tpu.enqueue_dma source(%arg16 : memref<32x64xf32, #tpu.memory_space<vmem>>) target(%dma_start3A_107 : memref<32x64xf32, #tpu.memory_space<vmem_shared>>) target_semaphore(%arg21 : memref<!tpu.dma_semaphore, #tpu.memory_space<semaphore_mem>>)
    %mul3A_108 = arith.constant 640 : i32
    %mul3A_109 = arith.muli %arg1, %mul3A_108 : i32
    %add3A_110 = arith.constant 352 : i32
    %add3A_111 = arith.addi %mul3A_109, %add3A_110 : i32
    %dma_start3A_112 = arith.constant 0 : i32
    %dma_start3A_113 = tpu.memref_slice %arg17[%add3A_111, %dma_start3A_112] : memref<10240x64xf32, #tpu.memory_space<vmem_shared>> -> memref<32x64xf32, #tpu.memory_space<vmem_shared>>
    %dma_start3A_114 = arith.constant 0 : i32
    %dma_start3A_115 = tpu.memref_slice %arg17[%add3A_111, %dma_start3A_114] : memref<10240x64xf32, #tpu.memory_space<vmem_shared>> -> memref<32x64xf32, #tpu.memory_space<vmem_shared>>
    tpu.enqueue_dma source(%arg16 : memref<32x64xf32, #tpu.memory_space<vmem>>) target(%dma_start3A_115 : memref<32x64xf32, #tpu.memory_space<vmem_shared>>) target_semaphore(%arg21 : memref<!tpu.dma_semaphore, #tpu.memory_space<semaphore_mem>>)
    %mul3A_116 = arith.constant 640 : i32
    %mul3A_117 = arith.muli %arg1, %mul3A_116 : i32
    %add3A_118 = arith.constant 384 : i32
    %add3A_119 = arith.addi %mul3A_117, %add3A_118 : i32
    %dma_start3A_120 = arith.constant 0 : i32
    %dma_start3A_121 = tpu.memref_slice %arg17[%add3A_119, %dma_start3A_120] : memref<10240x64xf32, #tpu.memory_space<vmem_shared>> -> memref<32x64xf32, #tpu.memory_space<vmem_shared>>
    %dma_start3A_122 = arith.constant 0 : i32
    %dma_start3A_123 = tpu.memref_slice %arg17[%add3A_119, %dma_start3A_122] : memref<10240x64xf32, #tpu.memory_space<vmem_shared>> -> memref<32x64xf32, #tpu.memory_space<vmem_shared>>
    tpu.enqueue_dma source(%arg16 : memref<32x64xf32, #tpu.memory_space<vmem>>) target(%dma_start3A_123 : memref<32x64xf32, #tpu.memory_space<vmem_shared>>) target_semaphore(%arg21 : memref<!tpu.dma_semaphore, #tpu.memory_space<semaphore_mem>>)
    %mul3A_124 = arith.constant 640 : i32
    %mul3A_125 = arith.muli %arg1, %mul3A_124 : i32
    %add3A_126 = arith.constant 416 : i32
    %add3A_127 = arith.addi %mul3A_125, %add3A_126 : i32
    %dma_start3A_128 = arith.constant 0 : i32
    %dma_start3A_129 = tpu.memref_slice %arg17[%add3A_127, %dma_start3A_128] : memref<10240x64xf32, #tpu.memory_space<vmem_shared>> -> memref<32x64xf32, #tpu.memory_space<vmem_shared>>
    %dma_start3A_130 = arith.constant 0 : i32
    %dma_start3A_131 = tpu.memref_slice %arg17[%add3A_127, %dma_start3A_130] : memref<10240x64xf32, #tpu.memory_space<vmem_shared>> -> memref<32x64xf32, #tpu.memory_space<vmem_shared>>
    tpu.enqueue_dma source(%arg16 : memref<32x64xf32, #tpu.memory_space<vmem>>) target(%dma_start3A_131 : memref<32x64xf32, #tpu.memory_space<vmem_shared>>) target_semaphore(%arg21 : memref<!tpu.dma_semaphore, #tpu.memory_space<semaphore_mem>>)
    %mul3A_132 = arith.constant 640 : i32
    %mul3A_133 = arith.muli %arg1, %mul3A_132 : i32
    %add3A_134 = arith.constant 448 : i32
    %add3A_135 = arith.addi %mul3A_133, %add3A_134 : i32
    %dma_start3A_136 = arith.constant 0 : i32
    %dma_start3A_137 = tpu.memref_slice %arg17[%add3A_135, %dma_start3A_136] : memref<10240x64xf32, #tpu.memory_space<vmem_shared>> -> memref<32x64xf32, #tpu.memory_space<vmem_shared>>
    %dma_start3A_138 = arith.constant 0 : i32
    %dma_start3A_139 = tpu.memref_slice %arg17[%add3A_135, %dma_start3A_138] : memref<10240x64xf32, #tpu.memory_space<vmem_shared>> -> memref<32x64xf32, #tpu.memory_space<vmem_shared>>
    tpu.enqueue_dma source(%arg16 : memref<32x64xf32, #tpu.memory_space<vmem>>) target(%dma_start3A_139 : memref<32x64xf32, #tpu.memory_space<vmem_shared>>) target_semaphore(%arg21 : memref<!tpu.dma_semaphore, #tpu.memory_space<semaphore_mem>>)
    %mul3A_140 = arith.constant 640 : i32
    %mul3A_141 = arith.muli %arg1, %mul3A_140 : i32
    %add3A_142 = arith.constant 480 : i32
    %add3A_143 = arith.addi %mul3A_141, %add3A_142 : i32
    %dma_start3A_144 = arith.constant 0 : i32
    %dma_start3A_145 = tpu.memref_slice %arg17[%add3A_143, %dma_start3A_144] : memref<10240x64xf32, #tpu.memory_space<vmem_shared>> -> memref<32x64xf32, #tpu.memory_space<vmem_shared>>
    %dma_start3A_146 = arith.constant 0 : i32
    %dma_start3A_147 = tpu.memref_slice %arg17[%add3A_143, %dma_start3A_146] : memref<10240x64xf32, #tpu.memory_space<vmem_shared>> -> memref<32x64xf32, #tpu.memory_space<vmem_shared>>
    tpu.enqueue_dma source(%arg16 : memref<32x64xf32, #tpu.memory_space<vmem>>) target(%dma_start3A_147 : memref<32x64xf32, #tpu.memory_space<vmem_shared>>) target_semaphore(%arg21 : memref<!tpu.dma_semaphore, #tpu.memory_space<semaphore_mem>>)
    %mul3A_148 = arith.constant 640 : i32
    %mul3A_149 = arith.muli %arg1, %mul3A_148 : i32
    %add3A_150 = arith.constant 512 : i32
    %add3A_151 = arith.addi %mul3A_149, %add3A_150 : i32
    %dma_start3A_152 = arith.constant 0 : i32
    %dma_start3A_153 = tpu.memref_slice %arg17[%add3A_151, %dma_start3A_152] : memref<10240x64xf32, #tpu.memory_space<vmem_shared>> -> memref<32x64xf32, #tpu.memory_space<vmem_shared>>
    %dma_start3A_154 = arith.constant 0 : i32
    %dma_start3A_155 = tpu.memref_slice %arg17[%add3A_151, %dma_start3A_154] : memref<10240x64xf32, #tpu.memory_space<vmem_shared>> -> memref<32x64xf32, #tpu.memory_space<vmem_shared>>
    tpu.enqueue_dma source(%arg16 : memref<32x64xf32, #tpu.memory_space<vmem>>) target(%dma_start3A_155 : memref<32x64xf32, #tpu.memory_space<vmem_shared>>) target_semaphore(%arg21 : memref<!tpu.dma_semaphore, #tpu.memory_space<semaphore_mem>>)
    %mul3A_156 = arith.constant 640 : i32
    %mul3A_157 = arith.muli %arg1, %mul3A_156 : i32
    %add3A_158 = arith.constant 544 : i32
    %add3A_159 = arith.addi %mul3A_157, %add3A_158 : i32
    %dma_start3A_160 = arith.constant 0 : i32
    %dma_start3A_161 = tpu.memref_slice %arg17[%add3A_159, %dma_start3A_160] : memref<10240x64xf32, #tpu.memory_space<vmem_shared>> -> memref<32x64xf32, #tpu.memory_space<vmem_shared>>
    %dma_start3A_162 = arith.constant 0 : i32
    %dma_start3A_163 = tpu.memref_slice %arg17[%add3A_159, %dma_start3A_162] : memref<10240x64xf32, #tpu.memory_space<vmem_shared>> -> memref<32x64xf32, #tpu.memory_space<vmem_shared>>
    tpu.enqueue_dma source(%arg16 : memref<32x64xf32, #tpu.memory_space<vmem>>) target(%dma_start3A_163 : memref<32x64xf32, #tpu.memory_space<vmem_shared>>) target_semaphore(%arg21 : memref<!tpu.dma_semaphore, #tpu.memory_space<semaphore_mem>>)
    %mul3A_164 = arith.constant 640 : i32
    %mul3A_165 = arith.muli %arg1, %mul3A_164 : i32
    %add3A_166 = arith.constant 576 : i32
    %add3A_167 = arith.addi %mul3A_165, %add3A_166 : i32
    %dma_start3A_168 = arith.constant 0 : i32
    %dma_start3A_169 = tpu.memref_slice %arg17[%add3A_167, %dma_start3A_168] : memref<10240x64xf32, #tpu.memory_space<vmem_shared>> -> memref<32x64xf32, #tpu.memory_space<vmem_shared>>
    %dma_start3A_170 = arith.constant 0 : i32
    %dma_start3A_171 = tpu.memref_slice %arg17[%add3A_167, %dma_start3A_170] : memref<10240x64xf32, #tpu.memory_space<vmem_shared>> -> memref<32x64xf32, #tpu.memory_space<vmem_shared>>
    tpu.enqueue_dma source(%arg16 : memref<32x64xf32, #tpu.memory_space<vmem>>) target(%dma_start3A_171 : memref<32x64xf32, #tpu.memory_space<vmem_shared>>) target_semaphore(%arg21 : memref<!tpu.dma_semaphore, #tpu.memory_space<semaphore_mem>>)
    %mul3A_172 = arith.constant 640 : i32
    %mul3A_173 = arith.muli %arg1, %mul3A_172 : i32
    %add3A_174 = arith.constant 608 : i32
    %add3A_175 = arith.addi %mul3A_173, %add3A_174 : i32
    %dma_start3A_176 = arith.constant 0 : i32
    %dma_start3A_177 = tpu.memref_slice %arg17[%add3A_175, %dma_start3A_176] : memref<10240x64xf32, #tpu.memory_space<vmem_shared>> -> memref<32x64xf32, #tpu.memory_space<vmem_shared>>
    %dma_start3A_178 = arith.constant 0 : i32
    %dma_start3A_179 = tpu.memref_slice %arg17[%add3A_175, %dma_start3A_178] : memref<10240x64xf32, #tpu.memory_space<vmem_shared>> -> memref<32x64xf32, #tpu.memory_space<vmem_shared>>
    tpu.enqueue_dma source(%arg16 : memref<32x64xf32, #tpu.memory_space<vmem>>) target(%dma_start3A_179 : memref<32x64xf32, #tpu.memory_space<vmem_shared>>) target_semaphore(%arg21 : memref<!tpu.dma_semaphore, #tpu.memory_space<semaphore_mem>>)
    %scan3A_180 = arith.constant 0 : i32
    %scan3A_181 = arith.constant 0 : i32
    %scan3A_182 = arith.constant 640 : i32
    %scan3A_183 = arith.addi %scan3A_181, %scan3A_182 : i32
    %scan3A_184 = arith.constant 1 : i32
    scf.for %scan3A_1387 = %scan3A_181 to %scan3A_183 step %scan3A_184  : i32 {
      %swap3A_1388 = arith.index_cast %scan3A_1387 : i32 to index
      %swap3A_1389 = arith.constant 0 : index
      %swap3A_1390 = tpu.vector_load %arg12[%swap3A_1388, %swap3A_1389] {strides = array<i32>} : memref<640x16xf32, #tpu.memory_space<vmem>>, vector<16xf32>,
      tpu.vector_store %arg12[%swap3A_1388, %swap3A_1389], %broadcast_in_dim3A_0 {strides = array<i32>} : memref<640x16xf32, #tpu.memory_space<vmem>>, vector<16xf32>,
    }
    %scan3A_185 = arith.constant 640 : i32
    %mul3A_186 = arith.constant 40 : i32
    %mul3A_187 = arith.muli %arg1, %mul3A_186 : i32
    %dma_start3A_188 = arith.constant 0 : i32
    %dma_start3A_189 = arith.constant 0 : i32
    %dma_start3A_190 = tpu.memref_slice %arg12[%dma_start3A_188, %dma_start3A_189] : memref<640x16xf32, #tpu.memory_space<vmem>> -> memref<40x16xf32, #tpu.memory_space<vmem>>
    %dma_start3A_191 = arith.constant 0 : i32
    %dma_start3A_192 = tpu.memref_slice %arg18[%mul3A_187, %dma_start3A_191] : memref<640x16xf32, #tpu.memory_space<vmem_shared>> -> memref<40x16xf32, #tpu.memory_space<vmem_shared>>
    %dma_start3A_193 = arith.constant 0 : i32
    %dma_start3A_194 = tpu.memref_slice %arg18[%mul3A_187, %dma_start3A_193] : memref<640x16xf32, #tpu.memory_space<vmem_shared>> -> memref<40x16xf32, #tpu.memory_space<vmem_shared>>
    %dma_start3A_195 = arith.constant 0 : i32
    %dma_start3A_196 = arith.constant 0 : i32
    %dma_start3A_197 = tpu.memref_slice %arg12[%dma_start3A_195, %dma_start3A_196] : memref<640x16xf32, #tpu.memory_space<vmem>> -> memref<40x16xf32, #tpu.memory_space<vmem>>
    tpu.enqueue_dma source(%dma_start3A_197 : memref<40x16xf32, #tpu.memory_space<vmem>>) target(%dma_start3A_194 : memref<40x16xf32, #tpu.memory_space<vmem_shared>>) target_semaphore(%arg21 : memref<!tpu.dma_semaphore, #tpu.memory_space<semaphore_mem>>)
    %add3A_198 = arith.constant 0 : i32
    %add3A_199 = vector.broadcast %add3A_198 : i32 to vector<16xi32>
    %add3A_200 = arith.addi %iota3A, %add3A_199 : vector<16xi32>
    %swap3A = arith.constant 0 : i32
    %swap3A_201 = arith.index_cast %swap3A : i32 to index
    %swap3A_202 = arith.constant 0 : index
    %swap3A_203 = tpu.vector_load %arg13[%swap3A_201, %swap3A_202] {strides = array<i32>} : memref<5x128xi32, #tpu.memory_space<vmem>>, vector<16xi32>,
    tpu.vector_store %arg13[%swap3A_201, %swap3A_202], %add3A_200 {strides = array<i32>} : memref<5x128xi32, #tpu.memory_space<vmem>>, vector<16xi32>,
    %add3A_204 = arith.constant 16 : i32
    %add3A_205 = vector.broadcast %add3A_204 : i32 to vector<16xi32>
    %add3A_206 = arith.addi %iota3A, %add3A_205 : vector<16xi32>
    %swap3A_207 = arith.constant 0 : i32
    %swap3A_208 = arith.index_cast %swap3A_207 : i32 to index
    %swap3A_209 = arith.constant 16 : index
    %swap3A_210 = tpu.vector_load %arg13[%swap3A_208, %swap3A_209] {strides = array<i32>} : memref<5x128xi32, #tpu.memory_space<vmem>>, vector<16xi32>,
    tpu.vector_store %arg13[%swap3A_208, %swap3A_209], %add3A_206 {strides = array<i32>} : memref<5x128xi32, #tpu.memory_space<vmem>>, vector<16xi32>,
    %add3A_211 = arith.constant 32 : i32
    %add3A_212 = vector.broadcast %add3A_211 : i32 to vector<16xi32>
    %add3A_213 = arith.addi %iota3A, %add3A_212 : vector<16xi32>
    %swap3A_214 = arith.constant 0 : i32
    %swap3A_215 = arith.index_cast %swap3A_214 : i32 to index
    %swap3A_216 = arith.constant 32 : index
    %swap3A_217 = tpu.vector_load %arg13[%swap3A_215, %swap3A_216] {strides = array<i32>} : memref<5x128xi32, #tpu.memory_space<vmem>>, vector<16xi32>,
    tpu.vector_store %arg13[%swap3A_215, %swap3A_216], %add3A_213 {strides = array<i32>} : memref<5x128xi32, #tpu.memory_space<vmem>>, vector<16xi32>,
    %add3A_218 = arith.constant 48 : i32
    %add3A_219 = vector.broadcast %add3A_218 : i32 to vector<16xi32>
    %add3A_220 = arith.addi %iota3A, %add3A_219 : vector<16xi32>
    %swap3A_221 = arith.constant 0 : i32
    %swap3A_222 = arith.index_cast %swap3A_221 : i32 to index
    %swap3A_223 = arith.constant 48 : index
    %swap3A_224 = tpu.vector_load %arg13[%swap3A_222, %swap3A_223] {strides = array<i32>} : memref<5x128xi32, #tpu.memory_space<vmem>>, vector<16xi32>,
    tpu.vector_store %arg13[%swap3A_222, %swap3A_223], %add3A_220 {strides = array<i32>} : memref<5x128xi32, #tpu.memory_space<vmem>>, vector<16xi32>,
    %add3A_225 = arith.constant 64 : i32
    %add3A_226 = vector.broadcast %add3A_225 : i32 to vector<16xi32>
    %add3A_227 = arith.addi %iota3A, %add3A_226 : vector<16xi32>
    %swap3A_228 = arith.constant 0 : i32
    %swap3A_229 = arith.index_cast %swap3A_228 : i32 to index
    %swap3A_230 = arith.constant 64 : index
    %swap3A_231 = tpu.vector_load %arg13[%swap3A_229, %swap3A_230] {strides = array<i32>} : memref<5x128xi32, #tpu.memory_space<vmem>>, vector<16xi32>,
    tpu.vector_store %arg13[%swap3A_229, %swap3A_230], %add3A_227 {strides = array<i32>} : memref<5x128xi32, #tpu.memory_space<vmem>>, vector<16xi32>,
    %add3A_232 = arith.constant 80 : i32
    %add3A_233 = vector.broadcast %add3A_232 : i32 to vector<16xi32>
    %add3A_234 = arith.addi %iota3A, %add3A_233 : vector<16xi32>
    %swap3A_235 = arith.constant 0 : i32
    %swap3A_236 = arith.index_cast %swap3A_235 : i32 to index
    %swap3A_237 = arith.constant 80 : index
    %swap3A_238 = tpu.vector_load %arg13[%swap3A_236, %swap3A_237] {strides = array<i32>} : memref<5x128xi32, #tpu.memory_space<vmem>>, vector<16xi32>,
    tpu.vector_store %arg13[%swap3A_236, %swap3A_237], %add3A_234 {strides = array<i32>} : memref<5x128xi32, #tpu.memory_space<vmem>>, vector<16xi32>,
    %add3A_239 = arith.constant 96 : i32
    %add3A_240 = vector.broadcast %add3A_239 : i32 to vector<16xi32>
    %add3A_241 = arith.addi %iota3A, %add3A_240 : vector<16xi32>
    %swap3A_242 = arith.constant 0 : i32
    %swap3A_243 = arith.index_cast %swap3A_242 : i32 to index
    %swap3A_244 = arith.constant 96 : index
    %swap3A_245 = tpu.vector_load %arg13[%swap3A_243, %swap3A_244] {strides = array<i32>} : memref<5x128xi32, #tpu.memory_space<vmem>>, vector<16xi32>,
    tpu.vector_store %arg13[%swap3A_243, %swap3A_244], %add3A_241 {strides = array<i32>} : memref<5x128xi32, #tpu.memory_space<vmem>>, vector<16xi32>,
    %add3A_246 = arith.constant 112 : i32
    %add3A_247 = vector.broadcast %add3A_246 : i32 to vector<16xi32>
    %add3A_248 = arith.addi %iota3A, %add3A_247 : vector<16xi32>
    %swap3A_249 = arith.constant 0 : i32
    %swap3A_250 = arith.index_cast %swap3A_249 : i32 to index
    %swap3A_251 = arith.constant 112 : index
    %swap3A_252 = tpu.vector_load %arg13[%swap3A_250, %swap3A_251] {strides = array<i32>} : memref<5x128xi32, #tpu.memory_space<vmem>>, vector<16xi32>,
    tpu.vector_store %arg13[%swap3A_250, %swap3A_251], %add3A_248 {strides = array<i32>} : memref<5x128xi32, #tpu.memory_space<vmem>>, vector<16xi32>,
    %add3A_253 = arith.constant 128 : i32
    %add3A_254 = vector.broadcast %add3A_253 : i32 to vector<16xi32>
    %add3A_255 = arith.addi %iota3A, %add3A_254 : vector<16xi32>
    %swap3A_256 = arith.constant 1 : i32
    %swap3A_257 = arith.index_cast %swap3A_256 : i32 to index
    %swap3A_258 = arith.constant 0 : index
    %swap3A_259 = tpu.vector_load %arg13[%swap3A_257, %swap3A_258] {strides = array<i32>} : memref<5x128xi32, #tpu.memory_space<vmem>>, vector<16xi32>,
    tpu.vector_store %arg13[%swap3A_257, %swap3A_258], %add3A_255 {strides = array<i32>} : memref<5x128xi32, #tpu.memory_space<vmem>>, vector<16xi32>,
    %add3A_260 = arith.constant 144 : i32
    %add3A_261 = vector.broadcast %add3A_260 : i32 to vector<16xi32>
    %add3A_262 = arith.addi %iota3A, %add3A_261 : vector<16xi32>
    %swap3A_263 = arith.constant 1 : i32
    %swap3A_264 = arith.index_cast %swap3A_263 : i32 to index
    %swap3A_265 = arith.constant 16 : index
    %swap3A_266 = tpu.vector_load %arg13[%swap3A_264, %swap3A_265] {strides = array<i32>} : memref<5x128xi32, #tpu.memory_space<vmem>>, vector<16xi32>,
    tpu.vector_store %arg13[%swap3A_264, %swap3A_265], %add3A_262 {strides = array<i32>} : memref<5x128xi32, #tpu.memory_space<vmem>>, vector<16xi32>,
    %add3A_267 = arith.constant 160 : i32
    %add3A_268 = vector.broadcast %add3A_267 : i32 to vector<16xi32>
    %add3A_269 = arith.addi %iota3A, %add3A_268 : vector<16xi32>
    %swap3A_270 = arith.constant 1 : i32
    %swap3A_271 = arith.index_cast %swap3A_270 : i32 to index
    %swap3A_272 = arith.constant 32 : index
    %swap3A_273 = tpu.vector_load %arg13[%swap3A_271, %swap3A_272] {strides = array<i32>} : memref<5x128xi32, #tpu.memory_space<vmem>>, vector<16xi32>,
    tpu.vector_store %arg13[%swap3A_271, %swap3A_272], %add3A_269 {strides = array<i32>} : memref<5x128xi32, #tpu.memory_space<vmem>>, vector<16xi32>,
    %add3A_274 = arith.constant 176 : i32
    %add3A_275 = vector.broadcast %add3A_274 : i32 to vector<16xi32>
    %add3A_276 = arith.addi %iota3A, %add3A_275 : vector<16xi32>
    %swap3A_277 = arith.constant 1 : i32
    %swap3A_278 = arith.index_cast %swap3A_277 : i32 to index
    %swap3A_279 = arith.constant 48 : index
    %swap3A_280 = tpu.vector_load %arg13[%swap3A_278, %swap3A_279] {strides = array<i32>} : memref<5x128xi32, #tpu.memory_space<vmem>>, vector<16xi32>,
    tpu.vector_store %arg13[%swap3A_278, %swap3A_279], %add3A_276 {strides = array<i32>} : memref<5x128xi32, #tpu.memory_space<vmem>>, vector<16xi32>,
    %add3A_281 = arith.constant 192 : i32
    %add3A_282 = vector.broadcast %add3A_281 : i32 to vector<16xi32>
    %add3A_283 = arith.addi %iota3A, %add3A_282 : vector<16xi32>
    %swap3A_284 = arith.constant 1 : i32
    %swap3A_285 = arith.index_cast %swap3A_284 : i32 to index
    %swap3A_286 = arith.constant 64 : index
    %swap3A_287 = tpu.vector_load %arg13[%swap3A_285, %swap3A_286] {strides = array<i32>} : memref<5x128xi32, #tpu.memory_space<vmem>>, vector<16xi32>,
    tpu.vector_store %arg13[%swap3A_285, %swap3A_286], %add3A_283 {strides = array<i32>} : memref<5x128xi32, #tpu.memory_space<vmem>>, vector<16xi32>,
    %add3A_288 = arith.constant 208 : i32
    %add3A_289 = vector.broadcast %add3A_288 : i32 to vector<16xi32>
    %add3A_290 = arith.addi %iota3A, %add3A_289 : vector<16xi32>
    %swap3A_291 = arith.constant 1 : i32
    %swap3A_292 = arith.index_cast %swap3A_291 : i32 to index
    %swap3A_293 = arith.constant 80 : index
    %swap3A_294 = tpu.vector_load %arg13[%swap3A_292, %swap3A_293] {strides = array<i32>} : memref<5x128xi32, #tpu.memory_space<vmem>>, vector<16xi32>,
    tpu.vector_store %arg13[%swap3A_292, %swap3A_293], %add3A_290 {strides = array<i32>} : memref<5x128xi32, #tpu.memory_space<vmem>>, vector<16xi32>,
    %add3A_295 = arith.constant 224 : i32
    %add3A_296 = vector.broadcast %add3A_295 : i32 to vector<16xi32>
    %add3A_297 = arith.addi %iota3A, %add3A_296 : vector<16xi32>
    %swap3A_298 = arith.constant 1 : i32
    %swap3A_299 = arith.index_cast %swap3A_298 : i32 to index
    %swap3A_300 = arith.constant 96 : index
    %swap3A_301 = tpu.vector_load %arg13[%swap3A_299, %swap3A_300] {strides = array<i32>} : memref<5x128xi32, #tpu.memory_space<vmem>>, vector<16xi32>,
    tpu.vector_store %arg13[%swap3A_299, %swap3A_300], %add3A_297 {strides = array<i32>} : memref<5x128xi32, #tpu.memory_space<vmem>>, vector<16xi32>,
    %add3A_302 = arith.constant 240 : i32
    %add3A_303 = vector.broadcast %add3A_302 : i32 to vector<16xi32>
    %add3A_304 = arith.addi %iota3A, %add3A_303 : vector<16xi32>
    %swap3A_305 = arith.constant 1 : i32
    %swap3A_306 = arith.index_cast %swap3A_305 : i32 to index
    %swap3A_307 = arith.constant 112 : index
    %swap3A_308 = tpu.vector_load %arg13[%swap3A_306, %swap3A_307] {strides = array<i32>} : memref<5x128xi32, #tpu.memory_space<vmem>>, vector<16xi32>,
    tpu.vector_store %arg13[%swap3A_306, %swap3A_307], %add3A_304 {strides = array<i32>} : memref<5x128xi32, #tpu.memory_space<vmem>>, vector<16xi32>,
    %add3A_309 = arith.constant 256 : i32
    %add3A_310 = vector.broadcast %add3A_309 : i32 to vector<16xi32>
    %add3A_311 = arith.addi %iota3A, %add3A_310 : vector<16xi32>
    %swap3A_312 = arith.constant 2 : i32
    %swap3A_313 = arith.index_cast %swap3A_312 : i32 to index
    %swap3A_314 = arith.constant 0 : index
    %swap3A_315 = tpu.vector_load %arg13[%swap3A_313, %swap3A_314] {strides = array<i32>} : memref<5x128xi32, #tpu.memory_space<vmem>>, vector<16xi32>,
    tpu.vector_store %arg13[%swap3A_313, %swap3A_314], %add3A_311 {strides = array<i32>} : memref<5x128xi32, #tpu.memory_space<vmem>>, vector<16xi32>,
    %add3A_316 = arith.constant 272 : i32
    %add3A_317 = vector.broadcast %add3A_316 : i32 to vector<16xi32>
    %add3A_318 = arith.addi %iota3A, %add3A_317 : vector<16xi32>
    %swap3A_319 = arith.constant 2 : i32
    %swap3A_320 = arith.index_cast %swap3A_319 : i32 to index
    %swap3A_321 = arith.constant 16 : index
    %swap3A_322 = tpu.vector_load %arg13[%swap3A_320, %swap3A_321] {strides = array<i32>} : memref<5x128xi32, #tpu.memory_space<vmem>>, vector<16xi32>,
    tpu.vector_store %arg13[%swap3A_320, %swap3A_321], %add3A_318 {strides = array<i32>} : memref<5x128xi32, #tpu.memory_space<vmem>>, vector<16xi32>,
    %add3A_323 = arith.constant 288 : i32
    %add3A_324 = vector.broadcast %add3A_323 : i32 to vector<16xi32>
    %add3A_325 = arith.addi %iota3A, %add3A_324 : vector<16xi32>
    %swap3A_326 = arith.constant 2 : i32
    %swap3A_327 = arith.index_cast %swap3A_326 : i32 to index
    %swap3A_328 = arith.constant 32 : index
    %swap3A_329 = tpu.vector_load %arg13[%swap3A_327, %swap3A_328] {strides = array<i32>} : memref<5x128xi32, #tpu.memory_space<vmem>>, vector<16xi32>,
    tpu.vector_store %arg13[%swap3A_327, %swap3A_328], %add3A_325 {strides = array<i32>} : memref<5x128xi32, #tpu.memory_space<vmem>>, vector<16xi32>,
    %add3A_330 = arith.constant 304 : i32
    %add3A_331 = vector.broadcast %add3A_330 : i32 to vector<16xi32>
    %add3A_332 = arith.addi %iota3A, %add3A_331 : vector<16xi32>
    %swap3A_333 = arith.constant 2 : i32
    %swap3A_334 = arith.index_cast %swap3A_333 : i32 to index
    %swap3A_335 = arith.constant 48 : index
    %swap3A_336 = tpu.vector_load %arg13[%swap3A_334, %swap3A_335] {strides = array<i32>} : memref<5x128xi32, #tpu.memory_space<vmem>>, vector<16xi32>,
    tpu.vector_store %arg13[%swap3A_334, %swap3A_335], %add3A_332 {strides = array<i32>} : memref<5x128xi32, #tpu.memory_space<vmem>>, vector<16xi32>,
    %add3A_337 = arith.constant 320 : i32
    %add3A_338 = vector.broadcast %add3A_337 : i32 to vector<16xi32>
    %add3A_339 = arith.addi %iota3A, %add3A_338 : vector<16xi32>
    %swap3A_340 = arith.constant 2 : i32
    %swap3A_341 = arith.index_cast %swap3A_340 : i32 to index
    %swap3A_342 = arith.constant 64 : index
    %swap3A_343 = tpu.vector_load %arg13[%swap3A_341, %swap3A_342] {strides = array<i32>} : memref<5x128xi32, #tpu.memory_space<vmem>>, vector<16xi32>,
    tpu.vector_store %arg13[%swap3A_341, %swap3A_342], %add3A_339 {strides = array<i32>} : memref<5x128xi32, #tpu.memory_space<vmem>>, vector<16xi32>,
    %add3A_344 = arith.constant 336 : i32
    %add3A_345 = vector.broadcast %add3A_344 : i32 to vector<16xi32>
    %add3A_346 = arith.addi %iota3A, %add3A_345 : vector<16xi32>
    %swap3A_347 = arith.constant 2 : i32
    %swap3A_348 = arith.index_cast %swap3A_347 : i32 to index
    %swap3A_349 = arith.constant 80 : index
    %swap3A_350 = tpu.vector_load %arg13[%swap3A_348, %swap3A_349] {strides = array<i32>} : memref<5x128xi32, #tpu.memory_space<vmem>>, vector<16xi32>,
    tpu.vector_store %arg13[%swap3A_348, %swap3A_349], %add3A_346 {strides = array<i32>} : memref<5x128xi32, #tpu.memory_space<vmem>>, vector<16xi32>,
    %add3A_351 = arith.constant 352 : i32
    %add3A_352 = vector.broadcast %add3A_351 : i32 to vector<16xi32>
    %add3A_353 = arith.addi %iota3A, %add3A_352 : vector<16xi32>
    %swap3A_354 = arith.constant 2 : i32
    %swap3A_355 = arith.index_cast %swap3A_354 : i32 to index
    %swap3A_356 = arith.constant 96 : index
    %swap3A_357 = tpu.vector_load %arg13[%swap3A_355, %swap3A_356] {strides = array<i32>} : memref<5x128xi32, #tpu.memory_space<vmem>>, vector<16xi32>,
    tpu.vector_store %arg13[%swap3A_355, %swap3A_356], %add3A_353 {strides = array<i32>} : memref<5x128xi32, #tpu.memory_space<vmem>>, vector<16xi32>,
    %add3A_358 = arith.constant 368 : i32
    %add3A_359 = vector.broadcast %add3A_358 : i32 to vector<16xi32>
    %add3A_360 = arith.addi %iota3A, %add3A_359 : vector<16xi32>
    %swap3A_361 = arith.constant 2 : i32
    %swap3A_362 = arith.index_cast %swap3A_361 : i32 to index
    %swap3A_363 = arith.constant 112 : index
    %swap3A_364 = tpu.vector_load %arg13[%swap3A_362, %swap3A_363] {strides = array<i32>} : memref<5x128xi32, #tpu.memory_space<vmem>>, vector<16xi32>,
    tpu.vector_store %arg13[%swap3A_362, %swap3A_363], %add3A_360 {strides = array<i32>} : memref<5x128xi32, #tpu.memory_space<vmem>>, vector<16xi32>,
    %add3A_365 = arith.constant 384 : i32
    %add3A_366 = vector.broadcast %add3A_365 : i32 to vector<16xi32>
    %add3A_367 = arith.addi %iota3A, %add3A_366 : vector<16xi32>
    %swap3A_368 = arith.constant 3 : i32
    %swap3A_369 = arith.index_cast %swap3A_368 : i32 to index
    %swap3A_370 = arith.constant 0 : index
    %swap3A_371 = tpu.vector_load %arg13[%swap3A_369, %swap3A_370] {strides = array<i32>} : memref<5x128xi32, #tpu.memory_space<vmem>>, vector<16xi32>,
    tpu.vector_store %arg13[%swap3A_369, %swap3A_370], %add3A_367 {strides = array<i32>} : memref<5x128xi32, #tpu.memory_space<vmem>>, vector<16xi32>,
    %add3A_372 = arith.constant 400 : i32
    %add3A_373 = vector.broadcast %add3A_372 : i32 to vector<16xi32>
    %add3A_374 = arith.addi %iota3A, %add3A_373 : vector<16xi32>
    %swap3A_375 = arith.constant 3 : i32
    %swap3A_376 = arith.index_cast %swap3A_375 : i32 to index
    %swap3A_377 = arith.constant 16 : index
    %swap3A_378 = tpu.vector_load %arg13[%swap3A_376, %swap3A_377] {strides = array<i32>} : memref<5x128xi32, #tpu.memory_space<vmem>>, vector<16xi32>,
    tpu.vector_store %arg13[%swap3A_376, %swap3A_377], %add3A_374 {strides = array<i32>} : memref<5x128xi32, #tpu.memory_space<vmem>>, vector<16xi32>,
    %add3A_379 = arith.constant 416 : i32
    %add3A_380 = vector.broadcast %add3A_379 : i32 to vector<16xi32>
    %add3A_381 = arith.addi %iota3A, %add3A_380 : vector<16xi32>
    %swap3A_382 = arith.constant 3 : i32
    %swap3A_383 = arith.index_cast %swap3A_382 : i32 to index
    %swap3A_384 = arith.constant 32 : index
    %swap3A_385 = tpu.vector_load %arg13[%swap3A_383, %swap3A_384] {strides = array<i32>} : memref<5x128xi32, #tpu.memory_space<vmem>>, vector<16xi32>,
    tpu.vector_store %arg13[%swap3A_383, %swap3A_384], %add3A_381 {strides = array<i32>} : memref<5x128xi32, #tpu.memory_space<vmem>>, vector<16xi32>,
    %add3A_386 = arith.constant 432 : i32
    %add3A_387 = vector.broadcast %add3A_386 : i32 to vector<16xi32>
    %add3A_388 = arith.addi %iota3A, %add3A_387 : vector<16xi32>
    %swap3A_389 = arith.constant 3 : i32
    %swap3A_390 = arith.index_cast %swap3A_389 : i32 to index
    %swap3A_391 = arith.constant 48 : index
    %swap3A_392 = tpu.vector_load %arg13[%swap3A_390, %swap3A_391] {strides = array<i32>} : memref<5x128xi32, #tpu.memory_space<vmem>>, vector<16xi32>,
    tpu.vector_store %arg13[%swap3A_390, %swap3A_391], %add3A_388 {strides = array<i32>} : memref<5x128xi32, #tpu.memory_space<vmem>>, vector<16xi32>,
    %add3A_393 = arith.constant 448 : i32
    %add3A_394 = vector.broadcast %add3A_393 : i32 to vector<16xi32>
    %add3A_395 = arith.addi %iota3A, %add3A_394 : vector<16xi32>
    %swap3A_396 = arith.constant 3 : i32
    %swap3A_397 = arith.index_cast %swap3A_396 : i32 to index
    %swap3A_398 = arith.constant 64 : index
    %swap3A_399 = tpu.vector_load %arg13[%swap3A_397, %swap3A_398] {strides = array<i32>} : memref<5x128xi32, #tpu.memory_space<vmem>>, vector<16xi32>,
    tpu.vector_store %arg13[%swap3A_397, %swap3A_398], %add3A_395 {strides = array<i32>} : memref<5x128xi32, #tpu.memory_space<vmem>>, vector<16xi32>,
    %add3A_400 = arith.constant 464 : i32
    %add3A_401 = vector.broadcast %add3A_400 : i32 to vector<16xi32>
    %add3A_402 = arith.addi %iota3A, %add3A_401 : vector<16xi32>
    %swap3A_403 = arith.constant 3 : i32
    %swap3A_404 = arith.index_cast %swap3A_403 : i32 to index
    %swap3A_405 = arith.constant 80 : index
    %swap3A_406 = tpu.vector_load %arg13[%swap3A_404, %swap3A_405] {strides = array<i32>} : memref<5x128xi32, #tpu.memory_space<vmem>>, vector<16xi32>,
    tpu.vector_store %arg13[%swap3A_404, %swap3A_405], %add3A_402 {strides = array<i32>} : memref<5x128xi32, #tpu.memory_space<vmem>>, vector<16xi32>,
    %add3A_407 = arith.constant 480 : i32
    %add3A_408 = vector.broadcast %add3A_407 : i32 to vector<16xi32>
    %add3A_409 = arith.addi %iota3A, %add3A_408 : vector<16xi32>
    %swap3A_410 = arith.constant 3 : i32
    %swap3A_411 = arith.index_cast %swap3A_410 : i32 to index
    %swap3A_412 = arith.constant 96 : index
    %swap3A_413 = tpu.vector_load %arg13[%swap3A_411, %swap3A_412] {strides = array<i32>} : memref<5x128xi32, #tpu.memory_space<vmem>>, vector<16xi32>,
    tpu.vector_store %arg13[%swap3A_411, %swap3A_412], %add3A_409 {strides = array<i32>} : memref<5x128xi32, #tpu.memory_space<vmem>>, vector<16xi32>,
    %add3A_414 = arith.constant 496 : i32
    %add3A_415 = vector.broadcast %add3A_414 : i32 to vector<16xi32>
    %add3A_416 = arith.addi %iota3A, %add3A_415 : vector<16xi32>
    %swap3A_417 = arith.constant 3 : i32
    %swap3A_418 = arith.index_cast %swap3A_417 : i32 to index
    %swap3A_419 = arith.constant 112 : index
    %swap3A_420 = tpu.vector_load %arg13[%swap3A_418, %swap3A_419] {strides = array<i32>} : memref<5x128xi32, #tpu.memory_space<vmem>>, vector<16xi32>,
    tpu.vector_store %arg13[%swap3A_418, %swap3A_419], %add3A_416 {strides = array<i32>} : memref<5x128xi32, #tpu.memory_space<vmem>>, vector<16xi32>,
    %add3A_421 = arith.constant 512 : i32
    %add3A_422 = vector.broadcast %add3A_421 : i32 to vector<16xi32>
    %add3A_423 = arith.addi %iota3A, %add3A_422 : vector<16xi32>
    %swap3A_424 = arith.constant 4 : i32
    %swap3A_425 = arith.index_cast %swap3A_424 : i32 to index
    %swap3A_426 = arith.constant 0 : index
    %swap3A_427 = tpu.vector_load %arg13[%swap3A_425, %swap3A_426] {strides = array<i32>} : memref<5x128xi32, #tpu.memory_space<vmem>>, vector<16xi32>,
    tpu.vector_store %arg13[%swap3A_425, %swap3A_426], %add3A_423 {strides = array<i32>} : memref<5x128xi32, #tpu.memory_space<vmem>>, vector<16xi32>,
    %add3A_428 = arith.constant 528 : i32
    %add3A_429 = vector.broadcast %add3A_428 : i32 to vector<16xi32>
    %add3A_430 = arith.addi %iota3A, %add3A_429 : vector<16xi32>
    %swap3A_431 = arith.constant 4 : i32
    %swap3A_432 = arith.index_cast %swap3A_431 : i32 to index
    %swap3A_433 = arith.constant 16 : index
    %swap3A_434 = tpu.vector_load %arg13[%swap3A_432, %swap3A_433] {strides = array<i32>} : memref<5x128xi32, #tpu.memory_space<vmem>>, vector<16xi32>,
    tpu.vector_store %arg13[%swap3A_432, %swap3A_433], %add3A_430 {strides = array<i32>} : memref<5x128xi32, #tpu.memory_space<vmem>>, vector<16xi32>,
    %add3A_435 = arith.constant 544 : i32
    %add3A_436 = vector.broadcast %add3A_435 : i32 to vector<16xi32>
    %add3A_437 = arith.addi %iota3A, %add3A_436 : vector<16xi32>
    %swap3A_438 = arith.constant 4 : i32
    %swap3A_439 = arith.index_cast %swap3A_438 : i32 to index
    %swap3A_440 = arith.constant 32 : index
    %swap3A_441 = tpu.vector_load %arg13[%swap3A_439, %swap3A_440] {strides = array<i32>} : memref<5x128xi32, #tpu.memory_space<vmem>>, vector<16xi32>,
    tpu.vector_store %arg13[%swap3A_439, %swap3A_440], %add3A_437 {strides = array<i32>} : memref<5x128xi32, #tpu.memory_space<vmem>>, vector<16xi32>,
    %add3A_442 = arith.constant 560 : i32
    %add3A_443 = vector.broadcast %add3A_442 : i32 to vector<16xi32>
    %add3A_444 = arith.addi %iota3A, %add3A_443 : vector<16xi32>
    %swap3A_445 = arith.constant 4 : i32
    %swap3A_446 = arith.index_cast %swap3A_445 : i32 to index
    %swap3A_447 = arith.constant 48 : index
    %swap3A_448 = tpu.vector_load %arg13[%swap3A_446, %swap3A_447] {strides = array<i32>} : memref<5x128xi32, #tpu.memory_space<vmem>>, vector<16xi32>,
    tpu.vector_store %arg13[%swap3A_446, %swap3A_447], %add3A_444 {strides = array<i32>} : memref<5x128xi32, #tpu.memory_space<vmem>>, vector<16xi32>,
    %add3A_449 = arith.constant 576 : i32
    %add3A_450 = vector.broadcast %add3A_449 : i32 to vector<16xi32>
    %add3A_451 = arith.addi %iota3A, %add3A_450 : vector<16xi32>
    %swap3A_452 = arith.constant 4 : i32
    %swap3A_453 = arith.index_cast %swap3A_452 : i32 to index
    %swap3A_454 = arith.constant 64 : index
    %swap3A_455 = tpu.vector_load %arg13[%swap3A_453, %swap3A_454] {strides = array<i32>} : memref<5x128xi32, #tpu.memory_space<vmem>>, vector<16xi32>,
    tpu.vector_store %arg13[%swap3A_453, %swap3A_454], %add3A_451 {strides = array<i32>} : memref<5x128xi32, #tpu.memory_space<vmem>>, vector<16xi32>,
    %add3A_456 = arith.constant 592 : i32
    %add3A_457 = vector.broadcast %add3A_456 : i32 to vector<16xi32>
    %add3A_458 = arith.addi %iota3A, %add3A_457 : vector<16xi32>
    %swap3A_459 = arith.constant 4 : i32
    %swap3A_460 = arith.index_cast %swap3A_459 : i32 to index
    %swap3A_461 = arith.constant 80 : index
    %swap3A_462 = tpu.vector_load %arg13[%swap3A_460, %swap3A_461] {strides = array<i32>} : memref<5x128xi32, #tpu.memory_space<vmem>>, vector<16xi32>,
    tpu.vector_store %arg13[%swap3A_460, %swap3A_461], %add3A_458 {strides = array<i32>} : memref<5x128xi32, #tpu.memory_space<vmem>>, vector<16xi32>,
    %add3A_463 = arith.constant 608 : i32
    %add3A_464 = vector.broadcast %add3A_463 : i32 to vector<16xi32>
    %add3A_465 = arith.addi %iota3A, %add3A_464 : vector<16xi32>
    %swap3A_466 = arith.constant 4 : i32
    %swap3A_467 = arith.index_cast %swap3A_466 : i32 to index
    %swap3A_468 = arith.constant 96 : index
    %swap3A_469 = tpu.vector_load %arg13[%swap3A_467, %swap3A_468] {strides = array<i32>} : memref<5x128xi32, #tpu.memory_space<vmem>>, vector<16xi32>,
    tpu.vector_store %arg13[%swap3A_467, %swap3A_468], %add3A_465 {strides = array<i32>} : memref<5x128xi32, #tpu.memory_space<vmem>>, vector<16xi32>,
    %add3A_470 = arith.constant 624 : i32
    %add3A_471 = vector.broadcast %add3A_470 : i32 to vector<16xi32>
    %add3A_472 = arith.addi %iota3A, %add3A_471 : vector<16xi32>
    %swap3A_473 = arith.constant 4 : i32
    %swap3A_474 = arith.index_cast %swap3A_473 : i32 to index
    %swap3A_475 = arith.constant 112 : index
    %swap3A_476 = tpu.vector_load %arg13[%swap3A_474, %swap3A_475] {strides = array<i32>} : memref<5x128xi32, #tpu.memory_space<vmem>>, vector<16xi32>,
    tpu.vector_store %arg13[%swap3A_474, %swap3A_475], %add3A_472 {strides = array<i32>} : memref<5x128xi32, #tpu.memory_space<vmem>>, vector<16xi32>,
    %mul3A_477 = arith.constant 1280 : i32
    %mul3A_478 = arith.muli %mul3A_477, %arg1 : i32
    %add3A_479 = arith.addi %mul3A_478, %arg0 : i32
    %mul3A_480 = arith.constant 2 : i32
    %mul3A_481 = vector.broadcast %mul3A_480 : i32 to vector<16xi32>
    %mul3A_482 = arith.muli %mul3A_481, %iota3A : vector<16xi32>
    %add3A_483 = arith.constant 0 : i32
    %add3A_484 = vector.broadcast %add3A_483 : i32 to vector<16xi32>
    %add3A_485 = arith.addi %mul3A_482, %add3A_484 : vector<16xi32>
    %add3A_486 = vector.broadcast %add3A_479 : i32 to vector<16xi32>
    %add3A_487 = arith.addi %add3A_485, %add3A_486 : vector<16xi32>
    %swap3A_488 = arith.constant 0 : i32
    %swap3A_489 = arith.index_cast %swap3A_488 : i32 to index
    %swap3A_490 = arith.constant 0 : index
    %swap3A_491 = tpu.vector_load %arg14[%swap3A_489, %swap3A_490] {strides = array<i32>} : memref<5x125xi32, #tpu.memory_space<vmem>>, vector<16xi32>,
    tpu.vector_store %arg14[%swap3A_489, %swap3A_490], %add3A_487 {strides = array<i32>} : memref<5x125xi32, #tpu.memory_space<vmem>>, vector<16xi32>,
    %mul3A_492 = arith.constant 2 : i32
    %mul3A_493 = vector.broadcast %mul3A_492 : i32 to vector<16xi32>
    %mul3A_494 = arith.muli %mul3A_493, %iota3A : vector<16xi32>
    %add3A_495 = arith.constant 32 : i32
    %add3A_496 = vector.broadcast %add3A_495 : i32 to vector<16xi32>
    %add3A_497 = arith.addi %mul3A_494, %add3A_496 : vector<16xi32>
    %add3A_498 = vector.broadcast %add3A_479 : i32 to vector<16xi32>
    %add3A_499 = arith.addi %add3A_497, %add3A_498 : vector<16xi32>
    %swap3A_500 = arith.constant 0 : i32
    %swap3A_501 = arith.index_cast %swap3A_500 : i32 to index
    %swap3A_502 = arith.constant 16 : index
    %swap3A_503 = tpu.vector_load %arg14[%swap3A_501, %swap3A_502] {strides = array<i32>} : memref<5x125xi32, #tpu.memory_space<vmem>>, vector<16xi32>,
    tpu.vector_store %arg14[%swap3A_501, %swap3A_502], %add3A_499 {strides = array<i32>} : memref<5x125xi32, #tpu.memory_space<vmem>>, vector<16xi32>,
    %mul3A_504 = arith.constant 2 : i32
    %mul3A_505 = vector.broadcast %mul3A_504 : i32 to vector<16xi32>
    %mul3A_506 = arith.muli %mul3A_505, %iota3A : vector<16xi32>
    %add3A_507 = arith.constant 64 : i32
    %add3A_508 = vector.broadcast %add3A_507 : i32 to vector<16xi32>
    %add3A_509 = arith.addi %mul3A_506, %add3A_508 : vector<16xi32>
    %add3A_510 = vector.broadcast %add3A_479 : i32 to vector<16xi32>
    %add3A_511 = arith.addi %add3A_509, %add3A_510 : vector<16xi32>
    %swap3A_512 = arith.constant 0 : i32
    %swap3A_513 = arith.index_cast %swap3A_512 : i32 to index
    %swap3A_514 = arith.constant 32 : index
    %swap3A_515 = tpu.vector_load %arg14[%swap3A_513, %swap3A_514] {strides = array<i32>} : memref<5x125xi32, #tpu.memory_space<vmem>>, vector<16xi32>,
    tpu.vector_store %arg14[%swap3A_513, %swap3A_514], %add3A_511 {strides = array<i32>} : memref<5x125xi32, #tpu.memory_space<vmem>>, vector<16xi32>,
    %mul3A_516 = arith.constant 2 : i32
    %mul3A_517 = vector.broadcast %mul3A_516 : i32 to vector<16xi32>
    %mul3A_518 = arith.muli %mul3A_517, %iota3A : vector<16xi32>
    %add3A_519 = arith.constant 96 : i32
    %add3A_520 = vector.broadcast %add3A_519 : i32 to vector<16xi32>
    %add3A_521 = arith.addi %mul3A_518, %add3A_520 : vector<16xi32>
    %add3A_522 = vector.broadcast %add3A_479 : i32 to vector<16xi32>
    %add3A_523 = arith.addi %add3A_521, %add3A_522 : vector<16xi32>
    %swap3A_524 = arith.constant 0 : i32
    %swap3A_525 = arith.index_cast %swap3A_524 : i32 to index
    %swap3A_526 = arith.constant 48 : index
    %swap3A_527 = tpu.vector_load %arg14[%swap3A_525, %swap3A_526] {strides = array<i32>} : memref<5x125xi32, #tpu.memory_space<vmem>>, vector<16xi32>,
    tpu.vector_store %arg14[%swap3A_525, %swap3A_526], %add3A_523 {strides = array<i32>} : memref<5x125xi32, #tpu.memory_space<vmem>>, vector<16xi32>,
    %mul3A_528 = arith.constant 2 : i32
    %mul3A_529 = vector.broadcast %mul3A_528 : i32 to vector<16xi32>
    %mul3A_530 = arith.muli %mul3A_529, %iota3A : vector<16xi32>
    %add3A_531 = arith.constant 128 : i32
    %add3A_532 = vector.broadcast %add3A_531 : i32 to vector<16xi32>
    %add3A_533 = arith.addi %mul3A_530, %add3A_532 : vector<16xi32>
    %add3A_534 = vector.broadcast %add3A_479 : i32 to vector<16xi32>
    %add3A_535 = arith.addi %add3A_533, %add3A_534 : vector<16xi32>
    %swap3A_536 = arith.constant 0 : i32
    %swap3A_537 = arith.index_cast %swap3A_536 : i32 to index
    %swap3A_538 = arith.constant 64 : index
    %swap3A_539 = tpu.vector_load %arg14[%swap3A_537, %swap3A_538] {strides = array<i32>} : memref<5x125xi32, #tpu.memory_space<vmem>>, vector<16xi32>,
    tpu.vector_store %arg14[%swap3A_537, %swap3A_538], %add3A_535 {strides = array<i32>} : memref<5x125xi32, #tpu.memory_space<vmem>>, vector<16xi32>,
    %mul3A_540 = arith.constant 2 : i32
    %mul3A_541 = vector.broadcast %mul3A_540 : i32 to vector<16xi32>
    %mul3A_542 = arith.muli %mul3A_541, %iota3A : vector<16xi32>
    %add3A_543 = arith.constant 160 : i32
    %add3A_544 = vector.broadcast %add3A_543 : i32 to vector<16xi32>
    %add3A_545 = arith.addi %mul3A_542, %add3A_544 : vector<16xi32>
    %add3A_546 = vector.broadcast %add3A_479 : i32 to vector<16xi32>
    %add3A_547 = arith.addi %add3A_545, %add3A_546 : vector<16xi32>
    %swap3A_548 = arith.constant 0 : i32
    %swap3A_549 = arith.index_cast %swap3A_548 : i32 to index
    %swap3A_550 = arith.constant 80 : index
    %swap3A_551 = tpu.vector_load %arg14[%swap3A_549, %swap3A_550] {strides = array<i32>} : memref<5x125xi32, #tpu.memory_space<vmem>>, vector<16xi32>,
    tpu.vector_store %arg14[%swap3A_549, %swap3A_550], %add3A_547 {strides = array<i32>} : memref<5x125xi32, #tpu.memory_space<vmem>>, vector<16xi32>,
    %mul3A_552 = arith.constant 2 : i32
    %mul3A_553 = vector.broadcast %mul3A_552 : i32 to vector<16xi32>
    %mul3A_554 = arith.muli %mul3A_553, %iota3A : vector<16xi32>
    %add3A_555 = arith.constant 192 : i32
    %add3A_556 = vector.broadcast %add3A_555 : i32 to vector<16xi32>
    %add3A_557 = arith.addi %mul3A_554, %add3A_556 : vector<16xi32>
    %add3A_558 = vector.broadcast %add3A_479 : i32 to vector<16xi32>
    %add3A_559 = arith.addi %add3A_557, %add3A_558 : vector<16xi32>
    %swap3A_560 = arith.constant 0 : i32
    %swap3A_561 = arith.index_cast %swap3A_560 : i32 to index
    %swap3A_562 = arith.constant 96 : index
    %swap3A_563 = tpu.vector_load %arg14[%swap3A_561, %swap3A_562] {strides = array<i32>} : memref<5x125xi32, #tpu.memory_space<vmem>>, vector<16xi32>,
    tpu.vector_store %arg14[%swap3A_561, %swap3A_562], %add3A_559 {strides = array<i32>} : memref<5x125xi32, #tpu.memory_space<vmem>>, vector<16xi32>,
    %mul3A_564 = arith.constant 2 : i32
    %mul3A_565 = vector.broadcast %mul3A_564 : i32 to vector<16xi32>
    %mul3A_566 = arith.muli %mul3A_565, %iota3A : vector<16xi32>
    %add3A_567 = arith.constant 218 : i32
    %add3A_568 = vector.broadcast %add3A_567 : i32 to vector<16xi32>
    %add3A_569 = arith.addi %mul3A_566, %add3A_568 : vector<16xi32>
    %add3A_570 = vector.broadcast %add3A_479 : i32 to vector<16xi32>
    %add3A_571 = arith.addi %add3A_569, %add3A_570 : vector<16xi32>
    %swap3A_572 = arith.constant 0 : i32
    %swap3A_573 = arith.index_cast %swap3A_572 : i32 to index
    %swap3A_574 = arith.constant 109 : index
    %swap3A_575 = tpu.vector_load %arg14[%swap3A_573, %swap3A_574] {strides = array<i32>} : memref<5x125xi32, #tpu.memory_space<vmem>>, vector<16xi32>,
    tpu.vector_store %arg14[%swap3A_573, %swap3A_574], %add3A_571 {strides = array<i32>} : memref<5x125xi32, #tpu.memory_space<vmem>>, vector<16xi32>,
    %mul3A_576 = arith.constant 2 : i32
    %mul3A_577 = vector.broadcast %mul3A_576 : i32 to vector<16xi32>
    %mul3A_578 = arith.muli %mul3A_577, %iota3A : vector<16xi32>
    %add3A_579 = arith.constant 250 : i32
    %add3A_580 = vector.broadcast %add3A_579 : i32 to vector<16xi32>
    %add3A_581 = arith.addi %mul3A_578, %add3A_580 : vector<16xi32>
    %add3A_582 = vector.broadcast %add3A_479 : i32 to vector<16xi32>
    %add3A_583 = arith.addi %add3A_581, %add3A_582 : vector<16xi32>
    %swap3A_584 = arith.constant 1 : i32
    %swap3A_585 = arith.index_cast %swap3A_584 : i32 to index
    %swap3A_586 = arith.constant 0 : index
    %swap3A_587 = tpu.vector_load %arg14[%swap3A_585, %swap3A_586] {strides = array<i32>} : memref<5x125xi32, #tpu.memory_space<vmem>>, vector<16xi32>,
    tpu.vector_store %arg14[%swap3A_585, %swap3A_586], %add3A_583 {strides = array<i32>} : memref<5x125xi32, #tpu.memory_space<vmem>>, vector<16xi32>,
    %mul3A_588 = arith.constant 2 : i32
    %mul3A_589 = vector.broadcast %mul3A_588 : i32 to vector<16xi32>
    %mul3A_590 = arith.muli %mul3A_589, %iota3A : vector<16xi32>
    %add3A_591 = arith.constant 282 : i32
    %add3A_592 = vector.broadcast %add3A_591 : i32 to vector<16xi32>
    %add3A_593 = arith.addi %mul3A_590, %add3A_592 : vector<16xi32>
    %add3A_594 = vector.broadcast %add3A_479 : i32 to vector<16xi32>
    %add3A_595 = arith.addi %add3A_593, %add3A_594 : vector<16xi32>
    %swap3A_596 = arith.constant 1 : i32
    %swap3A_597 = arith.index_cast %swap3A_596 : i32 to index
    %swap3A_598 = arith.constant 16 : index
    %swap3A_599 = tpu.vector_load %arg14[%swap3A_597, %swap3A_598] {strides = array<i32>} : memref<5x125xi32, #tpu.memory_space<vmem>>, vector<16xi32>,
    tpu.vector_store %arg14[%swap3A_597, %swap3A_598], %add3A_595 {strides = array<i32>} : memref<5x125xi32, #tpu.memory_space<vmem>>, vector<16xi32>,
    %mul3A_600 = arith.constant 2 : i32
    %mul3A_601 = vector.broadcast %mul3A_600 : i32 to vector<16xi32>
    %mul3A_602 = arith.muli %mul3A_601, %iota3A : vector<16xi32>
    %add3A_603 = arith.constant 314 : i32
    %add3A_604 = vector.broadcast %add3A_603 : i32 to vector<16xi32>
    %add3A_605 = arith.addi %mul3A_602, %add3A_604 : vector<16xi32>
    %add3A_606 = vector.broadcast %add3A_479 : i32 to vector<16xi32>
    %add3A_607 = arith.addi %add3A_605, %add3A_606 : vector<16xi32>
    %swap3A_608 = arith.constant 1 : i32
    %swap3A_609 = arith.index_cast %swap3A_608 : i32 to index
    %swap3A_610 = arith.constant 32 : index
    %swap3A_611 = tpu.vector_load %arg14[%swap3A_609, %swap3A_610] {strides = array<i32>} : memref<5x125xi32, #tpu.memory_space<vmem>>, vector<16xi32>,
    tpu.vector_store %arg14[%swap3A_609, %swap3A_610], %add3A_607 {strides = array<i32>} : memref<5x125xi32, #tpu.memory_space<vmem>>, vector<16xi32>,
    %mul3A_612 = arith.constant 2 : i32
    %mul3A_613 = vector.broadcast %mul3A_612 : i32 to vector<16xi32>
    %mul3A_614 = arith.muli %mul3A_613, %iota3A : vector<16xi32>
    %add3A_615 = arith.constant 346 : i32
    %add3A_616 = vector.broadcast %add3A_615 : i32 to vector<16xi32>
    %add3A_617 = arith.addi %mul3A_614, %add3A_616 : vector<16xi32>
    %add3A_618 = vector.broadcast %add3A_479 : i32 to vector<16xi32>
    %add3A_619 = arith.addi %add3A_617, %add3A_618 : vector<16xi32>
    %swap3A_620 = arith.constant 1 : i32
    %swap3A_621 = arith.index_cast %swap3A_620 : i32 to index
    %swap3A_622 = arith.constant 48 : index
    %swap3A_623 = tpu.vector_load %arg14[%swap3A_621, %swap3A_622] {strides = array<i32>} : memref<5x125xi32, #tpu.memory_space<vmem>>, vector<16xi32>,
    tpu.vector_store %arg14[%swap3A_621, %swap3A_622], %add3A_619 {strides = array<i32>} : memref<5x125xi32, #tpu.memory_space<vmem>>, vector<16xi32>,
    %mul3A_624 = arith.constant 2 : i32
    %mul3A_625 = vector.broadcast %mul3A_624 : i32 to vector<16xi32>
    %mul3A_626 = arith.muli %mul3A_625, %iota3A : vector<16xi32>
    %add3A_627 = arith.constant 378 : i32
    %add3A_628 = vector.broadcast %add3A_627 : i32 to vector<16xi32>
    %add3A_629 = arith.addi %mul3A_626, %add3A_628 : vector<16xi32>
    %add3A_630 = vector.broadcast %add3A_479 : i32 to vector<16xi32>
    %add3A_631 = arith.addi %add3A_629, %add3A_630 : vector<16xi32>
    %swap3A_632 = arith.constant 1 : i32
    %swap3A_633 = arith.index_cast %swap3A_632 : i32 to index
    %swap3A_634 = arith.constant 64 : index
    %swap3A_635 = tpu.vector_load %arg14[%swap3A_633, %swap3A_634] {strides = array<i32>} : memref<5x125xi32, #tpu.memory_space<vmem>>, vector<16xi32>,
    tpu.vector_store %arg14[%swap3A_633, %swap3A_634], %add3A_631 {strides = array<i32>} : memref<5x125xi32, #tpu.memory_space<vmem>>, vector<16xi32>,
    %mul3A_636 = arith.constant 2 : i32
    %mul3A_637 = vector.broadcast %mul3A_636 : i32 to vector<16xi32>
    %mul3A_638 = arith.muli %mul3A_637, %iota3A : vector<16xi32>
    %add3A_639 = arith.constant 410 : i32
    %add3A_640 = vector.broadcast %add3A_639 : i32 to vector<16xi32>
    %add3A_641 = arith.addi %mul3A_638, %add3A_640 : vector<16xi32>
    %add3A_642 = vector.broadcast %add3A_479 : i32 to vector<16xi32>
    %add3A_643 = arith.addi %add3A_641, %add3A_642 : vector<16xi32>
    %swap3A_644 = arith.constant 1 : i32
    %swap3A_645 = arith.index_cast %swap3A_644 : i32 to index
    %swap3A_646 = arith.constant 80 : index
    %swap3A_647 = tpu.vector_load %arg14[%swap3A_645, %swap3A_646] {strides = array<i32>} : memref<5x125xi32, #tpu.memory_space<vmem>>, vector<16xi32>,
    tpu.vector_store %arg14[%swap3A_645, %swap3A_646], %add3A_643 {strides = array<i32>} : memref<5x125xi32, #tpu.memory_space<vmem>>, vector<16xi32>,
    %mul3A_648 = arith.constant 2 : i32
    %mul3A_649 = vector.broadcast %mul3A_648 : i32 to vector<16xi32>
    %mul3A_650 = arith.muli %mul3A_649, %iota3A : vector<16xi32>
    %add3A_651 = arith.constant 442 : i32
    %add3A_652 = vector.broadcast %add3A_651 : i32 to vector<16xi32>
    %add3A_653 = arith.addi %mul3A_650, %add3A_652 : vector<16xi32>
    %add3A_654 = vector.broadcast %add3A_479 : i32 to vector<16xi32>
    %add3A_655 = arith.addi %add3A_653, %add3A_654 : vector<16xi32>
    %swap3A_656 = arith.constant 1 : i32
    %swap3A_657 = arith.index_cast %swap3A_656 : i32 to index
    %swap3A_658 = arith.constant 96 : index
    %swap3A_659 = tpu.vector_load %arg14[%swap3A_657, %swap3A_658] {strides = array<i32>} : memref<5x125xi32, #tpu.memory_space<vmem>>, vector<16xi32>,
    tpu.vector_store %arg14[%swap3A_657, %swap3A_658], %add3A_655 {strides = array<i32>} : memref<5x125xi32, #tpu.memory_space<vmem>>, vector<16xi32>,
    %mul3A_660 = arith.constant 2 : i32
    %mul3A_661 = vector.broadcast %mul3A_660 : i32 to vector<16xi32>
    %mul3A_662 = arith.muli %mul3A_661, %iota3A : vector<16xi32>
    %add3A_663 = arith.constant 468 : i32
    %add3A_664 = vector.broadcast %add3A_663 : i32 to vector<16xi32>
    %add3A_665 = arith.addi %mul3A_662, %add3A_664 : vector<16xi32>
    %add3A_666 = vector.broadcast %add3A_479 : i32 to vector<16xi32>
    %add3A_667 = arith.addi %add3A_665, %add3A_666 : vector<16xi32>
    %swap3A_668 = arith.constant 1 : i32
    %swap3A_669 = arith.index_cast %swap3A_668 : i32 to index
    %swap3A_670 = arith.constant 109 : index
    %swap3A_671 = tpu.vector_load %arg14[%swap3A_669, %swap3A_670] {strides = array<i32>} : memref<5x125xi32, #tpu.memory_space<vmem>>, vector<16xi32>,
    tpu.vector_store %arg14[%swap3A_669, %swap3A_670], %add3A_667 {strides = array<i32>} : memref<5x125xi32, #tpu.memory_space<vmem>>, vector<16xi32>,
    %mul3A_672 = arith.constant 2 : i32
    %mul3A_673 = vector.broadcast %mul3A_672 : i32 to vector<16xi32>
    %mul3A_674 = arith.muli %mul3A_673, %iota3A : vector<16xi32>
    %add3A_675 = arith.constant 500 : i32
    %add3A_676 = vector.broadcast %add3A_675 : i32 to vector<16xi32>
    %add3A_677 = arith.addi %mul3A_674, %add3A_676 : vector<16xi32>
    %add3A_678 = vector.broadcast %add3A_479 : i32 to vector<16xi32>
    %add3A_679 = arith.addi %add3A_677, %add3A_678 : vector<16xi32>
    %swap3A_680 = arith.constant 2 : i32
    %swap3A_681 = arith.index_cast %swap3A_680 : i32 to index
    %swap3A_682 = arith.constant 0 : index
    %swap3A_683 = tpu.vector_load %arg14[%swap3A_681, %swap3A_682] {strides = array<i32>} : memref<5x125xi32, #tpu.memory_space<vmem>>, vector<16xi32>,
    tpu.vector_store %arg14[%swap3A_681, %swap3A_682], %add3A_679 {strides = array<i32>} : memref<5x125xi32, #tpu.memory_space<vmem>>, vector<16xi32>,
    %mul3A_684 = arith.constant 2 : i32
    %mul3A_685 = vector.broadcast %mul3A_684 : i32 to vector<16xi32>
    %mul3A_686 = arith.muli %mul3A_685, %iota3A : vector<16xi32>
    %add3A_687 = arith.constant 532 : i32
    %add3A_688 = vector.broadcast %add3A_687 : i32 to vector<16xi32>
    %add3A_689 = arith.addi %mul3A_686, %add3A_688 : vector<16xi32>
    %add3A_690 = vector.broadcast %add3A_479 : i32 to vector<16xi32>
    %add3A_691 = arith.addi %add3A_689, %add3A_690 : vector<16xi32>
    %swap3A_692 = arith.constant 2 : i32
    %swap3A_693 = arith.index_cast %swap3A_692 : i32 to index
    %swap3A_694 = arith.constant 16 : index
    %swap3A_695 = tpu.vector_load %arg14[%swap3A_693, %swap3A_694] {strides = array<i32>} : memref<5x125xi32, #tpu.memory_space<vmem>>, vector<16xi32>,
    tpu.vector_store %arg14[%swap3A_693, %swap3A_694], %add3A_691 {strides = array<i32>} : memref<5x125xi32, #tpu.memory_space<vmem>>, vector<16xi32>,
    %mul3A_696 = arith.constant 2 : i32
    %mul3A_697 = vector.broadcast %mul3A_696 : i32 to vector<16xi32>
    %mul3A_698 = arith.muli %mul3A_697, %iota3A : vector<16xi32>
    %add3A_699 = arith.constant 564 : i32
    %add3A_700 = vector.broadcast %add3A_699 : i32 to vector<16xi32>
    %add3A_701 = arith.addi %mul3A_698, %add3A_700 : vector<16xi32>
    %add3A_702 = vector.broadcast %add3A_479 : i32 to vector<16xi32>
    %add3A_703 = arith.addi %add3A_701, %add3A_702 : vector<16xi32>
    %swap3A_704 = arith.constant 2 : i32
    %swap3A_705 = arith.index_cast %swap3A_704 : i32 to index
    %swap3A_706 = arith.constant 32 : index
    %swap3A_707 = tpu.vector_load %arg14[%swap3A_705, %swap3A_706] {strides = array<i32>} : memref<5x125xi32, #tpu.memory_space<vmem>>, vector<16xi32>,
    tpu.vector_store %arg14[%swap3A_705, %swap3A_706], %add3A_703 {strides = array<i32>} : memref<5x125xi32, #tpu.memory_space<vmem>>, vector<16xi32>,
    %mul3A_708 = arith.constant 2 : i32
    %mul3A_709 = vector.broadcast %mul3A_708 : i32 to vector<16xi32>
    %mul3A_710 = arith.muli %mul3A_709, %iota3A : vector<16xi32>
    %add3A_711 = arith.constant 596 : i32
    %add3A_712 = vector.broadcast %add3A_711 : i32 to vector<16xi32>
    %add3A_713 = arith.addi %mul3A_710, %add3A_712 : vector<16xi32>
    %add3A_714 = vector.broadcast %add3A_479 : i32 to vector<16xi32>
    %add3A_715 = arith.addi %add3A_713, %add3A_714 : vector<16xi32>
    %swap3A_716 = arith.constant 2 : i32
    %swap3A_717 = arith.index_cast %swap3A_716 : i32 to index
    %swap3A_718 = arith.constant 48 : index
    %swap3A_719 = tpu.vector_load %arg14[%swap3A_717, %swap3A_718] {strides = array<i32>} : memref<5x125xi32, #tpu.memory_space<vmem>>, vector<16xi32>,
    tpu.vector_store %arg14[%swap3A_717, %swap3A_718], %add3A_715 {strides = array<i32>} : memref<5x125xi32, #tpu.memory_space<vmem>>, vector<16xi32>,
    %mul3A_720 = arith.constant 2 : i32
    %mul3A_721 = vector.broadcast %mul3A_720 : i32 to vector<16xi32>
    %mul3A_722 = arith.muli %mul3A_721, %iota3A : vector<16xi32>
    %add3A_723 = arith.constant 628 : i32
    %add3A_724 = vector.broadcast %add3A_723 : i32 to vector<16xi32>
    %add3A_725 = arith.addi %mul3A_722, %add3A_724 : vector<16xi32>
    %add3A_726 = vector.broadcast %add3A_479 : i32 to vector<16xi32>
    %add3A_727 = arith.addi %add3A_725, %add3A_726 : vector<16xi32>
    %swap3A_728 = arith.constant 2 : i32
    %swap3A_729 = arith.index_cast %swap3A_728 : i32 to index
    %swap3A_730 = arith.constant 64 : index
    %swap3A_731 = tpu.vector_load %arg14[%swap3A_729, %swap3A_730] {strides = array<i32>} : memref<5x125xi32, #tpu.memory_space<vmem>>, vector<16xi32>,
    tpu.vector_store %arg14[%swap3A_729, %swap3A_730], %add3A_727 {strides = array<i32>} : memref<5x125xi32, #tpu.memory_space<vmem>>, vector<16xi32>,
    %mul3A_732 = arith.constant 2 : i32
    %mul3A_733 = vector.broadcast %mul3A_732 : i32 to vector<16xi32>
    %mul3A_734 = arith.muli %mul3A_733, %iota3A : vector<16xi32>
    %add3A_735 = arith.constant 660 : i32
    %add3A_736 = vector.broadcast %add3A_735 : i32 to vector<16xi32>
    %add3A_737 = arith.addi %mul3A_734, %add3A_736 : vector<16xi32>
    %add3A_738 = vector.broadcast %add3A_479 : i32 to vector<16xi32>
    %add3A_739 = arith.addi %add3A_737, %add3A_738 : vector<16xi32>
    %swap3A_740 = arith.constant 2 : i32
    %swap3A_741 = arith.index_cast %swap3A_740 : i32 to index
    %swap3A_742 = arith.constant 80 : index
    %swap3A_743 = tpu.vector_load %arg14[%swap3A_741, %swap3A_742] {strides = array<i32>} : memref<5x125xi32, #tpu.memory_space<vmem>>, vector<16xi32>,
    tpu.vector_store %arg14[%swap3A_741, %swap3A_742], %add3A_739 {strides = array<i32>} : memref<5x125xi32, #tpu.memory_space<vmem>>, vector<16xi32>,
    %mul3A_744 = arith.constant 2 : i32
    %mul3A_745 = vector.broadcast %mul3A_744 : i32 to vector<16xi32>
    %mul3A_746 = arith.muli %mul3A_745, %iota3A : vector<16xi32>
    %add3A_747 = arith.constant 692 : i32
    %add3A_748 = vector.broadcast %add3A_747 : i32 to vector<16xi32>
    %add3A_749 = arith.addi %mul3A_746, %add3A_748 : vector<16xi32>
    %add3A_750 = vector.broadcast %add3A_479 : i32 to vector<16xi32>
    %add3A_751 = arith.addi %add3A_749, %add3A_750 : vector<16xi32>
    %swap3A_752 = arith.constant 2 : i32
    %swap3A_753 = arith.index_cast %swap3A_752 : i32 to index
    %swap3A_754 = arith.constant 96 : index
    %swap3A_755 = tpu.vector_load %arg14[%swap3A_753, %swap3A_754] {strides = array<i32>} : memref<5x125xi32, #tpu.memory_space<vmem>>, vector<16xi32>,
    tpu.vector_store %arg14[%swap3A_753, %swap3A_754], %add3A_751 {strides = array<i32>} : memref<5x125xi32, #tpu.memory_space<vmem>>, vector<16xi32>,
    %mul3A_756 = arith.constant 2 : i32
    %mul3A_757 = vector.broadcast %mul3A_756 : i32 to vector<16xi32>
    %mul3A_758 = arith.muli %mul3A_757, %iota3A : vector<16xi32>
    %add3A_759 = arith.constant 718 : i32
    %add3A_760 = vector.broadcast %add3A_759 : i32 to vector<16xi32>
    %add3A_761 = arith.addi %mul3A_758, %add3A_760 : vector<16xi32>
    %add3A_762 = vector.broadcast %add3A_479 : i32 to vector<16xi32>
    %add3A_763 = arith.addi %add3A_761, %add3A_762 : vector<16xi32>
    %swap3A_764 = arith.constant 2 : i32
    %swap3A_765 = arith.index_cast %swap3A_764 : i32 to index
    %swap3A_766 = arith.constant 109 : index
    %swap3A_767 = tpu.vector_load %arg14[%swap3A_765, %swap3A_766] {strides = array<i32>} : memref<5x125xi32, #tpu.memory_space<vmem>>, vector<16xi32>,
    tpu.vector_store %arg14[%swap3A_765, %swap3A_766], %add3A_763 {strides = array<i32>} : memref<5x125xi32, #tpu.memory_space<vmem>>, vector<16xi32>,
    %mul3A_768 = arith.constant 2 : i32
    %mul3A_769 = vector.broadcast %mul3A_768 : i32 to vector<16xi32>
    %mul3A_770 = arith.muli %mul3A_769, %iota3A : vector<16xi32>
    %add3A_771 = arith.constant 750 : i32
    %add3A_772 = vector.broadcast %add3A_771 : i32 to vector<16xi32>
    %add3A_773 = arith.addi %mul3A_770, %add3A_772 : vector<16xi32>
    %add3A_774 = vector.broadcast %add3A_479 : i32 to vector<16xi32>
    %add3A_775 = arith.addi %add3A_773, %add3A_774 : vector<16xi32>
    %swap3A_776 = arith.constant 3 : i32
    %swap3A_777 = arith.index_cast %swap3A_776 : i32 to index
    %swap3A_778 = arith.constant 0 : index
    %swap3A_779 = tpu.vector_load %arg14[%swap3A_777, %swap3A_778] {strides = array<i32>} : memref<5x125xi32, #tpu.memory_space<vmem>>, vector<16xi32>,
    tpu.vector_store %arg14[%swap3A_777, %swap3A_778], %add3A_775 {strides = array<i32>} : memref<5x125xi32, #tpu.memory_space<vmem>>, vector<16xi32>,
    %mul3A_780 = arith.constant 2 : i32
    %mul3A_781 = vector.broadcast %mul3A_780 : i32 to vector<16xi32>
    %mul3A_782 = arith.muli %mul3A_781, %iota3A : vector<16xi32>
    %add3A_783 = arith.constant 782 : i32
    %add3A_784 = vector.broadcast %add3A_783 : i32 to vector<16xi32>
    %add3A_785 = arith.addi %mul3A_782, %add3A_784 : vector<16xi32>
    %add3A_786 = vector.broadcast %add3A_479 : i32 to vector<16xi32>
    %add3A_787 = arith.addi %add3A_785, %add3A_786 : vector<16xi32>
    %swap3A_788 = arith.constant 3 : i32
    %swap3A_789 = arith.index_cast %swap3A_788 : i32 to index
    %swap3A_790 = arith.constant 16 : index
    %swap3A_791 = tpu.vector_load %arg14[%swap3A_789, %swap3A_790] {strides = array<i32>} : memref<5x125xi32, #tpu.memory_space<vmem>>, vector<16xi32>,
    tpu.vector_store %arg14[%swap3A_789, %swap3A_790], %add3A_787 {strides = array<i32>} : memref<5x125xi32, #tpu.memory_space<vmem>>, vector<16xi32>,
    %mul3A_792 = arith.constant 2 : i32
    %mul3A_793 = vector.broadcast %mul3A_792 : i32 to vector<16xi32>
    %mul3A_794 = arith.muli %mul3A_793, %iota3A : vector<16xi32>
    %add3A_795 = arith.constant 814 : i32
    %add3A_796 = vector.broadcast %add3A_795 : i32 to vector<16xi32>
    %add3A_797 = arith.addi %mul3A_794, %add3A_796 : vector<16xi32>
    %add3A_798 = vector.broadcast %add3A_479 : i32 to vector<16xi32>
    %add3A_799 = arith.addi %add3A_797, %add3A_798 : vector<16xi32>
    %swap3A_800 = arith.constant 3 : i32
    %swap3A_801 = arith.index_cast %swap3A_800 : i32 to index
    %swap3A_802 = arith.constant 32 : index
    %swap3A_803 = tpu.vector_load %arg14[%swap3A_801, %swap3A_802] {strides = array<i32>} : memref<5x125xi32, #tpu.memory_space<vmem>>, vector<16xi32>,
    tpu.vector_store %arg14[%swap3A_801, %swap3A_802], %add3A_799 {strides = array<i32>} : memref<5x125xi32, #tpu.memory_space<vmem>>, vector<16xi32>,
    %mul3A_804 = arith.constant 2 : i32
    %mul3A_805 = vector.broadcast %mul3A_804 : i32 to vector<16xi32>
    %mul3A_806 = arith.muli %mul3A_805, %iota3A : vector<16xi32>
    %add3A_807 = arith.constant 846 : i32
    %add3A_808 = vector.broadcast %add3A_807 : i32 to vector<16xi32>
    %add3A_809 = arith.addi %mul3A_806, %add3A_808 : vector<16xi32>
    %add3A_810 = vector.broadcast %add3A_479 : i32 to vector<16xi32>
    %add3A_811 = arith.addi %add3A_809, %add3A_810 : vector<16xi32>
    %swap3A_812 = arith.constant 3 : i32
    %swap3A_813 = arith.index_cast %swap3A_812 : i32 to index
    %swap3A_814 = arith.constant 48 : index
    %swap3A_815 = tpu.vector_load %arg14[%swap3A_813, %swap3A_814] {strides = array<i32>} : memref<5x125xi32, #tpu.memory_space<vmem>>, vector<16xi32>,
    tpu.vector_store %arg14[%swap3A_813, %swap3A_814], %add3A_811 {strides = array<i32>} : memref<5x125xi32, #tpu.memory_space<vmem>>, vector<16xi32>,
    %mul3A_816 = arith.constant 2 : i32
    %mul3A_817 = vector.broadcast %mul3A_816 : i32 to vector<16xi32>
    %mul3A_818 = arith.muli %mul3A_817, %iota3A : vector<16xi32>
    %add3A_819 = arith.constant 878 : i32
    %add3A_820 = vector.broadcast %add3A_819 : i32 to vector<16xi32>
    %add3A_821 = arith.addi %mul3A_818, %add3A_820 : vector<16xi32>
    %add3A_822 = vector.broadcast %add3A_479 : i32 to vector<16xi32>
    %add3A_823 = arith.addi %add3A_821, %add3A_822 : vector<16xi32>
    %swap3A_824 = arith.constant 3 : i32
    %swap3A_825 = arith.index_cast %swap3A_824 : i32 to index
    %swap3A_826 = arith.constant 64 : index
    %swap3A_827 = tpu.vector_load %arg14[%swap3A_825, %swap3A_826] {strides = array<i32>} : memref<5x125xi32, #tpu.memory_space<vmem>>, vector<16xi32>,
    tpu.vector_store %arg14[%swap3A_825, %swap3A_826], %add3A_823 {strides = array<i32>} : memref<5x125xi32, #tpu.memory_space<vmem>>, vector<16xi32>,
    %mul3A_828 = arith.constant 2 : i32
    %mul3A_829 = vector.broadcast %mul3A_828 : i32 to vector<16xi32>
    %mul3A_830 = arith.muli %mul3A_829, %iota3A : vector<16xi32>
    %add3A_831 = arith.constant 910 : i32
    %add3A_832 = vector.broadcast %add3A_831 : i32 to vector<16xi32>
    %add3A_833 = arith.addi %mul3A_830, %add3A_832 : vector<16xi32>
    %add3A_834 = vector.broadcast %add3A_479 : i32 to vector<16xi32>
    %add3A_835 = arith.addi %add3A_833, %add3A_834 : vector<16xi32>
    %swap3A_836 = arith.constant 3 : i32
    %swap3A_837 = arith.index_cast %swap3A_836 : i32 to index
    %swap3A_838 = arith.constant 80 : index
    %swap3A_839 = tpu.vector_load %arg14[%swap3A_837, %swap3A_838] {strides = array<i32>} : memref<5x125xi32, #tpu.memory_space<vmem>>, vector<16xi32>,
    tpu.vector_store %arg14[%swap3A_837, %swap3A_838], %add3A_835 {strides = array<i32>} : memref<5x125xi32, #tpu.memory_space<vmem>>, vector<16xi32>,
    %mul3A_840 = arith.constant 2 : i32
    %mul3A_841 = vector.broadcast %mul3A_840 : i32 to vector<16xi32>
    %mul3A_842 = arith.muli %mul3A_841, %iota3A : vector<16xi32>
    %add3A_843 = arith.constant 942 : i32
    %add3A_844 = vector.broadcast %add3A_843 : i32 to vector<16xi32>
    %add3A_845 = arith.addi %mul3A_842, %add3A_844 : vector<16xi32>
    %add3A_846 = vector.broadcast %add3A_479 : i32 to vector<16xi32>
    %add3A_847 = arith.addi %add3A_845, %add3A_846 : vector<16xi32>
    %swap3A_848 = arith.constant 3 : i32
    %swap3A_849 = arith.index_cast %swap3A_848 : i32 to index
    %swap3A_850 = arith.constant 96 : index
    %swap3A_851 = tpu.vector_load %arg14[%swap3A_849, %swap3A_850] {strides = array<i32>} : memref<5x125xi32, #tpu.memory_space<vmem>>, vector<16xi32>,
    tpu.vector_store %arg14[%swap3A_849, %swap3A_850], %add3A_847 {strides = array<i32>} : memref<5x125xi32, #tpu.memory_space<vmem>>, vector<16xi32>,
    %mul3A_852 = arith.constant 2 : i32
    %mul3A_853 = vector.broadcast %mul3A_852 : i32 to vector<16xi32>
    %mul3A_854 = arith.muli %mul3A_853, %iota3A : vector<16xi32>
    %add3A_855 = arith.constant 968 : i32
    %add3A_856 = vector.broadcast %add3A_855 : i32 to vector<16xi32>
    %add3A_857 = arith.addi %mul3A_854, %add3A_856 : vector<16xi32>
    %add3A_858 = vector.broadcast %add3A_479 : i32 to vector<16xi32>
    %add3A_859 = arith.addi %add3A_857, %add3A_858 : vector<16xi32>
    %swap3A_860 = arith.constant 3 : i32
    %swap3A_861 = arith.index_cast %swap3A_860 : i32 to index
    %swap3A_862 = arith.constant 109 : index
    %swap3A_863 = tpu.vector_load %arg14[%swap3A_861, %swap3A_862] {strides = array<i32>} : memref<5x125xi32, #tpu.memory_space<vmem>>, vector<16xi32>,
    tpu.vector_store %arg14[%swap3A_861, %swap3A_862], %add3A_859 {strides = array<i32>} : memref<5x125xi32, #tpu.memory_space<vmem>>, vector<16xi32>,
    %mul3A_864 = arith.constant 2 : i32
    %mul3A_865 = vector.broadcast %mul3A_864 : i32 to vector<16xi32>
    %mul3A_866 = arith.muli %mul3A_865, %iota3A : vector<16xi32>
    %add3A_867 = arith.constant 1000 : i32
    %add3A_868 = vector.broadcast %add3A_867 : i32 to vector<16xi32>
    %add3A_869 = arith.addi %mul3A_866, %add3A_868 : vector<16xi32>
    %add3A_870 = vector.broadcast %add3A_479 : i32 to vector<16xi32>
    %add3A_871 = arith.addi %add3A_869, %add3A_870 : vector<16xi32>
    %swap3A_872 = arith.constant 4 : i32
    %swap3A_873 = arith.index_cast %swap3A_872 : i32 to index
    %swap3A_874 = arith.constant 0 : index
    %swap3A_875 = tpu.vector_load %arg14[%swap3A_873, %swap3A_874] {strides = array<i32>} : memref<5x125xi32, #tpu.memory_space<vmem>>, vector<16xi32>,
    tpu.vector_store %arg14[%swap3A_873, %swap3A_874], %add3A_871 {strides = array<i32>} : memref<5x125xi32, #tpu.memory_space<vmem>>, vector<16xi32>,
    %mul3A_876 = arith.constant 2 : i32
    %mul3A_877 = vector.broadcast %mul3A_876 : i32 to vector<16xi32>
    %mul3A_878 = arith.muli %mul3A_877, %iota3A : vector<16xi32>
    %add3A_879 = arith.constant 1032 : i32
    %add3A_880 = vector.broadcast %add3A_879 : i32 to vector<16xi32>
    %add3A_881 = arith.addi %mul3A_878, %add3A_880 : vector<16xi32>
    %add3A_882 = vector.broadcast %add3A_479 : i32 to vector<16xi32>
    %add3A_883 = arith.addi %add3A_881, %add3A_882 : vector<16xi32>
    %swap3A_884 = arith.constant 4 : i32
    %swap3A_885 = arith.index_cast %swap3A_884 : i32 to index
    %swap3A_886 = arith.constant 16 : index
    %swap3A_887 = tpu.vector_load %arg14[%swap3A_885, %swap3A_886] {strides = array<i32>} : memref<5x125xi32, #tpu.memory_space<vmem>>, vector<16xi32>,
    tpu.vector_store %arg14[%swap3A_885, %swap3A_886], %add3A_883 {strides = array<i32>} : memref<5x125xi32, #tpu.memory_space<vmem>>, vector<16xi32>,
    %mul3A_888 = arith.constant 2 : i32
    %mul3A_889 = vector.broadcast %mul3A_888 : i32 to vector<16xi32>
    %mul3A_890 = arith.muli %mul3A_889, %iota3A : vector<16xi32>
    %add3A_891 = arith.constant 1064 : i32
    %add3A_892 = vector.broadcast %add3A_891 : i32 to vector<16xi32>
    %add3A_893 = arith.addi %mul3A_890, %add3A_892 : vector<16xi32>
    %add3A_894 = vector.broadcast %add3A_479 : i32 to vector<16xi32>
    %add3A_895 = arith.addi %add3A_893, %add3A_894 : vector<16xi32>
    %swap3A_896 = arith.constant 4 : i32
    %swap3A_897 = arith.index_cast %swap3A_896 : i32 to index
    %swap3A_898 = arith.constant 32 : index
    %swap3A_899 = tpu.vector_load %arg14[%swap3A_897, %swap3A_898] {strides = array<i32>} : memref<5x125xi32, #tpu.memory_space<vmem>>, vector<16xi32>,
    tpu.vector_store %arg14[%swap3A_897, %swap3A_898], %add3A_895 {strides = array<i32>} : memref<5x125xi32, #tpu.memory_space<vmem>>, vector<16xi32>,
    %mul3A_900 = arith.constant 2 : i32
    %mul3A_901 = vector.broadcast %mul3A_900 : i32 to vector<16xi32>
    %mul3A_902 = arith.muli %mul3A_901, %iota3A : vector<16xi32>
    %add3A_903 = arith.constant 1096 : i32
    %add3A_904 = vector.broadcast %add3A_903 : i32 to vector<16xi32>
    %add3A_905 = arith.addi %mul3A_902, %add3A_904 : vector<16xi32>
    %add3A_906 = vector.broadcast %add3A_479 : i32 to vector<16xi32>
    %add3A_907 = arith.addi %add3A_905, %add3A_906 : vector<16xi32>
    %swap3A_908 = arith.constant 4 : i32
    %swap3A_909 = arith.index_cast %swap3A_908 : i32 to index
    %swap3A_910 = arith.constant 48 : index
    %swap3A_911 = tpu.vector_load %arg14[%swap3A_909, %swap3A_910] {strides = array<i32>} : memref<5x125xi32, #tpu.memory_space<vmem>>, vector<16xi32>,
    tpu.vector_store %arg14[%swap3A_909, %swap3A_910], %add3A_907 {strides = array<i32>} : memref<5x125xi32, #tpu.memory_space<vmem>>, vector<16xi32>,
    %mul3A_912 = arith.constant 2 : i32
    %mul3A_913 = vector.broadcast %mul3A_912 : i32 to vector<16xi32>
    %mul3A_914 = arith.muli %mul3A_913, %iota3A : vector<16xi32>
    %add3A_915 = arith.constant 1128 : i32
    %add3A_916 = vector.broadcast %add3A_915 : i32 to vector<16xi32>
    %add3A_917 = arith.addi %mul3A_914, %add3A_916 : vector<16xi32>
    %add3A_918 = vector.broadcast %add3A_479 : i32 to vector<16xi32>
    %add3A_919 = arith.addi %add3A_917, %add3A_918 : vector<16xi32>
    %swap3A_920 = arith.constant 4 : i32
    %swap3A_921 = arith.index_cast %swap3A_920 : i32 to index
    %swap3A_922 = arith.constant 64 : index
    %swap3A_923 = tpu.vector_load %arg14[%swap3A_921, %swap3A_922] {strides = array<i32>} : memref<5x125xi32, #tpu.memory_space<vmem>>, vector<16xi32>,
    tpu.vector_store %arg14[%swap3A_921, %swap3A_922], %add3A_919 {strides = array<i32>} : memref<5x125xi32, #tpu.memory_space<vmem>>, vector<16xi32>,
    %mul3A_924 = arith.constant 2 : i32
    %mul3A_925 = vector.broadcast %mul3A_924 : i32 to vector<16xi32>
    %mul3A_926 = arith.muli %mul3A_925, %iota3A : vector<16xi32>
    %add3A_927 = arith.constant 1160 : i32
    %add3A_928 = vector.broadcast %add3A_927 : i32 to vector<16xi32>
    %add3A_929 = arith.addi %mul3A_926, %add3A_928 : vector<16xi32>
    %add3A_930 = vector.broadcast %add3A_479 : i32 to vector<16xi32>
    %add3A_931 = arith.addi %add3A_929, %add3A_930 : vector<16xi32>
    %swap3A_932 = arith.constant 4 : i32
    %swap3A_933 = arith.index_cast %swap3A_932 : i32 to index
    %swap3A_934 = arith.constant 80 : index
    %swap3A_935 = tpu.vector_load %arg14[%swap3A_933, %swap3A_934] {strides = array<i32>} : memref<5x125xi32, #tpu.memory_space<vmem>>, vector<16xi32>,
    tpu.vector_store %arg14[%swap3A_933, %swap3A_934], %add3A_931 {strides = array<i32>} : memref<5x125xi32, #tpu.memory_space<vmem>>, vector<16xi32>,
    %mul3A_936 = arith.constant 2 : i32
    %mul3A_937 = vector.broadcast %mul3A_936 : i32 to vector<16xi32>
    %mul3A_938 = arith.muli %mul3A_937, %iota3A : vector<16xi32>
    %add3A_939 = arith.constant 1192 : i32
    %add3A_940 = vector.broadcast %add3A_939 : i32 to vector<16xi32>
    %add3A_941 = arith.addi %mul3A_938, %add3A_940 : vector<16xi32>
    %add3A_942 = vector.broadcast %add3A_479 : i32 to vector<16xi32>
    %add3A_943 = arith.addi %add3A_941, %add3A_942 : vector<16xi32>
    %swap3A_944 = arith.constant 4 : i32
    %swap3A_945 = arith.index_cast %swap3A_944 : i32 to index
    %swap3A_946 = arith.constant 96 : index
    %swap3A_947 = tpu.vector_load %arg14[%swap3A_945, %swap3A_946] {strides = array<i32>} : memref<5x125xi32, #tpu.memory_space<vmem>>, vector<16xi32>,
    tpu.vector_store %arg14[%swap3A_945, %swap3A_946], %add3A_943 {strides = array<i32>} : memref<5x125xi32, #tpu.memory_space<vmem>>, vector<16xi32>,
    %mul3A_948 = arith.constant 2 : i32
    %mul3A_949 = vector.broadcast %mul3A_948 : i32 to vector<16xi32>
    %mul3A_950 = arith.muli %mul3A_949, %iota3A : vector<16xi32>
    %add3A_951 = arith.constant 1218 : i32
    %add3A_952 = vector.broadcast %add3A_951 : i32 to vector<16xi32>
    %add3A_953 = arith.addi %mul3A_950, %add3A_952 : vector<16xi32>
    %add3A_954 = vector.broadcast %add3A_479 : i32 to vector<16xi32>
    %add3A_955 = arith.addi %add3A_953, %add3A_954 : vector<16xi32>
    %swap3A_956 = arith.constant 4 : i32
    %swap3A_957 = arith.index_cast %swap3A_956 : i32 to index
    %swap3A_958 = arith.constant 109 : index
    %swap3A_959 = tpu.vector_load %arg14[%swap3A_957, %swap3A_958] {strides = array<i32>} : memref<5x125xi32, #tpu.memory_space<vmem>>, vector<16xi32>,
    tpu.vector_store %arg14[%swap3A_957, %swap3A_958], %add3A_955 {strides = array<i32>} : memref<5x125xi32, #tpu.memory_space<vmem>>, vector<16xi32>,
    %mul3A_960 = arith.constant 2 : i32
    %mul3A_961 = vector.broadcast %mul3A_960 : i32 to vector<16xi32>
    %mul3A_962 = arith.muli %mul3A_961, %iota3A : vector<16xi32>
    %add3A_963 = arith.constant 1248 : i32
    %add3A_964 = vector.broadcast %add3A_963 : i32 to vector<16xi32>
    %add3A_965 = arith.addi %mul3A_962, %add3A_964 : vector<16xi32>
    %add3A_966 = vector.broadcast %add3A_479 : i32 to vector<16xi32>
    %add3A_967 = arith.addi %add3A_965, %add3A_966 : vector<16xi32>
    %swap3A_968 = arith.constant 0 : i32
    %swap3A_969 = arith.index_cast %swap3A_968 : i32 to index
    %swap3A_970 = arith.constant 0 : index
    %swap3A_971 = tpu.vector_load %arg15[%swap3A_969, %swap3A_970] {strides = array<i32>} : memref<3x16xi32, #tpu.memory_space<vmem>>, vector<16xi32>,
    tpu.vector_store %arg15[%swap3A_969, %swap3A_970], %add3A_967 {strides = array<i32>} : memref<3x16xi32, #tpu.memory_space<vmem>>, vector<16xi32>,
    %mul3A_972 = arith.constant 2 : i32
    %mul3A_973 = vector.broadcast %mul3A_972 : i32 to vector<16xi32>
    %mul3A_974 = arith.muli %mul3A_973, %iota3A : vector<16xi32>
    %add3A_975 = arith.constant 750 : i32
    %add3A_976 = vector.broadcast %add3A_975 : i32 to vector<16xi32>
    %add3A_977 = arith.addi %mul3A_974, %add3A_976 : vector<16xi32>
    %add3A_978 = vector.broadcast %add3A_479 : i32 to vector<16xi32>
    %add3A_979 = arith.addi %add3A_977, %add3A_978 : vector<16xi32>
    %swap3A_980 = arith.constant 1 : i32
    %swap3A_981 = arith.index_cast %swap3A_980 : i32 to index
    %swap3A_982 = arith.constant 0 : index
    %swap3A_983 = tpu.vector_load %arg15[%swap3A_981, %swap3A_982] {strides = array<i32>} : memref<3x16xi32, #tpu.memory_space<vmem>>, vector<16xi32>,
    tpu.vector_store %arg15[%swap3A_981, %swap3A_982], %add3A_979 {strides = array<i32>} : memref<3x16xi32, #tpu.memory_space<vmem>>, vector<16xi32>,
    %mul3A_984 = arith.constant 2 : i32
    %mul3A_985 = vector.broadcast %mul3A_984 : i32 to vector<16xi32>
    %mul3A_986 = arith.muli %mul3A_985, %iota3A : vector<16xi32>
    %add3A_987 = arith.constant 768 : i32
    %add3A_988 = vector.broadcast %add3A_987 : i32 to vector<16xi32>
    %add3A_989 = arith.addi %mul3A_986, %add3A_988 : vector<16xi32>
    %add3A_990 = vector.broadcast %add3A_479 : i32 to vector<16xi32>
    %add3A_991 = arith.addi %add3A_989, %add3A_990 : vector<16xi32>
    %swap3A_992 = arith.constant 2 : i32
    %swap3A_993 = arith.index_cast %swap3A_992 : i32 to index
    %swap3A_994 = arith.constant 0 : index
    %swap3A_995 = tpu.vector_load %arg15[%swap3A_993, %swap3A_994] {strides = array<i32>} : memref<3x16xi32, #tpu.memory_space<vmem>>, vector<16xi32>,
    tpu.vector_store %arg15[%swap3A_993, %swap3A_994], %add3A_991 {strides = array<i32>} : memref<3x16xi32, #tpu.memory_space<vmem>>, vector<16xi32>,
    %dma_wait3A = arith.constant 0 : i32
    %dma_wait3A_996 = tpu.memref_slice %arg3[%mul3A_6, %dma_wait3A] : memref<2560x125xi32, #tpu.memory_space<hbm>> -> memref<160x125xi32, #tpu.memory_space<hbm>>
    %dma_wait3A_997 = arith.constant 0 : i32
    %dma_wait3A_998 = tpu.memref_slice %arg3[%mul3A_6, %dma_wait3A_997] : memref<2560x125xi32, #tpu.memory_space<hbm>> -> memref<160x125xi32, #tpu.memory_space<hbm>>
    tpu.wait_dma2 semaphore(%arg19 : memref<!tpu.dma_semaphore, #tpu.memory_space<semaphore_mem>>) src(%dma_wait3A_998 : memref<160x125xi32, #tpu.memory_space<hbm>>) dst(%arg6 : memref<160x125xi32, #tpu.memory_space<vmem>>)
    %dma_wait3A_999 = arith.constant 0 : i32
    %dma_wait3A_1000 = tpu.memref_slice %arg4[%mul3A_11, %dma_wait3A_999] : memref<2560x125xi32, #tpu.memory_space<hbm>> -> memref<160x125xi32, #tpu.memory_space<hbm>>
    %dma_wait3A_1001 = arith.constant 0 : i32
    %dma_wait3A_1002 = tpu.memref_slice %arg4[%mul3A_11, %dma_wait3A_1001] : memref<2560x125xi32, #tpu.memory_space<hbm>> -> memref<160x125xi32, #tpu.memory_space<hbm>>
    tpu.wait_dma2 semaphore(%arg20 : memref<!tpu.dma_semaphore, #tpu.memory_space<semaphore_mem>>) src(%dma_wait3A_1002 : memref<160x125xi32, #tpu.memory_space<hbm>>) dst(%arg7 : memref<160x125xi32, #tpu.memory_space<vmem>>)
    %get3A = arith.constant 0 : i32
    %get3A_1003 = arith.index_cast %get3A : i32 to index
    %get3A_1004 = arith.constant 0 : index
    %get3A_1005 = tpu.vector_load %arg6[%get3A_1003, %get3A_1004] {strides = array<i32>} : memref<160x125xi32, #tpu.memory_space<vmem>>, vector<16xi32>,
    %get3A_1006 = arith.constant 0 : i32
    %get3A_1007 = arith.index_cast %get3A_1006 : i32 to index
    %get3A_1008 = arith.constant 16 : index
    %get3A_1009 = tpu.vector_load %arg6[%get3A_1007, %get3A_1008] {strides = array<i32>} : memref<160x125xi32, #tpu.memory_space<vmem>>, vector<16xi32>,
    %get3A_1010 = arith.constant 0 : i32
    %get3A_1011 = arith.index_cast %get3A_1010 : i32 to index
    %get3A_1012 = arith.constant 32 : index
    %get3A_1013 = tpu.vector_load %arg6[%get3A_1011, %get3A_1012] {strides = array<i32>} : memref<160x125xi32, #tpu.memory_space<vmem>>, vector<16xi32>,
    %get3A_1014 = arith.constant 0 : i32
    %get3A_1015 = arith.index_cast %get3A_1014 : i32 to index
    %get3A_1016 = arith.constant 48 : index
    %get3A_1017 = tpu.vector_load %arg6[%get3A_1015, %get3A_1016] {strides = array<i32>} : memref<160x125xi32, #tpu.memory_space<vmem>>, vector<16xi32>,
    %get3A_1018 = arith.constant 0 : i32
    %get3A_1019 = arith.index_cast %get3A_1018 : i32 to index
    %get3A_1020 = arith.constant 64 : index
    %get3A_1021 = tpu.vector_load %arg6[%get3A_1019, %get3A_1020] {strides = array<i32>} : memref<160x125xi32, #tpu.memory_space<vmem>>, vector<16xi32>,
    %get3A_1022 = arith.constant 0 : i32
    %get3A_1023 = arith.index_cast %get3A_1022 : i32 to index
    %get3A_1024 = arith.constant 80 : index
    %get3A_1025 = tpu.vector_load %arg6[%get3A_1023, %get3A_1024] {strides = array<i32>} : memref<160x125xi32, #tpu.memory_space<vmem>>, vector<16xi32>,
    %get3A_1026 = arith.constant 0 : i32
    %get3A_1027 = arith.index_cast %get3A_1026 : i32 to index
    %get3A_1028 = arith.constant 96 : index
    %get3A_1029 = tpu.vector_load %arg6[%get3A_1027, %get3A_1028] {strides = array<i32>} : memref<160x125xi32, #tpu.memory_space<vmem>>, vector<16xi32>,
    %get3A_1030 = arith.constant 0 : i32
    %get3A_1031 = arith.index_cast %get3A_1030 : i32 to index
    %get3A_1032 = arith.constant 109 : index
    %get3A_1033 = tpu.vector_load %arg6[%get3A_1031, %get3A_1032] {strides = array<i32>} : memref<160x125xi32, #tpu.memory_space<vmem>>, vector<16xi32>,
    %add3A_1034 = arith.addi %get3A_1005, %get3A_1005 : vector<16xi32>
    %add3A_1035 = arith.addi %add3A_1034, %broadcast_in_dim3A_5 : vector<16xi32>
    %swap3A_1036 = arith.constant 0 : i32
    %swap3A_1037 = arith.index_cast %swap3A_1036 : i32 to index
    %swap3A_1038 = arith.constant 0 : index
    %swap3A_1039 = tpu.vector_load %arg6[%swap3A_1037, %swap3A_1038] {strides = array<i32>} : memref<160x125xi32, #tpu.memory_space<vmem>>, vector<16xi32>,
    tpu.vector_store %arg6[%swap3A_1037, %swap3A_1038], %add3A_1035 {strides = array<i32>} : memref<160x125xi32, #tpu.memory_space<vmem>>, vector<16xi32>,
    %add3A_1040 = arith.addi %get3A_1009, %get3A_1009 : vector<16xi32>
    %add3A_1041 = arith.addi %add3A_1040, %broadcast_in_dim3A_5 : vector<16xi32>
    %swap3A_1042 = arith.constant 0 : i32
    %swap3A_1043 = arith.index_cast %swap3A_1042 : i32 to index
    %swap3A_1044 = arith.constant 16 : index
    %swap3A_1045 = tpu.vector_load %arg6[%swap3A_1043, %swap3A_1044] {strides = array<i32>} : memref<160x125xi32, #tpu.memory_space<vmem>>, vector<16xi32>,
    tpu.vector_store %arg6[%swap3A_1043, %swap3A_1044], %add3A_1041 {strides = array<i32>} : memref<160x125xi32, #tpu.memory_space<vmem>>, vector<16xi32>,
    %add3A_1046 = arith.addi %get3A_1013, %get3A_1013 : vector<16xi32>
    %add3A_1047 = arith.addi %add3A_1046, %broadcast_in_dim3A_5 : vector<16xi32>
    %swap3A_1048 = arith.constant 0 : i32
    %swap3A_1049 = arith.index_cast %swap3A_1048 : i32 to index
    %swap3A_1050 = arith.constant 32 : index
    %swap3A_1051 = tpu.vector_load %arg6[%swap3A_1049, %swap3A_1050] {strides = array<i32>} : memref<160x125xi32, #tpu.memory_space<vmem>>, vector<16xi32>,
    tpu.vector_store %arg6[%swap3A_1049, %swap3A_1050], %add3A_1047 {strides = array<i32>} : memref<160x125xi32, #tpu.memory_space<vmem>>, vector<16xi32>,
    %add3A_1052 = arith.addi %get3A_1017, %get3A_1017 : vector<16xi32>
    %add3A_1053 = arith.addi %add3A_1052, %broadcast_in_dim3A_5 : vector<16xi32>
    %swap3A_1054 = arith.constant 0 : i32
    %swap3A_1055 = arith.index_cast %swap3A_1054 : i32 to index
    %swap3A_1056 = arith.constant 48 : index
    %swap3A_1057 = tpu.vector_load %arg6[%swap3A_1055, %swap3A_1056] {strides = array<i32>} : memref<160x125xi32, #tpu.memory_space<vmem>>, vector<16xi32>,
    tpu.vector_store %arg6[%swap3A_1055, %swap3A_1056], %add3A_1053 {strides = array<i32>} : memref<160x125xi32, #tpu.memory_space<vmem>>, vector<16xi32>,
    %add3A_1058 = arith.addi %get3A_1021, %get3A_1021 : vector<16xi32>
    %add3A_1059 = arith.addi %add3A_1058, %broadcast_in_dim3A_5 : vector<16xi32>
    %swap3A_1060 = arith.constant 0 : i32
    %swap3A_1061 = arith.index_cast %swap3A_1060 : i32 to index
    %swap3A_1062 = arith.constant 64 : index
    %swap3A_1063 = tpu.vector_load %arg6[%swap3A_1061, %swap3A_1062] {strides = array<i32>} : memref<160x125xi32, #tpu.memory_space<vmem>>, vector<16xi32>,
    tpu.vector_store %arg6[%swap3A_1061, %swap3A_1062], %add3A_1059 {strides = array<i32>} : memref<160x125xi32, #tpu.memory_space<vmem>>, vector<16xi32>,
    %add3A_1064 = arith.addi %get3A_1025, %get3A_1025 : vector<16xi32>
    %add3A_1065 = arith.addi %add3A_1064, %broadcast_in_dim3A_5 : vector<16xi32>
    %swap3A_1066 = arith.constant 0 : i32
    %swap3A_1067 = arith.index_cast %swap3A_1066 : i32 to index
    %swap3A_1068 = arith.constant 80 : index
    %swap3A_1069 = tpu.vector_load %arg6[%swap3A_1067, %swap3A_1068] {strides = array<i32>} : memref<160x125xi32, #tpu.memory_space<vmem>>, vector<16xi32>,
    tpu.vector_store %arg6[%swap3A_1067, %swap3A_1068], %add3A_1065 {strides = array<i32>} : memref<160x125xi32, #tpu.memory_space<vmem>>, vector<16xi32>,
    %add3A_1070 = arith.addi %get3A_1029, %get3A_1029 : vector<16xi32>
    %add3A_1071 = arith.addi %add3A_1070, %broadcast_in_dim3A_5 : vector<16xi32>
    %swap3A_1072 = arith.constant 0 : i32
    %swap3A_1073 = arith.index_cast %swap3A_1072 : i32 to index
    %swap3A_1074 = arith.constant 96 : index
    %swap3A_1075 = tpu.vector_load %arg6[%swap3A_1073, %swap3A_1074] {strides = array<i32>} : memref<160x125xi32, #tpu.memory_space<vmem>>, vector<16xi32>,
    tpu.vector_store %arg6[%swap3A_1073, %swap3A_1074], %add3A_1071 {strides = array<i32>} : memref<160x125xi32, #tpu.memory_space<vmem>>, vector<16xi32>,
    %add3A_1076 = arith.addi %get3A_1033, %get3A_1033 : vector<16xi32>
    %add3A_1077 = arith.addi %add3A_1076, %broadcast_in_dim3A_5 : vector<16xi32>
    %swap3A_1078 = arith.constant 0 : i32
    %swap3A_1079 = arith.index_cast %swap3A_1078 : i32 to index
    %swap3A_1080 = arith.constant 109 : index
    %swap3A_1081 = tpu.vector_load %arg6[%swap3A_1079, %swap3A_1080] {strides = array<i32>} : memref<160x125xi32, #tpu.memory_space<vmem>>, vector<16xi32>,
    tpu.vector_store %arg6[%swap3A_1079, %swap3A_1080], %add3A_1077 {strides = array<i32>} : memref<160x125xi32, #tpu.memory_space<vmem>>, vector<16xi32>,
    %get3A_1082 = arith.constant 1 : i32
    %get3A_1083 = arith.index_cast %get3A_1082 : i32 to index
    %get3A_1084 = arith.constant 0 : index
    %get3A_1085 = tpu.vector_load %arg6[%get3A_1083, %get3A_1084] {strides = array<i32>} : memref<160x125xi32, #tpu.memory_space<vmem>>, vector<16xi32>,
    %get3A_1086 = arith.constant 1 : i32
    %get3A_1087 = arith.index_cast %get3A_1086 : i32 to index
    %get3A_1088 = arith.constant 16 : index
    %get3A_1089 = tpu.vector_load %arg6[%get3A_1087, %get3A_1088] {strides = array<i32>} : memref<160x125xi32, #tpu.memory_space<vmem>>, vector<16xi32>,
    %get3A_1090 = arith.constant 1 : i32
    %get3A_1091 = arith.index_cast %get3A_1090 : i32 to index
    %get3A_1092 = arith.constant 32 : index
    %get3A_1093 = tpu.vector_load %arg6[%get3A_1091, %get3A_1092] {strides = array<i32>} : memref<160x125xi32, #tpu.memory_space<vmem>>, vector<16xi32>,
    %get3A_1094 = arith.constant 1 : i32
    %get3A_1095 = arith.index_cast %get3A_1094 : i32 to index
    %get3A_1096 = arith.constant 48 : index
    %get3A_1097 = tpu.vector_load %arg6[%get3A_1095, %get3A_1096] {strides = array<i32>} : memref<160x125xi32, #tpu.memory_space<vmem>>, vector<16xi32>,
    %get3A_1098 = arith.constant 1 : i32
    %get3A_1099 = arith.index_cast %get3A_1098 : i32 to index
    %get3A_1100 = arith.constant 64 : index
    %get3A_1101 = tpu.vector_load %arg6[%get3A_1099, %get3A_1100] {strides = array<i32>} : memref<160x125xi32, #tpu.memory_space<vmem>>, vector<16xi32>,
    %get3A_1102 = arith.constant 1 : i32
    %get3A_1103 = arith.index_cast %get3A_1102 : i32 to index
    %get3A_1104 = arith.constant 80 : index
    %get3A_1105 = tpu.vector_load %arg6[%get3A_1103, %get3A_1104] {strides = array<i32>} : memref<160x125xi32, #tpu.memory_space<vmem>>, vector<16xi32>,
    %get3A_1106 = arith.constant 1 : i32
    %get3A_1107 = arith.index_cast %get3A_1106 : i32 to index
    %get3A_1108 = arith.constant 96 : index
    %get3A_1109 = tpu.vector_load %arg6[%get3A_1107, %get3A_1108] {strides = array<i32>} : memref<160x125xi32, #tpu.memory_space<vmem>>, vector<16xi32>,
    %get3A_1110 = arith.constant 1 : i32
    %get3A_1111 = arith.index_cast %get3A_1110 : i32 to index
    %get3A_1112 = arith.constant 109 : index
    %get3A_1113 = tpu.vector_load %arg6[%get3A_1111, %get3A_1112] {strides = array<i32>} : memref<160x125xi32, #tpu.memory_space<vmem>>, vector<16xi32>,
    %add3A_1114 = arith.addi %get3A_1085, %get3A_1085 : vector<16xi32>
    %add3A_1115 = arith.addi %add3A_1114, %broadcast_in_dim3A_5 : vector<16xi32>
    %swap3A_1116 = arith.constant 1 : i32
    %swap3A_1117 = arith.index_cast %swap3A_1116 : i32 to index
    %swap3A_1118 = arith.constant 0 : index
    %swap3A_1119 = tpu.vector_load %arg6[%swap3A_1117, %swap3A_1118] {strides = array<i32>} : memref<160x125xi32, #tpu.memory_space<vmem>>, vector<16xi32>,
    tpu.vector_store %arg6[%swap3A_1117, %swap3A_1118], %add3A_1115 {strides = array<i32>} : memref<160x125xi32, #tpu.memory_space<vmem>>, vector<16xi32>,
    %add3A_1120 = arith.addi %get3A_1089, %get3A_1089 : vector<16xi32>
    %add3A_1121 = arith.addi %add3A_1120, %broadcast_in_dim3A_5 : vector<16xi32>
    %swap3A_1122 = arith.constant 1 : i32
    %swap3A_1123 = arith.index_cast %swap3A_1122 : i32 to index
    %swap3A_1124 = arith.constant 16 : index
    %swap3A_1125 = tpu.vector_load %arg6[%swap3A_1123, %swap3A_1124] {strides = array<i32>} : memref<160x125xi32, #tpu.memory_space<vmem>>, vector<16xi32>,
    tpu.vector_store %arg6[%swap3A_1123, %swap3A_1124], %add3A_1121 {strides = array<i32>} : memref<160x125xi32, #tpu.memory_space<vmem>>, vector<16xi32>,
    %add3A_1126 = arith.addi %get3A_1093, %get3A_1093 : vector<16xi32>
    %add3A_1127 = arith.addi %add3A_1126, %broadcast_in_dim3A_5 : vector<16xi32>
    %swap3A_1128 = arith.constant 1 : i32
    %swap3A_1129 = arith.index_cast %swap3A_1128 : i32 to index
    %swap3A_1130 = arith.constant 32 : index
    %swap3A_1131 = tpu.vector_load %arg6[%swap3A_1129, %swap3A_1130] {strides = array<i32>} : memref<160x125xi32, #tpu.memory_space<vmem>>, vector<16xi32>,
    tpu.vector_store %arg6[%swap3A_1129, %swap3A_1130], %add3A_1127 {strides = array<i32>} : memref<160x125xi32, #tpu.memory_space<vmem>>, vector<16xi32>,
    %add3A_1132 = arith.addi %get3A_1097, %get3A_1097 : vector<16xi32>
    %add3A_1133 = arith.addi %add3A_1132, %broadcast_in_dim3A_5 : vector<16xi32>
    %swap3A_1134 = arith.constant 1 : i32
    %swap3A_1135 = arith.index_cast %swap3A_1134 : i32 to index
    %swap3A_1136 = arith.constant 48 : index
    %swap3A_1137 = tpu.vector_load %arg6[%swap3A_1135, %swap3A_1136] {strides = array<i32>} : memref<160x125xi32, #tpu.memory_space<vmem>>, vector<16xi32>,
    tpu.vector_store %arg6[%swap3A_1135, %swap3A_1136], %add3A_1133 {strides = array<i32>} : memref<160x125xi32, #tpu.memory_space<vmem>>, vector<16xi32>,
    %add3A_1138 = arith.addi %get3A_1101, %get3A_1101 : vector<16xi32>
    %add3A_1139 = arith.addi %add3A_1138, %broadcast_in_dim3A_5 : vector<16xi32>
    %swap3A_1140 = arith.constant 1 : i32
    %swap3A_1141 = arith.index_cast %swap3A_1140 : i32 to index
    %swap3A_1142 = arith.constant 64 : index
    %swap3A_1143 = tpu.vector_load %arg6[%swap3A_1141, %swap3A_1142] {strides = array<i32>} : memref<160x125xi32, #tpu.memory_space<vmem>>, vector<16xi32>,
    tpu.vector_store %arg6[%swap3A_1141, %swap3A_1142], %add3A_1139 {strides = array<i32>} : memref<160x125xi32, #tpu.memory_space<vmem>>, vector<16xi32>,
    %add3A_1144 = arith.addi %get3A_1105, %get3A_1105 : vector<16xi32>
    %add3A_1145 = arith.addi %add3A_1144, %broadcast_in_dim3A_5 : vector<16xi32>
    %swap3A_1146 = arith.constant 1 : i32
    %swap3A_1147 = arith.index_cast %swap3A_1146 : i32 to index
    %swap3A_1148 = arith.constant 80 : index
    %swap3A_1149 = tpu.vector_load %arg6[%swap3A_1147, %swap3A_1148] {strides = array<i32>} : memref<160x125xi32, #tpu.memory_space<vmem>>, vector<16xi32>,
    tpu.vector_store %arg6[%swap3A_1147, %swap3A_1148], %add3A_1145 {strides = array<i32>} : memref<160x125xi32, #tpu.memory_space<vmem>>, vector<16xi32>,
    %add3A_1150 = arith.addi %get3A_1109, %get3A_1109 : vector<16xi32>
    %add3A_1151 = arith.addi %add3A_1150, %broadcast_in_dim3A_5 : vector<16xi32>
    %swap3A_1152 = arith.constant 1 : i32
    %swap3A_1153 = arith.index_cast %swap3A_1152 : i32 to index
    %swap3A_1154 = arith.constant 96 : index
    %swap3A_1155 = tpu.vector_load %arg6[%swap3A_1153, %swap3A_1154] {strides = array<i32>} : memref<160x125xi32, #tpu.memory_space<vmem>>, vector<16xi32>,
    tpu.vector_store %arg6[%swap3A_1153, %swap3A_1154], %add3A_1151 {strides = array<i32>} : memref<160x125xi32, #tpu.memory_space<vmem>>, vector<16xi32>,
    %add3A_1156 = arith.addi %get3A_1113, %get3A_1113 : vector<16xi32>
    %add3A_1157 = arith.addi %add3A_1156, %broadcast_in_dim3A_5 : vector<16xi32>
    %swap3A_1158 = arith.constant 1 : i32
    %swap3A_1159 = arith.index_cast %swap3A_1158 : i32 to index
    %swap3A_1160 = arith.constant 109 : index
    %swap3A_1161 = tpu.vector_load %arg6[%swap3A_1159, %swap3A_1160] {strides = array<i32>} : memref<160x125xi32, #tpu.memory_space<vmem>>, vector<16xi32>,
    tpu.vector_store %arg6[%swap3A_1159, %swap3A_1160], %add3A_1157 {strides = array<i32>} : memref<160x125xi32, #tpu.memory_space<vmem>>, vector<16xi32>,
    %dma_wait3A_1162 = arith.constant 0 : i32
    %dma_wait3A_1163 = tpu.memref_slice %arg17[%add3A_23, %dma_wait3A_1162] : memref<10240x64xf32, #tpu.memory_space<vmem_shared>> -> memref<32x64xf32, #tpu.memory_space<vmem_shared>>
    %dma_wait3A_1164 = arith.constant 0 : i32
    %dma_wait3A_1165 = tpu.memref_slice %arg17[%add3A_23, %dma_wait3A_1164] : memref<10240x64xf32, #tpu.memory_space<vmem_shared>> -> memref<32x64xf32, #tpu.memory_space<vmem_shared>>
    tpu.wait_dma2 semaphore(%arg21 : memref<!tpu.dma_semaphore, #tpu.memory_space<semaphore_mem>>) src(%arg16 : memref<32x64xf32, #tpu.memory_space<vmem>>) dst(%dma_wait3A_1165 : memref<32x64xf32, #tpu.memory_space<vmem_shared>>)
    %dma_wait3A_1166 = arith.constant 0 : i32
    %dma_wait3A_1167 = tpu.memref_slice %arg17[%add3A_31, %dma_wait3A_1166] : memref<10240x64xf32, #tpu.memory_space<vmem_shared>> -> memref<32x64xf32, #tpu.memory_space<vmem_shared>>
    %dma_wait3A_1168 = arith.constant 0 : i32
    %dma_wait3A_1169 = tpu.memref_slice %arg17[%add3A_31, %dma_wait3A_1168] : memref<10240x64xf32, #tpu.memory_space<vmem_shared>> -> memref<32x64xf32, #tpu.memory_space<vmem_shared>>
    tpu.wait_dma2 semaphore(%arg21 : memref<!tpu.dma_semaphore, #tpu.memory_space<semaphore_mem>>) src(%arg16 : memref<32x64xf32, #tpu.memory_space<vmem>>) dst(%dma_wait3A_1169 : memref<32x64xf32, #tpu.memory_space<vmem_shared>>)
    %dma_wait3A_1170 = arith.constant 0 : i32
    %dma_wait3A_1171 = tpu.memref_slice %arg17[%add3A_39, %dma_wait3A_1170] : memref<10240x64xf32, #tpu.memory_space<vmem_shared>> -> memref<32x64xf32, #tpu.memory_space<vmem_shared>>
    %dma_wait3A_1172 = arith.constant 0 : i32
    %dma_wait3A_1173 = tpu.memref_slice %arg17[%add3A_39, %dma_wait3A_1172] : memref<10240x64xf32, #tpu.memory_space<vmem_shared>> -> memref<32x64xf32, #tpu.memory_space<vmem_shared>>
    tpu.wait_dma2 semaphore(%arg21 : memref<!tpu.dma_semaphore, #tpu.memory_space<semaphore_mem>>) src(%arg16 : memref<32x64xf32, #tpu.memory_space<vmem>>) dst(%dma_wait3A_1173 : memref<32x64xf32, #tpu.memory_space<vmem_shared>>)
    %dma_wait3A_1174 = arith.constant 0 : i32
    %dma_wait3A_1175 = tpu.memref_slice %arg17[%add3A_47, %dma_wait3A_1174] : memref<10240x64xf32, #tpu.memory_space<vmem_shared>> -> memref<32x64xf32, #tpu.memory_space<vmem_shared>>
    %dma_wait3A_1176 = arith.constant 0 : i32
    %dma_wait3A_1177 = tpu.memref_slice %arg17[%add3A_47, %dma_wait3A_1176] : memref<10240x64xf32, #tpu.memory_space<vmem_shared>> -> memref<32x64xf32, #tpu.memory_space<vmem_shared>>
    tpu.wait_dma2 semaphore(%arg21 : memref<!tpu.dma_semaphore, #tpu.memory_space<semaphore_mem>>) src(%arg16 : memref<32x64xf32, #tpu.memory_space<vmem>>) dst(%dma_wait3A_1177 : memref<32x64xf32, #tpu.memory_space<vmem_shared>>)
    %dma_wait3A_1178 = arith.constant 0 : i32
    %dma_wait3A_1179 = tpu.memref_slice %arg17[%add3A_55, %dma_wait3A_1178] : memref<10240x64xf32, #tpu.memory_space<vmem_shared>> -> memref<32x64xf32, #tpu.memory_space<vmem_shared>>
    %dma_wait3A_1180 = arith.constant 0 : i32
    %dma_wait3A_1181 = tpu.memref_slice %arg17[%add3A_55, %dma_wait3A_1180] : memref<10240x64xf32, #tpu.memory_space<vmem_shared>> -> memref<32x64xf32, #tpu.memory_space<vmem_shared>>
    tpu.wait_dma2 semaphore(%arg21 : memref<!tpu.dma_semaphore, #tpu.memory_space<semaphore_mem>>) src(%arg16 : memref<32x64xf32, #tpu.memory_space<vmem>>) dst(%dma_wait3A_1181 : memref<32x64xf32, #tpu.memory_space<vmem_shared>>)
    %dma_wait3A_1182 = arith.constant 0 : i32
    %dma_wait3A_1183 = tpu.memref_slice %arg17[%add3A_63, %dma_wait3A_1182] : memref<10240x64xf32, #tpu.memory_space<vmem_shared>> -> memref<32x64xf32, #tpu.memory_space<vmem_shared>>
    %dma_wait3A_1184 = arith.constant 0 : i32
    %dma_wait3A_1185 = tpu.memref_slice %arg17[%add3A_63, %dma_wait3A_1184] : memref<10240x64xf32, #tpu.memory_space<vmem_shared>> -> memref<32x64xf32, #tpu.memory_space<vmem_shared>>
    tpu.wait_dma2 semaphore(%arg21 : memref<!tpu.dma_semaphore, #tpu.memory_space<semaphore_mem>>) src(%arg16 : memref<32x64xf32, #tpu.memory_space<vmem>>) dst(%dma_wait3A_1185 : memref<32x64xf32, #tpu.memory_space<vmem_shared>>)
    %dma_wait3A_1186 = arith.constant 0 : i32
    %dma_wait3A_1187 = tpu.memref_slice %arg17[%add3A_71, %dma_wait3A_1186] : memref<10240x64xf32, #tpu.memory_space<vmem_shared>> -> memref<32x64xf32, #tpu.memory_space<vmem_shared>>
    %dma_wait3A_1188 = arith.constant 0 : i32
    %dma_wait3A_1189 = tpu.memref_slice %arg17[%add3A_71, %dma_wait3A_1188] : memref<10240x64xf32, #tpu.memory_space<vmem_shared>> -> memref<32x64xf32, #tpu.memory_space<vmem_shared>>
    tpu.wait_dma2 semaphore(%arg21 : memref<!tpu.dma_semaphore, #tpu.memory_space<semaphore_mem>>) src(%arg16 : memref<32x64xf32, #tpu.memory_space<vmem>>) dst(%dma_wait3A_1189 : memref<32x64xf32, #tpu.memory_space<vmem_shared>>)
    %dma_wait3A_1190 = arith.constant 0 : i32
    %dma_wait3A_1191 = tpu.memref_slice %arg17[%add3A_79, %dma_wait3A_1190] : memref<10240x64xf32, #tpu.memory_space<vmem_shared>> -> memref<32x64xf32, #tpu.memory_space<vmem_shared>>
    %dma_wait3A_1192 = arith.constant 0 : i32
    %dma_wait3A_1193 = tpu.memref_slice %arg17[%add3A_79, %dma_wait3A_1192] : memref<10240x64xf32, #tpu.memory_space<vmem_shared>> -> memref<32x64xf32, #tpu.memory_space<vmem_shared>>
    tpu.wait_dma2 semaphore(%arg21 : memref<!tpu.dma_semaphore, #tpu.memory_space<semaphore_mem>>) src(%arg16 : memref<32x64xf32, #tpu.memory_space<vmem>>) dst(%dma_wait3A_1193 : memref<32x64xf32, #tpu.memory_space<vmem_shared>>)
    %dma_wait3A_1194 = arith.constant 0 : i32
    %dma_wait3A_1195 = tpu.memref_slice %arg17[%add3A_87, %dma_wait3A_1194] : memref<10240x64xf32, #tpu.memory_space<vmem_shared>> -> memref<32x64xf32, #tpu.memory_space<vmem_shared>>
    %dma_wait3A_1196 = arith.constant 0 : i32
    %dma_wait3A_1197 = tpu.memref_slice %arg17[%add3A_87, %dma_wait3A_1196] : memref<10240x64xf32, #tpu.memory_space<vmem_shared>> -> memref<32x64xf32, #tpu.memory_space<vmem_shared>>
    tpu.wait_dma2 semaphore(%arg21 : memref<!tpu.dma_semaphore, #tpu.memory_space<semaphore_mem>>) src(%arg16 : memref<32x64xf32, #tpu.memory_space<vmem>>) dst(%dma_wait3A_1197 : memref<32x64xf32, #tpu.memory_space<vmem_shared>>)
    %dma_wait3A_1198 = arith.constant 0 : i32
    %dma_wait3A_1199 = tpu.memref_slice %arg17[%add3A_95, %dma_wait3A_1198] : memref<10240x64xf32, #tpu.memory_space<vmem_shared>> -> memref<32x64xf32, #tpu.memory_space<vmem_shared>>
    %dma_wait3A_1200 = arith.constant 0 : i32
    %dma_wait3A_1201 = tpu.memref_slice %arg17[%add3A_95, %dma_wait3A_1200] : memref<10240x64xf32, #tpu.memory_space<vmem_shared>> -> memref<32x64xf32, #tpu.memory_space<vmem_shared>>
    tpu.wait_dma2 semaphore(%arg21 : memref<!tpu.dma_semaphore, #tpu.memory_space<semaphore_mem>>) src(%arg16 : memref<32x64xf32, #tpu.memory_space<vmem>>) dst(%dma_wait3A_1201 : memref<32x64xf32, #tpu.memory_space<vmem_shared>>)
    %dma_wait3A_1202 = arith.constant 0 : i32
    %dma_wait3A_1203 = tpu.memref_slice %arg17[%add3A_103, %dma_wait3A_1202] : memref<10240x64xf32, #tpu.memory_space<vmem_shared>> -> memref<32x64xf32, #tpu.memory_space<vmem_shared>>
    %dma_wait3A_1204 = arith.constant 0 : i32
    %dma_wait3A_1205 = tpu.memref_slice %arg17[%add3A_103, %dma_wait3A_1204] : memref<10240x64xf32, #tpu.memory_space<vmem_shared>> -> memref<32x64xf32, #tpu.memory_space<vmem_shared>>
    tpu.wait_dma2 semaphore(%arg21 : memref<!tpu.dma_semaphore, #tpu.memory_space<semaphore_mem>>) src(%arg16 : memref<32x64xf32, #tpu.memory_space<vmem>>) dst(%dma_wait3A_1205 : memref<32x64xf32, #tpu.memory_space<vmem_shared>>)
    %dma_wait3A_1206 = arith.constant 0 : i32
    %dma_wait3A_1207 = tpu.memref_slice %arg17[%add3A_111, %dma_wait3A_1206] : memref<10240x64xf32, #tpu.memory_space<vmem_shared>> -> memref<32x64xf32, #tpu.memory_space<vmem_shared>>
    %dma_wait3A_1208 = arith.constant 0 : i32
    %dma_wait3A_1209 = tpu.memref_slice %arg17[%add3A_111, %dma_wait3A_1208] : memref<10240x64xf32, #tpu.memory_space<vmem_shared>> -> memref<32x64xf32, #tpu.memory_space<vmem_shared>>
    tpu.wait_dma2 semaphore(%arg21 : memref<!tpu.dma_semaphore, #tpu.memory_space<semaphore_mem>>) src(%arg16 : memref<32x64xf32, #tpu.memory_space<vmem>>) dst(%dma_wait3A_1209 : memref<32x64xf32, #tpu.memory_space<vmem_shared>>)
    %dma_wait3A_1210 = arith.constant 0 : i32
    %dma_wait3A_1211 = tpu.memref_slice %arg17[%add3A_119, %dma_wait3A_1210] : memref<10240x64xf32, #tpu.memory_space<vmem_shared>> -> memref<32x64xf32, #tpu.memory_space<vmem_shared>>
    %dma_wait3A_1212 = arith.constant 0 : i32
    %dma_wait3A_1213 = tpu.memref_slice %arg17[%add3A_119, %dma_wait3A_1212] : memref<10240x64xf32, #tpu.memory_space<vmem_shared>> -> memref<32x64xf32, #tpu.memory_space<vmem_shared>>
    tpu.wait_dma2 semaphore(%arg21 : memref<!tpu.dma_semaphore, #tpu.memory_space<semaphore_mem>>) src(%arg16 : memref<32x64xf32, #tpu.memory_space<vmem>>) dst(%dma_wait3A_1213 : memref<32x64xf32, #tpu.memory_space<vmem_shared>>)
    %dma_wait3A_1214 = arith.constant 0 : i32
    %dma_wait3A_1215 = tpu.memref_slice %arg17[%add3A_127, %dma_wait3A_1214] : memref<10240x64xf32, #tpu.memory_space<vmem_shared>> -> memref<32x64xf32, #tpu.memory_space<vmem_shared>>
    %dma_wait3A_1216 = arith.constant 0 : i32
    %dma_wait3A_1217 = tpu.memref_slice %arg17[%add3A_127, %dma_wait3A_1216] : memref<10240x64xf32, #tpu.memory_space<vmem_shared>> -> memref<32x64xf32, #tpu.memory_space<vmem_shared>>
    tpu.wait_dma2 semaphore(%arg21 : memref<!tpu.dma_semaphore, #tpu.memory_space<semaphore_mem>>) src(%arg16 : memref<32x64xf32, #tpu.memory_space<vmem>>) dst(%dma_wait3A_1217 : memref<32x64xf32, #tpu.memory_space<vmem_shared>>)
    %dma_wait3A_1218 = arith.constant 0 : i32
    %dma_wait3A_1219 = tpu.memref_slice %arg17[%add3A_135, %dma_wait3A_1218] : memref<10240x64xf32, #tpu.memory_space<vmem_shared>> -> memref<32x64xf32, #tpu.memory_space<vmem_shared>>
    %dma_wait3A_1220 = arith.constant 0 : i32
    %dma_wait3A_1221 = tpu.memref_slice %arg17[%add3A_135, %dma_wait3A_1220] : memref<10240x64xf32, #tpu.memory_space<vmem_shared>> -> memref<32x64xf32, #tpu.memory_space<vmem_shared>>
    tpu.wait_dma2 semaphore(%arg21 : memref<!tpu.dma_semaphore, #tpu.memory_space<semaphore_mem>>) src(%arg16 : memref<32x64xf32, #tpu.memory_space<vmem>>) dst(%dma_wait3A_1221 : memref<32x64xf32, #tpu.memory_space<vmem_shared>>)
    %dma_wait3A_1222 = arith.constant 0 : i32
    %dma_wait3A_1223 = tpu.memref_slice %arg17[%add3A_143, %dma_wait3A_1222] : memref<10240x64xf32, #tpu.memory_space<vmem_shared>> -> memref<32x64xf32, #tpu.memory_space<vmem_shared>>
    %dma_wait3A_1224 = arith.constant 0 : i32
    %dma_wait3A_1225 = tpu.memref_slice %arg17[%add3A_143, %dma_wait3A_1224] : memref<10240x64xf32, #tpu.memory_space<vmem_shared>> -> memref<32x64xf32, #tpu.memory_space<vmem_shared>>
    tpu.wait_dma2 semaphore(%arg21 : memref<!tpu.dma_semaphore, #tpu.memory_space<semaphore_mem>>) src(%arg16 : memref<32x64xf32, #tpu.memory_space<vmem>>) dst(%dma_wait3A_1225 : memref<32x64xf32, #tpu.memory_space<vmem_shared>>)
    %dma_wait3A_1226 = arith.constant 0 : i32
    %dma_wait3A_1227 = tpu.memref_slice %arg17[%add3A_151, %dma_wait3A_1226] : memref<10240x64xf32, #tpu.memory_space<vmem_shared>> -> memref<32x64xf32, #tpu.memory_space<vmem_shared>>
    %dma_wait3A_1228 = arith.constant 0 : i32
    %dma_wait3A_1229 = tpu.memref_slice %arg17[%add3A_151, %dma_wait3A_1228] : memref<10240x64xf32, #tpu.memory_space<vmem_shared>> -> memref<32x64xf32, #tpu.memory_space<vmem_shared>>
    tpu.wait_dma2 semaphore(%arg21 : memref<!tpu.dma_semaphore, #tpu.memory_space<semaphore_mem>>) src(%arg16 : memref<32x64xf32, #tpu.memory_space<vmem>>) dst(%dma_wait3A_1229 : memref<32x64xf32, #tpu.memory_space<vmem_shared>>)
    %dma_wait3A_1230 = arith.constant 0 : i32
    %dma_wait3A_1231 = tpu.memref_slice %arg17[%add3A_159, %dma_wait3A_1230] : memref<10240x64xf32, #tpu.memory_space<vmem_shared>> -> memref<32x64xf32, #tpu.memory_space<vmem_shared>>
    %dma_wait3A_1232 = arith.constant 0 : i32
    %dma_wait3A_1233 = tpu.memref_slice %arg17[%add3A_159, %dma_wait3A_1232] : memref<10240x64xf32, #tpu.memory_space<vmem_shared>> -> memref<32x64xf32, #tpu.memory_space<vmem_shared>>
    tpu.wait_dma2 semaphore(%arg21 : memref<!tpu.dma_semaphore, #tpu.memory_space<semaphore_mem>>) src(%arg16 : memref<32x64xf32, #tpu.memory_space<vmem>>) dst(%dma_wait3A_1233 : memref<32x64xf32, #tpu.memory_space<vmem_shared>>)
    %dma_wait3A_1234 = arith.constant 0 : i32
    %dma_wait3A_1235 = tpu.memref_slice %arg17[%add3A_167, %dma_wait3A_1234] : memref<10240x64xf32, #tpu.memory_space<vmem_shared>> -> memref<32x64xf32, #tpu.memory_space<vmem_shared>>
    %dma_wait3A_1236 = arith.constant 0 : i32
    %dma_wait3A_1237 = tpu.memref_slice %arg17[%add3A_167, %dma_wait3A_1236] : memref<10240x64xf32, #tpu.memory_space<vmem_shared>> -> memref<32x64xf32, #tpu.memory_space<vmem_shared>>
    tpu.wait_dma2 semaphore(%arg21 : memref<!tpu.dma_semaphore, #tpu.memory_space<semaphore_mem>>) src(%arg16 : memref<32x64xf32, #tpu.memory_space<vmem>>) dst(%dma_wait3A_1237 : memref<32x64xf32, #tpu.memory_space<vmem_shared>>)
    %dma_wait3A_1238 = arith.constant 0 : i32
    %dma_wait3A_1239 = tpu.memref_slice %arg17[%add3A_175, %dma_wait3A_1238] : memref<10240x64xf32, #tpu.memory_space<vmem_shared>> -> memref<32x64xf32, #tpu.memory_space<vmem_shared>>
    %dma_wait3A_1240 = arith.constant 0 : i32
    %dma_wait3A_1241 = tpu.memref_slice %arg17[%add3A_175, %dma_wait3A_1240] : memref<10240x64xf32, #tpu.memory_space<vmem_shared>> -> memref<32x64xf32, #tpu.memory_space<vmem_shared>>
    tpu.wait_dma2 semaphore(%arg21 : memref<!tpu.dma_semaphore, #tpu.memory_space<semaphore_mem>>) src(%arg16 : memref<32x64xf32, #tpu.memory_space<vmem>>) dst(%dma_wait3A_1241 : memref<32x64xf32, #tpu.memory_space<vmem_shared>>)
    %dma_wait3A_1242 = arith.constant 0 : i32
    %dma_wait3A_1243 = arith.constant 0 : i32
    %dma_wait3A_1244 = tpu.memref_slice %arg12[%dma_wait3A_1242, %dma_wait3A_1243] : memref<640x16xf32, #tpu.memory_space<vmem>> -> memref<40x16xf32, #tpu.memory_space<vmem>>
    %dma_wait3A_1245 = arith.constant 0 : i32
    %dma_wait3A_1246 = tpu.memref_slice %arg18[%mul3A_187, %dma_wait3A_1245] : memref<640x16xf32, #tpu.memory_space<vmem_shared>> -> memref<40x16xf32, #tpu.memory_space<vmem_shared>>
    %dma_wait3A_1247 = arith.constant 0 : i32
    %dma_wait3A_1248 = tpu.memref_slice %arg18[%mul3A_187, %dma_wait3A_1247] : memref<640x16xf32, #tpu.memory_space<vmem_shared>> -> memref<40x16xf32, #tpu.memory_space<vmem_shared>>
    %dma_wait3A_1249 = arith.constant 0 : i32
    %dma_wait3A_1250 = arith.constant 0 : i32
    %dma_wait3A_1251 = tpu.memref_slice %arg12[%dma_wait3A_1249, %dma_wait3A_1250] : memref<640x16xf32, #tpu.memory_space<vmem>> -> memref<40x16xf32, #tpu.memory_space<vmem>>
    tpu.wait_dma2 semaphore(%arg21 : memref<!tpu.dma_semaphore, #tpu.memory_space<semaphore_mem>>) src(%dma_wait3A_1251 : memref<40x16xf32, #tpu.memory_space<vmem>>) dst(%dma_wait3A_1248 : memref<40x16xf32, #tpu.memory_space<vmem_shared>>)
    %barrier3A = arith.constant 0 : index
    tpu.barrier barrier_id(%barrier3A)
    %dma_start3A_1252 = arith.constant 0 : i32
    %dma_start3A_1253 = arith.constant 0 : i32
    %dma_start3A_1254 = tpu.memref_slice %arg6[%dma_start3A_1252, %dma_start3A_1253] : memref<160x125xi32, #tpu.memory_space<vmem>> -> memref<1x125xi32, #tpu.memory_space<vmem>>
    %dma_start3A_1255 = tpu.memref_squeeze %dma_start3A_1254 : memref<1x125xi32, #tpu.memory_space<vmem>> -> memref<125xi32, #tpu.memory_space<vmem>>
    %dma_start3A_1256 = arith.constant 0 : i32
    %dma_start3A_1257 = arith.constant 0 : i32
    %dma_start3A_1258 = tpu.memref_slice %arg2[%dma_start3A_1256, %dma_start3A_1257] : memref<20000x64xf32, #tpu.memory_space<hbm>> -> memref<20000x64xf32, #tpu.memory_space<hbm>>
    tpu.enqueue_indirect_dma source(%dma_start3A_1258 : memref<20000x64xf32, #tpu.memory_space<hbm>>) target(%arg8 : memref<125x64xf32, #tpu.memory_space<vmem>>) offsets(%dma_start3A_1255 : memref<125xi32, #tpu.memory_space<vmem>>) semaphore(%arg19 : memref<!tpu.dma_semaphore, #tpu.memory_space<semaphore_mem>>)
    %dma_start3A_1259 = arith.constant 1 : i32
    %dma_start3A_1260 = arith.constant 0 : i32
    %dma_start3A_1261 = tpu.memref_slice %arg6[%dma_start3A_1259, %dma_start3A_1260] : memref<160x125xi32, #tpu.memory_space<vmem>> -> memref<1x125xi32, #tpu.memory_space<vmem>>
    %dma_start3A_1262 = tpu.memref_squeeze %dma_start3A_1261 : memref<1x125xi32, #tpu.memory_space<vmem>> -> memref<125xi32, #tpu.memory_space<vmem>>
    %dma_start3A_1263 = arith.constant 0 : i32
    %dma_start3A_1264 = arith.constant 0 : i32
    %dma_start3A_1265 = tpu.memref_slice %arg2[%dma_start3A_1263, %dma_start3A_1264] : memref<20000x64xf32, #tpu.memory_space<hbm>> -> memref<20000x64xf32, #tpu.memory_space<hbm>>
    tpu.enqueue_indirect_dma source(%dma_start3A_1265 : memref<20000x64xf32, #tpu.memory_space<hbm>>) target(%arg9 : memref<125x64xf32, #tpu.memory_space<vmem>>) offsets(%dma_start3A_1262 : memref<125xi32, #tpu.memory_space<vmem>>) semaphore(%arg19 : memref<!tpu.dma_semaphore, #tpu.memory_space<semaphore_mem>>)
    %scan3A_1266 = arith.constant 0 : i32
    %scan3A_1267 = arith.constant 0 : i32
    %scan3A_1268 = arith.constant 40 : i32
    %scan3A_1269 = arith.addi %scan3A_1267, %scan3A_1268 : i32
    %scan3A_1270 = arith.constant 1 : i32
    scf.for %scan3A_1387 = %scan3A_1267 to %scan3A_1269 step %scan3A_1270  : i32 {
      %mul3A_1388 = arith.constant 2 : i32
      %mul3A_1389 = arith.muli %mul3A_1388, %scan3A_1387 : i32
      %add3A_1390 = arith.constant 1 : i32
      %add3A_1391 = arith.addi %mul3A_1389, %add3A_1390 : i32
      %lt3A_1392 = arith.constant 80 : i32
      %lt3A_1393 = arith.cmpi slt, %add3A_1391, %lt3A_1392 : i32
      %convert_element_type3A_1394 = arith.extui %lt3A_1393 : i1 to i32
      %cond3A_1395 = arith.constant 0 : i32
      %cond3A_1396 = arith.cmpi ne, %convert_element_type3A_1394, %cond3A_1395 : i32
      scf.if %cond3A_1396 {
        %add3A_1814 = arith.constant 1 : i32
        %add3A_1815 = arith.addi %mul3A_1389, %add3A_1814 : i32
        %mul3A_1816 = arith.constant 2 : i32
        %mul3A_1817 = arith.muli %add3A_1815, %mul3A_1816 : i32
        %add3A_1818 = arith.constant 0 : i32
        %add3A_1819 = arith.addi %mul3A_1817, %add3A_1818 : i32
        %get3A_1820 = arith.index_cast %add3A_1819 : i32 to index
        %get3A_1821 = arith.constant 0 : index
        %get3A_1822 = tpu.vector_load %arg6[%get3A_1820, %get3A_1821] {strides = array<i32>} : memref<160x125xi32, #tpu.memory_space<vmem>>, vector<16xi32>,
        %get3A_1823 = arith.index_cast %add3A_1819 : i32 to index
        %get3A_1824 = arith.constant 16 : index
        %get3A_1825 = tpu.vector_load %arg6[%get3A_1823, %get3A_1824] {strides = array<i32>} : memref<160x125xi32, #tpu.memory_space<vmem>>, vector<16xi32>,
        %get3A_1826 = arith.index_cast %add3A_1819 : i32 to index
        %get3A_1827 = arith.constant 32 : index
        %get3A_1828 = tpu.vector_load %arg6[%get3A_1826, %get3A_1827] {strides = array<i32>} : memref<160x125xi32, #tpu.memory_space<vmem>>, vector<16xi32>,
        %get3A_1829 = arith.index_cast %add3A_1819 : i32 to index
        %get3A_1830 = arith.constant 48 : index
        %get3A_1831 = tpu.vector_load %arg6[%get3A_1829, %get3A_1830] {strides = array<i32>} : memref<160x125xi32, #tpu.memory_space<vmem>>, vector<16xi32>,
        %get3A_1832 = arith.index_cast %add3A_1819 : i32 to index
        %get3A_1833 = arith.constant 64 : index
        %get3A_1834 = tpu.vector_load %arg6[%get3A_1832, %get3A_1833] {strides = array<i32>} : memref<160x125xi32, #tpu.memory_space<vmem>>, vector<16xi32>,
        %get3A_1835 = arith.index_cast %add3A_1819 : i32 to index
        %get3A_1836 = arith.constant 80 : index
        %get3A_1837 = tpu.vector_load %arg6[%get3A_1835, %get3A_1836] {strides = array<i32>} : memref<160x125xi32, #tpu.memory_space<vmem>>, vector<16xi32>,
        %get3A_1838 = arith.index_cast %add3A_1819 : i32 to index
        %get3A_1839 = arith.constant 96 : index
        %get3A_1840 = tpu.vector_load %arg6[%get3A_1838, %get3A_1839] {strides = array<i32>} : memref<160x125xi32, #tpu.memory_space<vmem>>, vector<16xi32>,
        %get3A_1841 = arith.index_cast %add3A_1819 : i32 to index
        %get3A_1842 = arith.constant 109 : index
        %get3A_1843 = tpu.vector_load %arg6[%get3A_1841, %get3A_1842] {strides = array<i32>} : memref<160x125xi32, #tpu.memory_space<vmem>>, vector<16xi32>,
        %add3A_1844 = arith.addi %get3A_1822, %get3A_1822 : vector<16xi32>
        %add3A_1845 = arith.addi %add3A_1844, %broadcast_in_dim3A_5 : vector<16xi32>
        %swap3A_1846 = arith.index_cast %add3A_1819 : i32 to index
        %swap3A_1847 = arith.constant 0 : index
        %swap3A_1848 = tpu.vector_load %arg6[%swap3A_1846, %swap3A_1847] {strides = array<i32>} : memref<160x125xi32, #tpu.memory_space<vmem>>, vector<16xi32>,
        tpu.vector_store %arg6[%swap3A_1846, %swap3A_1847], %add3A_1845 {strides = array<i32>} : memref<160x125xi32, #tpu.memory_space<vmem>>, vector<16xi32>,
        %add3A_1849 = arith.addi %get3A_1825, %get3A_1825 : vector<16xi32>
        %add3A_1850 = arith.addi %add3A_1849, %broadcast_in_dim3A_5 : vector<16xi32>
        %swap3A_1851 = arith.index_cast %add3A_1819 : i32 to index
        %swap3A_1852 = arith.constant 16 : index
        %swap3A_1853 = tpu.vector_load %arg6[%swap3A_1851, %swap3A_1852] {strides = array<i32>} : memref<160x125xi32, #tpu.memory_space<vmem>>, vector<16xi32>,
        tpu.vector_store %arg6[%swap3A_1851, %swap3A_1852], %add3A_1850 {strides = array<i32>} : memref<160x125xi32, #tpu.memory_space<vmem>>, vector<16xi32>,
        %add3A_1854 = arith.addi %get3A_1828, %get3A_1828 : vector<16xi32>
        %add3A_1855 = arith.addi %add3A_1854, %broadcast_in_dim3A_5 : vector<16xi32>
        %swap3A_1856 = arith.index_cast %add3A_1819 : i32 to index
        %swap3A_1857 = arith.constant 32 : index
        %swap3A_1858 = tpu.vector_load %arg6[%swap3A_1856, %swap3A_1857] {strides = array<i32>} : memref<160x125xi32, #tpu.memory_space<vmem>>, vector<16xi32>,
        tpu.vector_store %arg6[%swap3A_1856, %swap3A_1857], %add3A_1855 {strides = array<i32>} : memref<160x125xi32, #tpu.memory_space<vmem>>, vector<16xi32>,
        %add3A_1859 = arith.addi %get3A_1831, %get3A_1831 : vector<16xi32>
        %add3A_1860 = arith.addi %add3A_1859, %broadcast_in_dim3A_5 : vector<16xi32>
        %swap3A_1861 = arith.index_cast %add3A_1819 : i32 to index
        %swap3A_1862 = arith.constant 48 : index
        %swap3A_1863 = tpu.vector_load %arg6[%swap3A_1861, %swap3A_1862] {strides = array<i32>} : memref<160x125xi32, #tpu.memory_space<vmem>>, vector<16xi32>,
        tpu.vector_store %arg6[%swap3A_1861, %swap3A_1862], %add3A_1860 {strides = array<i32>} : memref<160x125xi32, #tpu.memory_space<vmem>>, vector<16xi32>,
        %add3A_1864 = arith.addi %get3A_1834, %get3A_1834 : vector<16xi32>
        %add3A_1865 = arith.addi %add3A_1864, %broadcast_in_dim3A_5 : vector<16xi32>
        %swap3A_1866 = arith.index_cast %add3A_1819 : i32 to index
        %swap3A_1867 = arith.constant 64 : index
        %swap3A_1868 = tpu.vector_load %arg6[%swap3A_1866, %swap3A_1867] {strides = array<i32>} : memref<160x125xi32, #tpu.memory_space<vmem>>, vector<16xi32>,
        tpu.vector_store %arg6[%swap3A_1866, %swap3A_1867], %add3A_1865 {strides = array<i32>} : memref<160x125xi32, #tpu.memory_space<vmem>>, vector<16xi32>,
        %add3A_1869 = arith.addi %get3A_1837, %get3A_1837 : vector<16xi32>
        %add3A_1870 = arith.addi %add3A_1869, %broadcast_in_dim3A_5 : vector<16xi32>
        %swap3A_1871 = arith.index_cast %add3A_1819 : i32 to index
        %swap3A_1872 = arith.constant 80 : index
        %swap3A_1873 = tpu.vector_load %arg6[%swap3A_1871, %swap3A_1872] {strides = array<i32>} : memref<160x125xi32, #tpu.memory_space<vmem>>, vector<16xi32>,
        tpu.vector_store %arg6[%swap3A_1871, %swap3A_1872], %add3A_1870 {strides = array<i32>} : memref<160x125xi32, #tpu.memory_space<vmem>>, vector<16xi32>,
        %add3A_1874 = arith.addi %get3A_1840, %get3A_1840 : vector<16xi32>
        %add3A_1875 = arith.addi %add3A_1874, %broadcast_in_dim3A_5 : vector<16xi32>
        %swap3A_1876 = arith.index_cast %add3A_1819 : i32 to index
        %swap3A_1877 = arith.constant 96 : index
        %swap3A_1878 = tpu.vector_load %arg6[%swap3A_1876, %swap3A_1877] {strides = array<i32>} : memref<160x125xi32, #tpu.memory_space<vmem>>, vector<16xi32>,
        tpu.vector_store %arg6[%swap3A_1876, %swap3A_1877], %add3A_1875 {strides = array<i32>} : memref<160x125xi32, #tpu.memory_space<vmem>>, vector<16xi32>,
        %add3A_1879 = arith.addi %get3A_1843, %get3A_1843 : vector<16xi32>
        %add3A_1880 = arith.addi %add3A_1879, %broadcast_in_dim3A_5 : vector<16xi32>
        %swap3A_1881 = arith.index_cast %add3A_1819 : i32 to index
        %swap3A_1882 = arith.constant 109 : index
        %swap3A_1883 = tpu.vector_load %arg6[%swap3A_1881, %swap3A_1882] {strides = array<i32>} : memref<160x125xi32, #tpu.memory_space<vmem>>, vector<16xi32>,
        tpu.vector_store %arg6[%swap3A_1881, %swap3A_1882], %add3A_1880 {strides = array<i32>} : memref<160x125xi32, #tpu.memory_space<vmem>>, vector<16xi32>,
        %add3A_1884 = arith.constant 1 : i32
        %add3A_1885 = arith.addi %mul3A_1389, %add3A_1884 : i32
        %mul3A_1886 = arith.constant 2 : i32
        %mul3A_1887 = arith.muli %add3A_1885, %mul3A_1886 : i32
        %add3A_1888 = arith.constant 0 : i32
        %add3A_1889 = arith.addi %mul3A_1887, %add3A_1888 : i32
        %dma_start3A_1890 = arith.constant 0 : i32
        %dma_start3A_1891 = tpu.memref_slice %arg6[%add3A_1889, %dma_start3A_1890] : memref<160x125xi32, #tpu.memory_space<vmem>> -> memref<1x125xi32, #tpu.memory_space<vmem>>
        %dma_start3A_1892 = tpu.memref_squeeze %dma_start3A_1891 : memref<1x125xi32, #tpu.memory_space<vmem>> -> memref<125xi32, #tpu.memory_space<vmem>>
        %dma_start3A_1893 = arith.constant 0 : i32
        %dma_start3A_1894 = arith.constant 0 : i32
        %dma_start3A_1895 = tpu.memref_slice %arg2[%dma_start3A_1893, %dma_start3A_1894] : memref<20000x64xf32, #tpu.memory_space<hbm>> -> memref<20000x64xf32, #tpu.memory_space<hbm>>
        tpu.enqueue_indirect_dma source(%dma_start3A_1895 : memref<20000x64xf32, #tpu.memory_space<hbm>>) target(%arg10 : memref<125x64xf32, #tpu.memory_space<vmem>>) offsets(%dma_start3A_1892 : memref<125xi32, #tpu.memory_space<vmem>>) semaphore(%arg20 : memref<!tpu.dma_semaphore, #tpu.memory_space<semaphore_mem>>)
        %add3A_1896 = arith.constant 1 : i32
        %add3A_1897 = arith.addi %mul3A_1389, %add3A_1896 : i32
        %mul3A_1898 = arith.constant 2 : i32
        %mul3A_1899 = arith.muli %add3A_1897, %mul3A_1898 : i32
        %add3A_1900 = arith.constant 1 : i32
        %add3A_1901 = arith.addi %mul3A_1899, %add3A_1900 : i32
        %get3A_1902 = arith.index_cast %add3A_1901 : i32 to index
        %get3A_1903 = arith.constant 0 : index
        %get3A_1904 = tpu.vector_load %arg6[%get3A_1902, %get3A_1903] {strides = array<i32>} : memref<160x125xi32, #tpu.memory_space<vmem>>, vector<16xi32>,
        %get3A_1905 = arith.index_cast %add3A_1901 : i32 to index
        %get3A_1906 = arith.constant 16 : index
        %get3A_1907 = tpu.vector_load %arg6[%get3A_1905, %get3A_1906] {strides = array<i32>} : memref<160x125xi32, #tpu.memory_space<vmem>>, vector<16xi32>,
        %get3A_1908 = arith.index_cast %add3A_1901 : i32 to index
        %get3A_1909 = arith.constant 32 : index
        %get3A_1910 = tpu.vector_load %arg6[%get3A_1908, %get3A_1909] {strides = array<i32>} : memref<160x125xi32, #tpu.memory_space<vmem>>, vector<16xi32>,
        %get3A_1911 = arith.index_cast %add3A_1901 : i32 to index
        %get3A_1912 = arith.constant 48 : index
        %get3A_1913 = tpu.vector_load %arg6[%get3A_1911, %get3A_1912] {strides = array<i32>} : memref<160x125xi32, #tpu.memory_space<vmem>>, vector<16xi32>,
        %get3A_1914 = arith.index_cast %add3A_1901 : i32 to index
        %get3A_1915 = arith.constant 64 : index
        %get3A_1916 = tpu.vector_load %arg6[%get3A_1914, %get3A_1915] {strides = array<i32>} : memref<160x125xi32, #tpu.memory_space<vmem>>, vector<16xi32>,
        %get3A_1917 = arith.index_cast %add3A_1901 : i32 to index
        %get3A_1918 = arith.constant 80 : index
        %get3A_1919 = tpu.vector_load %arg6[%get3A_1917, %get3A_1918] {strides = array<i32>} : memref<160x125xi32, #tpu.memory_space<vmem>>, vector<16xi32>,
        %get3A_1920 = arith.index_cast %add3A_1901 : i32 to index
        %get3A_1921 = arith.constant 96 : index
        %get3A_1922 = tpu.vector_load %arg6[%get3A_1920, %get3A_1921] {strides = array<i32>} : memref<160x125xi32, #tpu.memory_space<vmem>>, vector<16xi32>,
        %get3A_1923 = arith.index_cast %add3A_1901 : i32 to index
        %get3A_1924 = arith.constant 109 : index
        %get3A_1925 = tpu.vector_load %arg6[%get3A_1923, %get3A_1924] {strides = array<i32>} : memref<160x125xi32, #tpu.memory_space<vmem>>, vector<16xi32>,
        %add3A_1926 = arith.addi %get3A_1904, %get3A_1904 : vector<16xi32>
        %add3A_1927 = arith.addi %add3A_1926, %broadcast_in_dim3A_5 : vector<16xi32>
        %swap3A_1928 = arith.index_cast %add3A_1901 : i32 to index
        %swap3A_1929 = arith.constant 0 : index
        %swap3A_1930 = tpu.vector_load %arg6[%swap3A_1928, %swap3A_1929] {strides = array<i32>} : memref<160x125xi32, #tpu.memory_space<vmem>>, vector<16xi32>,
        tpu.vector_store %arg6[%swap3A_1928, %swap3A_1929], %add3A_1927 {strides = array<i32>} : memref<160x125xi32, #tpu.memory_space<vmem>>, vector<16xi32>,
        %add3A_1931 = arith.addi %get3A_1907, %get3A_1907 : vector<16xi32>
        %add3A_1932 = arith.addi %add3A_1931, %broadcast_in_dim3A_5 : vector<16xi32>
        %swap3A_1933 = arith.index_cast %add3A_1901 : i32 to index
        %swap3A_1934 = arith.constant 16 : index
        %swap3A_1935 = tpu.vector_load %arg6[%swap3A_1933, %swap3A_1934] {strides = array<i32>} : memref<160x125xi32, #tpu.memory_space<vmem>>, vector<16xi32>,
        tpu.vector_store %arg6[%swap3A_1933, %swap3A_1934], %add3A_1932 {strides = array<i32>} : memref<160x125xi32, #tpu.memory_space<vmem>>, vector<16xi32>,
        %add3A_1936 = arith.addi %get3A_1910, %get3A_1910 : vector<16xi32>
        %add3A_1937 = arith.addi %add3A_1936, %broadcast_in_dim3A_5 : vector<16xi32>
        %swap3A_1938 = arith.index_cast %add3A_1901 : i32 to index
        %swap3A_1939 = arith.constant 32 : index
        %swap3A_1940 = tpu.vector_load %arg6[%swap3A_1938, %swap3A_1939] {strides = array<i32>} : memref<160x125xi32, #tpu.memory_space<vmem>>, vector<16xi32>,
        tpu.vector_store %arg6[%swap3A_1938, %swap3A_1939], %add3A_1937 {strides = array<i32>} : memref<160x125xi32, #tpu.memory_space<vmem>>, vector<16xi32>,
        %add3A_1941 = arith.addi %get3A_1913, %get3A_1913 : vector<16xi32>
        %add3A_1942 = arith.addi %add3A_1941, %broadcast_in_dim3A_5 : vector<16xi32>
        %swap3A_1943 = arith.index_cast %add3A_1901 : i32 to index
        %swap3A_1944 = arith.constant 48 : index
        %swap3A_1945 = tpu.vector_load %arg6[%swap3A_1943, %swap3A_1944] {strides = array<i32>} : memref<160x125xi32, #tpu.memory_space<vmem>>, vector<16xi32>,
        tpu.vector_store %arg6[%swap3A_1943, %swap3A_1944], %add3A_1942 {strides = array<i32>} : memref<160x125xi32, #tpu.memory_space<vmem>>, vector<16xi32>,
        %add3A_1946 = arith.addi %get3A_1916, %get3A_1916 : vector<16xi32>
        %add3A_1947 = arith.addi %add3A_1946, %broadcast_in_dim3A_5 : vector<16xi32>
        %swap3A_1948 = arith.index_cast %add3A_1901 : i32 to index
        %swap3A_1949 = arith.constant 64 : index
        %swap3A_1950 = tpu.vector_load %arg6[%swap3A_1948, %swap3A_1949] {strides = array<i32>} : memref<160x125xi32, #tpu.memory_space<vmem>>, vector<16xi32>,
        tpu.vector_store %arg6[%swap3A_1948, %swap3A_1949], %add3A_1947 {strides = array<i32>} : memref<160x125xi32, #tpu.memory_space<vmem>>, vector<16xi32>,
        %add3A_1951 = arith.addi %get3A_1919, %get3A_1919 : vector<16xi32>
        %add3A_1952 = arith.addi %add3A_1951, %broadcast_in_dim3A_5 : vector<16xi32>
        %swap3A_1953 = arith.index_cast %add3A_1901 : i32 to index
        %swap3A_1954 = arith.constant 80 : index
        %swap3A_1955 = tpu.vector_load %arg6[%swap3A_1953, %swap3A_1954] {strides = array<i32>} : memref<160x125xi32, #tpu.memory_space<vmem>>, vector<16xi32>,
        tpu.vector_store %arg6[%swap3A_1953, %swap3A_1954], %add3A_1952 {strides = array<i32>} : memref<160x125xi32, #tpu.memory_space<vmem>>, vector<16xi32>,
        %add3A_1956 = arith.addi %get3A_1922, %get3A_1922 : vector<16xi32>
        %add3A_1957 = arith.addi %add3A_1956, %broadcast_in_dim3A_5 : vector<16xi32>
        %swap3A_1958 = arith.index_cast %add3A_1901 : i32 to index
        %swap3A_1959 = arith.constant 96 : index
        %swap3A_1960 = tpu.vector_load %arg6[%swap3A_1958, %swap3A_1959] {strides = array<i32>} : memref<160x125xi32, #tpu.memory_space<vmem>>, vector<16xi32>,
        tpu.vector_store %arg6[%swap3A_1958, %swap3A_1959], %add3A_1957 {strides = array<i32>} : memref<160x125xi32, #tpu.memory_space<vmem>>, vector<16xi32>,
        %add3A_1961 = arith.addi %get3A_1925, %get3A_1925 : vector<16xi32>
        %add3A_1962 = arith.addi %add3A_1961, %broadcast_in_dim3A_5 : vector<16xi32>
        %swap3A_1963 = arith.index_cast %add3A_1901 : i32 to index
        %swap3A_1964 = arith.constant 109 : index
        %swap3A_1965 = tpu.vector_load %arg6[%swap3A_1963, %swap3A_1964] {strides = array<i32>} : memref<160x125xi32, #tpu.memory_space<vmem>>, vector<16xi32>,
        tpu.vector_store %arg6[%swap3A_1963, %swap3A_1964], %add3A_1962 {strides = array<i32>} : memref<160x125xi32, #tpu.memory_space<vmem>>, vector<16xi32>,
        %add3A_1966 = arith.constant 1 : i32
        %add3A_1967 = arith.addi %mul3A_1389, %add3A_1966 : i32
        %mul3A_1968 = arith.constant 2 : i32
        %mul3A_1969 = arith.muli %add3A_1967, %mul3A_1968 : i32
        %add3A_1970 = arith.constant 1 : i32
        %add3A_1971 = arith.addi %mul3A_1969, %add3A_1970 : i32
        %dma_start3A_1972 = arith.constant 0 : i32
        %dma_start3A_1973 = tpu.memref_slice %arg6[%add3A_1971, %dma_start3A_1972] : memref<160x125xi32, #tpu.memory_space<vmem>> -> memref<1x125xi32, #tpu.memory_space<vmem>>
        %dma_start3A_1974 = tpu.memref_squeeze %dma_start3A_1973 : memref<1x125xi32, #tpu.memory_space<vmem>> -> memref<125xi32, #tpu.memory_space<vmem>>
        %dma_start3A_1975 = arith.constant 0 : i32
        %dma_start3A_1976 = arith.constant 0 : i32
        %dma_start3A_1977 = tpu.memref_slice %arg2[%dma_start3A_1975, %dma_start3A_1976] : memref<20000x64xf32, #tpu.memory_space<hbm>> -> memref<20000x64xf32, #tpu.memory_space<hbm>>
        tpu.enqueue_indirect_dma source(%dma_start3A_1977 : memref<20000x64xf32, #tpu.memory_space<hbm>>) target(%arg11 : memref<125x64xf32, #tpu.memory_space<vmem>>) offsets(%dma_start3A_1974 : memref<125xi32, #tpu.memory_space<vmem>>) semaphore(%arg20 : memref<!tpu.dma_semaphore, #tpu.memory_space<semaphore_mem>>)
      } else {
      }
      %mul3A_1397 = arith.constant 2 : i32
      %mul3A_1398 = arith.muli %mul3A_1389, %mul3A_1397 : i32
      %add3A_1399 = arith.constant 0 : i32
      %add3A_1400 = arith.addi %mul3A_1398, %add3A_1399 : i32
      %dma_wait3A_1401 = arith.constant 0 : i32
      %dma_wait3A_1402 = tpu.memref_slice %arg6[%add3A_1400, %dma_wait3A_1401] : memref<160x125xi32, #tpu.memory_space<vmem>> -> memref<1x125xi32, #tpu.memory_space<vmem>>
      %dma_wait3A_1403 = tpu.memref_squeeze %dma_wait3A_1402 : memref<1x125xi32, #tpu.memory_space<vmem>> -> memref<125xi32, #tpu.memory_space<vmem>>
      %dma_wait3A_1404 = arith.constant 0 : i32
      %dma_wait3A_1405 = arith.constant 0 : i32
      %dma_wait3A_1406 = tpu.memref_slice %arg2[%dma_wait3A_1404, %dma_wait3A_1405] : memref<20000x64xf32, #tpu.memory_space<hbm>> -> memref<20000x64xf32, #tpu.memory_space<hbm>>
      tpu.wait_indirect_dma semaphore(%arg19 : memref<!tpu.dma_semaphore, #tpu.memory_space<semaphore_mem>>) src(%dma_wait3A_1406 : memref<20000x64xf32, #tpu.memory_space<hbm>>) dst(%arg8 : memref<125x64xf32, #tpu.memory_space<vmem>>)
      %mul3A_1407 = arith.constant 2 : i32
      %mul3A_1408 = arith.muli %mul3A_1389, %mul3A_1407 : i32
      %add3A_1409 = arith.constant 1 : i32
      %add3A_1410 = arith.addi %mul3A_1408, %add3A_1409 : i32
      %dma_wait3A_1411 = arith.constant 0 : i32
      %dma_wait3A_1412 = tpu.memref_slice %arg6[%add3A_1410, %dma_wait3A_1411] : memref<160x125xi32, #tpu.memory_space<vmem>> -> memref<1x125xi32, #tpu.memory_space<vmem>>
      %dma_wait3A_1413 = tpu.memref_squeeze %dma_wait3A_1412 : memref<1x125xi32, #tpu.memory_space<vmem>> -> memref<125xi32, #tpu.memory_space<vmem>>
      %dma_wait3A_1414 = arith.constant 0 : i32
      %dma_wait3A_1415 = arith.constant 0 : i32
      %dma_wait3A_1416 = tpu.memref_slice %arg2[%dma_wait3A_1414, %dma_wait3A_1415] : memref<20000x64xf32, #tpu.memory_space<hbm>> -> memref<20000x64xf32, #tpu.memory_space<hbm>>
      tpu.wait_indirect_dma semaphore(%arg19 : memref<!tpu.dma_semaphore, #tpu.memory_space<semaphore_mem>>) src(%dma_wait3A_1416 : memref<20000x64xf32, #tpu.memory_space<hbm>>) dst(%arg9 : memref<125x64xf32, #tpu.memory_space<vmem>>)
      %mul3A_1417 = arith.constant 2 : i32
      %mul3A_1418 = arith.muli %mul3A_1389, %mul3A_1417 : i32
      %add3A_1419 = arith.constant 0 : i32
      %add3A_1420 = arith.addi %mul3A_1418, %add3A_1419 : i32
      %dma_start3A_1421 = arith.constant 0 : i32
      %dma_start3A_1422 = tpu.memref_slice %arg7[%add3A_1420, %dma_start3A_1421] : memref<160x125xi32, #tpu.memory_space<vmem>> -> memref<1x125xi32, #tpu.memory_space<vmem>>
      %dma_start3A_1423 = tpu.memref_squeeze %dma_start3A_1422 : memref<1x125xi32, #tpu.memory_space<vmem>> -> memref<125xi32, #tpu.memory_space<vmem>>
      %dma_start3A_1424 = arith.constant 0 : i32
      %dma_start3A_1425 = arith.constant 0 : i32
      %dma_start3A_1426 = tpu.memref_slice %arg17[%dma_start3A_1424, %dma_start3A_1425] : memref<10240x64xf32, #tpu.memory_space<vmem_shared>> -> memref<10240x64xf32, #tpu.memory_space<vmem_shared>>
      tpu.enqueue_indirect_dma source(%arg8 : memref<125x64xf32, #tpu.memory_space<vmem>>) target(%dma_start3A_1426 : memref<10240x64xf32, #tpu.memory_space<vmem_shared>>) offsets(%dma_start3A_1423 : memref<125xi32, #tpu.memory_space<vmem>>) semaphore(%arg21 : memref<!tpu.dma_semaphore, #tpu.memory_space<semaphore_mem>>) {add = true}
      %mul3A_1427 = arith.constant 2 : i32
      %mul3A_1428 = arith.muli %mul3A_1389, %mul3A_1427 : i32
      %add3A_1429 = arith.constant 1 : i32
      %add3A_1430 = arith.addi %mul3A_1428, %add3A_1429 : i32
      %dma_start3A_1431 = arith.constant 0 : i32
      %dma_start3A_1432 = tpu.memref_slice %arg7[%add3A_1430, %dma_start3A_1431] : memref<160x125xi32, #tpu.memory_space<vmem>> -> memref<1x125xi32, #tpu.memory_space<vmem>>
      %dma_start3A_1433 = tpu.memref_squeeze %dma_start3A_1432 : memref<1x125xi32, #tpu.memory_space<vmem>> -> memref<125xi32, #tpu.memory_space<vmem>>
      %dma_start3A_1434 = arith.constant 0 : i32
      %dma_start3A_1435 = arith.constant 0 : i32
      %dma_start3A_1436 = tpu.memref_slice %arg17[%dma_start3A_1434, %dma_start3A_1435] : memref<10240x64xf32, #tpu.memory_space<vmem_shared>> -> memref<10240x64xf32, #tpu.memory_space<vmem_shared>>
      tpu.enqueue_indirect_dma source(%arg9 : memref<125x64xf32, #tpu.memory_space<vmem>>) target(%dma_start3A_1436 : memref<10240x64xf32, #tpu.memory_space<vmem_shared>>) offsets(%dma_start3A_1433 : memref<125xi32, #tpu.memory_space<vmem>>) semaphore(%arg21 : memref<!tpu.dma_semaphore, #tpu.memory_space<semaphore_mem>>) {add = true}
      %mul3A_1437 = arith.constant 2 : i32
      %mul3A_1438 = arith.muli %mul3A_1389, %mul3A_1437 : i32
      %add3A_1439 = arith.constant 0 : i32
      %add3A_1440 = arith.addi %mul3A_1438, %add3A_1439 : i32
      %get3A_1441 = arith.index_cast %add3A_1440 : i32 to index
      %get3A_1442 = arith.constant 0 : index
      %get3A_1443 = tpu.vector_load %arg7[%get3A_1441, %get3A_1442] {strides = array<i32>} : memref<160x125xi32, #tpu.memory_space<vmem>>, vector<16xi32>,
      %shift_right_logical3A = arith.constant 4 : i32
      %shift_right_logical3A_1444 = vector.broadcast %shift_right_logical3A : i32 to vector<16xi32>
      %shift_right_logical3A_1445 = arith.shrui %get3A_1443, %shift_right_logical3A_1444 : vector<16xi32>
      %and3A = arith.constant 15 : i32
      %and3A_1446 = vector.broadcast %and3A : i32 to vector<16xi32>
      %and3A_1447 = arith.andi %get3A_1443, %and3A_1446 : vector<16xi32>
      tpu.vector_store_idx %arg12[%shift_right_logical3A_1445, %and3A_1447], %broadcast_in_dim3A_2 {add = true} : memref<640x16xf32, #tpu.memory_space<vmem>>[vector<16xi32>, vector<16xi32>], vector<16xf32>,
      %get3A_1448 = arith.index_cast %add3A_1440 : i32 to index
      %get3A_1449 = arith.constant 16 : index
      %get3A_1450 = tpu.vector_load %arg7[%get3A_1448, %get3A_1449] {strides = array<i32>} : memref<160x125xi32, #tpu.memory_space<vmem>>, vector<16xi32>,
      %shift_right_logical3A_1451 = arith.constant 4 : i32
      %shift_right_logical3A_1452 = vector.broadcast %shift_right_logical3A_1451 : i32 to vector<16xi32>
      %shift_right_logical3A_1453 = arith.shrui %get3A_1450, %shift_right_logical3A_1452 : vector<16xi32>
      %and3A_1454 = arith.constant 15 : i32
      %and3A_1455 = vector.broadcast %and3A_1454 : i32 to vector<16xi32>
      %and3A_1456 = arith.andi %get3A_1450, %and3A_1455 : vector<16xi32>
      tpu.vector_store_idx %arg12[%shift_right_logical3A_1453, %and3A_1456], %broadcast_in_dim3A_2 {add = true} : memref<640x16xf32, #tpu.memory_space<vmem>>[vector<16xi32>, vector<16xi32>], vector<16xf32>,
      %get3A_1457 = arith.index_cast %add3A_1440 : i32 to index
      %get3A_1458 = arith.constant 32 : index
      %get3A_1459 = tpu.vector_load %arg7[%get3A_1457, %get3A_1458] {strides = array<i32>} : memref<160x125xi32, #tpu.memory_space<vmem>>, vector<16xi32>,
      %shift_right_logical3A_1460 = arith.constant 4 : i32
      %shift_right_logical3A_1461 = vector.broadcast %shift_right_logical3A_1460 : i32 to vector<16xi32>
      %shift_right_logical3A_1462 = arith.shrui %get3A_1459, %shift_right_logical3A_1461 : vector<16xi32>
      %and3A_1463 = arith.constant 15 : i32
      %and3A_1464 = vector.broadcast %and3A_1463 : i32 to vector<16xi32>
      %and3A_1465 = arith.andi %get3A_1459, %and3A_1464 : vector<16xi32>
      tpu.vector_store_idx %arg12[%shift_right_logical3A_1462, %and3A_1465], %broadcast_in_dim3A_2 {add = true} : memref<640x16xf32, #tpu.memory_space<vmem>>[vector<16xi32>, vector<16xi32>], vector<16xf32>,
      %get3A_1466 = arith.index_cast %add3A_1440 : i32 to index
      %get3A_1467 = arith.constant 48 : index
      %get3A_1468 = tpu.vector_load %arg7[%get3A_1466, %get3A_1467] {strides = array<i32>} : memref<160x125xi32, #tpu.memory_space<vmem>>, vector<16xi32>,
      %shift_right_logical3A_1469 = arith.constant 4 : i32
      %shift_right_logical3A_1470 = vector.broadcast %shift_right_logical3A_1469 : i32 to vector<16xi32>
      %shift_right_logical3A_1471 = arith.shrui %get3A_1468, %shift_right_logical3A_1470 : vector<16xi32>
      %and3A_1472 = arith.constant 15 : i32
      %and3A_1473 = vector.broadcast %and3A_1472 : i32 to vector<16xi32>
      %and3A_1474 = arith.andi %get3A_1468, %and3A_1473 : vector<16xi32>
      tpu.vector_store_idx %arg12[%shift_right_logical3A_1471, %and3A_1474], %broadcast_in_dim3A_2 {add = true} : memref<640x16xf32, #tpu.memory_space<vmem>>[vector<16xi32>, vector<16xi32>], vector<16xf32>,
      %get3A_1475 = arith.index_cast %add3A_1440 : i32 to index
      %get3A_1476 = arith.constant 64 : index
      %get3A_1477 = tpu.vector_load %arg7[%get3A_1475, %get3A_1476] {strides = array<i32>} : memref<160x125xi32, #tpu.memory_space<vmem>>, vector<16xi32>,
      %shift_right_logical3A_1478 = arith.constant 4 : i32
      %shift_right_logical3A_1479 = vector.broadcast %shift_right_logical3A_1478 : i32 to vector<16xi32>
      %shift_right_logical3A_1480 = arith.shrui %get3A_1477, %shift_right_logical3A_1479 : vector<16xi32>
      %and3A_1481 = arith.constant 15 : i32
      %and3A_1482 = vector.broadcast %and3A_1481 : i32 to vector<16xi32>
      %and3A_1483 = arith.andi %get3A_1477, %and3A_1482 : vector<16xi32>
      tpu.vector_store_idx %arg12[%shift_right_logical3A_1480, %and3A_1483], %broadcast_in_dim3A_2 {add = true} : memref<640x16xf32, #tpu.memory_space<vmem>>[vector<16xi32>, vector<16xi32>], vector<16xf32>,
      %get3A_1484 = arith.index_cast %add3A_1440 : i32 to index
      %get3A_1485 = arith.constant 80 : index
      %get3A_1486 = tpu.vector_load %arg7[%get3A_1484, %get3A_1485] {strides = array<i32>} : memref<160x125xi32, #tpu.memory_space<vmem>>, vector<16xi32>,
      %shift_right_logical3A_1487 = arith.constant 4 : i32
      %shift_right_logical3A_1488 = vector.broadcast %shift_right_logical3A_1487 : i32 to vector<16xi32>
      %shift_right_logical3A_1489 = arith.shrui %get3A_1486, %shift_right_logical3A_1488 : vector<16xi32>
      %and3A_1490 = arith.constant 15 : i32
      %and3A_1491 = vector.broadcast %and3A_1490 : i32 to vector<16xi32>
      %and3A_1492 = arith.andi %get3A_1486, %and3A_1491 : vector<16xi32>
      tpu.vector_store_idx %arg12[%shift_right_logical3A_1489, %and3A_1492], %broadcast_in_dim3A_2 {add = true} : memref<640x16xf32, #tpu.memory_space<vmem>>[vector<16xi32>, vector<16xi32>], vector<16xf32>,
      %get3A_1493 = arith.index_cast %add3A_1440 : i32 to index
      %get3A_1494 = arith.constant 96 : index
      %get3A_1495 = tpu.vector_load %arg7[%get3A_1493, %get3A_1494] {strides = array<i32>} : memref<160x125xi32, #tpu.memory_space<vmem>>, vector<16xi32>,
      %shift_right_logical3A_1496 = arith.constant 4 : i32
      %shift_right_logical3A_1497 = vector.broadcast %shift_right_logical3A_1496 : i32 to vector<16xi32>
      %shift_right_logical3A_1498 = arith.shrui %get3A_1495, %shift_right_logical3A_1497 : vector<16xi32>
      %and3A_1499 = arith.constant 15 : i32
      %and3A_1500 = vector.broadcast %and3A_1499 : i32 to vector<16xi32>
      %and3A_1501 = arith.andi %get3A_1495, %and3A_1500 : vector<16xi32>
      tpu.vector_store_idx %arg12[%shift_right_logical3A_1498, %and3A_1501], %broadcast_in_dim3A_2 {add = true} : memref<640x16xf32, #tpu.memory_space<vmem>>[vector<16xi32>, vector<16xi32>], vector<16xf32>,
      %get3A_1502 = arith.index_cast %add3A_1440 : i32 to index
      %get3A_1503 = arith.constant 109 : index
      %get3A_1504 = tpu.vector_load %arg7[%get3A_1502, %get3A_1503] {strides = array<i32>} : memref<160x125xi32, #tpu.memory_space<vmem>>, vector<16xi32>,
      %shift_right_logical3A_1505 = arith.constant 4 : i32
      %shift_right_logical3A_1506 = vector.broadcast %shift_right_logical3A_1505 : i32 to vector<16xi32>
      %shift_right_logical3A_1507 = arith.shrui %get3A_1504, %shift_right_logical3A_1506 : vector<16xi32>
      %and3A_1508 = arith.constant 15 : i32
      %and3A_1509 = vector.broadcast %and3A_1508 : i32 to vector<16xi32>
      %and3A_1510 = arith.andi %get3A_1504, %and3A_1509 : vector<16xi32>
      tpu.vector_store_idx %arg12[%shift_right_logical3A_1507, %and3A_1510], %broadcast_in_dim3A_2 masked %ge3A_4 {add = true} : memref<640x16xf32, #tpu.memory_space<vmem>>[vector<16xi32>, vector<16xi32>], vector<16xf32>, vector<16xi1>
      %mul3A_1511 = arith.constant 2 : i32
      %mul3A_1512 = arith.muli %mul3A_1389, %mul3A_1511 : i32
      %add3A_1513 = arith.constant 1 : i32
      %add3A_1514 = arith.addi %mul3A_1512, %add3A_1513 : i32
      %get3A_1515 = arith.index_cast %add3A_1514 : i32 to index
      %get3A_1516 = arith.constant 0 : index
      %get3A_1517 = tpu.vector_load %arg7[%get3A_1515, %get3A_1516] {strides = array<i32>} : memref<160x125xi32, #tpu.memory_space<vmem>>, vector<16xi32>,
      %shift_right_logical3A_1518 = arith.constant 4 : i32
      %shift_right_logical3A_1519 = vector.broadcast %shift_right_logical3A_1518 : i32 to vector<16xi32>
      %shift_right_logical3A_1520 = arith.shrui %get3A_1517, %shift_right_logical3A_1519 : vector<16xi32>
      %and3A_1521 = arith.constant 15 : i32
      %and3A_1522 = vector.broadcast %and3A_1521 : i32 to vector<16xi32>
      %and3A_1523 = arith.andi %get3A_1517, %and3A_1522 : vector<16xi32>
      tpu.vector_store_idx %arg12[%shift_right_logical3A_1520, %and3A_1523], %broadcast_in_dim3A_2 {add = true} : memref<640x16xf32, #tpu.memory_space<vmem>>[vector<16xi32>, vector<16xi32>], vector<16xf32>,
      %get3A_1524 = arith.index_cast %add3A_1514 : i32 to index
      %get3A_1525 = arith.constant 16 : index
      %get3A_1526 = tpu.vector_load %arg7[%get3A_1524, %get3A_1525] {strides = array<i32>} : memref<160x125xi32, #tpu.memory_space<vmem>>, vector<16xi32>,
      %shift_right_logical3A_1527 = arith.constant 4 : i32
      %shift_right_logical3A_1528 = vector.broadcast %shift_right_logical3A_1527 : i32 to vector<16xi32>
      %shift_right_logical3A_1529 = arith.shrui %get3A_1526, %shift_right_logical3A_1528 : vector<16xi32>
      %and3A_1530 = arith.constant 15 : i32
      %and3A_1531 = vector.broadcast %and3A_1530 : i32 to vector<16xi32>
      %and3A_1532 = arith.andi %get3A_1526, %and3A_1531 : vector<16xi32>
      tpu.vector_store_idx %arg12[%shift_right_logical3A_1529, %and3A_1532], %broadcast_in_dim3A_2 {add = true} : memref<640x16xf32, #tpu.memory_space<vmem>>[vector<16xi32>, vector<16xi32>], vector<16xf32>,
      %get3A_1533 = arith.index_cast %add3A_1514 : i32 to index
      %get3A_1534 = arith.constant 32 : index
      %get3A_1535 = tpu.vector_load %arg7[%get3A_1533, %get3A_1534] {strides = array<i32>} : memref<160x125xi32, #tpu.memory_space<vmem>>, vector<16xi32>,
      %shift_right_logical3A_1536 = arith.constant 4 : i32
      %shift_right_logical3A_1537 = vector.broadcast %shift_right_logical3A_1536 : i32 to vector<16xi32>
      %shift_right_logical3A_1538 = arith.shrui %get3A_1535, %shift_right_logical3A_1537 : vector<16xi32>
      %and3A_1539 = arith.constant 15 : i32
      %and3A_1540 = vector.broadcast %and3A_1539 : i32 to vector<16xi32>
      %and3A_1541 = arith.andi %get3A_1535, %and3A_1540 : vector<16xi32>
      tpu.vector_store_idx %arg12[%shift_right_logical3A_1538, %and3A_1541], %broadcast_in_dim3A_2 {add = true} : memref<640x16xf32, #tpu.memory_space<vmem>>[vector<16xi32>, vector<16xi32>], vector<16xf32>,
      %get3A_1542 = arith.index_cast %add3A_1514 : i32 to index
      %get3A_1543 = arith.constant 48 : index
      %get3A_1544 = tpu.vector_load %arg7[%get3A_1542, %get3A_1543] {strides = array<i32>} : memref<160x125xi32, #tpu.memory_space<vmem>>, vector<16xi32>,
      %shift_right_logical3A_1545 = arith.constant 4 : i32
      %shift_right_logical3A_1546 = vector.broadcast %shift_right_logical3A_1545 : i32 to vector<16xi32>
      %shift_right_logical3A_1547 = arith.shrui %get3A_1544, %shift_right_logical3A_1546 : vector<16xi32>
      %and3A_1548 = arith.constant 15 : i32
      %and3A_1549 = vector.broadcast %and3A_1548 : i32 to vector<16xi32>
      %and3A_1550 = arith.andi %get3A_1544, %and3A_1549 : vector<16xi32>
      tpu.vector_store_idx %arg12[%shift_right_logical3A_1547, %and3A_1550], %broadcast_in_dim3A_2 {add = true} : memref<640x16xf32, #tpu.memory_space<vmem>>[vector<16xi32>, vector<16xi32>], vector<16xf32>,
      %get3A_1551 = arith.index_cast %add3A_1514 : i32 to index
      %get3A_1552 = arith.constant 64 : index
      %get3A_1553 = tpu.vector_load %arg7[%get3A_1551, %get3A_1552] {strides = array<i32>} : memref<160x125xi32, #tpu.memory_space<vmem>>, vector<16xi32>,
      %shift_right_logical3A_1554 = arith.constant 4 : i32
      %shift_right_logical3A_1555 = vector.broadcast %shift_right_logical3A_1554 : i32 to vector<16xi32>
      %shift_right_logical3A_1556 = arith.shrui %get3A_1553, %shift_right_logical3A_1555 : vector<16xi32>
      %and3A_1557 = arith.constant 15 : i32
      %and3A_1558 = vector.broadcast %and3A_1557 : i32 to vector<16xi32>
      %and3A_1559 = arith.andi %get3A_1553, %and3A_1558 : vector<16xi32>
      tpu.vector_store_idx %arg12[%shift_right_logical3A_1556, %and3A_1559], %broadcast_in_dim3A_2 {add = true} : memref<640x16xf32, #tpu.memory_space<vmem>>[vector<16xi32>, vector<16xi32>], vector<16xf32>,
      %get3A_1560 = arith.index_cast %add3A_1514 : i32 to index
      %get3A_1561 = arith.constant 80 : index
      %get3A_1562 = tpu.vector_load %arg7[%get3A_1560, %get3A_1561] {strides = array<i32>} : memref<160x125xi32, #tpu.memory_space<vmem>>, vector<16xi32>,
      %shift_right_logical3A_1563 = arith.constant 4 : i32
      %shift_right_logical3A_1564 = vector.broadcast %shift_right_logical3A_1563 : i32 to vector<16xi32>
      %shift_right_logical3A_1565 = arith.shrui %get3A_1562, %shift_right_logical3A_1564 : vector<16xi32>
      %and3A_1566 = arith.constant 15 : i32
      %and3A_1567 = vector.broadcast %and3A_1566 : i32 to vector<16xi32>
      %and3A_1568 = arith.andi %get3A_1562, %and3A_1567 : vector<16xi32>
      tpu.vector_store_idx %arg12[%shift_right_logical3A_1565, %and3A_1568], %broadcast_in_dim3A_2 {add = true} : memref<640x16xf32, #tpu.memory_space<vmem>>[vector<16xi32>, vector<16xi32>], vector<16xf32>,
      %get3A_1569 = arith.index_cast %add3A_1514 : i32 to index
      %get3A_1570 = arith.constant 96 : index
      %get3A_1571 = tpu.vector_load %arg7[%get3A_1569, %get3A_1570] {strides = array<i32>} : memref<160x125xi32, #tpu.memory_space<vmem>>, vector<16xi32>,
      %shift_right_logical3A_1572 = arith.constant 4 : i32
      %shift_right_logical3A_1573 = vector.broadcast %shift_right_logical3A_1572 : i32 to vector<16xi32>
      %shift_right_logical3A_1574 = arith.shrui %get3A_1571, %shift_right_logical3A_1573 : vector<16xi32>
      %and3A_1575 = arith.constant 15 : i32
      %and3A_1576 = vector.broadcast %and3A_1575 : i32 to vector<16xi32>
      %and3A_1577 = arith.andi %get3A_1571, %and3A_1576 : vector<16xi32>
      tpu.vector_store_idx %arg12[%shift_right_logical3A_1574, %and3A_1577], %broadcast_in_dim3A_2 {add = true} : memref<640x16xf32, #tpu.memory_space<vmem>>[vector<16xi32>, vector<16xi32>], vector<16xf32>,
      %get3A_1578 = arith.index_cast %add3A_1514 : i32 to index
      %get3A_1579 = arith.constant 109 : index
      %get3A_1580 = tpu.vector_load %arg7[%get3A_1578, %get3A_1579] {strides = array<i32>} : memref<160x125xi32, #tpu.memory_space<vmem>>, vector<16xi32>,
      %shift_right_logical3A_1581 = arith.constant 4 : i32
      %shift_right_logical3A_1582 = vector.broadcast %shift_right_logical3A_1581 : i32 to vector<16xi32>
      %shift_right_logical3A_1583 = arith.shrui %get3A_1580, %shift_right_logical3A_1582 : vector<16xi32>
      %and3A_1584 = arith.constant 15 : i32
      %and3A_1585 = vector.broadcast %and3A_1584 : i32 to vector<16xi32>
      %and3A_1586 = arith.andi %get3A_1580, %and3A_1585 : vector<16xi32>
      tpu.vector_store_idx %arg12[%shift_right_logical3A_1583, %and3A_1586], %broadcast_in_dim3A_2 masked %ge3A_4 {add = true} : memref<640x16xf32, #tpu.memory_space<vmem>>[vector<16xi32>, vector<16xi32>], vector<16xf32>, vector<16xi1>
      %dma_wait3A_1587 = arith.constant 0 : i32
      %dma_wait3A_1588 = tpu.memref_slice %arg7[%add3A_1420, %dma_wait3A_1587] : memref<160x125xi32, #tpu.memory_space<vmem>> -> memref<1x125xi32, #tpu.memory_space<vmem>>
      %dma_wait3A_1589 = tpu.memref_squeeze %dma_wait3A_1588 : memref<1x125xi32, #tpu.memory_space<vmem>> -> memref<125xi32, #tpu.memory_space<vmem>>
      %dma_wait3A_1590 = arith.constant 0 : i32
      %dma_wait3A_1591 = arith.constant 0 : i32
      %dma_wait3A_1592 = tpu.memref_slice %arg17[%dma_wait3A_1590, %dma_wait3A_1591] : memref<10240x64xf32, #tpu.memory_space<vmem_shared>> -> memref<10240x64xf32, #tpu.memory_space<vmem_shared>>
      tpu.wait_indirect_dma semaphore(%arg21 : memref<!tpu.dma_semaphore, #tpu.memory_space<semaphore_mem>>) src(%arg8 : memref<125x64xf32, #tpu.memory_space<vmem>>) dst(%dma_wait3A_1592 : memref<10240x64xf32, #tpu.memory_space<vmem_shared>>)
      %dma_wait3A_1593 = arith.constant 0 : i32
      %dma_wait3A_1594 = tpu.memref_slice %arg7[%add3A_1430, %dma_wait3A_1593] : memref<160x125xi32, #tpu.memory_space<vmem>> -> memref<1x125xi32, #tpu.memory_space<vmem>>
      %dma_wait3A_1595 = tpu.memref_squeeze %dma_wait3A_1594 : memref<1x125xi32, #tpu.memory_space<vmem>> -> memref<125xi32, #tpu.memory_space<vmem>>
      %dma_wait3A_1596 = arith.constant 0 : i32
      %dma_wait3A_1597 = arith.constant 0 : i32
      %dma_wait3A_1598 = tpu.memref_slice %arg17[%dma_wait3A_1596, %dma_wait3A_1597] : memref<10240x64xf32, #tpu.memory_space<vmem_shared>> -> memref<10240x64xf32, #tpu.memory_space<vmem_shared>>
      tpu.wait_indirect_dma semaphore(%arg21 : memref<!tpu.dma_semaphore, #tpu.memory_space<semaphore_mem>>) src(%arg9 : memref<125x64xf32, #tpu.memory_space<vmem>>) dst(%dma_wait3A_1598 : memref<10240x64xf32, #tpu.memory_space<vmem_shared>>)
      %mul3A_1599 = arith.constant 2 : i32
      %mul3A_1600 = arith.muli %mul3A_1599, %scan3A_1387 : i32
      %add3A_1601 = arith.constant 1 : i32
      %add3A_1602 = arith.addi %mul3A_1600, %add3A_1601 : i32
      %add3A_1603 = arith.constant 1 : i32
      %add3A_1604 = arith.addi %add3A_1602, %add3A_1603 : i32
      %lt3A_1605 = arith.constant 80 : i32
      %lt3A_1606 = arith.cmpi slt, %add3A_1604, %lt3A_1605 : i32
      %convert_element_type3A_1607 = arith.extui %lt3A_1606 : i1 to i32
      %cond3A_1608 = arith.constant 0 : i32
      %cond3A_1609 = arith.cmpi ne, %convert_element_type3A_1607, %cond3A_1608 : i32
      scf.if %cond3A_1609 {
        %add3A_1814 = arith.constant 1 : i32
        %add3A_1815 = arith.addi %add3A_1602, %add3A_1814 : i32
        %mul3A_1816 = arith.constant 2 : i32
        %mul3A_1817 = arith.muli %add3A_1815, %mul3A_1816 : i32
        %add3A_1818 = arith.constant 0 : i32
        %add3A_1819 = arith.addi %mul3A_1817, %add3A_1818 : i32
        %get3A_1820 = arith.index_cast %add3A_1819 : i32 to index
        %get3A_1821 = arith.constant 0 : index
        %get3A_1822 = tpu.vector_load %arg6[%get3A_1820, %get3A_1821] {strides = array<i32>} : memref<160x125xi32, #tpu.memory_space<vmem>>, vector<16xi32>,
        %get3A_1823 = arith.index_cast %add3A_1819 : i32 to index
        %get3A_1824 = arith.constant 16 : index
        %get3A_1825 = tpu.vector_load %arg6[%get3A_1823, %get3A_1824] {strides = array<i32>} : memref<160x125xi32, #tpu.memory_space<vmem>>, vector<16xi32>,
        %get3A_1826 = arith.index_cast %add3A_1819 : i32 to index
        %get3A_1827 = arith.constant 32 : index
        %get3A_1828 = tpu.vector_load %arg6[%get3A_1826, %get3A_1827] {strides = array<i32>} : memref<160x125xi32, #tpu.memory_space<vmem>>, vector<16xi32>,
        %get3A_1829 = arith.index_cast %add3A_1819 : i32 to index
        %get3A_1830 = arith.constant 48 : index
        %get3A_1831 = tpu.vector_load %arg6[%get3A_1829, %get3A_1830] {strides = array<i32>} : memref<160x125xi32, #tpu.memory_space<vmem>>, vector<16xi32>,
        %get3A_1832 = arith.index_cast %add3A_1819 : i32 to index
        %get3A_1833 = arith.constant 64 : index
        %get3A_1834 = tpu.vector_load %arg6[%get3A_1832, %get3A_1833] {strides = array<i32>} : memref<160x125xi32, #tpu.memory_space<vmem>>, vector<16xi32>,
        %get3A_1835 = arith.index_cast %add3A_1819 : i32 to index
        %get3A_1836 = arith.constant 80 : index
        %get3A_1837 = tpu.vector_load %arg6[%get3A_1835, %get3A_1836] {strides = array<i32>} : memref<160x125xi32, #tpu.memory_space<vmem>>, vector<16xi32>,
        %get3A_1838 = arith.index_cast %add3A_1819 : i32 to index
        %get3A_1839 = arith.constant 96 : index
        %get3A_1840 = tpu.vector_load %arg6[%get3A_1838, %get3A_1839] {strides = array<i32>} : memref<160x125xi32, #tpu.memory_space<vmem>>, vector<16xi32>,
        %get3A_1841 = arith.index_cast %add3A_1819 : i32 to index
        %get3A_1842 = arith.constant 109 : index
        %get3A_1843 = tpu.vector_load %arg6[%get3A_1841, %get3A_1842] {strides = array<i32>} : memref<160x125xi32, #tpu.memory_space<vmem>>, vector<16xi32>,
        %add3A_1844 = arith.addi %get3A_1822, %get3A_1822 : vector<16xi32>
        %add3A_1845 = arith.addi %add3A_1844, %broadcast_in_dim3A_5 : vector<16xi32>
        %swap3A_1846 = arith.index_cast %add3A_1819 : i32 to index
        %swap3A_1847 = arith.constant 0 : index
        %swap3A_1848 = tpu.vector_load %arg6[%swap3A_1846, %swap3A_1847] {strides = array<i32>} : memref<160x125xi32, #tpu.memory_space<vmem>>, vector<16xi32>,
        tpu.vector_store %arg6[%swap3A_1846, %swap3A_1847], %add3A_1845 {strides = array<i32>} : memref<160x125xi32, #tpu.memory_space<vmem>>, vector<16xi32>,
        %add3A_1849 = arith.addi %get3A_1825, %get3A_1825 : vector<16xi32>
        %add3A_1850 = arith.addi %add3A_1849, %broadcast_in_dim3A_5 : vector<16xi32>
        %swap3A_1851 = arith.index_cast %add3A_1819 : i32 to index
        %swap3A_1852 = arith.constant 16 : index
        %swap3A_1853 = tpu.vector_load %arg6[%swap3A_1851, %swap3A_1852] {strides = array<i32>} : memref<160x125xi32, #tpu.memory_space<vmem>>, vector<16xi32>,
        tpu.vector_store %arg6[%swap3A_1851, %swap3A_1852], %add3A_1850 {strides = array<i32>} : memref<160x125xi32, #tpu.memory_space<vmem>>, vector<16xi32>,
        %add3A_1854 = arith.addi %get3A_1828, %get3A_1828 : vector<16xi32>
        %add3A_1855 = arith.addi %add3A_1854, %broadcast_in_dim3A_5 : vector<16xi32>
        %swap3A_1856 = arith.index_cast %add3A_1819 : i32 to index
        %swap3A_1857 = arith.constant 32 : index
        %swap3A_1858 = tpu.vector_load %arg6[%swap3A_1856, %swap3A_1857] {strides = array<i32>} : memref<160x125xi32, #tpu.memory_space<vmem>>, vector<16xi32>,
        tpu.vector_store %arg6[%swap3A_1856, %swap3A_1857], %add3A_1855 {strides = array<i32>} : memref<160x125xi32, #tpu.memory_space<vmem>>, vector<16xi32>,
        %add3A_1859 = arith.addi %get3A_1831, %get3A_1831 : vector<16xi32>
        %add3A_1860 = arith.addi %add3A_1859, %broadcast_in_dim3A_5 : vector<16xi32>
        %swap3A_1861 = arith.index_cast %add3A_1819 : i32 to index
        %swap3A_1862 = arith.constant 48 : index
        %swap3A_1863 = tpu.vector_load %arg6[%swap3A_1861, %swap3A_1862] {strides = array<i32>} : memref<160x125xi32, #tpu.memory_space<vmem>>, vector<16xi32>,
        tpu.vector_store %arg6[%swap3A_1861, %swap3A_1862], %add3A_1860 {strides = array<i32>} : memref<160x125xi32, #tpu.memory_space<vmem>>, vector<16xi32>,
        %add3A_1864 = arith.addi %get3A_1834, %get3A_1834 : vector<16xi32>
        %add3A_1865 = arith.addi %add3A_1864, %broadcast_in_dim3A_5 : vector<16xi32>
        %swap3A_1866 = arith.index_cast %add3A_1819 : i32 to index
        %swap3A_1867 = arith.constant 64 : index
        %swap3A_1868 = tpu.vector_load %arg6[%swap3A_1866, %swap3A_1867] {strides = array<i32>} : memref<160x125xi32, #tpu.memory_space<vmem>>, vector<16xi32>,
        tpu.vector_store %arg6[%swap3A_1866, %swap3A_1867], %add3A_1865 {strides = array<i32>} : memref<160x125xi32, #tpu.memory_space<vmem>>, vector<16xi32>,
        %add3A_1869 = arith.addi %get3A_1837, %get3A_1837 : vector<16xi32>
        %add3A_1870 = arith.addi %add3A_1869, %broadcast_in_dim3A_5 : vector<16xi32>
        %swap3A_1871 = arith.index_cast %add3A_1819 : i32 to index
        %swap3A_1872 = arith.constant 80 : index
        %swap3A_1873 = tpu.vector_load %arg6[%swap3A_1871, %swap3A_1872] {strides = array<i32>} : memref<160x125xi32, #tpu.memory_space<vmem>>, vector<16xi32>,
        tpu.vector_store %arg6[%swap3A_1871, %swap3A_1872], %add3A_1870 {strides = array<i32>} : memref<160x125xi32, #tpu.memory_space<vmem>>, vector<16xi32>,
        %add3A_1874 = arith.addi %get3A_1840, %get3A_1840 : vector<16xi32>
        %add3A_1875 = arith.addi %add3A_1874, %broadcast_in_dim3A_5 : vector<16xi32>
        %swap3A_1876 = arith.index_cast %add3A_1819 : i32 to index
        %swap3A_1877 = arith.constant 96 : index
        %swap3A_1878 = tpu.vector_load %arg6[%swap3A_1876, %swap3A_1877] {strides = array<i32>} : memref<160x125xi32, #tpu.memory_space<vmem>>, vector<16xi32>,
        tpu.vector_store %arg6[%swap3A_1876, %swap3A_1877], %add3A_1875 {strides = array<i32>} : memref<160x125xi32, #tpu.memory_space<vmem>>, vector<16xi32>,
        %add3A_1879 = arith.addi %get3A_1843, %get3A_1843 : vector<16xi32>
        %add3A_1880 = arith.addi %add3A_1879, %broadcast_in_dim3A_5 : vector<16xi32>
        %swap3A_1881 = arith.index_cast %add3A_1819 : i32 to index
        %swap3A_1882 = arith.constant 109 : index
        %swap3A_1883 = tpu.vector_load %arg6[%swap3A_1881, %swap3A_1882] {strides = array<i32>} : memref<160x125xi32, #tpu.memory_space<vmem>>, vector<16xi32>,
        tpu.vector_store %arg6[%swap3A_1881, %swap3A_1882], %add3A_1880 {strides = array<i32>} : memref<160x125xi32, #tpu.memory_space<vmem>>, vector<16xi32>,
        %add3A_1884 = arith.constant 1 : i32
        %add3A_1885 = arith.addi %add3A_1602, %add3A_1884 : i32
        %mul3A_1886 = arith.constant 2 : i32
        %mul3A_1887 = arith.muli %add3A_1885, %mul3A_1886 : i32
        %add3A_1888 = arith.constant 0 : i32
        %add3A_1889 = arith.addi %mul3A_1887, %add3A_1888 : i32
        %dma_start3A_1890 = arith.constant 0 : i32
        %dma_start3A_1891 = tpu.memref_slice %arg6[%add3A_1889, %dma_start3A_1890] : memref<160x125xi32, #tpu.memory_space<vmem>> -> memref<1x125xi32, #tpu.memory_space<vmem>>
        %dma_start3A_1892 = tpu.memref_squeeze %dma_start3A_1891 : memref<1x125xi32, #tpu.memory_space<vmem>> -> memref<125xi32, #tpu.memory_space<vmem>>
        %dma_start3A_1893 = arith.constant 0 : i32
        %dma_start3A_1894 = arith.constant 0 : i32
        %dma_start3A_1895 = tpu.memref_slice %arg2[%dma_start3A_1893, %dma_start3A_1894] : memref<20000x64xf32, #tpu.memory_space<hbm>> -> memref<20000x64xf32, #tpu.memory_space<hbm>>
        tpu.enqueue_indirect_dma source(%dma_start3A_1895 : memref<20000x64xf32, #tpu.memory_space<hbm>>) target(%arg8 : memref<125x64xf32, #tpu.memory_space<vmem>>) offsets(%dma_start3A_1892 : memref<125xi32, #tpu.memory_space<vmem>>) semaphore(%arg19 : memref<!tpu.dma_semaphore, #tpu.memory_space<semaphore_mem>>)
        %add3A_1896 = arith.constant 1 : i32
        %add3A_1897 = arith.addi %add3A_1602, %add3A_1896 : i32
        %mul3A_1898 = arith.constant 2 : i32
        %mul3A_1899 = arith.muli %add3A_1897, %mul3A_1898 : i32
        %add3A_1900 = arith.constant 1 : i32
        %add3A_1901 = arith.addi %mul3A_1899, %add3A_1900 : i32
        %get3A_1902 = arith.index_cast %add3A_1901 : i32 to index
        %get3A_1903 = arith.constant 0 : index
        %get3A_1904 = tpu.vector_load %arg6[%get3A_1902, %get3A_1903] {strides = array<i32>} : memref<160x125xi32, #tpu.memory_space<vmem>>, vector<16xi32>,
        %get3A_1905 = arith.index_cast %add3A_1901 : i32 to index
        %get3A_1906 = arith.constant 16 : index
        %get3A_1907 = tpu.vector_load %arg6[%get3A_1905, %get3A_1906] {strides = array<i32>} : memref<160x125xi32, #tpu.memory_space<vmem>>, vector<16xi32>,
        %get3A_1908 = arith.index_cast %add3A_1901 : i32 to index
        %get3A_1909 = arith.constant 32 : index
        %get3A_1910 = tpu.vector_load %arg6[%get3A_1908, %get3A_1909] {strides = array<i32>} : memref<160x125xi32, #tpu.memory_space<vmem>>, vector<16xi32>,
        %get3A_1911 = arith.index_cast %add3A_1901 : i32 to index
        %get3A_1912 = arith.constant 48 : index
        %get3A_1913 = tpu.vector_load %arg6[%get3A_1911, %get3A_1912] {strides = array<i32>} : memref<160x125xi32, #tpu.memory_space<vmem>>, vector<16xi32>,
        %get3A_1914 = arith.index_cast %add3A_1901 : i32 to index
        %get3A_1915 = arith.constant 64 : index
        %get3A_1916 = tpu.vector_load %arg6[%get3A_1914, %get3A_1915] {strides = array<i32>} : memref<160x125xi32, #tpu.memory_space<vmem>>, vector<16xi32>,
        %get3A_1917 = arith.index_cast %add3A_1901 : i32 to index
        %get3A_1918 = arith.constant 80 : index
        %get3A_1919 = tpu.vector_load %arg6[%get3A_1917, %get3A_1918] {strides = array<i32>} : memref<160x125xi32, #tpu.memory_space<vmem>>, vector<16xi32>,
        %get3A_1920 = arith.index_cast %add3A_1901 : i32 to index
        %get3A_1921 = arith.constant 96 : index
        %get3A_1922 = tpu.vector_load %arg6[%get3A_1920, %get3A_1921] {strides = array<i32>} : memref<160x125xi32, #tpu.memory_space<vmem>>, vector<16xi32>,
        %get3A_1923 = arith.index_cast %add3A_1901 : i32 to index
        %get3A_1924 = arith.constant 109 : index
        %get3A_1925 = tpu.vector_load %arg6[%get3A_1923, %get3A_1924] {strides = array<i32>} : memref<160x125xi32, #tpu.memory_space<vmem>>, vector<16xi32>,
        %add3A_1926 = arith.addi %get3A_1904, %get3A_1904 : vector<16xi32>
        %add3A_1927 = arith.addi %add3A_1926, %broadcast_in_dim3A_5 : vector<16xi32>
        %swap3A_1928 = arith.index_cast %add3A_1901 : i32 to index
        %swap3A_1929 = arith.constant 0 : index
        %swap3A_1930 = tpu.vector_load %arg6[%swap3A_1928, %swap3A_1929] {strides = array<i32>} : memref<160x125xi32, #tpu.memory_space<vmem>>, vector<16xi32>,
        tpu.vector_store %arg6[%swap3A_1928, %swap3A_1929], %add3A_1927 {strides = array<i32>} : memref<160x125xi32, #tpu.memory_space<vmem>>, vector<16xi32>,
        %add3A_1931 = arith.addi %get3A_1907, %get3A_1907 : vector<16xi32>
        %add3A_1932 = arith.addi %add3A_1931, %broadcast_in_dim3A_5 : vector<16xi32>
        %swap3A_1933 = arith.index_cast %add3A_1901 : i32 to index
        %swap3A_1934 = arith.constant 16 : index
        %swap3A_1935 = tpu.vector_load %arg6[%swap3A_1933, %swap3A_1934] {strides = array<i32>} : memref<160x125xi32, #tpu.memory_space<vmem>>, vector<16xi32>,
        tpu.vector_store %arg6[%swap3A_1933, %swap3A_1934], %add3A_1932 {strides = array<i32>} : memref<160x125xi32, #tpu.memory_space<vmem>>, vector<16xi32>,
        %add3A_1936 = arith.addi %get3A_1910, %get3A_1910 : vector<16xi32>
        %add3A_1937 = arith.addi %add3A_1936, %broadcast_in_dim3A_5 : vector<16xi32>
        %swap3A_1938 = arith.index_cast %add3A_1901 : i32 to index
        %swap3A_1939 = arith.constant 32 : index
        %swap3A_1940 = tpu.vector_load %arg6[%swap3A_1938, %swap3A_1939] {strides = array<i32>} : memref<160x125xi32, #tpu.memory_space<vmem>>, vector<16xi32>,
        tpu.vector_store %arg6[%swap3A_1938, %swap3A_1939], %add3A_1937 {strides = array<i32>} : memref<160x125xi32, #tpu.memory_space<vmem>>, vector<16xi32>,
        %add3A_1941 = arith.addi %get3A_1913, %get3A_1913 : vector<16xi32>
        %add3A_1942 = arith.addi %add3A_1941, %broadcast_in_dim3A_5 : vector<16xi32>
        %swap3A_1943 = arith.index_cast %add3A_1901 : i32 to index
        %swap3A_1944 = arith.constant 48 : index
        %swap3A_1945 = tpu.vector_load %arg6[%swap3A_1943, %swap3A_1944] {strides = array<i32>} : memref<160x125xi32, #tpu.memory_space<vmem>>, vector<16xi32>,
        tpu.vector_store %arg6[%swap3A_1943, %swap3A_1944], %add3A_1942 {strides = array<i32>} : memref<160x125xi32, #tpu.memory_space<vmem>>, vector<16xi32>,
        %add3A_1946 = arith.addi %get3A_1916, %get3A_1916 : vector<16xi32>
        %add3A_1947 = arith.addi %add3A_1946, %broadcast_in_dim3A_5 : vector<16xi32>
        %swap3A_1948 = arith.index_cast %add3A_1901 : i32 to index
        %swap3A_1949 = arith.constant 64 : index
        %swap3A_1950 = tpu.vector_load %arg6[%swap3A_1948, %swap3A_1949] {strides = array<i32>} : memref<160x125xi32, #tpu.memory_space<vmem>>, vector<16xi32>,
        tpu.vector_store %arg6[%swap3A_1948, %swap3A_1949], %add3A_1947 {strides = array<i32>} : memref<160x125xi32, #tpu.memory_space<vmem>>, vector<16xi32>,
        %add3A_1951 = arith.addi %get3A_1919, %get3A_1919 : vector<16xi32>
        %add3A_1952 = arith.addi %add3A_1951, %broadcast_in_dim3A_5 : vector<16xi32>
        %swap3A_1953 = arith.index_cast %add3A_1901 : i32 to index
        %swap3A_1954 = arith.constant 80 : index
        %swap3A_1955 = tpu.vector_load %arg6[%swap3A_1953, %swap3A_1954] {strides = array<i32>} : memref<160x125xi32, #tpu.memory_space<vmem>>, vector<16xi32>,
        tpu.vector_store %arg6[%swap3A_1953, %swap3A_1954], %add3A_1952 {strides = array<i32>} : memref<160x125xi32, #tpu.memory_space<vmem>>, vector<16xi32>,
        %add3A_1956 = arith.addi %get3A_1922, %get3A_1922 : vector<16xi32>
        %add3A_1957 = arith.addi %add3A_1956, %broadcast_in_dim3A_5 : vector<16xi32>
        %swap3A_1958 = arith.index_cast %add3A_1901 : i32 to index
        %swap3A_1959 = arith.constant 96 : index
        %swap3A_1960 = tpu.vector_load %arg6[%swap3A_1958, %swap3A_1959] {strides = array<i32>} : memref<160x125xi32, #tpu.memory_space<vmem>>, vector<16xi32>,
        tpu.vector_store %arg6[%swap3A_1958, %swap3A_1959], %add3A_1957 {strides = array<i32>} : memref<160x125xi32, #tpu.memory_space<vmem>>, vector<16xi32>,
        %add3A_1961 = arith.addi %get3A_1925, %get3A_1925 : vector<16xi32>
        %add3A_1962 = arith.addi %add3A_1961, %broadcast_in_dim3A_5 : vector<16xi32>
        %swap3A_1963 = arith.index_cast %add3A_1901 : i32 to index
        %swap3A_1964 = arith.constant 109 : index
        %swap3A_1965 = tpu.vector_load %arg6[%swap3A_1963, %swap3A_1964] {strides = array<i32>} : memref<160x125xi32, #tpu.memory_space<vmem>>, vector<16xi32>,
        tpu.vector_store %arg6[%swap3A_1963, %swap3A_1964], %add3A_1962 {strides = array<i32>} : memref<160x125xi32, #tpu.memory_space<vmem>>, vector<16xi32>,
        %add3A_1966 = arith.constant 1 : i32
        %add3A_1967 = arith.addi %add3A_1602, %add3A_1966 : i32
        %mul3A_1968 = arith.constant 2 : i32
        %mul3A_1969 = arith.muli %add3A_1967, %mul3A_1968 : i32
        %add3A_1970 = arith.constant 1 : i32
        %add3A_1971 = arith.addi %mul3A_1969, %add3A_1970 : i32
        %dma_start3A_1972 = arith.constant 0 : i32
        %dma_start3A_1973 = tpu.memref_slice %arg6[%add3A_1971, %dma_start3A_1972] : memref<160x125xi32, #tpu.memory_space<vmem>> -> memref<1x125xi32, #tpu.memory_space<vmem>>
        %dma_start3A_1974 = tpu.memref_squeeze %dma_start3A_1973 : memref<1x125xi32, #tpu.memory_space<vmem>> -> memref<125xi32, #tpu.memory_space<vmem>>
        %dma_start3A_1975 = arith.constant 0 : i32
        %dma_start3A_1976 = arith.constant 0 : i32
        %dma_start3A_1977 = tpu.memref_slice %arg2[%dma_start3A_1975, %dma_start3A_1976] : memref<20000x64xf32, #tpu.memory_space<hbm>> -> memref<20000x64xf32, #tpu.memory_space<hbm>>
        tpu.enqueue_indirect_dma source(%dma_start3A_1977 : memref<20000x64xf32, #tpu.memory_space<hbm>>) target(%arg9 : memref<125x64xf32, #tpu.memory_space<vmem>>) offsets(%dma_start3A_1974 : memref<125xi32, #tpu.memory_space<vmem>>) semaphore(%arg19 : memref<!tpu.dma_semaphore, #tpu.memory_space<semaphore_mem>>)
      } else {
      }
      %mul3A_1610 = arith.constant 2 : i32
      %mul3A_1611 = arith.muli %add3A_1602, %mul3A_1610 : i32
      %add3A_1612 = arith.constant 0 : i32
      %add3A_1613 = arith.addi %mul3A_1611, %add3A_1612 : i32
      %dma_wait3A_1614 = arith.constant 0 : i32
      %dma_wait3A_1615 = tpu.memref_slice %arg6[%add3A_1613, %dma_wait3A_1614] : memref<160x125xi32, #tpu.memory_space<vmem>> -> memref<1x125xi32, #tpu.memory_space<vmem>>
      %dma_wait3A_1616 = tpu.memref_squeeze %dma_wait3A_1615 : memref<1x125xi32, #tpu.memory_space<vmem>> -> memref<125xi32, #tpu.memory_space<vmem>>
      %dma_wait3A_1617 = arith.constant 0 : i32
      %dma_wait3A_1618 = arith.constant 0 : i32
      %dma_wait3A_1619 = tpu.memref_slice %arg2[%dma_wait3A_1617, %dma_wait3A_1618] : memref<20000x64xf32, #tpu.memory_space<hbm>> -> memref<20000x64xf32, #tpu.memory_space<hbm>>
      tpu.wait_indirect_dma semaphore(%arg20 : memref<!tpu.dma_semaphore, #tpu.memory_space<semaphore_mem>>) src(%dma_wait3A_1619 : memref<20000x64xf32, #tpu.memory_space<hbm>>) dst(%arg10 : memref<125x64xf32, #tpu.memory_space<vmem>>)
      %mul3A_1620 = arith.constant 2 : i32
      %mul3A_1621 = arith.muli %add3A_1602, %mul3A_1620 : i32
      %add3A_1622 = arith.constant 1 : i32
      %add3A_1623 = arith.addi %mul3A_1621, %add3A_1622 : i32
      %dma_wait3A_1624 = arith.constant 0 : i32
      %dma_wait3A_1625 = tpu.memref_slice %arg6[%add3A_1623, %dma_wait3A_1624] : memref<160x125xi32, #tpu.memory_space<vmem>> -> memref<1x125xi32, #tpu.memory_space<vmem>>
      %dma_wait3A_1626 = tpu.memref_squeeze %dma_wait3A_1625 : memref<1x125xi32, #tpu.memory_space<vmem>> -> memref<125xi32, #tpu.memory_space<vmem>>
      %dma_wait3A_1627 = arith.constant 0 : i32
      %dma_wait3A_1628 = arith.constant 0 : i32
      %dma_wait3A_1629 = tpu.memref_slice %arg2[%dma_wait3A_1627, %dma_wait3A_1628] : memref<20000x64xf32, #tpu.memory_space<hbm>> -> memref<20000x64xf32, #tpu.memory_space<hbm>>
      tpu.wait_indirect_dma semaphore(%arg20 : memref<!tpu.dma_semaphore, #tpu.memory_space<semaphore_mem>>) src(%dma_wait3A_1629 : memref<20000x64xf32, #tpu.memory_space<hbm>>) dst(%arg11 : memref<125x64xf32, #tpu.memory_space<vmem>>)
      %mul3A_1630 = arith.constant 2 : i32
      %mul3A_1631 = arith.muli %add3A_1602, %mul3A_1630 : i32
      %add3A_1632 = arith.constant 0 : i32
      %add3A_1633 = arith.addi %mul3A_1631, %add3A_1632 : i32
      %dma_start3A_1634 = arith.constant 0 : i32
      %dma_start3A_1635 = tpu.memref_slice %arg7[%add3A_1633, %dma_start3A_1634] : memref<160x125xi32, #tpu.memory_space<vmem>> -> memref<1x125xi32, #tpu.memory_space<vmem>>
      %dma_start3A_1636 = tpu.memref_squeeze %dma_start3A_1635 : memref<1x125xi32, #tpu.memory_space<vmem>> -> memref<125xi32, #tpu.memory_space<vmem>>
      %dma_start3A_1637 = arith.constant 0 : i32
      %dma_start3A_1638 = arith.constant 0 : i32
      %dma_start3A_1639 = tpu.memref_slice %arg17[%dma_start3A_1637, %dma_start3A_1638] : memref<10240x64xf32, #tpu.memory_space<vmem_shared>> -> memref<10240x64xf32, #tpu.memory_space<vmem_shared>>
      tpu.enqueue_indirect_dma source(%arg10 : memref<125x64xf32, #tpu.memory_space<vmem>>) target(%dma_start3A_1639 : memref<10240x64xf32, #tpu.memory_space<vmem_shared>>) offsets(%dma_start3A_1636 : memref<125xi32, #tpu.memory_space<vmem>>) semaphore(%arg21 : memref<!tpu.dma_semaphore, #tpu.memory_space<semaphore_mem>>) {add = true}
      %mul3A_1640 = arith.constant 2 : i32
      %mul3A_1641 = arith.muli %add3A_1602, %mul3A_1640 : i32
      %add3A_1642 = arith.constant 1 : i32
      %add3A_1643 = arith.addi %mul3A_1641, %add3A_1642 : i32
      %dma_start3A_1644 = arith.constant 0 : i32
      %dma_start3A_1645 = tpu.memref_slice %arg7[%add3A_1643, %dma_start3A_1644] : memref<160x125xi32, #tpu.memory_space<vmem>> -> memref<1x125xi32, #tpu.memory_space<vmem>>
      %dma_start3A_1646 = tpu.memref_squeeze %dma_start3A_1645 : memref<1x125xi32, #tpu.memory_space<vmem>> -> memref<125xi32, #tpu.memory_space<vmem>>
      %dma_start3A_1647 = arith.constant 0 : i32
      %dma_start3A_1648 = arith.constant 0 : i32
      %dma_start3A_1649 = tpu.memref_slice %arg17[%dma_start3A_1647, %dma_start3A_1648] : memref<10240x64xf32, #tpu.memory_space<vmem_shared>> -> memref<10240x64xf32, #tpu.memory_space<vmem_shared>>
      tpu.enqueue_indirect_dma source(%arg11 : memref<125x64xf32, #tpu.memory_space<vmem>>) target(%dma_start3A_1649 : memref<10240x64xf32, #tpu.memory_space<vmem_shared>>) offsets(%dma_start3A_1646 : memref<125xi32, #tpu.memory_space<vmem>>) semaphore(%arg21 : memref<!tpu.dma_semaphore, #tpu.memory_space<semaphore_mem>>) {add = true}
      %mul3A_1650 = arith.constant 2 : i32
      %mul3A_1651 = arith.muli %add3A_1602, %mul3A_1650 : i32
      %add3A_1652 = arith.constant 0 : i32
      %add3A_1653 = arith.addi %mul3A_1651, %add3A_1652 : i32
      %get3A_1654 = arith.index_cast %add3A_1653 : i32 to index
      %get3A_1655 = arith.constant 0 : index
      %get3A_1656 = tpu.vector_load %arg7[%get3A_1654, %get3A_1655] {strides = array<i32>} : memref<160x125xi32, #tpu.memory_space<vmem>>, vector<16xi32>,
      %shift_right_logical3A_1657 = arith.constant 4 : i32
      %shift_right_logical3A_1658 = vector.broadcast %shift_right_logical3A_1657 : i32 to vector<16xi32>
      %shift_right_logical3A_1659 = arith.shrui %get3A_1656, %shift_right_logical3A_1658 : vector<16xi32>
      %and3A_1660 = arith.constant 15 : i32
      %and3A_1661 = vector.broadcast %and3A_1660 : i32 to vector<16xi32>
      %and3A_1662 = arith.andi %get3A_1656, %and3A_1661 : vector<16xi32>
      tpu.vector_store_idx %arg12[%shift_right_logical3A_1659, %and3A_1662], %broadcast_in_dim3A_2 {add = true} : memref<640x16xf32, #tpu.memory_space<vmem>>[vector<16xi32>, vector<16xi32>], vector<16xf32>,
      %get3A_1663 = arith.index_cast %add3A_1653 : i32 to index
      %get3A_1664 = arith.constant 16 : index
      %get3A_1665 = tpu.vector_load %arg7[%get3A_1663, %get3A_1664] {strides = array<i32>} : memref<160x125xi32, #tpu.memory_space<vmem>>, vector<16xi32>,
      %shift_right_logical3A_1666 = arith.constant 4 : i32
      %shift_right_logical3A_1667 = vector.broadcast %shift_right_logical3A_1666 : i32 to vector<16xi32>
      %shift_right_logical3A_1668 = arith.shrui %get3A_1665, %shift_right_logical3A_1667 : vector<16xi32>
      %and3A_1669 = arith.constant 15 : i32
      %and3A_1670 = vector.broadcast %and3A_1669 : i32 to vector<16xi32>
      %and3A_1671 = arith.andi %get3A_1665, %and3A_1670 : vector<16xi32>
      tpu.vector_store_idx %arg12[%shift_right_logical3A_1668, %and3A_1671], %broadcast_in_dim3A_2 {add = true} : memref<640x16xf32, #tpu.memory_space<vmem>>[vector<16xi32>, vector<16xi32>], vector<16xf32>,
      %get3A_1672 = arith.index_cast %add3A_1653 : i32 to index
      %get3A_1673 = arith.constant 32 : index
      %get3A_1674 = tpu.vector_load %arg7[%get3A_1672, %get3A_1673] {strides = array<i32>} : memref<160x125xi32, #tpu.memory_space<vmem>>, vector<16xi32>,
      %shift_right_logical3A_1675 = arith.constant 4 : i32
      %shift_right_logical3A_1676 = vector.broadcast %shift_right_logical3A_1675 : i32 to vector<16xi32>
      %shift_right_logical3A_1677 = arith.shrui %get3A_1674, %shift_right_logical3A_1676 : vector<16xi32>
      %and3A_1678 = arith.constant 15 : i32
      %and3A_1679 = vector.broadcast %and3A_1678 : i32 to vector<16xi32>
      %and3A_1680 = arith.andi %get3A_1674, %and3A_1679 : vector<16xi32>
      tpu.vector_store_idx %arg12[%shift_right_logical3A_1677, %and3A_1680], %broadcast_in_dim3A_2 {add = true} : memref<640x16xf32, #tpu.memory_space<vmem>>[vector<16xi32>, vector<16xi32>], vector<16xf32>,
      %get3A_1681 = arith.index_cast %add3A_1653 : i32 to index
      %get3A_1682 = arith.constant 48 : index
      %get3A_1683 = tpu.vector_load %arg7[%get3A_1681, %get3A_1682] {strides = array<i32>} : memref<160x125xi32, #tpu.memory_space<vmem>>, vector<16xi32>,
      %shift_right_logical3A_1684 = arith.constant 4 : i32
      %shift_right_logical3A_1685 = vector.broadcast %shift_right_logical3A_1684 : i32 to vector<16xi32>
      %shift_right_logical3A_1686 = arith.shrui %get3A_1683, %shift_right_logical3A_1685 : vector<16xi32>
      %and3A_1687 = arith.constant 15 : i32
      %and3A_1688 = vector.broadcast %and3A_1687 : i32 to vector<16xi32>
      %and3A_1689 = arith.andi %get3A_1683, %and3A_1688 : vector<16xi32>
      tpu.vector_store_idx %arg12[%shift_right_logical3A_1686, %and3A_1689], %broadcast_in_dim3A_2 {add = true} : memref<640x16xf32, #tpu.memory_space<vmem>>[vector<16xi32>, vector<16xi32>], vector<16xf32>,
      %get3A_1690 = arith.index_cast %add3A_1653 : i32 to index
      %get3A_1691 = arith.constant 64 : index
      %get3A_1692 = tpu.vector_load %arg7[%get3A_1690, %get3A_1691] {strides = array<i32>} : memref<160x125xi32, #tpu.memory_space<vmem>>, vector<16xi32>,
      %shift_right_logical3A_1693 = arith.constant 4 : i32
      %shift_right_logical3A_1694 = vector.broadcast %shift_right_logical3A_1693 : i32 to vector<16xi32>
      %shift_right_logical3A_1695 = arith.shrui %get3A_1692, %shift_right_logical3A_1694 : vector<16xi32>
      %and3A_1696 = arith.constant 15 : i32
      %and3A_1697 = vector.broadcast %and3A_1696 : i32 to vector<16xi32>
      %and3A_1698 = arith.andi %get3A_1692, %and3A_1697 : vector<16xi32>
      tpu.vector_store_idx %arg12[%shift_right_logical3A_1695, %and3A_1698], %broadcast_in_dim3A_2 {add = true} : memref<640x16xf32, #tpu.memory_space<vmem>>[vector<16xi32>, vector<16xi32>], vector<16xf32>,
      %get3A_1699 = arith.index_cast %add3A_1653 : i32 to index
      %get3A_1700 = arith.constant 80 : index
      %get3A_1701 = tpu.vector_load %arg7[%get3A_1699, %get3A_1700] {strides = array<i32>} : memref<160x125xi32, #tpu.memory_space<vmem>>, vector<16xi32>,
      %shift_right_logical3A_1702 = arith.constant 4 : i32
      %shift_right_logical3A_1703 = vector.broadcast %shift_right_logical3A_1702 : i32 to vector<16xi32>
      %shift_right_logical3A_1704 = arith.shrui %get3A_1701, %shift_right_logical3A_1703 : vector<16xi32>
      %and3A_1705 = arith.constant 15 : i32
      %and3A_1706 = vector.broadcast %and3A_1705 : i32 to vector<16xi32>
      %and3A_1707 = arith.andi %get3A_1701, %and3A_1706 : vector<16xi32>
      tpu.vector_store_idx %arg12[%shift_right_logical3A_1704, %and3A_1707], %broadcast_in_dim3A_2 {add = true} : memref<640x16xf32, #tpu.memory_space<vmem>>[vector<16xi32>, vector<16xi32>], vector<16xf32>,
      %get3A_1708 = arith.index_cast %add3A_1653 : i32 to index
      %get3A_1709 = arith.constant 96 : index
      %get3A_1710 = tpu.vector_load %arg7[%get3A_1708, %get3A_1709] {strides = array<i32>} : memref<160x125xi32, #tpu.memory_space<vmem>>, vector<16xi32>,
      %shift_right_logical3A_1711 = arith.constant 4 : i32
      %shift_right_logical3A_1712 = vector.broadcast %shift_right_logical3A_1711 : i32 to vector<16xi32>
      %shift_right_logical3A_1713 = arith.shrui %get3A_1710, %shift_right_logical3A_1712 : vector<16xi32>
      %and3A_1714 = arith.constant 15 : i32
      %and3A_1715 = vector.broadcast %and3A_1714 : i32 to vector<16xi32>
      %and3A_1716 = arith.andi %get3A_1710, %and3A_1715 : vector<16xi32>
      tpu.vector_store_idx %arg12[%shift_right_logical3A_1713, %and3A_1716], %broadcast_in_dim3A_2 {add = true} : memref<640x16xf32, #tpu.memory_space<vmem>>[vector<16xi32>, vector<16xi32>], vector<16xf32>,
      %get3A_1717 = arith.index_cast %add3A_1653 : i32 to index
      %get3A_1718 = arith.constant 109 : index
      %get3A_1719 = tpu.vector_load %arg7[%get3A_1717, %get3A_1718] {strides = array<i32>} : memref<160x125xi32, #tpu.memory_space<vmem>>, vector<16xi32>,
      %shift_right_logical3A_1720 = arith.constant 4 : i32
      %shift_right_logical3A_1721 = vector.broadcast %shift_right_logical3A_1720 : i32 to vector<16xi32>
      %shift_right_logical3A_1722 = arith.shrui %get3A_1719, %shift_right_logical3A_1721 : vector<16xi32>
      %and3A_1723 = arith.constant 15 : i32
      %and3A_1724 = vector.broadcast %and3A_1723 : i32 to vector<16xi32>
      %and3A_1725 = arith.andi %get3A_1719, %and3A_1724 : vector<16xi32>
      tpu.vector_store_idx %arg12[%shift_right_logical3A_1722, %and3A_1725], %broadcast_in_dim3A_2 masked %ge3A_4 {add = true} : memref<640x16xf32, #tpu.memory_space<vmem>>[vector<16xi32>, vector<16xi32>], vector<16xf32>, vector<16xi1>
      %mul3A_1726 = arith.constant 2 : i32
      %mul3A_1727 = arith.muli %add3A_1602, %mul3A_1726 : i32
      %add3A_1728 = arith.constant 1 : i32
      %add3A_1729 = arith.addi %mul3A_1727, %add3A_1728 : i32
      %get3A_1730 = arith.index_cast %add3A_1729 : i32 to index
      %get3A_1731 = arith.constant 0 : index
      %get3A_1732 = tpu.vector_load %arg7[%get3A_1730, %get3A_1731] {strides = array<i32>} : memref<160x125xi32, #tpu.memory_space<vmem>>, vector<16xi32>,
      %shift_right_logical3A_1733 = arith.constant 4 : i32
      %shift_right_logical3A_1734 = vector.broadcast %shift_right_logical3A_1733 : i32 to vector<16xi32>
      %shift_right_logical3A_1735 = arith.shrui %get3A_1732, %shift_right_logical3A_1734 : vector<16xi32>
      %and3A_1736 = arith.constant 15 : i32
      %and3A_1737 = vector.broadcast %and3A_1736 : i32 to vector<16xi32>
      %and3A_1738 = arith.andi %get3A_1732, %and3A_1737 : vector<16xi32>
      tpu.vector_store_idx %arg12[%shift_right_logical3A_1735, %and3A_1738], %broadcast_in_dim3A_2 {add = true} : memref<640x16xf32, #tpu.memory_space<vmem>>[vector<16xi32>, vector<16xi32>], vector<16xf32>,
      %get3A_1739 = arith.index_cast %add3A_1729 : i32 to index
      %get3A_1740 = arith.constant 16 : index
      %get3A_1741 = tpu.vector_load %arg7[%get3A_1739, %get3A_1740] {strides = array<i32>} : memref<160x125xi32, #tpu.memory_space<vmem>>, vector<16xi32>,
      %shift_right_logical3A_1742 = arith.constant 4 : i32
      %shift_right_logical3A_1743 = vector.broadcast %shift_right_logical3A_1742 : i32 to vector<16xi32>
      %shift_right_logical3A_1744 = arith.shrui %get3A_1741, %shift_right_logical3A_1743 : vector<16xi32>
      %and3A_1745 = arith.constant 15 : i32
      %and3A_1746 = vector.broadcast %and3A_1745 : i32 to vector<16xi32>
      %and3A_1747 = arith.andi %get3A_1741, %and3A_1746 : vector<16xi32>
      tpu.vector_store_idx %arg12[%shift_right_logical3A_1744, %and3A_1747], %broadcast_in_dim3A_2 {add = true} : memref<640x16xf32, #tpu.memory_space<vmem>>[vector<16xi32>, vector<16xi32>], vector<16xf32>,
      %get3A_1748 = arith.index_cast %add3A_1729 : i32 to index
      %get3A_1749 = arith.constant 32 : index
      %get3A_1750 = tpu.vector_load %arg7[%get3A_1748, %get3A_1749] {strides = array<i32>} : memref<160x125xi32, #tpu.memory_space<vmem>>, vector<16xi32>,
      %shift_right_logical3A_1751 = arith.constant 4 : i32
      %shift_right_logical3A_1752 = vector.broadcast %shift_right_logical3A_1751 : i32 to vector<16xi32>
      %shift_right_logical3A_1753 = arith.shrui %get3A_1750, %shift_right_logical3A_1752 : vector<16xi32>
      %and3A_1754 = arith.constant 15 : i32
      %and3A_1755 = vector.broadcast %and3A_1754 : i32 to vector<16xi32>
      %and3A_1756 = arith.andi %get3A_1750, %and3A_1755 : vector<16xi32>
      tpu.vector_store_idx %arg12[%shift_right_logical3A_1753, %and3A_1756], %broadcast_in_dim3A_2 {add = true} : memref<640x16xf32, #tpu.memory_space<vmem>>[vector<16xi32>, vector<16xi32>], vector<16xf32>,
      %get3A_1757 = arith.index_cast %add3A_1729 : i32 to index
      %get3A_1758 = arith.constant 48 : index
      %get3A_1759 = tpu.vector_load %arg7[%get3A_1757, %get3A_1758] {strides = array<i32>} : memref<160x125xi32, #tpu.memory_space<vmem>>, vector<16xi32>,
      %shift_right_logical3A_1760 = arith.constant 4 : i32
      %shift_right_logical3A_1761 = vector.broadcast %shift_right_logical3A_1760 : i32 to vector<16xi32>
      %shift_right_logical3A_1762 = arith.shrui %get3A_1759, %shift_right_logical3A_1761 : vector<16xi32>
      %and3A_1763 = arith.constant 15 : i32
      %and3A_1764 = vector.broadcast %and3A_1763 : i32 to vector<16xi32>
      %and3A_1765 = arith.andi %get3A_1759, %and3A_1764 : vector<16xi32>
      tpu.vector_store_idx %arg12[%shift_right_logical3A_1762, %and3A_1765], %broadcast_in_dim3A_2 {add = true} : memref<640x16xf32, #tpu.memory_space<vmem>>[vector<16xi32>, vector<16xi32>], vector<16xf32>,
      %get3A_1766 = arith.index_cast %add3A_1729 : i32 to index
      %get3A_1767 = arith.constant 64 : index
      %get3A_1768 = tpu.vector_load %arg7[%get3A_1766, %get3A_1767] {strides = array<i32>} : memref<160x125xi32, #tpu.memory_space<vmem>>, vector<16xi32>,
      %shift_right_logical3A_1769 = arith.constant 4 : i32
      %shift_right_logical3A_1770 = vector.broadcast %shift_right_logical3A_1769 : i32 to vector<16xi32>
      %shift_right_logical3A_1771 = arith.shrui %get3A_1768, %shift_right_logical3A_1770 : vector<16xi32>
      %and3A_1772 = arith.constant 15 : i32
      %and3A_1773 = vector.broadcast %and3A_1772 : i32 to vector<16xi32>
      %and3A_1774 = arith.andi %get3A_1768, %and3A_1773 : vector<16xi32>
      tpu.vector_store_idx %arg12[%shift_right_logical3A_1771, %and3A_1774], %broadcast_in_dim3A_2 {add = true} : memref<640x16xf32, #tpu.memory_space<vmem>>[vector<16xi32>, vector<16xi32>], vector<16xf32>,
      %get3A_1775 = arith.index_cast %add3A_1729 : i32 to index
      %get3A_1776 = arith.constant 80 : index
      %get3A_1777 = tpu.vector_load %arg7[%get3A_1775, %get3A_1776] {strides = array<i32>} : memref<160x125xi32, #tpu.memory_space<vmem>>, vector<16xi32>,
      %shift_right_logical3A_1778 = arith.constant 4 : i32
      %shift_right_logical3A_1779 = vector.broadcast %shift_right_logical3A_1778 : i32 to vector<16xi32>
      %shift_right_logical3A_1780 = arith.shrui %get3A_1777, %shift_right_logical3A_1779 : vector<16xi32>
      %and3A_1781 = arith.constant 15 : i32
      %and3A_1782 = vector.broadcast %and3A_1781 : i32 to vector<16xi32>
      %and3A_1783 = arith.andi %get3A_1777, %and3A_1782 : vector<16xi32>
      tpu.vector_store_idx %arg12[%shift_right_logical3A_1780, %and3A_1783], %broadcast_in_dim3A_2 {add = true} : memref<640x16xf32, #tpu.memory_space<vmem>>[vector<16xi32>, vector<16xi32>], vector<16xf32>,
      %get3A_1784 = arith.index_cast %add3A_1729 : i32 to index
      %get3A_1785 = arith.constant 96 : index
      %get3A_1786 = tpu.vector_load %arg7[%get3A_1784, %get3A_1785] {strides = array<i32>} : memref<160x125xi32, #tpu.memory_space<vmem>>, vector<16xi32>,
      %shift_right_logical3A_1787 = arith.constant 4 : i32
      %shift_right_logical3A_1788 = vector.broadcast %shift_right_logical3A_1787 : i32 to vector<16xi32>
      %shift_right_logical3A_1789 = arith.shrui %get3A_1786, %shift_right_logical3A_1788 : vector<16xi32>
      %and3A_1790 = arith.constant 15 : i32
      %and3A_1791 = vector.broadcast %and3A_1790 : i32 to vector<16xi32>
      %and3A_1792 = arith.andi %get3A_1786, %and3A_1791 : vector<16xi32>
      tpu.vector_store_idx %arg12[%shift_right_logical3A_1789, %and3A_1792], %broadcast_in_dim3A_2 {add = true} : memref<640x16xf32, #tpu.memory_space<vmem>>[vector<16xi32>, vector<16xi32>], vector<16xf32>,
      %get3A_1793 = arith.index_cast %add3A_1729 : i32 to index
      %get3A_1794 = arith.constant 109 : index
      %get3A_1795 = tpu.vector_load %arg7[%get3A_1793, %get3A_1794] {strides = array<i32>} : memref<160x125xi32, #tpu.memory_space<vmem>>, vector<16xi32>,
      %shift_right_logical3A_1796 = arith.constant 4 : i32
      %shift_right_logical3A_1797 = vector.broadcast %shift_right_logical3A_1796 : i32 to vector<16xi32>
      %shift_right_logical3A_1798 = arith.shrui %get3A_1795, %shift_right_logical3A_1797 : vector<16xi32>
      %and3A_1799 = arith.constant 15 : i32
      %and3A_1800 = vector.broadcast %and3A_1799 : i32 to vector<16xi32>
      %and3A_1801 = arith.andi %get3A_1795, %and3A_1800 : vector<16xi32>
      tpu.vector_store_idx %arg12[%shift_right_logical3A_1798, %and3A_1801], %broadcast_in_dim3A_2 masked %ge3A_4 {add = true} : memref<640x16xf32, #tpu.memory_space<vmem>>[vector<16xi32>, vector<16xi32>], vector<16xf32>, vector<16xi1>
      %dma_wait3A_1802 = arith.constant 0 : i32
      %dma_wait3A_1803 = tpu.memref_slice %arg7[%add3A_1633, %dma_wait3A_1802] : memref<160x125xi32, #tpu.memory_space<vmem>> -> memref<1x125xi32, #tpu.memory_space<vmem>>
      %dma_wait3A_1804 = tpu.memref_squeeze %dma_wait3A_1803 : memref<1x125xi32, #tpu.memory_space<vmem>> -> memref<125xi32, #tpu.memory_space<vmem>>
      %dma_wait3A_1805 = arith.constant 0 : i32
      %dma_wait3A_1806 = arith.constant 0 : i32
      %dma_wait3A_1807 = tpu.memref_slice %arg17[%dma_wait3A_1805, %dma_wait3A_1806] : memref<10240x64xf32, #tpu.memory_space<vmem_shared>> -> memref<10240x64xf32, #tpu.memory_space<vmem_shared>>
      tpu.wait_indirect_dma semaphore(%arg21 : memref<!tpu.dma_semaphore, #tpu.memory_space<semaphore_mem>>) src(%arg10 : memref<125x64xf32, #tpu.memory_space<vmem>>) dst(%dma_wait3A_1807 : memref<10240x64xf32, #tpu.memory_space<vmem_shared>>)
      %dma_wait3A_1808 = arith.constant 0 : i32
      %dma_wait3A_1809 = tpu.memref_slice %arg7[%add3A_1643, %dma_wait3A_1808] : memref<160x125xi32, #tpu.memory_space<vmem>> -> memref<1x125xi32, #tpu.memory_space<vmem>>
      %dma_wait3A_1810 = tpu.memref_squeeze %dma_wait3A_1809 : memref<1x125xi32, #tpu.memory_space<vmem>> -> memref<125xi32, #tpu.memory_space<vmem>>
      %dma_wait3A_1811 = arith.constant 0 : i32
      %dma_wait3A_1812 = arith.constant 0 : i32
      %dma_wait3A_1813 = tpu.memref_slice %arg17[%dma_wait3A_1811, %dma_wait3A_1812] : memref<10240x64xf32, #tpu.memory_space<vmem_shared>> -> memref<10240x64xf32, #tpu.memory_space<vmem_shared>>
      tpu.wait_indirect_dma semaphore(%arg21 : memref<!tpu.dma_semaphore, #tpu.memory_space<semaphore_mem>>) src(%arg11 : memref<125x64xf32, #tpu.memory_space<vmem>>) dst(%dma_wait3A_1813 : memref<10240x64xf32, #tpu.memory_space<vmem_shared>>)
    }
    %scan3A_1271 = arith.constant 40 : i32
    %dma_start3A_1272 = arith.constant 0 : i32
    %dma_start3A_1273 = arith.constant 0 : i32
    %dma_start3A_1274 = arith.constant 0 : i32
    %dma_start3A_1275 = tpu.memref_slice %arg12[%dma_start3A_1273, %dma_start3A_1274] : memref<640x16xf32, #tpu.memory_space<vmem>> -> memref<128x16xf32, #tpu.memory_space<vmem>>
    %dma_start3A_1276 = arith.constant 0 : i32
    %dma_start3A_1277 = tpu.memref_slice %arg13[%dma_start3A_1272, %dma_start3A_1276] : memref<5x128xi32, #tpu.memory_space<vmem>> -> memref<1x128xi32, #tpu.memory_space<vmem>>
    %dma_start3A_1278 = tpu.memref_squeeze %dma_start3A_1277 : memref<1x128xi32, #tpu.memory_space<vmem>> -> memref<128xi32, #tpu.memory_space<vmem>>
    %dma_start3A_1279 = arith.constant 0 : i32
    %dma_start3A_1280 = arith.constant 0 : i32
    %dma_start3A_1281 = tpu.memref_slice %arg18[%dma_start3A_1279, %dma_start3A_1280] : memref<640x16xf32, #tpu.memory_space<vmem_shared>> -> memref<640x16xf32, #tpu.memory_space<vmem_shared>>
    tpu.enqueue_indirect_dma source(%dma_start3A_1275 : memref<128x16xf32, #tpu.memory_space<vmem>>) target(%dma_start3A_1281 : memref<640x16xf32, #tpu.memory_space<vmem_shared>>) offsets(%dma_start3A_1278 : memref<128xi32, #tpu.memory_space<vmem>>) semaphore(%arg21 : memref<!tpu.dma_semaphore, #tpu.memory_space<semaphore_mem>>) {add = true}
    %dma_start3A_1282 = arith.constant 1 : i32
    %dma_start3A_1283 = arith.constant 128 : i32
    %dma_start3A_1284 = arith.constant 0 : i32
    %dma_start3A_1285 = tpu.memref_slice %arg12[%dma_start3A_1283, %dma_start3A_1284] : memref<640x16xf32, #tpu.memory_space<vmem>> -> memref<128x16xf32, #tpu.memory_space<vmem>>
    %dma_start3A_1286 = arith.constant 0 : i32
    %dma_start3A_1287 = tpu.memref_slice %arg13[%dma_start3A_1282, %dma_start3A_1286] : memref<5x128xi32, #tpu.memory_space<vmem>> -> memref<1x128xi32, #tpu.memory_space<vmem>>
    %dma_start3A_1288 = tpu.memref_squeeze %dma_start3A_1287 : memref<1x128xi32, #tpu.memory_space<vmem>> -> memref<128xi32, #tpu.memory_space<vmem>>
    %dma_start3A_1289 = arith.constant 0 : i32
    %dma_start3A_1290 = arith.constant 0 : i32
    %dma_start3A_1291 = tpu.memref_slice %arg18[%dma_start3A_1289, %dma_start3A_1290] : memref<640x16xf32, #tpu.memory_space<vmem_shared>> -> memref<640x16xf32, #tpu.memory_space<vmem_shared>>
    tpu.enqueue_indirect_dma source(%dma_start3A_1285 : memref<128x16xf32, #tpu.memory_space<vmem>>) target(%dma_start3A_1291 : memref<640x16xf32, #tpu.memory_space<vmem_shared>>) offsets(%dma_start3A_1288 : memref<128xi32, #tpu.memory_space<vmem>>) semaphore(%arg21 : memref<!tpu.dma_semaphore, #tpu.memory_space<semaphore_mem>>) {add = true}
    %dma_start3A_1292 = arith.constant 2 : i32
    %dma_start3A_1293 = arith.constant 256 : i32
    %dma_start3A_1294 = arith.constant 0 : i32
    %dma_start3A_1295 = tpu.memref_slice %arg12[%dma_start3A_1293, %dma_start3A_1294] : memref<640x16xf32, #tpu.memory_space<vmem>> -> memref<128x16xf32, #tpu.memory_space<vmem>>
    %dma_start3A_1296 = arith.constant 0 : i32
    %dma_start3A_1297 = tpu.memref_slice %arg13[%dma_start3A_1292, %dma_start3A_1296] : memref<5x128xi32, #tpu.memory_space<vmem>> -> memref<1x128xi32, #tpu.memory_space<vmem>>
    %dma_start3A_1298 = tpu.memref_squeeze %dma_start3A_1297 : memref<1x128xi32, #tpu.memory_space<vmem>> -> memref<128xi32, #tpu.memory_space<vmem>>
    %dma_start3A_1299 = arith.constant 0 : i32
    %dma_start3A_1300 = arith.constant 0 : i32
    %dma_start3A_1301 = tpu.memref_slice %arg18[%dma_start3A_1299, %dma_start3A_1300] : memref<640x16xf32, #tpu.memory_space<vmem_shared>> -> memref<640x16xf32, #tpu.memory_space<vmem_shared>>
    tpu.enqueue_indirect_dma source(%dma_start3A_1295 : memref<128x16xf32, #tpu.memory_space<vmem>>) target(%dma_start3A_1301 : memref<640x16xf32, #tpu.memory_space<vmem_shared>>) offsets(%dma_start3A_1298 : memref<128xi32, #tpu.memory_space<vmem>>) semaphore(%arg21 : memref<!tpu.dma_semaphore, #tpu.memory_space<semaphore_mem>>) {add = true}
    %dma_start3A_1302 = arith.constant 3 : i32
    %dma_start3A_1303 = arith.constant 384 : i32
    %dma_start3A_1304 = arith.constant 0 : i32
    %dma_start3A_1305 = tpu.memref_slice %arg12[%dma_start3A_1303, %dma_start3A_1304] : memref<640x16xf32, #tpu.memory_space<vmem>> -> memref<128x16xf32, #tpu.memory_space<vmem>>
    %dma_start3A_1306 = arith.constant 0 : i32
    %dma_start3A_1307 = tpu.memref_slice %arg13[%dma_start3A_1302, %dma_start3A_1306] : memref<5x128xi32, #tpu.memory_space<vmem>> -> memref<1x128xi32, #tpu.memory_space<vmem>>
    %dma_start3A_1308 = tpu.memref_squeeze %dma_start3A_1307 : memref<1x128xi32, #tpu.memory_space<vmem>> -> memref<128xi32, #tpu.memory_space<vmem>>
    %dma_start3A_1309 = arith.constant 0 : i32
    %dma_start3A_1310 = arith.constant 0 : i32
    %dma_start3A_1311 = tpu.memref_slice %arg18[%dma_start3A_1309, %dma_start3A_1310] : memref<640x16xf32, #tpu.memory_space<vmem_shared>> -> memref<640x16xf32, #tpu.memory_space<vmem_shared>>
    tpu.enqueue_indirect_dma source(%dma_start3A_1305 : memref<128x16xf32, #tpu.memory_space<vmem>>) target(%dma_start3A_1311 : memref<640x16xf32, #tpu.memory_space<vmem_shared>>) offsets(%dma_start3A_1308 : memref<128xi32, #tpu.memory_space<vmem>>) semaphore(%arg21 : memref<!tpu.dma_semaphore, #tpu.memory_space<semaphore_mem>>) {add = true}
    %dma_start3A_1312 = arith.constant 4 : i32
    %dma_start3A_1313 = arith.constant 512 : i32
    %dma_start3A_1314 = arith.constant 0 : i32
    %dma_start3A_1315 = tpu.memref_slice %arg12[%dma_start3A_1313, %dma_start3A_1314] : memref<640x16xf32, #tpu.memory_space<vmem>> -> memref<128x16xf32, #tpu.memory_space<vmem>>
    %dma_start3A_1316 = arith.constant 0 : i32
    %dma_start3A_1317 = tpu.memref_slice %arg13[%dma_start3A_1312, %dma_start3A_1316] : memref<5x128xi32, #tpu.memory_space<vmem>> -> memref<1x128xi32, #tpu.memory_space<vmem>>
    %dma_start3A_1318 = tpu.memref_squeeze %dma_start3A_1317 : memref<1x128xi32, #tpu.memory_space<vmem>> -> memref<128xi32, #tpu.memory_space<vmem>>
    %dma_start3A_1319 = arith.constant 0 : i32
    %dma_start3A_1320 = arith.constant 0 : i32
    %dma_start3A_1321 = tpu.memref_slice %arg18[%dma_start3A_1319, %dma_start3A_1320] : memref<640x16xf32, #tpu.memory_space<vmem_shared>> -> memref<640x16xf32, #tpu.memory_space<vmem_shared>>
    tpu.enqueue_indirect_dma source(%dma_start3A_1315 : memref<128x16xf32, #tpu.memory_space<vmem>>) target(%dma_start3A_1321 : memref<640x16xf32, #tpu.memory_space<vmem_shared>>) offsets(%dma_start3A_1318 : memref<128xi32, #tpu.memory_space<vmem>>) semaphore(%arg21 : memref<!tpu.dma_semaphore, #tpu.memory_space<semaphore_mem>>) {add = true}
    %dma_wait3A_1322 = arith.constant 0 : i32
    %dma_wait3A_1323 = arith.constant 0 : i32
    %dma_wait3A_1324 = arith.constant 0 : i32
    %dma_wait3A_1325 = tpu.memref_slice %arg12[%dma_wait3A_1323, %dma_wait3A_1324] : memref<640x16xf32, #tpu.memory_space<vmem>> -> memref<128x16xf32, #tpu.memory_space<vmem>>
    %dma_wait3A_1326 = arith.constant 0 : i32
    %dma_wait3A_1327 = tpu.memref_slice %arg13[%dma_wait3A_1322, %dma_wait3A_1326] : memref<5x128xi32, #tpu.memory_space<vmem>> -> memref<1x128xi32, #tpu.memory_space<vmem>>
    %dma_wait3A_1328 = tpu.memref_squeeze %dma_wait3A_1327 : memref<1x128xi32, #tpu.memory_space<vmem>> -> memref<128xi32, #tpu.memory_space<vmem>>
    %dma_wait3A_1329 = arith.constant 0 : i32
    %dma_wait3A_1330 = arith.constant 0 : i32
    %dma_wait3A_1331 = tpu.memref_slice %arg18[%dma_wait3A_1329, %dma_wait3A_1330] : memref<640x16xf32, #tpu.memory_space<vmem_shared>> -> memref<640x16xf32, #tpu.memory_space<vmem_shared>>
    tpu.wait_indirect_dma semaphore(%arg21 : memref<!tpu.dma_semaphore, #tpu.memory_space<semaphore_mem>>) src(%dma_wait3A_1325 : memref<128x16xf32, #tpu.memory_space<vmem>>) dst(%dma_wait3A_1331 : memref<640x16xf32, #tpu.memory_space<vmem_shared>>)
    %dma_wait3A_1332 = arith.constant 1 : i32
    %dma_wait3A_1333 = arith.constant 128 : i32
    %dma_wait3A_1334 = arith.constant 0 : i32
    %dma_wait3A_1335 = tpu.memref_slice %arg12[%dma_wait3A_1333, %dma_wait3A_1334] : memref<640x16xf32, #tpu.memory_space<vmem>> -> memref<128x16xf32, #tpu.memory_space<vmem>>
    %dma_wait3A_1336 = arith.constant 0 : i32
    %dma_wait3A_1337 = tpu.memref_slice %arg13[%dma_wait3A_1332, %dma_wait3A_1336] : memref<5x128xi32, #tpu.memory_space<vmem>> -> memref<1x128xi32, #tpu.memory_space<vmem>>
    %dma_wait3A_1338 = tpu.memref_squeeze %dma_wait3A_1337 : memref<1x128xi32, #tpu.memory_space<vmem>> -> memref<128xi32, #tpu.memory_space<vmem>>
    %dma_wait3A_1339 = arith.constant 0 : i32
    %dma_wait3A_1340 = arith.constant 0 : i32
    %dma_wait3A_1341 = tpu.memref_slice %arg18[%dma_wait3A_1339, %dma_wait3A_1340] : memref<640x16xf32, #tpu.memory_space<vmem_shared>> -> memref<640x16xf32, #tpu.memory_space<vmem_shared>>
    tpu.wait_indirect_dma semaphore(%arg21 : memref<!tpu.dma_semaphore, #tpu.memory_space<semaphore_mem>>) src(%dma_wait3A_1335 : memref<128x16xf32, #tpu.memory_space<vmem>>) dst(%dma_wait3A_1341 : memref<640x16xf32, #tpu.memory_space<vmem_shared>>)
    %dma_wait3A_1342 = arith.constant 2 : i32
    %dma_wait3A_1343 = arith.constant 256 : i32
    %dma_wait3A_1344 = arith.constant 0 : i32
    %dma_wait3A_1345 = tpu.memref_slice %arg12[%dma_wait3A_1343, %dma_wait3A_1344] : memref<640x16xf32, #tpu.memory_space<vmem>> -> memref<128x16xf32, #tpu.memory_space<vmem>>
    %dma_wait3A_1346 = arith.constant 0 : i32
    %dma_wait3A_1347 = tpu.memref_slice %arg13[%dma_wait3A_1342, %dma_wait3A_1346] : memref<5x128xi32, #tpu.memory_space<vmem>> -> memref<1x128xi32, #tpu.memory_space<vmem>>
    %dma_wait3A_1348 = tpu.memref_squeeze %dma_wait3A_1347 : memref<1x128xi32, #tpu.memory_space<vmem>> -> memref<128xi32, #tpu.memory_space<vmem>>
    %dma_wait3A_1349 = arith.constant 0 : i32
    %dma_wait3A_1350 = arith.constant 0 : i32
    %dma_wait3A_1351 = tpu.memref_slice %arg18[%dma_wait3A_1349, %dma_wait3A_1350] : memref<640x16xf32, #tpu.memory_space<vmem_shared>> -> memref<640x16xf32, #tpu.memory_space<vmem_shared>>
    tpu.wait_indirect_dma semaphore(%arg21 : memref<!tpu.dma_semaphore, #tpu.memory_space<semaphore_mem>>) src(%dma_wait3A_1345 : memref<128x16xf32, #tpu.memory_space<vmem>>) dst(%dma_wait3A_1351 : memref<640x16xf32, #tpu.memory_space<vmem_shared>>)
    %dma_wait3A_1352 = arith.constant 3 : i32
    %dma_wait3A_1353 = arith.constant 384 : i32
    %dma_wait3A_1354 = arith.constant 0 : i32
    %dma_wait3A_1355 = tpu.memref_slice %arg12[%dma_wait3A_1353, %dma_wait3A_1354] : memref<640x16xf32, #tpu.memory_space<vmem>> -> memref<128x16xf32, #tpu.memory_space<vmem>>
    %dma_wait3A_1356 = arith.constant 0 : i32
    %dma_wait3A_1357 = tpu.memref_slice %arg13[%dma_wait3A_1352, %dma_wait3A_1356] : memref<5x128xi32, #tpu.memory_space<vmem>> -> memref<1x128xi32, #tpu.memory_space<vmem>>
    %dma_wait3A_1358 = tpu.memref_squeeze %dma_wait3A_1357 : memref<1x128xi32, #tpu.memory_space<vmem>> -> memref<128xi32, #tpu.memory_space<vmem>>
    %dma_wait3A_1359 = arith.constant 0 : i32
    %dma_wait3A_1360 = arith.constant 0 : i32
    %dma_wait3A_1361 = tpu.memref_slice %arg18[%dma_wait3A_1359, %dma_wait3A_1360] : memref<640x16xf32, #tpu.memory_space<vmem_shared>> -> memref<640x16xf32, #tpu.memory_space<vmem_shared>>
    tpu.wait_indirect_dma semaphore(%arg21 : memref<!tpu.dma_semaphore, #tpu.memory_space<semaphore_mem>>) src(%dma_wait3A_1355 : memref<128x16xf32, #tpu.memory_space<vmem>>) dst(%dma_wait3A_1361 : memref<640x16xf32, #tpu.memory_space<vmem_shared>>)
    %dma_wait3A_1362 = arith.constant 4 : i32
    %dma_wait3A_1363 = arith.constant 512 : i32
    %dma_wait3A_1364 = arith.constant 0 : i32
    %dma_wait3A_1365 = tpu.memref_slice %arg12[%dma_wait3A_1363, %dma_wait3A_1364] : memref<640x16xf32, #tpu.memory_space<vmem>> -> memref<128x16xf32, #tpu.memory_space<vmem>>
    %dma_wait3A_1366 = arith.constant 0 : i32
    %dma_wait3A_1367 = tpu.memref_slice %arg13[%dma_wait3A_1362, %dma_wait3A_1366] : memref<5x128xi32, #tpu.memory_space<vmem>> -> memref<1x128xi32, #tpu.memory_space<vmem>>
    %dma_wait3A_1368 = tpu.memref_squeeze %dma_wait3A_1367 : memref<1x128xi32, #tpu.memory_space<vmem>> -> memref<128xi32, #tpu.memory_space<vmem>>
    %dma_wait3A_1369 = arith.constant 0 : i32
    %dma_wait3A_1370 = arith.constant 0 : i32
    %dma_wait3A_1371 = tpu.memref_slice %arg18[%dma_wait3A_1369, %dma_wait3A_1370] : memref<640x16xf32, #tpu.memory_space<vmem_shared>> -> memref<640x16xf32, #tpu.memory_space<vmem_shared>>
    tpu.wait_indirect_dma semaphore(%arg21 : memref<!tpu.dma_semaphore, #tpu.memory_space<semaphore_mem>>) src(%dma_wait3A_1365 : memref<128x16xf32, #tpu.memory_space<vmem>>) dst(%dma_wait3A_1371 : memref<640x16xf32, #tpu.memory_space<vmem_shared>>)
    %barrier3A_1372 = arith.constant 0 : index
    tpu.barrier barrier_id(%barrier3A_1372)
    %mul3A_1373 = arith.constant 40 : i32
    %mul3A_1374 = arith.muli %arg1, %mul3A_1373 : i32
    "tpu.region"() ({
      %run_scoped3A = tpu.sem_alloc : memref<!tpu.dma_semaphore, #tpu.memory_space<semaphore_mem>>
      %dma_start3A_1387 = arith.constant 0 : i32
      %dma_start3A_1388 = arith.constant 0 : i32
      %dma_start3A_1389 = tpu.memref_slice %arg12[%dma_start3A_1387, %dma_start3A_1388] : memref<640x16xf32, #tpu.memory_space<vmem>> -> memref<40x16xf32, #tpu.memory_space<vmem>>
      %dma_start3A_1390 = arith.constant 0 : i32
      %dma_start3A_1391 = tpu.memref_slice %arg18[%mul3A_1374, %dma_start3A_1390] : memref<640x16xf32, #tpu.memory_space<vmem_shared>> -> memref<40x16xf32, #tpu.memory_space<vmem_shared>>
      %dma_start3A_1392 = arith.constant 0 : i32
      %dma_start3A_1393 = arith.constant 0 : i32
      %dma_start3A_1394 = tpu.memref_slice %arg12[%dma_start3A_1392, %dma_start3A_1393] : memref<640x16xf32, #tpu.memory_space<vmem>> -> memref<40x16xf32, #tpu.memory_space<vmem>>
      %dma_start3A_1395 = arith.constant 0 : i32
      %dma_start3A_1396 = tpu.memref_slice %arg18[%mul3A_1374, %dma_start3A_1395] : memref<640x16xf32, #tpu.memory_space<vmem_shared>> -> memref<40x16xf32, #tpu.memory_space<vmem_shared>>
      tpu.enqueue_dma source(%dma_start3A_1396 : memref<40x16xf32, #tpu.memory_space<vmem_shared>>) target(%dma_start3A_1394 : memref<40x16xf32, #tpu.memory_space<vmem>>) target_semaphore(%run_scoped3A : memref<!tpu.dma_semaphore, #tpu.memory_space<semaphore_mem>>)
      %dma_wait3A_1397 = arith.constant 0 : i32
      %dma_wait3A_1398 = arith.constant 0 : i32
      %dma_wait3A_1399 = tpu.memref_slice %arg12[%dma_wait3A_1397, %dma_wait3A_1398] : memref<640x16xf32, #tpu.memory_space<vmem>> -> memref<40x16xf32, #tpu.memory_space<vmem>>
      %dma_wait3A_1400 = arith.constant 0 : i32
      %dma_wait3A_1401 = tpu.memref_slice %arg18[%mul3A_1374, %dma_wait3A_1400] : memref<640x16xf32, #tpu.memory_space<vmem_shared>> -> memref<40x16xf32, #tpu.memory_space<vmem_shared>>
      %dma_wait3A_1402 = arith.constant 0 : i32
      %dma_wait3A_1403 = arith.constant 0 : i32
      %dma_wait3A_1404 = tpu.memref_slice %arg12[%dma_wait3A_1402, %dma_wait3A_1403] : memref<640x16xf32, #tpu.memory_space<vmem>> -> memref<40x16xf32, #tpu.memory_space<vmem>>
      %dma_wait3A_1405 = arith.constant 0 : i32
      %dma_wait3A_1406 = tpu.memref_slice %arg18[%mul3A_1374, %dma_wait3A_1405] : memref<640x16xf32, #tpu.memory_space<vmem_shared>> -> memref<40x16xf32, #tpu.memory_space<vmem_shared>>
      tpu.wait_dma2 semaphore(%run_scoped3A : memref<!tpu.dma_semaphore, #tpu.memory_space<semaphore_mem>>) src(%dma_wait3A_1406 : memref<40x16xf32, #tpu.memory_space<vmem_shared>>) dst(%dma_wait3A_1404 : memref<40x16xf32, #tpu.memory_space<vmem>>)
      tpu.yield
    }) : () -> ()
    %scan3A_1375 = arith.constant 0 : i32
    %scan3A_1376 = arith.constant 0 : i32
    %scan3A_1377 = arith.constant 40 : i32
    %scan3A_1378 = arith.addi %scan3A_1376, %scan3A_1377 : i32
    %scan3A_1379 = arith.constant 1 : i32
    scf.for %scan3A_1387 = %scan3A_1376 to %scan3A_1378 step %scan3A_1379  : i32 {
      %sub3A = arith.constant 39 : i32
      %sub3A_1388 = arith.subi %sub3A, %scan3A_1387 : i32
      %get3A_1389 = arith.index_cast %sub3A_1388 : i32 to index
      %get3A_1390 = arith.constant 0 : index
      %get3A_1391 = tpu.vector_load %arg12[%get3A_1389, %get3A_1390] {strides = array<i32>} : memref<640x16xf32, #tpu.memory_space<vmem>>, vector<16xf32>,
      %max3A = arith.constant 1.000000e+00 : f32
      %max3A_1392 = vector.broadcast %max3A : f32 to vector<16xf32>
      %max3A_1393 = arith.maximumf %get3A_1391, %max3A_1392 : vector<16xf32>
      %div3A = arith.constant 1.000000e+00 : f32
      %div3A_1394 = vector.broadcast %div3A : f32 to vector<16xf32>
      %div3A_1395 = arith.divf %div3A_1394, %max3A_1393 : vector<16xf32>
      %slice3A = vector.extract_strided_slice %div3A_1395 {offsets = [0], sizes = [1], strides = [1]} : vector<16xf32> to vector<1xf32>
      %squeeze3A = vector.extract %slice3A[0] : f32 from vector<1xf32>
      %broadcast_in_dim3A_1396 = vector.broadcast %squeeze3A : f32 to vector<16xf32>
      %mul3A_1397 = arith.constant 16 : i32
      %mul3A_1398 = arith.muli %mul3A_1397, %sub3A_1388 : i32
      %add3A_1399 = arith.constant 0 : i32
      %add3A_1400 = arith.addi %mul3A_1398, %add3A_1399 : i32
      %swap3A_1401 = arith.index_cast %add3A_1400 : i32 to index
      %swap3A_1402 = arith.constant 0 : index
      %swap3A_1403 = tpu.vector_load %arg12[%swap3A_1401, %swap3A_1402] {strides = array<i32>} : memref<640x16xf32, #tpu.memory_space<vmem>>, vector<16xf32>,
      tpu.vector_store %arg12[%swap3A_1401, %swap3A_1402], %broadcast_in_dim3A_1396 {strides = array<i32>} : memref<640x16xf32, #tpu.memory_space<vmem>>, vector<16xf32>,
      %slice3A_1404 = vector.extract_strided_slice %div3A_1395 {offsets = [1], sizes = [1], strides = [1]} : vector<16xf32> to vector<1xf32>
      %squeeze3A_1405 = vector.extract %slice3A_1404[0] : f32 from vector<1xf32>
      %broadcast_in_dim3A_1406 = vector.broadcast %squeeze3A_1405 : f32 to vector<16xf32>
      %mul3A_1407 = arith.constant 16 : i32
      %mul3A_1408 = arith.muli %mul3A_1407, %sub3A_1388 : i32
      %add3A_1409 = arith.constant 1 : i32
      %add3A_1410 = arith.addi %mul3A_1408, %add3A_1409 : i32
      %swap3A_1411 = arith.index_cast %add3A_1410 : i32 to index
      %swap3A_1412 = arith.constant 0 : index
      %swap3A_1413 = tpu.vector_load %arg12[%swap3A_1411, %swap3A_1412] {strides = array<i32>} : memref<640x16xf32, #tpu.memory_space<vmem>>, vector<16xf32>,
      tpu.vector_store %arg12[%swap3A_1411, %swap3A_1412], %broadcast_in_dim3A_1406 {strides = array<i32>} : memref<640x16xf32, #tpu.memory_space<vmem>>, vector<16xf32>,
      %slice3A_1414 = vector.extract_strided_slice %div3A_1395 {offsets = [2], sizes = [1], strides = [1]} : vector<16xf32> to vector<1xf32>
      %squeeze3A_1415 = vector.extract %slice3A_1414[0] : f32 from vector<1xf32>
      %broadcast_in_dim3A_1416 = vector.broadcast %squeeze3A_1415 : f32 to vector<16xf32>
      %mul3A_1417 = arith.constant 16 : i32
      %mul3A_1418 = arith.muli %mul3A_1417, %sub3A_1388 : i32
      %add3A_1419 = arith.constant 2 : i32
      %add3A_1420 = arith.addi %mul3A_1418, %add3A_1419 : i32
      %swap3A_1421 = arith.index_cast %add3A_1420 : i32 to index
      %swap3A_1422 = arith.constant 0 : index
      %swap3A_1423 = tpu.vector_load %arg12[%swap3A_1421, %swap3A_1422] {strides = array<i32>} : memref<640x16xf32, #tpu.memory_space<vmem>>, vector<16xf32>,
      tpu.vector_store %arg12[%swap3A_1421, %swap3A_1422], %broadcast_in_dim3A_1416 {strides = array<i32>} : memref<640x16xf32, #tpu.memory_space<vmem>>, vector<16xf32>,
      %slice3A_1424 = vector.extract_strided_slice %div3A_1395 {offsets = [3], sizes = [1], strides = [1]} : vector<16xf32> to vector<1xf32>
      %squeeze3A_1425 = vector.extract %slice3A_1424[0] : f32 from vector<1xf32>
      %broadcast_in_dim3A_1426 = vector.broadcast %squeeze3A_1425 : f32 to vector<16xf32>
      %mul3A_1427 = arith.constant 16 : i32
      %mul3A_1428 = arith.muli %mul3A_1427, %sub3A_1388 : i32
      %add3A_1429 = arith.constant 3 : i32
      %add3A_1430 = arith.addi %mul3A_1428, %add3A_1429 : i32
      %swap3A_1431 = arith.index_cast %add3A_1430 : i32 to index
      %swap3A_1432 = arith.constant 0 : index
      %swap3A_1433 = tpu.vector_load %arg12[%swap3A_1431, %swap3A_1432] {strides = array<i32>} : memref<640x16xf32, #tpu.memory_space<vmem>>, vector<16xf32>,
      tpu.vector_store %arg12[%swap3A_1431, %swap3A_1432], %broadcast_in_dim3A_1426 {strides = array<i32>} : memref<640x16xf32, #tpu.memory_space<vmem>>, vector<16xf32>,
      %slice3A_1434 = vector.extract_strided_slice %div3A_1395 {offsets = [4], sizes = [1], strides = [1]} : vector<16xf32> to vector<1xf32>
      %squeeze3A_1435 = vector.extract %slice3A_1434[0] : f32 from vector<1xf32>
      %broadcast_in_dim3A_1436 = vector.broadcast %squeeze3A_1435 : f32 to vector<16xf32>
      %mul3A_1437 = arith.constant 16 : i32
      %mul3A_1438 = arith.muli %mul3A_1437, %sub3A_1388 : i32
      %add3A_1439 = arith.constant 4 : i32
      %add3A_1440 = arith.addi %mul3A_1438, %add3A_1439 : i32
      %swap3A_1441 = arith.index_cast %add3A_1440 : i32 to index
      %swap3A_1442 = arith.constant 0 : index
      %swap3A_1443 = tpu.vector_load %arg12[%swap3A_1441, %swap3A_1442] {strides = array<i32>} : memref<640x16xf32, #tpu.memory_space<vmem>>, vector<16xf32>,
      tpu.vector_store %arg12[%swap3A_1441, %swap3A_1442], %broadcast_in_dim3A_1436 {strides = array<i32>} : memref<640x16xf32, #tpu.memory_space<vmem>>, vector<16xf32>,
      %slice3A_1444 = vector.extract_strided_slice %div3A_1395 {offsets = [5], sizes = [1], strides = [1]} : vector<16xf32> to vector<1xf32>
      %squeeze3A_1445 = vector.extract %slice3A_1444[0] : f32 from vector<1xf32>
      %broadcast_in_dim3A_1446 = vector.broadcast %squeeze3A_1445 : f32 to vector<16xf32>
      %mul3A_1447 = arith.constant 16 : i32
      %mul3A_1448 = arith.muli %mul3A_1447, %sub3A_1388 : i32
      %add3A_1449 = arith.constant 5 : i32
      %add3A_1450 = arith.addi %mul3A_1448, %add3A_1449 : i32
      %swap3A_1451 = arith.index_cast %add3A_1450 : i32 to index
      %swap3A_1452 = arith.constant 0 : index
      %swap3A_1453 = tpu.vector_load %arg12[%swap3A_1451, %swap3A_1452] {strides = array<i32>} : memref<640x16xf32, #tpu.memory_space<vmem>>, vector<16xf32>,
      tpu.vector_store %arg12[%swap3A_1451, %swap3A_1452], %broadcast_in_dim3A_1446 {strides = array<i32>} : memref<640x16xf32, #tpu.memory_space<vmem>>, vector<16xf32>,
      %slice3A_1454 = vector.extract_strided_slice %div3A_1395 {offsets = [6], sizes = [1], strides = [1]} : vector<16xf32> to vector<1xf32>
      %squeeze3A_1455 = vector.extract %slice3A_1454[0] : f32 from vector<1xf32>
      %broadcast_in_dim3A_1456 = vector.broadcast %squeeze3A_1455 : f32 to vector<16xf32>
      %mul3A_1457 = arith.constant 16 : i32
      %mul3A_1458 = arith.muli %mul3A_1457, %sub3A_1388 : i32
      %add3A_1459 = arith.constant 6 : i32
      %add3A_1460 = arith.addi %mul3A_1458, %add3A_1459 : i32
      %swap3A_1461 = arith.index_cast %add3A_1460 : i32 to index
      %swap3A_1462 = arith.constant 0 : index
      %swap3A_1463 = tpu.vector_load %arg12[%swap3A_1461, %swap3A_1462] {strides = array<i32>} : memref<640x16xf32, #tpu.memory_space<vmem>>, vector<16xf32>,
      tpu.vector_store %arg12[%swap3A_1461, %swap3A_1462], %broadcast_in_dim3A_1456 {strides = array<i32>} : memref<640x16xf32, #tpu.memory_space<vmem>>, vector<16xf32>,
      %slice3A_1464 = vector.extract_strided_slice %div3A_1395 {offsets = [7], sizes = [1], strides = [1]} : vector<16xf32> to vector<1xf32>
      %squeeze3A_1465 = vector.extract %slice3A_1464[0] : f32 from vector<1xf32>
      %broadcast_in_dim3A_1466 = vector.broadcast %squeeze3A_1465 : f32 to vector<16xf32>
      %mul3A_1467 = arith.constant 16 : i32
      %mul3A_1468 = arith.muli %mul3A_1467, %sub3A_1388 : i32
      %add3A_1469 = arith.constant 7 : i32
      %add3A_1470 = arith.addi %mul3A_1468, %add3A_1469 : i32
      %swap3A_1471 = arith.index_cast %add3A_1470 : i32 to index
      %swap3A_1472 = arith.constant 0 : index
      %swap3A_1473 = tpu.vector_load %arg12[%swap3A_1471, %swap3A_1472] {strides = array<i32>} : memref<640x16xf32, #tpu.memory_space<vmem>>, vector<16xf32>,
      tpu.vector_store %arg12[%swap3A_1471, %swap3A_1472], %broadcast_in_dim3A_1466 {strides = array<i32>} : memref<640x16xf32, #tpu.memory_space<vmem>>, vector<16xf32>,
      %slice3A_1474 = vector.extract_strided_slice %div3A_1395 {offsets = [8], sizes = [1], strides = [1]} : vector<16xf32> to vector<1xf32>
      %squeeze3A_1475 = vector.extract %slice3A_1474[0] : f32 from vector<1xf32>
      %broadcast_in_dim3A_1476 = vector.broadcast %squeeze3A_1475 : f32 to vector<16xf32>
      %mul3A_1477 = arith.constant 16 : i32
      %mul3A_1478 = arith.muli %mul3A_1477, %sub3A_1388 : i32
      %add3A_1479 = arith.constant 8 : i32
      %add3A_1480 = arith.addi %mul3A_1478, %add3A_1479 : i32
      %swap3A_1481 = arith.index_cast %add3A_1480 : i32 to index
      %swap3A_1482 = arith.constant 0 : index
      %swap3A_1483 = tpu.vector_load %arg12[%swap3A_1481, %swap3A_1482] {strides = array<i32>} : memref<640x16xf32, #tpu.memory_space<vmem>>, vector<16xf32>,
      tpu.vector_store %arg12[%swap3A_1481, %swap3A_1482], %broadcast_in_dim3A_1476 {strides = array<i32>} : memref<640x16xf32, #tpu.memory_space<vmem>>, vector<16xf32>,
      %slice3A_1484 = vector.extract_strided_slice %div3A_1395 {offsets = [9], sizes = [1], strides = [1]} : vector<16xf32> to vector<1xf32>
      %squeeze3A_1485 = vector.extract %slice3A_1484[0] : f32 from vector<1xf32>
      %broadcast_in_dim3A_1486 = vector.broadcast %squeeze3A_1485 : f32 to vector<16xf32>
      %mul3A_1487 = arith.constant 16 : i32
      %mul3A_1488 = arith.muli %mul3A_1487, %sub3A_1388 : i32
      %add3A_1489 = arith.constant 9 : i32
      %add3A_1490 = arith.addi %mul3A_1488, %add3A_1489 : i32
      %swap3A_1491 = arith.index_cast %add3A_1490 : i32 to index
      %swap3A_1492 = arith.constant 0 : index
      %swap3A_1493 = tpu.vector_load %arg12[%swap3A_1491, %swap3A_1492] {strides = array<i32>} : memref<640x16xf32, #tpu.memory_space<vmem>>, vector<16xf32>,
      tpu.vector_store %arg12[%swap3A_1491, %swap3A_1492], %broadcast_in_dim3A_1486 {strides = array<i32>} : memref<640x16xf32, #tpu.memory_space<vmem>>, vector<16xf32>,
      %slice3A_1494 = vector.extract_strided_slice %div3A_1395 {offsets = [10], sizes = [1], strides = [1]} : vector<16xf32> to vector<1xf32>
      %squeeze3A_1495 = vector.extract %slice3A_1494[0] : f32 from vector<1xf32>
      %broadcast_in_dim3A_1496 = vector.broadcast %squeeze3A_1495 : f32 to vector<16xf32>
      %mul3A_1497 = arith.constant 16 : i32
      %mul3A_1498 = arith.muli %mul3A_1497, %sub3A_1388 : i32
      %add3A_1499 = arith.constant 10 : i32
      %add3A_1500 = arith.addi %mul3A_1498, %add3A_1499 : i32
      %swap3A_1501 = arith.index_cast %add3A_1500 : i32 to index
      %swap3A_1502 = arith.constant 0 : index
      %swap3A_1503 = tpu.vector_load %arg12[%swap3A_1501, %swap3A_1502] {strides = array<i32>} : memref<640x16xf32, #tpu.memory_space<vmem>>, vector<16xf32>,
      tpu.vector_store %arg12[%swap3A_1501, %swap3A_1502], %broadcast_in_dim3A_1496 {strides = array<i32>} : memref<640x16xf32, #tpu.memory_space<vmem>>, vector<16xf32>,
      %slice3A_1504 = vector.extract_strided_slice %div3A_1395 {offsets = [11], sizes = [1], strides = [1]} : vector<16xf32> to vector<1xf32>
      %squeeze3A_1505 = vector.extract %slice3A_1504[0] : f32 from vector<1xf32>
      %broadcast_in_dim3A_1506 = vector.broadcast %squeeze3A_1505 : f32 to vector<16xf32>
      %mul3A_1507 = arith.constant 16 : i32
      %mul3A_1508 = arith.muli %mul3A_1507, %sub3A_1388 : i32
      %add3A_1509 = arith.constant 11 : i32
      %add3A_1510 = arith.addi %mul3A_1508, %add3A_1509 : i32
      %swap3A_1511 = arith.index_cast %add3A_1510 : i32 to index
      %swap3A_1512 = arith.constant 0 : index
      %swap3A_1513 = tpu.vector_load %arg12[%swap3A_1511, %swap3A_1512] {strides = array<i32>} : memref<640x16xf32, #tpu.memory_space<vmem>>, vector<16xf32>,
      tpu.vector_store %arg12[%swap3A_1511, %swap3A_1512], %broadcast_in_dim3A_1506 {strides = array<i32>} : memref<640x16xf32, #tpu.memory_space<vmem>>, vector<16xf32>,
      %slice3A_1514 = vector.extract_strided_slice %div3A_1395 {offsets = [12], sizes = [1], strides = [1]} : vector<16xf32> to vector<1xf32>
      %squeeze3A_1515 = vector.extract %slice3A_1514[0] : f32 from vector<1xf32>
      %broadcast_in_dim3A_1516 = vector.broadcast %squeeze3A_1515 : f32 to vector<16xf32>
      %mul3A_1517 = arith.constant 16 : i32
      %mul3A_1518 = arith.muli %mul3A_1517, %sub3A_1388 : i32
      %add3A_1519 = arith.constant 12 : i32
      %add3A_1520 = arith.addi %mul3A_1518, %add3A_1519 : i32
      %swap3A_1521 = arith.index_cast %add3A_1520 : i32 to index
      %swap3A_1522 = arith.constant 0 : index
      %swap3A_1523 = tpu.vector_load %arg12[%swap3A_1521, %swap3A_1522] {strides = array<i32>} : memref<640x16xf32, #tpu.memory_space<vmem>>, vector<16xf32>,
      tpu.vector_store %arg12[%swap3A_1521, %swap3A_1522], %broadcast_in_dim3A_1516 {strides = array<i32>} : memref<640x16xf32, #tpu.memory_space<vmem>>, vector<16xf32>,
      %slice3A_1524 = vector.extract_strided_slice %div3A_1395 {offsets = [13], sizes = [1], strides = [1]} : vector<16xf32> to vector<1xf32>
      %squeeze3A_1525 = vector.extract %slice3A_1524[0] : f32 from vector<1xf32>
      %broadcast_in_dim3A_1526 = vector.broadcast %squeeze3A_1525 : f32 to vector<16xf32>
      %mul3A_1527 = arith.constant 16 : i32
      %mul3A_1528 = arith.muli %mul3A_1527, %sub3A_1388 : i32
      %add3A_1529 = arith.constant 13 : i32
      %add3A_1530 = arith.addi %mul3A_1528, %add3A_1529 : i32
      %swap3A_1531 = arith.index_cast %add3A_1530 : i32 to index
      %swap3A_1532 = arith.constant 0 : index
      %swap3A_1533 = tpu.vector_load %arg12[%swap3A_1531, %swap3A_1532] {strides = array<i32>} : memref<640x16xf32, #tpu.memory_space<vmem>>, vector<16xf32>,
      tpu.vector_store %arg12[%swap3A_1531, %swap3A_1532], %broadcast_in_dim3A_1526 {strides = array<i32>} : memref<640x16xf32, #tpu.memory_space<vmem>>, vector<16xf32>,
      %slice3A_1534 = vector.extract_strided_slice %div3A_1395 {offsets = [14], sizes = [1], strides = [1]} : vector<16xf32> to vector<1xf32>
      %squeeze3A_1535 = vector.extract %slice3A_1534[0] : f32 from vector<1xf32>
      %broadcast_in_dim3A_1536 = vector.broadcast %squeeze3A_1535 : f32 to vector<16xf32>
      %mul3A_1537 = arith.constant 16 : i32
      %mul3A_1538 = arith.muli %mul3A_1537, %sub3A_1388 : i32
      %add3A_1539 = arith.constant 14 : i32
      %add3A_1540 = arith.addi %mul3A_1538, %add3A_1539 : i32
      %swap3A_1541 = arith.index_cast %add3A_1540 : i32 to index
      %swap3A_1542 = arith.constant 0 : index
      %swap3A_1543 = tpu.vector_load %arg12[%swap3A_1541, %swap3A_1542] {strides = array<i32>} : memref<640x16xf32, #tpu.memory_space<vmem>>, vector<16xf32>,
      tpu.vector_store %arg12[%swap3A_1541, %swap3A_1542], %broadcast_in_dim3A_1536 {strides = array<i32>} : memref<640x16xf32, #tpu.memory_space<vmem>>, vector<16xf32>,
      %slice3A_1544 = vector.extract_strided_slice %div3A_1395 {offsets = [15], sizes = [1], strides = [1]} : vector<16xf32> to vector<1xf32>
      %squeeze3A_1545 = vector.extract %slice3A_1544[0] : f32 from vector<1xf32>
      %broadcast_in_dim3A_1546 = vector.broadcast %squeeze3A_1545 : f32 to vector<16xf32>
      %mul3A_1547 = arith.constant 16 : i32
      %mul3A_1548 = arith.muli %mul3A_1547, %sub3A_1388 : i32
      %add3A_1549 = arith.constant 15 : i32
      %add3A_1550 = arith.addi %mul3A_1548, %add3A_1549 : i32
      %swap3A_1551 = arith.index_cast %add3A_1550 : i32 to index
      %swap3A_1552 = arith.constant 0 : index
      %swap3A_1553 = tpu.vector_load %arg12[%swap3A_1551, %swap3A_1552] {strides = array<i32>} : memref<640x16xf32, #tpu.memory_space<vmem>>, vector<16xf32>,
      tpu.vector_store %arg12[%swap3A_1551, %swap3A_1552], %broadcast_in_dim3A_1546 {strides = array<i32>} : memref<640x16xf32, #tpu.memory_space<vmem>>, vector<16xf32>,
    }
    %scan3A_1380 = arith.constant 40 : i32
    %lt3A = arith.constant 15 : i32
    %lt3A_1381 = arith.cmpi slt, %arg1, %lt3A : i32
    %convert_element_type3A = arith.extui %lt3A_1381 : i1 to i32
    %cond3A = arith.constant 0 : i32
    %cond3A_1382 = arith.cmpi ne, %convert_element_type3A, %cond3A : i32
    scf.if %cond3A_1382 {
      %mul3A_1387 = arith.constant 640 : i32
      %mul3A_1388 = arith.muli %arg1, %mul3A_1387 : i32
      %add3A_1389 = arith.constant 0 : i32
      %add3A_1390 = arith.addi %mul3A_1388, %add3A_1389 : i32
      %dma_start3A_1391 = arith.constant 0 : i32
      %dma_start3A_1392 = arith.constant 0 : i32
      %dma_start3A_1393 = tpu.memref_slice %arg8[%dma_start3A_1391, %dma_start3A_1392] : memref<125x64xf32, #tpu.memory_space<vmem>> -> memref<125x64xf32, #tpu.memory_space<vmem>>
      %dma_start3A_1394 = arith.constant 0 : i32
      %dma_start3A_1395 = tpu.memref_slice %arg17[%add3A_1390, %dma_start3A_1394] : memref<10240x64xf32, #tpu.memory_space<vmem_shared>> -> memref<125x64xf32, #tpu.memory_space<vmem_shared>>
      %dma_start3A_1396 = arith.constant 0 : i32
      %dma_start3A_1397 = arith.constant 0 : i32
      %dma_start3A_1398 = tpu.memref_slice %arg8[%dma_start3A_1396, %dma_start3A_1397] : memref<125x64xf32, #tpu.memory_space<vmem>> -> memref<125x64xf32, #tpu.memory_space<vmem>>
      %dma_start3A_1399 = arith.constant 0 : i32
      %dma_start3A_1400 = tpu.memref_slice %arg17[%add3A_1390, %dma_start3A_1399] : memref<10240x64xf32, #tpu.memory_space<vmem_shared>> -> memref<125x64xf32, #tpu.memory_space<vmem_shared>>
      tpu.enqueue_dma source(%dma_start3A_1400 : memref<125x64xf32, #tpu.memory_space<vmem_shared>>) target(%dma_start3A_1398 : memref<125x64xf32, #tpu.memory_space<vmem>>) target_semaphore(%arg19 : memref<!tpu.dma_semaphore, #tpu.memory_space<semaphore_mem>>)
      %dma_wait3A_1401 = arith.constant 0 : i32
      %dma_wait3A_1402 = arith.constant 0 : i32
      %dma_wait3A_1403 = tpu.memref_slice %arg8[%dma_wait3A_1401, %dma_wait3A_1402] : memref<125x64xf32, #tpu.memory_space<vmem>> -> memref<125x64xf32, #tpu.memory_space<vmem>>
      %dma_wait3A_1404 = arith.constant 0 : i32
      %dma_wait3A_1405 = tpu.memref_slice %arg17[%add3A_1390, %dma_wait3A_1404] : memref<10240x64xf32, #tpu.memory_space<vmem_shared>> -> memref<125x64xf32, #tpu.memory_space<vmem_shared>>
      %dma_wait3A_1406 = arith.constant 0 : i32
      %dma_wait3A_1407 = arith.constant 0 : i32
      %dma_wait3A_1408 = tpu.memref_slice %arg8[%dma_wait3A_1406, %dma_wait3A_1407] : memref<125x64xf32, #tpu.memory_space<vmem>> -> memref<125x64xf32, #tpu.memory_space<vmem>>
      %dma_wait3A_1409 = arith.constant 0 : i32
      %dma_wait3A_1410 = tpu.memref_slice %arg17[%add3A_1390, %dma_wait3A_1409] : memref<10240x64xf32, #tpu.memory_space<vmem_shared>> -> memref<125x64xf32, #tpu.memory_space<vmem_shared>>
      tpu.wait_dma2 semaphore(%arg19 : memref<!tpu.dma_semaphore, #tpu.memory_space<semaphore_mem>>) src(%dma_wait3A_1410 : memref<125x64xf32, #tpu.memory_space<vmem_shared>>) dst(%dma_wait3A_1408 : memref<125x64xf32, #tpu.memory_space<vmem>>)
      %mul3A_1411 = arith.constant 640 : i32
      %mul3A_1412 = arith.muli %arg1, %mul3A_1411 : i32
      %add3A_1413 = arith.constant 125 : i32
      %add3A_1414 = arith.addi %mul3A_1412, %add3A_1413 : i32
      %dma_start3A_1415 = arith.constant 0 : i32
      %dma_start3A_1416 = arith.constant 0 : i32
      %dma_start3A_1417 = tpu.memref_slice %arg10[%dma_start3A_1415, %dma_start3A_1416] : memref<125x64xf32, #tpu.memory_space<vmem>> -> memref<125x64xf32, #tpu.memory_space<vmem>>
      %dma_start3A_1418 = arith.constant 0 : i32
      %dma_start3A_1419 = tpu.memref_slice %arg17[%add3A_1414, %dma_start3A_1418] : memref<10240x64xf32, #tpu.memory_space<vmem_shared>> -> memref<125x64xf32, #tpu.memory_space<vmem_shared>>
      %dma_start3A_1420 = arith.constant 0 : i32
      %dma_start3A_1421 = arith.constant 0 : i32
      %dma_start3A_1422 = tpu.memref_slice %arg10[%dma_start3A_1420, %dma_start3A_1421] : memref<125x64xf32, #tpu.memory_space<vmem>> -> memref<125x64xf32, #tpu.memory_space<vmem>>
      %dma_start3A_1423 = arith.constant 0 : i32
      %dma_start3A_1424 = tpu.memref_slice %arg17[%add3A_1414, %dma_start3A_1423] : memref<10240x64xf32, #tpu.memory_space<vmem_shared>> -> memref<125x64xf32, #tpu.memory_space<vmem_shared>>
      tpu.enqueue_dma source(%dma_start3A_1424 : memref<125x64xf32, #tpu.memory_space<vmem_shared>>) target(%dma_start3A_1422 : memref<125x64xf32, #tpu.memory_space<vmem>>) target_semaphore(%arg20 : memref<!tpu.dma_semaphore, #tpu.memory_space<semaphore_mem>>)
      %scan3A_1425 = arith.constant 0 : i32
      %scan3A_1426 = arith.constant 0 : i32
      %scan3A_1427 = arith.constant 125 : i32
      %scan3A_1428 = arith.addi %scan3A_1426, %scan3A_1427 : i32
      %scan3A_1429 = arith.constant 1 : i32
      scf.for %scan3A_1687 = %scan3A_1426 to %scan3A_1428 step %scan3A_1429  : i32 {
        %add3A_1688 = arith.constant 0 : i32
        %add3A_1689 = arith.addi %add3A_1688, %scan3A_1687 : i32
        %get3A_1690 = arith.index_cast %add3A_1689 : i32 to index
        %get3A_1691 = arith.constant 0 : index
        %get3A_1692 = tpu.vector_load %arg12[%get3A_1690, %get3A_1691] {strides = array<i32>} : memref<640x16xf32, #tpu.memory_space<vmem>>, vector<16xf32>,
        %get3A_1693 = arith.index_cast %scan3A_1687 : i32 to index
        %get3A_1694 = arith.constant 0 : index
        %get3A_1695 = tpu.vector_load %arg8[%get3A_1693, %get3A_1694] {strides = array<i32>} : memref<125x64xf32, #tpu.memory_space<vmem>>, vector<16xf32>,
        %mul3A_1696 = arith.mulf %get3A_1695, %get3A_1692 : vector<16xf32>
        %swap3A_1697 = arith.index_cast %scan3A_1687 : i32 to index
        %swap3A_1698 = arith.constant 0 : index
        %swap3A_1699 = tpu.vector_load %arg8[%swap3A_1697, %swap3A_1698] {strides = array<i32>} : memref<125x64xf32, #tpu.memory_space<vmem>>, vector<16xf32>,
        tpu.vector_store %arg8[%swap3A_1697, %swap3A_1698], %mul3A_1696 {strides = array<i32>} : memref<125x64xf32, #tpu.memory_space<vmem>>, vector<16xf32>,
        %get3A_1700 = arith.index_cast %scan3A_1687 : i32 to index
        %get3A_1701 = arith.constant 16 : index
        %get3A_1702 = tpu.vector_load %arg8[%get3A_1700, %get3A_1701] {strides = array<i32>} : memref<125x64xf32, #tpu.memory_space<vmem>>, vector<16xf32>,
        %mul3A_1703 = arith.mulf %get3A_1702, %get3A_1692 : vector<16xf32>
        %swap3A_1704 = arith.index_cast %scan3A_1687 : i32 to index
        %swap3A_1705 = arith.constant 16 : index
        %swap3A_1706 = tpu.vector_load %arg8[%swap3A_1704, %swap3A_1705] {strides = array<i32>} : memref<125x64xf32, #tpu.memory_space<vmem>>, vector<16xf32>,
        tpu.vector_store %arg8[%swap3A_1704, %swap3A_1705], %mul3A_1703 {strides = array<i32>} : memref<125x64xf32, #tpu.memory_space<vmem>>, vector<16xf32>,
        %get3A_1707 = arith.index_cast %scan3A_1687 : i32 to index
        %get3A_1708 = arith.constant 32 : index
        %get3A_1709 = tpu.vector_load %arg8[%get3A_1707, %get3A_1708] {strides = array<i32>} : memref<125x64xf32, #tpu.memory_space<vmem>>, vector<16xf32>,
        %mul3A_1710 = arith.mulf %get3A_1709, %get3A_1692 : vector<16xf32>
        %swap3A_1711 = arith.index_cast %scan3A_1687 : i32 to index
        %swap3A_1712 = arith.constant 32 : index
        %swap3A_1713 = tpu.vector_load %arg8[%swap3A_1711, %swap3A_1712] {strides = array<i32>} : memref<125x64xf32, #tpu.memory_space<vmem>>, vector<16xf32>,
        tpu.vector_store %arg8[%swap3A_1711, %swap3A_1712], %mul3A_1710 {strides = array<i32>} : memref<125x64xf32, #tpu.memory_space<vmem>>, vector<16xf32>,
        %get3A_1714 = arith.index_cast %scan3A_1687 : i32 to index
        %get3A_1715 = arith.constant 48 : index
        %get3A_1716 = tpu.vector_load %arg8[%get3A_1714, %get3A_1715] {strides = array<i32>} : memref<125x64xf32, #tpu.memory_space<vmem>>, vector<16xf32>,
        %mul3A_1717 = arith.mulf %get3A_1716, %get3A_1692 : vector<16xf32>
        %swap3A_1718 = arith.index_cast %scan3A_1687 : i32 to index
        %swap3A_1719 = arith.constant 48 : index
        %swap3A_1720 = tpu.vector_load %arg8[%swap3A_1718, %swap3A_1719] {strides = array<i32>} : memref<125x64xf32, #tpu.memory_space<vmem>>, vector<16xf32>,
        tpu.vector_store %arg8[%swap3A_1718, %swap3A_1719], %mul3A_1717 {strides = array<i32>} : memref<125x64xf32, #tpu.memory_space<vmem>>, vector<16xf32>,
      }
      %scan3A_1430 = arith.constant 125 : i32
      %dma_start3A_1431 = arith.constant 0 : i32
      %dma_start3A_1432 = arith.constant 0 : i32
      %dma_start3A_1433 = arith.constant 0 : i32
      %dma_start3A_1434 = tpu.memref_slice %arg8[%dma_start3A_1432, %dma_start3A_1433] : memref<125x64xf32, #tpu.memory_space<vmem>> -> memref<125x64xf32, #tpu.memory_space<vmem>>
      %dma_start3A_1435 = arith.constant 0 : i32
      %dma_start3A_1436 = tpu.memref_slice %arg14[%dma_start3A_1431, %dma_start3A_1435] : memref<5x125xi32, #tpu.memory_space<vmem>> -> memref<1x125xi32, #tpu.memory_space<vmem>>
      %dma_start3A_1437 = tpu.memref_squeeze %dma_start3A_1436 : memref<1x125xi32, #tpu.memory_space<vmem>> -> memref<125xi32, #tpu.memory_space<vmem>>
      %dma_start3A_1438 = arith.constant 0 : i32
      %dma_start3A_1439 = arith.constant 0 : i32
      %dma_start3A_1440 = tpu.memref_slice %arg5[%dma_start3A_1438, %dma_start3A_1439] : memref<20000x64xf32, #tpu.memory_space<hbm>> -> memref<20000x64xf32, #tpu.memory_space<hbm>>
      tpu.enqueue_indirect_dma source(%dma_start3A_1434 : memref<125x64xf32, #tpu.memory_space<vmem>>) target(%dma_start3A_1440 : memref<20000x64xf32, #tpu.memory_space<hbm>>) offsets(%dma_start3A_1437 : memref<125xi32, #tpu.memory_space<vmem>>) semaphore(%arg21 : memref<!tpu.dma_semaphore, #tpu.memory_space<semaphore_mem>>)
      %dma_wait3A_1441 = arith.constant 0 : i32
      %dma_wait3A_1442 = arith.constant 0 : i32
      %dma_wait3A_1443 = tpu.memref_slice %arg10[%dma_wait3A_1441, %dma_wait3A_1442] : memref<125x64xf32, #tpu.memory_space<vmem>> -> memref<125x64xf32, #tpu.memory_space<vmem>>
      %dma_wait3A_1444 = arith.constant 0 : i32
      %dma_wait3A_1445 = tpu.memref_slice %arg17[%add3A_1414, %dma_wait3A_1444] : memref<10240x64xf32, #tpu.memory_space<vmem_shared>> -> memref<125x64xf32, #tpu.memory_space<vmem_shared>>
      %dma_wait3A_1446 = arith.constant 0 : i32
      %dma_wait3A_1447 = arith.constant 0 : i32
      %dma_wait3A_1448 = tpu.memref_slice %arg10[%dma_wait3A_1446, %dma_wait3A_1447] : memref<125x64xf32, #tpu.memory_space<vmem>> -> memref<125x64xf32, #tpu.memory_space<vmem>>
      %dma_wait3A_1449 = arith.constant 0 : i32
      %dma_wait3A_1450 = tpu.memref_slice %arg17[%add3A_1414, %dma_wait3A_1449] : memref<10240x64xf32, #tpu.memory_space<vmem_shared>> -> memref<125x64xf32, #tpu.memory_space<vmem_shared>>
      tpu.wait_dma2 semaphore(%arg20 : memref<!tpu.dma_semaphore, #tpu.memory_space<semaphore_mem>>) src(%dma_wait3A_1450 : memref<125x64xf32, #tpu.memory_space<vmem_shared>>) dst(%dma_wait3A_1448 : memref<125x64xf32, #tpu.memory_space<vmem>>)
      %dma_wait3A_1451 = arith.constant 0 : i32
      %dma_wait3A_1452 = arith.constant 0 : i32
      %dma_wait3A_1453 = arith.constant 0 : i32
      %dma_wait3A_1454 = tpu.memref_slice %arg8[%dma_wait3A_1452, %dma_wait3A_1453] : memref<125x64xf32, #tpu.memory_space<vmem>> -> memref<125x64xf32, #tpu.memory_space<vmem>>
      %dma_wait3A_1455 = arith.constant 0 : i32
      %dma_wait3A_1456 = tpu.memref_slice %arg14[%dma_wait3A_1451, %dma_wait3A_1455] : memref<5x125xi32, #tpu.memory_space<vmem>> -> memref<1x125xi32, #tpu.memory_space<vmem>>
      %dma_wait3A_1457 = tpu.memref_squeeze %dma_wait3A_1456 : memref<1x125xi32, #tpu.memory_space<vmem>> -> memref<125xi32, #tpu.memory_space<vmem>>
      %dma_wait3A_1458 = arith.constant 0 : i32
      %dma_wait3A_1459 = arith.constant 0 : i32
      %dma_wait3A_1460 = tpu.memref_slice %arg5[%dma_wait3A_1458, %dma_wait3A_1459] : memref<20000x64xf32, #tpu.memory_space<hbm>> -> memref<20000x64xf32, #tpu.memory_space<hbm>>
      tpu.wait_indirect_dma semaphore(%arg21 : memref<!tpu.dma_semaphore, #tpu.memory_space<semaphore_mem>>) src(%dma_wait3A_1454 : memref<125x64xf32, #tpu.memory_space<vmem>>) dst(%dma_wait3A_1460 : memref<20000x64xf32, #tpu.memory_space<hbm>>)
      %mul3A_1461 = arith.constant 640 : i32
      %mul3A_1462 = arith.muli %arg1, %mul3A_1461 : i32
      %add3A_1463 = arith.constant 250 : i32
      %add3A_1464 = arith.addi %mul3A_1462, %add3A_1463 : i32
      %dma_start3A_1465 = arith.constant 0 : i32
      %dma_start3A_1466 = arith.constant 0 : i32
      %dma_start3A_1467 = tpu.memref_slice %arg8[%dma_start3A_1465, %dma_start3A_1466] : memref<125x64xf32, #tpu.memory_space<vmem>> -> memref<125x64xf32, #tpu.memory_space<vmem>>
      %dma_start3A_1468 = arith.constant 0 : i32
      %dma_start3A_1469 = tpu.memref_slice %arg17[%add3A_1464, %dma_start3A_1468] : memref<10240x64xf32, #tpu.memory_space<vmem_shared>> -> memref<125x64xf32, #tpu.memory_space<vmem_shared>>
      %dma_start3A_1470 = arith.constant 0 : i32
      %dma_start3A_1471 = arith.constant 0 : i32
      %dma_start3A_1472 = tpu.memref_slice %arg8[%dma_start3A_1470, %dma_start3A_1471] : memref<125x64xf32, #tpu.memory_space<vmem>> -> memref<125x64xf32, #tpu.memory_space<vmem>>
      %dma_start3A_1473 = arith.constant 0 : i32
      %dma_start3A_1474 = tpu.memref_slice %arg17[%add3A_1464, %dma_start3A_1473] : memref<10240x64xf32, #tpu.memory_space<vmem_shared>> -> memref<125x64xf32, #tpu.memory_space<vmem_shared>>
      tpu.enqueue_dma source(%dma_start3A_1474 : memref<125x64xf32, #tpu.memory_space<vmem_shared>>) target(%dma_start3A_1472 : memref<125x64xf32, #tpu.memory_space<vmem>>) target_semaphore(%arg19 : memref<!tpu.dma_semaphore, #tpu.memory_space<semaphore_mem>>)
      %scan3A_1475 = arith.constant 0 : i32
      %scan3A_1476 = arith.constant 0 : i32
      %scan3A_1477 = arith.constant 125 : i32
      %scan3A_1478 = arith.addi %scan3A_1476, %scan3A_1477 : i32
      %scan3A_1479 = arith.constant 1 : i32
      scf.for %scan3A_1687 = %scan3A_1476 to %scan3A_1478 step %scan3A_1479  : i32 {
        %add3A_1688 = arith.constant 125 : i32
        %add3A_1689 = arith.addi %add3A_1688, %scan3A_1687 : i32
        %get3A_1690 = arith.index_cast %add3A_1689 : i32 to index
        %get3A_1691 = arith.constant 0 : index
        %get3A_1692 = tpu.vector_load %arg12[%get3A_1690, %get3A_1691] {strides = array<i32>} : memref<640x16xf32, #tpu.memory_space<vmem>>, vector<16xf32>,
        %get3A_1693 = arith.index_cast %scan3A_1687 : i32 to index
        %get3A_1694 = arith.constant 0 : index
        %get3A_1695 = tpu.vector_load %arg10[%get3A_1693, %get3A_1694] {strides = array<i32>} : memref<125x64xf32, #tpu.memory_space<vmem>>, vector<16xf32>,
        %mul3A_1696 = arith.mulf %get3A_1695, %get3A_1692 : vector<16xf32>
        %swap3A_1697 = arith.index_cast %scan3A_1687 : i32 to index
        %swap3A_1698 = arith.constant 0 : index
        %swap3A_1699 = tpu.vector_load %arg10[%swap3A_1697, %swap3A_1698] {strides = array<i32>} : memref<125x64xf32, #tpu.memory_space<vmem>>, vector<16xf32>,
        tpu.vector_store %arg10[%swap3A_1697, %swap3A_1698], %mul3A_1696 {strides = array<i32>} : memref<125x64xf32, #tpu.memory_space<vmem>>, vector<16xf32>,
        %get3A_1700 = arith.index_cast %scan3A_1687 : i32 to index
        %get3A_1701 = arith.constant 16 : index
        %get3A_1702 = tpu.vector_load %arg10[%get3A_1700, %get3A_1701] {strides = array<i32>} : memref<125x64xf32, #tpu.memory_space<vmem>>, vector<16xf32>,
        %mul3A_1703 = arith.mulf %get3A_1702, %get3A_1692 : vector<16xf32>
        %swap3A_1704 = arith.index_cast %scan3A_1687 : i32 to index
        %swap3A_1705 = arith.constant 16 : index
        %swap3A_1706 = tpu.vector_load %arg10[%swap3A_1704, %swap3A_1705] {strides = array<i32>} : memref<125x64xf32, #tpu.memory_space<vmem>>, vector<16xf32>,
        tpu.vector_store %arg10[%swap3A_1704, %swap3A_1705], %mul3A_1703 {strides = array<i32>} : memref<125x64xf32, #tpu.memory_space<vmem>>, vector<16xf32>,
        %get3A_1707 = arith.index_cast %scan3A_1687 : i32 to index
        %get3A_1708 = arith.constant 32 : index
        %get3A_1709 = tpu.vector_load %arg10[%get3A_1707, %get3A_1708] {strides = array<i32>} : memref<125x64xf32, #tpu.memory_space<vmem>>, vector<16xf32>,
        %mul3A_1710 = arith.mulf %get3A_1709, %get3A_1692 : vector<16xf32>
        %swap3A_1711 = arith.index_cast %scan3A_1687 : i32 to index
        %swap3A_1712 = arith.constant 32 : index
        %swap3A_1713 = tpu.vector_load %arg10[%swap3A_1711, %swap3A_1712] {strides = array<i32>} : memref<125x64xf32, #tpu.memory_space<vmem>>, vector<16xf32>,
        tpu.vector_store %arg10[%swap3A_1711, %swap3A_1712], %mul3A_1710 {strides = array<i32>} : memref<125x64xf32, #tpu.memory_space<vmem>>, vector<16xf32>,
        %get3A_1714 = arith.index_cast %scan3A_1687 : i32 to index
        %get3A_1715 = arith.constant 48 : index
        %get3A_1716 = tpu.vector_load %arg10[%get3A_1714, %get3A_1715] {strides = array<i32>} : memref<125x64xf32, #tpu.memory_space<vmem>>, vector<16xf32>,
        %mul3A_1717 = arith.mulf %get3A_1716, %get3A_1692 : vector<16xf32>
        %swap3A_1718 = arith.index_cast %scan3A_1687 : i32 to index
        %swap3A_1719 = arith.constant 48 : index
        %swap3A_1720 = tpu.vector_load %arg10[%swap3A_1718, %swap3A_1719] {strides = array<i32>} : memref<125x64xf32, #tpu.memory_space<vmem>>, vector<16xf32>,
        tpu.vector_store %arg10[%swap3A_1718, %swap3A_1719], %mul3A_1717 {strides = array<i32>} : memref<125x64xf32, #tpu.memory_space<vmem>>, vector<16xf32>,
      }
      %scan3A_1480 = arith.constant 125 : i32
      %dma_start3A_1481 = arith.constant 1 : i32
      %dma_start3A_1482 = arith.constant 0 : i32
      %dma_start3A_1483 = arith.constant 0 : i32
      %dma_start3A_1484 = tpu.memref_slice %arg10[%dma_start3A_1482, %dma_start3A_1483] : memref<125x64xf32, #tpu.memory_space<vmem>> -> memref<125x64xf32, #tpu.memory_space<vmem>>
      %dma_start3A_1485 = arith.constant 0 : i32
      %dma_start3A_1486 = tpu.memref_slice %arg14[%dma_start3A_1481, %dma_start3A_1485] : memref<5x125xi32, #tpu.memory_space<vmem>> -> memref<1x125xi32, #tpu.memory_space<vmem>>
      %dma_start3A_1487 = tpu.memref_squeeze %dma_start3A_1486 : memref<1x125xi32, #tpu.memory_space<vmem>> -> memref<125xi32, #tpu.memory_space<vmem>>
      %dma_start3A_1488 = arith.constant 0 : i32
      %dma_start3A_1489 = arith.constant 0 : i32
      %dma_start3A_1490 = tpu.memref_slice %arg5[%dma_start3A_1488, %dma_start3A_1489] : memref<20000x64xf32, #tpu.memory_space<hbm>> -> memref<20000x64xf32, #tpu.memory_space<hbm>>
      tpu.enqueue_indirect_dma source(%dma_start3A_1484 : memref<125x64xf32, #tpu.memory_space<vmem>>) target(%dma_start3A_1490 : memref<20000x64xf32, #tpu.memory_space<hbm>>) offsets(%dma_start3A_1487 : memref<125xi32, #tpu.memory_space<vmem>>) semaphore(%arg21 : memref<!tpu.dma_semaphore, #tpu.memory_space<semaphore_mem>>)
      %dma_wait3A_1491 = arith.constant 0 : i32
      %dma_wait3A_1492 = arith.constant 0 : i32
      %dma_wait3A_1493 = tpu.memref_slice %arg8[%dma_wait3A_1491, %dma_wait3A_1492] : memref<125x64xf32, #tpu.memory_space<vmem>> -> memref<125x64xf32, #tpu.memory_space<vmem>>
      %dma_wait3A_1494 = arith.constant 0 : i32
      %dma_wait3A_1495 = tpu.memref_slice %arg17[%add3A_1464, %dma_wait3A_1494] : memref<10240x64xf32, #tpu.memory_space<vmem_shared>> -> memref<125x64xf32, #tpu.memory_space<vmem_shared>>
      %dma_wait3A_1496 = arith.constant 0 : i32
      %dma_wait3A_1497 = arith.constant 0 : i32
      %dma_wait3A_1498 = tpu.memref_slice %arg8[%dma_wait3A_1496, %dma_wait3A_1497] : memref<125x64xf32, #tpu.memory_space<vmem>> -> memref<125x64xf32, #tpu.memory_space<vmem>>
      %dma_wait3A_1499 = arith.constant 0 : i32
      %dma_wait3A_1500 = tpu.memref_slice %arg17[%add3A_1464, %dma_wait3A_1499] : memref<10240x64xf32, #tpu.memory_space<vmem_shared>> -> memref<125x64xf32, #tpu.memory_space<vmem_shared>>
      tpu.wait_dma2 semaphore(%arg19 : memref<!tpu.dma_semaphore, #tpu.memory_space<semaphore_mem>>) src(%dma_wait3A_1500 : memref<125x64xf32, #tpu.memory_space<vmem_shared>>) dst(%dma_wait3A_1498 : memref<125x64xf32, #tpu.memory_space<vmem>>)
      %dma_wait3A_1501 = arith.constant 1 : i32
      %dma_wait3A_1502 = arith.constant 0 : i32
      %dma_wait3A_1503 = arith.constant 0 : i32
      %dma_wait3A_1504 = tpu.memref_slice %arg10[%dma_wait3A_1502, %dma_wait3A_1503] : memref<125x64xf32, #tpu.memory_space<vmem>> -> memref<125x64xf32, #tpu.memory_space<vmem>>
      %dma_wait3A_1505 = arith.constant 0 : i32
      %dma_wait3A_1506 = tpu.memref_slice %arg14[%dma_wait3A_1501, %dma_wait3A_1505] : memref<5x125xi32, #tpu.memory_space<vmem>> -> memref<1x125xi32, #tpu.memory_space<vmem>>
      %dma_wait3A_1507 = tpu.memref_squeeze %dma_wait3A_1506 : memref<1x125xi32, #tpu.memory_space<vmem>> -> memref<125xi32, #tpu.memory_space<vmem>>
      %dma_wait3A_1508 = arith.constant 0 : i32
      %dma_wait3A_1509 = arith.constant 0 : i32
      %dma_wait3A_1510 = tpu.memref_slice %arg5[%dma_wait3A_1508, %dma_wait3A_1509] : memref<20000x64xf32, #tpu.memory_space<hbm>> -> memref<20000x64xf32, #tpu.memory_space<hbm>>
      tpu.wait_indirect_dma semaphore(%arg21 : memref<!tpu.dma_semaphore, #tpu.memory_space<semaphore_mem>>) src(%dma_wait3A_1504 : memref<125x64xf32, #tpu.memory_space<vmem>>) dst(%dma_wait3A_1510 : memref<20000x64xf32, #tpu.memory_space<hbm>>)
      %mul3A_1511 = arith.constant 640 : i32
      %mul3A_1512 = arith.muli %arg1, %mul3A_1511 : i32
      %add3A_1513 = arith.constant 375 : i32
      %add3A_1514 = arith.addi %mul3A_1512, %add3A_1513 : i32
      %dma_start3A_1515 = arith.constant 0 : i32
      %dma_start3A_1516 = arith.constant 0 : i32
      %dma_start3A_1517 = tpu.memref_slice %arg10[%dma_start3A_1515, %dma_start3A_1516] : memref<125x64xf32, #tpu.memory_space<vmem>> -> memref<125x64xf32, #tpu.memory_space<vmem>>
      %dma_start3A_1518 = arith.constant 0 : i32
      %dma_start3A_1519 = tpu.memref_slice %arg17[%add3A_1514, %dma_start3A_1518] : memref<10240x64xf32, #tpu.memory_space<vmem_shared>> -> memref<125x64xf32, #tpu.memory_space<vmem_shared>>
      %dma_start3A_1520 = arith.constant 0 : i32
      %dma_start3A_1521 = arith.constant 0 : i32
      %dma_start3A_1522 = tpu.memref_slice %arg10[%dma_start3A_1520, %dma_start3A_1521] : memref<125x64xf32, #tpu.memory_space<vmem>> -> memref<125x64xf32, #tpu.memory_space<vmem>>
      %dma_start3A_1523 = arith.constant 0 : i32
      %dma_start3A_1524 = tpu.memref_slice %arg17[%add3A_1514, %dma_start3A_1523] : memref<10240x64xf32, #tpu.memory_space<vmem_shared>> -> memref<125x64xf32, #tpu.memory_space<vmem_shared>>
      tpu.enqueue_dma source(%dma_start3A_1524 : memref<125x64xf32, #tpu.memory_space<vmem_shared>>) target(%dma_start3A_1522 : memref<125x64xf32, #tpu.memory_space<vmem>>) target_semaphore(%arg20 : memref<!tpu.dma_semaphore, #tpu.memory_space<semaphore_mem>>)
      %scan3A_1525 = arith.constant 0 : i32
      %scan3A_1526 = arith.constant 0 : i32
      %scan3A_1527 = arith.constant 125 : i32
      %scan3A_1528 = arith.addi %scan3A_1526, %scan3A_1527 : i32
      %scan3A_1529 = arith.constant 1 : i32
      scf.for %scan3A_1687 = %scan3A_1526 to %scan3A_1528 step %scan3A_1529  : i32 {
        %add3A_1688 = arith.constant 250 : i32
        %add3A_1689 = arith.addi %add3A_1688, %scan3A_1687 : i32
        %get3A_1690 = arith.index_cast %add3A_1689 : i32 to index
        %get3A_1691 = arith.constant 0 : index
        %get3A_1692 = tpu.vector_load %arg12[%get3A_1690, %get3A_1691] {strides = array<i32>} : memref<640x16xf32, #tpu.memory_space<vmem>>, vector<16xf32>,
        %get3A_1693 = arith.index_cast %scan3A_1687 : i32 to index
        %get3A_1694 = arith.constant 0 : index
        %get3A_1695 = tpu.vector_load %arg8[%get3A_1693, %get3A_1694] {strides = array<i32>} : memref<125x64xf32, #tpu.memory_space<vmem>>, vector<16xf32>,
        %mul3A_1696 = arith.mulf %get3A_1695, %get3A_1692 : vector<16xf32>
        %swap3A_1697 = arith.index_cast %scan3A_1687 : i32 to index
        %swap3A_1698 = arith.constant 0 : index
        %swap3A_1699 = tpu.vector_load %arg8[%swap3A_1697, %swap3A_1698] {strides = array<i32>} : memref<125x64xf32, #tpu.memory_space<vmem>>, vector<16xf32>,
        tpu.vector_store %arg8[%swap3A_1697, %swap3A_1698], %mul3A_1696 {strides = array<i32>} : memref<125x64xf32, #tpu.memory_space<vmem>>, vector<16xf32>,
        %get3A_1700 = arith.index_cast %scan3A_1687 : i32 to index
        %get3A_1701 = arith.constant 16 : index
        %get3A_1702 = tpu.vector_load %arg8[%get3A_1700, %get3A_1701] {strides = array<i32>} : memref<125x64xf32, #tpu.memory_space<vmem>>, vector<16xf32>,
        %mul3A_1703 = arith.mulf %get3A_1702, %get3A_1692 : vector<16xf32>
        %swap3A_1704 = arith.index_cast %scan3A_1687 : i32 to index
        %swap3A_1705 = arith.constant 16 : index
        %swap3A_1706 = tpu.vector_load %arg8[%swap3A_1704, %swap3A_1705] {strides = array<i32>} : memref<125x64xf32, #tpu.memory_space<vmem>>, vector<16xf32>,
        tpu.vector_store %arg8[%swap3A_1704, %swap3A_1705], %mul3A_1703 {strides = array<i32>} : memref<125x64xf32, #tpu.memory_space<vmem>>, vector<16xf32>,
        %get3A_1707 = arith.index_cast %scan3A_1687 : i32 to index
        %get3A_1708 = arith.constant 32 : index
        %get3A_1709 = tpu.vector_load %arg8[%get3A_1707, %get3A_1708] {strides = array<i32>} : memref<125x64xf32, #tpu.memory_space<vmem>>, vector<16xf32>,
        %mul3A_1710 = arith.mulf %get3A_1709, %get3A_1692 : vector<16xf32>
        %swap3A_1711 = arith.index_cast %scan3A_1687 : i32 to index
        %swap3A_1712 = arith.constant 32 : index
        %swap3A_1713 = tpu.vector_load %arg8[%swap3A_1711, %swap3A_1712] {strides = array<i32>} : memref<125x64xf32, #tpu.memory_space<vmem>>, vector<16xf32>,
        tpu.vector_store %arg8[%swap3A_1711, %swap3A_1712], %mul3A_1710 {strides = array<i32>} : memref<125x64xf32, #tpu.memory_space<vmem>>, vector<16xf32>,
        %get3A_1714 = arith.index_cast %scan3A_1687 : i32 to index
        %get3A_1715 = arith.constant 48 : index
        %get3A_1716 = tpu.vector_load %arg8[%get3A_1714, %get3A_1715] {strides = array<i32>} : memref<125x64xf32, #tpu.memory_space<vmem>>, vector<16xf32>,
        %mul3A_1717 = arith.mulf %get3A_1716, %get3A_1692 : vector<16xf32>
        %swap3A_1718 = arith.index_cast %scan3A_1687 : i32 to index
        %swap3A_1719 = arith.constant 48 : index
        %swap3A_1720 = tpu.vector_load %arg8[%swap3A_1718, %swap3A_1719] {strides = array<i32>} : memref<125x64xf32, #tpu.memory_space<vmem>>, vector<16xf32>,
        tpu.vector_store %arg8[%swap3A_1718, %swap3A_1719], %mul3A_1717 {strides = array<i32>} : memref<125x64xf32, #tpu.memory_space<vmem>>, vector<16xf32>,
      }
      %scan3A_1530 = arith.constant 125 : i32
      %dma_start3A_1531 = arith.constant 2 : i32
      %dma_start3A_1532 = arith.constant 0 : i32
      %dma_start3A_1533 = arith.constant 0 : i32
      %dma_start3A_1534 = tpu.memref_slice %arg8[%dma_start3A_1532, %dma_start3A_1533] : memref<125x64xf32, #tpu.memory_space<vmem>> -> memref<125x64xf32, #tpu.memory_space<vmem>>
      %dma_start3A_1535 = arith.constant 0 : i32
      %dma_start3A_1536 = tpu.memref_slice %arg14[%dma_start3A_1531, %dma_start3A_1535] : memref<5x125xi32, #tpu.memory_space<vmem>> -> memref<1x125xi32, #tpu.memory_space<vmem>>
      %dma_start3A_1537 = tpu.memref_squeeze %dma_start3A_1536 : memref<1x125xi32, #tpu.memory_space<vmem>> -> memref<125xi32, #tpu.memory_space<vmem>>
      %dma_start3A_1538 = arith.constant 0 : i32
      %dma_start3A_1539 = arith.constant 0 : i32
      %dma_start3A_1540 = tpu.memref_slice %arg5[%dma_start3A_1538, %dma_start3A_1539] : memref<20000x64xf32, #tpu.memory_space<hbm>> -> memref<20000x64xf32, #tpu.memory_space<hbm>>
      tpu.enqueue_indirect_dma source(%dma_start3A_1534 : memref<125x64xf32, #tpu.memory_space<vmem>>) target(%dma_start3A_1540 : memref<20000x64xf32, #tpu.memory_space<hbm>>) offsets(%dma_start3A_1537 : memref<125xi32, #tpu.memory_space<vmem>>) semaphore(%arg21 : memref<!tpu.dma_semaphore, #tpu.memory_space<semaphore_mem>>)
      %dma_wait3A_1541 = arith.constant 0 : i32
      %dma_wait3A_1542 = arith.constant 0 : i32
      %dma_wait3A_1543 = tpu.memref_slice %arg10[%dma_wait3A_1541, %dma_wait3A_1542] : memref<125x64xf32, #tpu.memory_space<vmem>> -> memref<125x64xf32, #tpu.memory_space<vmem>>
      %dma_wait3A_1544 = arith.constant 0 : i32
      %dma_wait3A_1545 = tpu.memref_slice %arg17[%add3A_1514, %dma_wait3A_1544] : memref<10240x64xf32, #tpu.memory_space<vmem_shared>> -> memref<125x64xf32, #tpu.memory_space<vmem_shared>>
      %dma_wait3A_1546 = arith.constant 0 : i32
      %dma_wait3A_1547 = arith.constant 0 : i32
      %dma_wait3A_1548 = tpu.memref_slice %arg10[%dma_wait3A_1546, %dma_wait3A_1547] : memref<125x64xf32, #tpu.memory_space<vmem>> -> memref<125x64xf32, #tpu.memory_space<vmem>>
      %dma_wait3A_1549 = arith.constant 0 : i32
      %dma_wait3A_1550 = tpu.memref_slice %arg17[%add3A_1514, %dma_wait3A_1549] : memref<10240x64xf32, #tpu.memory_space<vmem_shared>> -> memref<125x64xf32, #tpu.memory_space<vmem_shared>>
      tpu.wait_dma2 semaphore(%arg20 : memref<!tpu.dma_semaphore, #tpu.memory_space<semaphore_mem>>) src(%dma_wait3A_1550 : memref<125x64xf32, #tpu.memory_space<vmem_shared>>) dst(%dma_wait3A_1548 : memref<125x64xf32, #tpu.memory_space<vmem>>)
      %dma_wait3A_1551 = arith.constant 2 : i32
      %dma_wait3A_1552 = arith.constant 0 : i32
      %dma_wait3A_1553 = arith.constant 0 : i32
      %dma_wait3A_1554 = tpu.memref_slice %arg8[%dma_wait3A_1552, %dma_wait3A_1553] : memref<125x64xf32, #tpu.memory_space<vmem>> -> memref<125x64xf32, #tpu.memory_space<vmem>>
      %dma_wait3A_1555 = arith.constant 0 : i32
      %dma_wait3A_1556 = tpu.memref_slice %arg14[%dma_wait3A_1551, %dma_wait3A_1555] : memref<5x125xi32, #tpu.memory_space<vmem>> -> memref<1x125xi32, #tpu.memory_space<vmem>>
      %dma_wait3A_1557 = tpu.memref_squeeze %dma_wait3A_1556 : memref<1x125xi32, #tpu.memory_space<vmem>> -> memref<125xi32, #tpu.memory_space<vmem>>
      %dma_wait3A_1558 = arith.constant 0 : i32
      %dma_wait3A_1559 = arith.constant 0 : i32
      %dma_wait3A_1560 = tpu.memref_slice %arg5[%dma_wait3A_1558, %dma_wait3A_1559] : memref<20000x64xf32, #tpu.memory_space<hbm>> -> memref<20000x64xf32, #tpu.memory_space<hbm>>
      tpu.wait_indirect_dma semaphore(%arg21 : memref<!tpu.dma_semaphore, #tpu.memory_space<semaphore_mem>>) src(%dma_wait3A_1554 : memref<125x64xf32, #tpu.memory_space<vmem>>) dst(%dma_wait3A_1560 : memref<20000x64xf32, #tpu.memory_space<hbm>>)
      %mul3A_1561 = arith.constant 640 : i32
      %mul3A_1562 = arith.muli %arg1, %mul3A_1561 : i32
      %add3A_1563 = arith.constant 500 : i32
      %add3A_1564 = arith.addi %mul3A_1562, %add3A_1563 : i32
      %dma_start3A_1565 = arith.constant 0 : i32
      %dma_start3A_1566 = arith.constant 0 : i32
      %dma_start3A_1567 = tpu.memref_slice %arg8[%dma_start3A_1565, %dma_start3A_1566] : memref<125x64xf32, #tpu.memory_space<vmem>> -> memref<125x64xf32, #tpu.memory_space<vmem>>
      %dma_start3A_1568 = arith.constant 0 : i32
      %dma_start3A_1569 = tpu.memref_slice %arg17[%add3A_1564, %dma_start3A_1568] : memref<10240x64xf32, #tpu.memory_space<vmem_shared>> -> memref<125x64xf32, #tpu.memory_space<vmem_shared>>
      %dma_start3A_1570 = arith.constant 0 : i32
      %dma_start3A_1571 = arith.constant 0 : i32
      %dma_start3A_1572 = tpu.memref_slice %arg8[%dma_start3A_1570, %dma_start3A_1571] : memref<125x64xf32, #tpu.memory_space<vmem>> -> memref<125x64xf32, #tpu.memory_space<vmem>>
      %dma_start3A_1573 = arith.constant 0 : i32
      %dma_start3A_1574 = tpu.memref_slice %arg17[%add3A_1564, %dma_start3A_1573] : memref<10240x64xf32, #tpu.memory_space<vmem_shared>> -> memref<125x64xf32, #tpu.memory_space<vmem_shared>>
      tpu.enqueue_dma source(%dma_start3A_1574 : memref<125x64xf32, #tpu.memory_space<vmem_shared>>) target(%dma_start3A_1572 : memref<125x64xf32, #tpu.memory_space<vmem>>) target_semaphore(%arg19 : memref<!tpu.dma_semaphore, #tpu.memory_space<semaphore_mem>>)
      %scan3A_1575 = arith.constant 0 : i32
      %scan3A_1576 = arith.constant 0 : i32
      %scan3A_1577 = arith.constant 125 : i32
      %scan3A_1578 = arith.addi %scan3A_1576, %scan3A_1577 : i32
      %scan3A_1579 = arith.constant 1 : i32
      scf.for %scan3A_1687 = %scan3A_1576 to %scan3A_1578 step %scan3A_1579  : i32 {
        %add3A_1688 = arith.constant 375 : i32
        %add3A_1689 = arith.addi %add3A_1688, %scan3A_1687 : i32
        %get3A_1690 = arith.index_cast %add3A_1689 : i32 to index
        %get3A_1691 = arith.constant 0 : index
        %get3A_1692 = tpu.vector_load %arg12[%get3A_1690, %get3A_1691] {strides = array<i32>} : memref<640x16xf32, #tpu.memory_space<vmem>>, vector<16xf32>,
        %get3A_1693 = arith.index_cast %scan3A_1687 : i32 to index
        %get3A_1694 = arith.constant 0 : index
        %get3A_1695 = tpu.vector_load %arg10[%get3A_1693, %get3A_1694] {strides = array<i32>} : memref<125x64xf32, #tpu.memory_space<vmem>>, vector<16xf32>,
        %mul3A_1696 = arith.mulf %get3A_1695, %get3A_1692 : vector<16xf32>
        %swap3A_1697 = arith.index_cast %scan3A_1687 : i32 to index
        %swap3A_1698 = arith.constant 0 : index
        %swap3A_1699 = tpu.vector_load %arg10[%swap3A_1697, %swap3A_1698] {strides = array<i32>} : memref<125x64xf32, #tpu.memory_space<vmem>>, vector<16xf32>,
        tpu.vector_store %arg10[%swap3A_1697, %swap3A_1698], %mul3A_1696 {strides = array<i32>} : memref<125x64xf32, #tpu.memory_space<vmem>>, vector<16xf32>,
        %get3A_1700 = arith.index_cast %scan3A_1687 : i32 to index
        %get3A_1701 = arith.constant 16 : index
        %get3A_1702 = tpu.vector_load %arg10[%get3A_1700, %get3A_1701] {strides = array<i32>} : memref<125x64xf32, #tpu.memory_space<vmem>>, vector<16xf32>,
        %mul3A_1703 = arith.mulf %get3A_1702, %get3A_1692 : vector<16xf32>
        %swap3A_1704 = arith.index_cast %scan3A_1687 : i32 to index
        %swap3A_1705 = arith.constant 16 : index
        %swap3A_1706 = tpu.vector_load %arg10[%swap3A_1704, %swap3A_1705] {strides = array<i32>} : memref<125x64xf32, #tpu.memory_space<vmem>>, vector<16xf32>,
        tpu.vector_store %arg10[%swap3A_1704, %swap3A_1705], %mul3A_1703 {strides = array<i32>} : memref<125x64xf32, #tpu.memory_space<vmem>>, vector<16xf32>,
        %get3A_1707 = arith.index_cast %scan3A_1687 : i32 to index
        %get3A_1708 = arith.constant 32 : index
        %get3A_1709 = tpu.vector_load %arg10[%get3A_1707, %get3A_1708] {strides = array<i32>} : memref<125x64xf32, #tpu.memory_space<vmem>>, vector<16xf32>,
        %mul3A_1710 = arith.mulf %get3A_1709, %get3A_1692 : vector<16xf32>
        %swap3A_1711 = arith.index_cast %scan3A_1687 : i32 to index
        %swap3A_1712 = arith.constant 32 : index
        %swap3A_1713 = tpu.vector_load %arg10[%swap3A_1711, %swap3A_1712] {strides = array<i32>} : memref<125x64xf32, #tpu.memory_space<vmem>>, vector<16xf32>,
        tpu.vector_store %arg10[%swap3A_1711, %swap3A_1712], %mul3A_1710 {strides = array<i32>} : memref<125x64xf32, #tpu.memory_space<vmem>>, vector<16xf32>,
        %get3A_1714 = arith.index_cast %scan3A_1687 : i32 to index
        %get3A_1715 = arith.constant 48 : index
        %get3A_1716 = tpu.vector_load %arg10[%get3A_1714, %get3A_1715] {strides = array<i32>} : memref<125x64xf32, #tpu.memory_space<vmem>>, vector<16xf32>,
        %mul3A_1717 = arith.mulf %get3A_1716, %get3A_1692 : vector<16xf32>
        %swap3A_1718 = arith.index_cast %scan3A_1687 : i32 to index
        %swap3A_1719 = arith.constant 48 : index
        %swap3A_1720 = tpu.vector_load %arg10[%swap3A_1718, %swap3A_1719] {strides = array<i32>} : memref<125x64xf32, #tpu.memory_space<vmem>>, vector<16xf32>,
        tpu.vector_store %arg10[%swap3A_1718, %swap3A_1719], %mul3A_1717 {strides = array<i32>} : memref<125x64xf32, #tpu.memory_space<vmem>>, vector<16xf32>,
      }
      %scan3A_1580 = arith.constant 125 : i32
      %dma_start3A_1581 = arith.constant 3 : i32
      %dma_start3A_1582 = arith.constant 0 : i32
      %dma_start3A_1583 = arith.constant 0 : i32
      %dma_start3A_1584 = tpu.memref_slice %arg10[%dma_start3A_1582, %dma_start3A_1583] : memref<125x64xf32, #tpu.memory_space<vmem>> -> memref<125x64xf32, #tpu.memory_space<vmem>>
      %dma_start3A_1585 = arith.constant 0 : i32
      %dma_start3A_1586 = tpu.memref_slice %arg14[%dma_start3A_1581, %dma_start3A_1585] : memref<5x125xi32, #tpu.memory_space<vmem>> -> memref<1x125xi32, #tpu.memory_space<vmem>>
      %dma_start3A_1587 = tpu.memref_squeeze %dma_start3A_1586 : memref<1x125xi32, #tpu.memory_space<vmem>> -> memref<125xi32, #tpu.memory_space<vmem>>
      %dma_start3A_1588 = arith.constant 0 : i32
      %dma_start3A_1589 = arith.constant 0 : i32
      %dma_start3A_1590 = tpu.memref_slice %arg5[%dma_start3A_1588, %dma_start3A_1589] : memref<20000x64xf32, #tpu.memory_space<hbm>> -> memref<20000x64xf32, #tpu.memory_space<hbm>>
      tpu.enqueue_indirect_dma source(%dma_start3A_1584 : memref<125x64xf32, #tpu.memory_space<vmem>>) target(%dma_start3A_1590 : memref<20000x64xf32, #tpu.memory_space<hbm>>) offsets(%dma_start3A_1587 : memref<125xi32, #tpu.memory_space<vmem>>) semaphore(%arg21 : memref<!tpu.dma_semaphore, #tpu.memory_space<semaphore_mem>>)
      %dma_wait3A_1591 = arith.constant 0 : i32
      %dma_wait3A_1592 = arith.constant 0 : i32
      %dma_wait3A_1593 = tpu.memref_slice %arg8[%dma_wait3A_1591, %dma_wait3A_1592] : memref<125x64xf32, #tpu.memory_space<vmem>> -> memref<125x64xf32, #tpu.memory_space<vmem>>
      %dma_wait3A_1594 = arith.constant 0 : i32
      %dma_wait3A_1595 = tpu.memref_slice %arg17[%add3A_1564, %dma_wait3A_1594] : memref<10240x64xf32, #tpu.memory_space<vmem_shared>> -> memref<125x64xf32, #tpu.memory_space<vmem_shared>>
      %dma_wait3A_1596 = arith.constant 0 : i32
      %dma_wait3A_1597 = arith.constant 0 : i32
      %dma_wait3A_1598 = tpu.memref_slice %arg8[%dma_wait3A_1596, %dma_wait3A_1597] : memref<125x64xf32, #tpu.memory_space<vmem>> -> memref<125x64xf32, #tpu.memory_space<vmem>>
      %dma_wait3A_1599 = arith.constant 0 : i32
      %dma_wait3A_1600 = tpu.memref_slice %arg17[%add3A_1564, %dma_wait3A_1599] : memref<10240x64xf32, #tpu.memory_space<vmem_shared>> -> memref<125x64xf32, #tpu.memory_space<vmem_shared>>
      tpu.wait_dma2 semaphore(%arg19 : memref<!tpu.dma_semaphore, #tpu.memory_space<semaphore_mem>>) src(%dma_wait3A_1600 : memref<125x64xf32, #tpu.memory_space<vmem_shared>>) dst(%dma_wait3A_1598 : memref<125x64xf32, #tpu.memory_space<vmem>>)
      %dma_wait3A_1601 = arith.constant 3 : i32
      %dma_wait3A_1602 = arith.constant 0 : i32
      %dma_wait3A_1603 = arith.constant 0 : i32
      %dma_wait3A_1604 = tpu.memref_slice %arg10[%dma_wait3A_1602, %dma_wait3A_1603] : memref<125x64xf32, #tpu.memory_space<vmem>> -> memref<125x64xf32, #tpu.memory_space<vmem>>
      %dma_wait3A_1605 = arith.constant 0 : i32
      %dma_wait3A_1606 = tpu.memref_slice %arg14[%dma_wait3A_1601, %dma_wait3A_1605] : memref<5x125xi32, #tpu.memory_space<vmem>> -> memref<1x125xi32, #tpu.memory_space<vmem>>
      %dma_wait3A_1607 = tpu.memref_squeeze %dma_wait3A_1606 : memref<1x125xi32, #tpu.memory_space<vmem>> -> memref<125xi32, #tpu.memory_space<vmem>>
      %dma_wait3A_1608 = arith.constant 0 : i32
      %dma_wait3A_1609 = arith.constant 0 : i32
      %dma_wait3A_1610 = tpu.memref_slice %arg5[%dma_wait3A_1608, %dma_wait3A_1609] : memref<20000x64xf32, #tpu.memory_space<hbm>> -> memref<20000x64xf32, #tpu.memory_space<hbm>>
      tpu.wait_indirect_dma semaphore(%arg21 : memref<!tpu.dma_semaphore, #tpu.memory_space<semaphore_mem>>) src(%dma_wait3A_1604 : memref<125x64xf32, #tpu.memory_space<vmem>>) dst(%dma_wait3A_1610 : memref<20000x64xf32, #tpu.memory_space<hbm>>)
      %mul3A_1611 = arith.constant 640 : i32
      %mul3A_1612 = arith.muli %arg1, %mul3A_1611 : i32
      %add3A_1613 = arith.constant 624 : i32
      %add3A_1614 = arith.addi %mul3A_1612, %add3A_1613 : i32
      %dma_start3A_1615 = arith.constant 0 : i32
      %dma_start3A_1616 = arith.constant 0 : i32
      %dma_start3A_1617 = tpu.memref_slice %arg10[%dma_start3A_1615, %dma_start3A_1616] : memref<125x64xf32, #tpu.memory_space<vmem>> -> memref<16x64xf32, #tpu.memory_space<vmem>>
      %dma_start3A_1618 = arith.constant 0 : i32
      %dma_start3A_1619 = tpu.memref_slice %arg17[%add3A_1614, %dma_start3A_1618] : memref<10240x64xf32, #tpu.memory_space<vmem_shared>> -> memref<16x64xf32, #tpu.memory_space<vmem_shared>>
      %dma_start3A_1620 = arith.constant 0 : i32
      %dma_start3A_1621 = arith.constant 0 : i32
      %dma_start3A_1622 = tpu.memref_slice %arg10[%dma_start3A_1620, %dma_start3A_1621] : memref<125x64xf32, #tpu.memory_space<vmem>> -> memref<16x64xf32, #tpu.memory_space<vmem>>
      %dma_start3A_1623 = arith.constant 0 : i32
      %dma_start3A_1624 = tpu.memref_slice %arg17[%add3A_1614, %dma_start3A_1623] : memref<10240x64xf32, #tpu.memory_space<vmem_shared>> -> memref<16x64xf32, #tpu.memory_space<vmem_shared>>
      tpu.enqueue_dma source(%dma_start3A_1624 : memref<16x64xf32, #tpu.memory_space<vmem_shared>>) target(%dma_start3A_1622 : memref<16x64xf32, #tpu.memory_space<vmem>>) target_semaphore(%arg20 : memref<!tpu.dma_semaphore, #tpu.memory_space<semaphore_mem>>)
      %scan3A_1625 = arith.constant 0 : i32
      %scan3A_1626 = arith.constant 0 : i32
      %scan3A_1627 = arith.constant 125 : i32
      %scan3A_1628 = arith.addi %scan3A_1626, %scan3A_1627 : i32
      %scan3A_1629 = arith.constant 1 : i32
      scf.for %scan3A_1687 = %scan3A_1626 to %scan3A_1628 step %scan3A_1629  : i32 {
        %add3A_1688 = arith.constant 500 : i32
        %add3A_1689 = arith.addi %add3A_1688, %scan3A_1687 : i32
        %get3A_1690 = arith.index_cast %add3A_1689 : i32 to index
        %get3A_1691 = arith.constant 0 : index
        %get3A_1692 = tpu.vector_load %arg12[%get3A_1690, %get3A_1691] {strides = array<i32>} : memref<640x16xf32, #tpu.memory_space<vmem>>, vector<16xf32>,
        %get3A_1693 = arith.index_cast %scan3A_1687 : i32 to index
        %get3A_1694 = arith.constant 0 : index
        %get3A_1695 = tpu.vector_load %arg8[%get3A_1693, %get3A_1694] {strides = array<i32>} : memref<125x64xf32, #tpu.memory_space<vmem>>, vector<16xf32>,
        %mul3A_1696 = arith.mulf %get3A_1695, %get3A_1692 : vector<16xf32>
        %swap3A_1697 = arith.index_cast %scan3A_1687 : i32 to index
        %swap3A_1698 = arith.constant 0 : index
        %swap3A_1699 = tpu.vector_load %arg8[%swap3A_1697, %swap3A_1698] {strides = array<i32>} : memref<125x64xf32, #tpu.memory_space<vmem>>, vector<16xf32>,
        tpu.vector_store %arg8[%swap3A_1697, %swap3A_1698], %mul3A_1696 {strides = array<i32>} : memref<125x64xf32, #tpu.memory_space<vmem>>, vector<16xf32>,
        %get3A_1700 = arith.index_cast %scan3A_1687 : i32 to index
        %get3A_1701 = arith.constant 16 : index
        %get3A_1702 = tpu.vector_load %arg8[%get3A_1700, %get3A_1701] {strides = array<i32>} : memref<125x64xf32, #tpu.memory_space<vmem>>, vector<16xf32>,
        %mul3A_1703 = arith.mulf %get3A_1702, %get3A_1692 : vector<16xf32>
        %swap3A_1704 = arith.index_cast %scan3A_1687 : i32 to index
        %swap3A_1705 = arith.constant 16 : index
        %swap3A_1706 = tpu.vector_load %arg8[%swap3A_1704, %swap3A_1705] {strides = array<i32>} : memref<125x64xf32, #tpu.memory_space<vmem>>, vector<16xf32>,
        tpu.vector_store %arg8[%swap3A_1704, %swap3A_1705], %mul3A_1703 {strides = array<i32>} : memref<125x64xf32, #tpu.memory_space<vmem>>, vector<16xf32>,
        %get3A_1707 = arith.index_cast %scan3A_1687 : i32 to index
        %get3A_1708 = arith.constant 32 : index
        %get3A_1709 = tpu.vector_load %arg8[%get3A_1707, %get3A_1708] {strides = array<i32>} : memref<125x64xf32, #tpu.memory_space<vmem>>, vector<16xf32>,
        %mul3A_1710 = arith.mulf %get3A_1709, %get3A_1692 : vector<16xf32>
        %swap3A_1711 = arith.index_cast %scan3A_1687 : i32 to index
        %swap3A_1712 = arith.constant 32 : index
        %swap3A_1713 = tpu.vector_load %arg8[%swap3A_1711, %swap3A_1712] {strides = array<i32>} : memref<125x64xf32, #tpu.memory_space<vmem>>, vector<16xf32>,
        tpu.vector_store %arg8[%swap3A_1711, %swap3A_1712], %mul3A_1710 {strides = array<i32>} : memref<125x64xf32, #tpu.memory_space<vmem>>, vector<16xf32>,
        %get3A_1714 = arith.index_cast %scan3A_1687 : i32 to index
        %get3A_1715 = arith.constant 48 : index
        %get3A_1716 = tpu.vector_load %arg8[%get3A_1714, %get3A_1715] {strides = array<i32>} : memref<125x64xf32, #tpu.memory_space<vmem>>, vector<16xf32>,
        %mul3A_1717 = arith.mulf %get3A_1716, %get3A_1692 : vector<16xf32>
        %swap3A_1718 = arith.index_cast %scan3A_1687 : i32 to index
        %swap3A_1719 = arith.constant 48 : index
        %swap3A_1720 = tpu.vector_load %arg8[%swap3A_1718, %swap3A_1719] {strides = array<i32>} : memref<125x64xf32, #tpu.memory_space<vmem>>, vector<16xf32>,
        tpu.vector_store %arg8[%swap3A_1718, %swap3A_1719], %mul3A_1717 {strides = array<i32>} : memref<125x64xf32, #tpu.memory_space<vmem>>, vector<16xf32>,
      }
      %scan3A_1630 = arith.constant 125 : i32
      %dma_start3A_1631 = arith.constant 4 : i32
      %dma_start3A_1632 = arith.constant 0 : i32
      %dma_start3A_1633 = arith.constant 0 : i32
      %dma_start3A_1634 = tpu.memref_slice %arg8[%dma_start3A_1632, %dma_start3A_1633] : memref<125x64xf32, #tpu.memory_space<vmem>> -> memref<125x64xf32, #tpu.memory_space<vmem>>
      %dma_start3A_1635 = arith.constant 0 : i32
      %dma_start3A_1636 = tpu.memref_slice %arg14[%dma_start3A_1631, %dma_start3A_1635] : memref<5x125xi32, #tpu.memory_space<vmem>> -> memref<1x125xi32, #tpu.memory_space<vmem>>
      %dma_start3A_1637 = tpu.memref_squeeze %dma_start3A_1636 : memref<1x125xi32, #tpu.memory_space<vmem>> -> memref<125xi32, #tpu.memory_space<vmem>>
      %dma_start3A_1638 = arith.constant 0 : i32
      %dma_start3A_1639 = arith.constant 0 : i32
      %dma_start3A_1640 = tpu.memref_slice %arg5[%dma_start3A_1638, %dma_start3A_1639] : memref<20000x64xf32, #tpu.memory_space<hbm>> -> memref<20000x64xf32, #tpu.memory_space<hbm>>
      tpu.enqueue_indirect_dma source(%dma_start3A_1634 : memref<125x64xf32, #tpu.memory_space<vmem>>) target(%dma_start3A_1640 : memref<20000x64xf32, #tpu.memory_space<hbm>>) offsets(%dma_start3A_1637 : memref<125xi32, #tpu.memory_space<vmem>>) semaphore(%arg21 : memref<!tpu.dma_semaphore, #tpu.memory_space<semaphore_mem>>)
      %dma_wait3A_1641 = arith.constant 0 : i32
      %dma_wait3A_1642 = arith.constant 0 : i32
      %dma_wait3A_1643 = tpu.memref_slice %arg10[%dma_wait3A_1641, %dma_wait3A_1642] : memref<125x64xf32, #tpu.memory_space<vmem>> -> memref<16x64xf32, #tpu.memory_space<vmem>>
      %dma_wait3A_1644 = arith.constant 0 : i32
      %dma_wait3A_1645 = tpu.memref_slice %arg17[%add3A_1614, %dma_wait3A_1644] : memref<10240x64xf32, #tpu.memory_space<vmem_shared>> -> memref<16x64xf32, #tpu.memory_space<vmem_shared>>
      %dma_wait3A_1646 = arith.constant 0 : i32
      %dma_wait3A_1647 = arith.constant 0 : i32
      %dma_wait3A_1648 = tpu.memref_slice %arg10[%dma_wait3A_1646, %dma_wait3A_1647] : memref<125x64xf32, #tpu.memory_space<vmem>> -> memref<16x64xf32, #tpu.memory_space<vmem>>
      %dma_wait3A_1649 = arith.constant 0 : i32
      %dma_wait3A_1650 = tpu.memref_slice %arg17[%add3A_1614, %dma_wait3A_1649] : memref<10240x64xf32, #tpu.memory_space<vmem_shared>> -> memref<16x64xf32, #tpu.memory_space<vmem_shared>>
      tpu.wait_dma2 semaphore(%arg20 : memref<!tpu.dma_semaphore, #tpu.memory_space<semaphore_mem>>) src(%dma_wait3A_1650 : memref<16x64xf32, #tpu.memory_space<vmem_shared>>) dst(%dma_wait3A_1648 : memref<16x64xf32, #tpu.memory_space<vmem>>)
      %scan3A_1651 = arith.constant 0 : i32
      %scan3A_1652 = arith.constant 0 : i32
      %scan3A_1653 = arith.constant 16 : i32
      %scan3A_1654 = arith.addi %scan3A_1652, %scan3A_1653 : i32
      %scan3A_1655 = arith.constant 1 : i32
      scf.for %scan3A_1687 = %scan3A_1652 to %scan3A_1654 step %scan3A_1655  : i32 {
        %add3A_1688 = arith.constant 624 : i32
        %add3A_1689 = arith.addi %add3A_1688, %scan3A_1687 : i32
        %get3A_1690 = arith.index_cast %add3A_1689 : i32 to index
        %get3A_1691 = arith.constant 0 : index
        %get3A_1692 = tpu.vector_load %arg12[%get3A_1690, %get3A_1691] {strides = array<i32>} : memref<640x16xf32, #tpu.memory_space<vmem>>, vector<16xf32>,
        %get3A_1693 = arith.index_cast %scan3A_1687 : i32 to index
        %get3A_1694 = arith.constant 0 : index
        %get3A_1695 = tpu.vector_load %arg10[%get3A_1693, %get3A_1694] {strides = array<i32>} : memref<125x64xf32, #tpu.memory_space<vmem>>, vector<16xf32>,
        %mul3A_1696 = arith.mulf %get3A_1695, %get3A_1692 : vector<16xf32>
        %swap3A_1697 = arith.index_cast %scan3A_1687 : i32 to index
        %swap3A_1698 = arith.constant 0 : index
        %swap3A_1699 = tpu.vector_load %arg10[%swap3A_1697, %swap3A_1698] {strides = array<i32>} : memref<125x64xf32, #tpu.memory_space<vmem>>, vector<16xf32>,
        tpu.vector_store %arg10[%swap3A_1697, %swap3A_1698], %mul3A_1696 {strides = array<i32>} : memref<125x64xf32, #tpu.memory_space<vmem>>, vector<16xf32>,
        %get3A_1700 = arith.index_cast %scan3A_1687 : i32 to index
        %get3A_1701 = arith.constant 16 : index
        %get3A_1702 = tpu.vector_load %arg10[%get3A_1700, %get3A_1701] {strides = array<i32>} : memref<125x64xf32, #tpu.memory_space<vmem>>, vector<16xf32>,
        %mul3A_1703 = arith.mulf %get3A_1702, %get3A_1692 : vector<16xf32>
        %swap3A_1704 = arith.index_cast %scan3A_1687 : i32 to index
        %swap3A_1705 = arith.constant 16 : index
        %swap3A_1706 = tpu.vector_load %arg10[%swap3A_1704, %swap3A_1705] {strides = array<i32>} : memref<125x64xf32, #tpu.memory_space<vmem>>, vector<16xf32>,
        tpu.vector_store %arg10[%swap3A_1704, %swap3A_1705], %mul3A_1703 {strides = array<i32>} : memref<125x64xf32, #tpu.memory_space<vmem>>, vector<16xf32>,
        %get3A_1707 = arith.index_cast %scan3A_1687 : i32 to index
        %get3A_1708 = arith.constant 32 : index
        %get3A_1709 = tpu.vector_load %arg10[%get3A_1707, %get3A_1708] {strides = array<i32>} : memref<125x64xf32, #tpu.memory_space<vmem>>, vector<16xf32>,
        %mul3A_1710 = arith.mulf %get3A_1709, %get3A_1692 : vector<16xf32>
        %swap3A_1711 = arith.index_cast %scan3A_1687 : i32 to index
        %swap3A_1712 = arith.constant 32 : index
        %swap3A_1713 = tpu.vector_load %arg10[%swap3A_1711, %swap3A_1712] {strides = array<i32>} : memref<125x64xf32, #tpu.memory_space<vmem>>, vector<16xf32>,
        tpu.vector_store %arg10[%swap3A_1711, %swap3A_1712], %mul3A_1710 {strides = array<i32>} : memref<125x64xf32, #tpu.memory_space<vmem>>, vector<16xf32>,
        %get3A_1714 = arith.index_cast %scan3A_1687 : i32 to index
        %get3A_1715 = arith.constant 48 : index
        %get3A_1716 = tpu.vector_load %arg10[%get3A_1714, %get3A_1715] {strides = array<i32>} : memref<125x64xf32, #tpu.memory_space<vmem>>, vector<16xf32>,
        %mul3A_1717 = arith.mulf %get3A_1716, %get3A_1692 : vector<16xf32>
        %swap3A_1718 = arith.index_cast %scan3A_1687 : i32 to index
        %swap3A_1719 = arith.constant 48 : index
        %swap3A_1720 = tpu.vector_load %arg10[%swap3A_1718, %swap3A_1719] {strides = array<i32>} : memref<125x64xf32, #tpu.memory_space<vmem>>, vector<16xf32>,
        tpu.vector_store %arg10[%swap3A_1718, %swap3A_1719], %mul3A_1717 {strides = array<i32>} : memref<125x64xf32, #tpu.memory_space<vmem>>, vector<16xf32>,
      }
      %scan3A_1656 = arith.constant 16 : i32
      %dma_start3A_1657 = arith.constant 0 : i32
      %dma_start3A_1658 = arith.constant 0 : i32
      %dma_start3A_1659 = arith.constant 0 : i32
      %dma_start3A_1660 = tpu.memref_slice %arg10[%dma_start3A_1658, %dma_start3A_1659] : memref<125x64xf32, #tpu.memory_space<vmem>> -> memref<16x64xf32, #tpu.memory_space<vmem>>
      %dma_start3A_1661 = arith.constant 0 : i32
      %dma_start3A_1662 = tpu.memref_slice %arg15[%dma_start3A_1657, %dma_start3A_1661] : memref<3x16xi32, #tpu.memory_space<vmem>> -> memref<1x16xi32, #tpu.memory_space<vmem>>
      %dma_start3A_1663 = tpu.memref_squeeze %dma_start3A_1662 : memref<1x16xi32, #tpu.memory_space<vmem>> -> memref<16xi32, #tpu.memory_space<vmem>>
      %dma_start3A_1664 = arith.constant 0 : i32
      %dma_start3A_1665 = arith.constant 0 : i32
      %dma_start3A_1666 = tpu.memref_slice %arg5[%dma_start3A_1664, %dma_start3A_1665] : memref<20000x64xf32, #tpu.memory_space<hbm>> -> memref<20000x64xf32, #tpu.memory_space<hbm>>
      tpu.enqueue_indirect_dma source(%dma_start3A_1660 : memref<16x64xf32, #tpu.memory_space<vmem>>) target(%dma_start3A_1666 : memref<20000x64xf32, #tpu.memory_space<hbm>>) offsets(%dma_start3A_1663 : memref<16xi32, #tpu.memory_space<vmem>>) semaphore(%arg21 : memref<!tpu.dma_semaphore, #tpu.memory_space<semaphore_mem>>)
      %dma_wait3A_1667 = arith.constant 4 : i32
      %dma_wait3A_1668 = arith.constant 0 : i32
      %dma_wait3A_1669 = arith.constant 0 : i32
      %dma_wait3A_1670 = tpu.memref_slice %arg8[%dma_wait3A_1668, %dma_wait3A_1669] : memref<125x64xf32, #tpu.memory_space<vmem>> -> memref<125x64xf32, #tpu.memory_space<vmem>>
      %dma_wait3A_1671 = arith.constant 0 : i32
      %dma_wait3A_1672 = tpu.memref_slice %arg14[%dma_wait3A_1667, %dma_wait3A_1671] : memref<5x125xi32, #tpu.memory_space<vmem>> -> memref<1x125xi32, #tpu.memory_space<vmem>>
      %dma_wait3A_1673 = tpu.memref_squeeze %dma_wait3A_1672 : memref<1x125xi32, #tpu.memory_space<vmem>> -> memref<125xi32, #tpu.memory_space<vmem>>
      %dma_wait3A_1674 = arith.constant 0 : i32
      %dma_wait3A_1675 = arith.constant 0 : i32
      %dma_wait3A_1676 = tpu.memref_slice %arg5[%dma_wait3A_1674, %dma_wait3A_1675] : memref<20000x64xf32, #tpu.memory_space<hbm>> -> memref<20000x64xf32, #tpu.memory_space<hbm>>
      tpu.wait_indirect_dma semaphore(%arg21 : memref<!tpu.dma_semaphore, #tpu.memory_space<semaphore_mem>>) src(%dma_wait3A_1670 : memref<125x64xf32, #tpu.memory_space<vmem>>) dst(%dma_wait3A_1676 : memref<20000x64xf32, #tpu.memory_space<hbm>>)
      %dma_wait3A_1677 = arith.constant 0 : i32
      %dma_wait3A_1678 = arith.constant 0 : i32
      %dma_wait3A_1679 = arith.constant 0 : i32
      %dma_wait3A_1680 = tpu.memref_slice %arg10[%dma_wait3A_1678, %dma_wait3A_1679] : memref<125x64xf32, #tpu.memory_space<vmem>> -> memref<16x64xf32, #tpu.memory_space<vmem>>
      %dma_wait3A_1681 = arith.constant 0 : i32
      %dma_wait3A_1682 = tpu.memref_slice %arg15[%dma_wait3A_1677, %dma_wait3A_1681] : memref<3x16xi32, #tpu.memory_space<vmem>> -> memref<1x16xi32, #tpu.memory_space<vmem>>
      %dma_wait3A_1683 = tpu.memref_squeeze %dma_wait3A_1682 : memref<1x16xi32, #tpu.memory_space<vmem>> -> memref<16xi32, #tpu.memory_space<vmem>>
      %dma_wait3A_1684 = arith.constant 0 : i32
      %dma_wait3A_1685 = arith.constant 0 : i32
      %dma_wait3A_1686 = tpu.memref_slice %arg5[%dma_wait3A_1684, %dma_wait3A_1685] : memref<20000x64xf32, #tpu.memory_space<hbm>> -> memref<20000x64xf32, #tpu.memory_space<hbm>>
      tpu.wait_indirect_dma semaphore(%arg21 : memref<!tpu.dma_semaphore, #tpu.memory_space<semaphore_mem>>) src(%dma_wait3A_1680 : memref<16x64xf32, #tpu.memory_space<vmem>>) dst(%dma_wait3A_1686 : memref<20000x64xf32, #tpu.memory_space<hbm>>)
    } else {
    }
    %eq3A = arith.constant 15 : i32
    %eq3A_1383 = arith.cmpi eq, %arg1, %eq3A : i32
    %convert_element_type3A_1384 = arith.extui %eq3A_1383 : i1 to i32
    %cond3A_1385 = arith.constant 0 : i32
    %cond3A_1386 = arith.cmpi ne, %convert_element_type3A_1384, %cond3A_1385 : i32
    scf.if %cond3A_1386 {
      %mul3A_1387 = arith.constant 640 : i32
      %mul3A_1388 = arith.muli %arg1, %mul3A_1387 : i32
      %add3A_1389 = arith.constant 0 : i32
      %add3A_1390 = arith.addi %mul3A_1388, %add3A_1389 : i32
      %dma_start3A_1391 = arith.constant 0 : i32
      %dma_start3A_1392 = arith.constant 0 : i32
      %dma_start3A_1393 = tpu.memref_slice %arg8[%dma_start3A_1391, %dma_start3A_1392] : memref<125x64xf32, #tpu.memory_space<vmem>> -> memref<125x64xf32, #tpu.memory_space<vmem>>
      %dma_start3A_1394 = arith.constant 0 : i32
      %dma_start3A_1395 = tpu.memref_slice %arg17[%add3A_1390, %dma_start3A_1394] : memref<10240x64xf32, #tpu.memory_space<vmem_shared>> -> memref<125x64xf32, #tpu.memory_space<vmem_shared>>
      %dma_start3A_1396 = arith.constant 0 : i32
      %dma_start3A_1397 = arith.constant 0 : i32
      %dma_start3A_1398 = tpu.memref_slice %arg8[%dma_start3A_1396, %dma_start3A_1397] : memref<125x64xf32, #tpu.memory_space<vmem>> -> memref<125x64xf32, #tpu.memory_space<vmem>>
      %dma_start3A_1399 = arith.constant 0 : i32
      %dma_start3A_1400 = tpu.memref_slice %arg17[%add3A_1390, %dma_start3A_1399] : memref<10240x64xf32, #tpu.memory_space<vmem_shared>> -> memref<125x64xf32, #tpu.memory_space<vmem_shared>>
      tpu.enqueue_dma source(%dma_start3A_1400 : memref<125x64xf32, #tpu.memory_space<vmem_shared>>) target(%dma_start3A_1398 : memref<125x64xf32, #tpu.memory_space<vmem>>) target_semaphore(%arg19 : memref<!tpu.dma_semaphore, #tpu.memory_space<semaphore_mem>>)
      %dma_wait3A_1401 = arith.constant 0 : i32
      %dma_wait3A_1402 = arith.constant 0 : i32
      %dma_wait3A_1403 = tpu.memref_slice %arg8[%dma_wait3A_1401, %dma_wait3A_1402] : memref<125x64xf32, #tpu.memory_space<vmem>> -> memref<125x64xf32, #tpu.memory_space<vmem>>
      %dma_wait3A_1404 = arith.constant 0 : i32
      %dma_wait3A_1405 = tpu.memref_slice %arg17[%add3A_1390, %dma_wait3A_1404] : memref<10240x64xf32, #tpu.memory_space<vmem_shared>> -> memref<125x64xf32, #tpu.memory_space<vmem_shared>>
      %dma_wait3A_1406 = arith.constant 0 : i32
      %dma_wait3A_1407 = arith.constant 0 : i32
      %dma_wait3A_1408 = tpu.memref_slice %arg8[%dma_wait3A_1406, %dma_wait3A_1407] : memref<125x64xf32, #tpu.memory_space<vmem>> -> memref<125x64xf32, #tpu.memory_space<vmem>>
      %dma_wait3A_1409 = arith.constant 0 : i32
      %dma_wait3A_1410 = tpu.memref_slice %arg17[%add3A_1390, %dma_wait3A_1409] : memref<10240x64xf32, #tpu.memory_space<vmem_shared>> -> memref<125x64xf32, #tpu.memory_space<vmem_shared>>
      tpu.wait_dma2 semaphore(%arg19 : memref<!tpu.dma_semaphore, #tpu.memory_space<semaphore_mem>>) src(%dma_wait3A_1410 : memref<125x64xf32, #tpu.memory_space<vmem_shared>>) dst(%dma_wait3A_1408 : memref<125x64xf32, #tpu.memory_space<vmem>>)
      %mul3A_1411 = arith.constant 640 : i32
      %mul3A_1412 = arith.muli %arg1, %mul3A_1411 : i32
      %add3A_1413 = arith.constant 125 : i32
      %add3A_1414 = arith.addi %mul3A_1412, %add3A_1413 : i32
      %dma_start3A_1415 = arith.constant 0 : i32
      %dma_start3A_1416 = arith.constant 0 : i32
      %dma_start3A_1417 = tpu.memref_slice %arg10[%dma_start3A_1415, %dma_start3A_1416] : memref<125x64xf32, #tpu.memory_space<vmem>> -> memref<125x64xf32, #tpu.memory_space<vmem>>
      %dma_start3A_1418 = arith.constant 0 : i32
      %dma_start3A_1419 = tpu.memref_slice %arg17[%add3A_1414, %dma_start3A_1418] : memref<10240x64xf32, #tpu.memory_space<vmem_shared>> -> memref<125x64xf32, #tpu.memory_space<vmem_shared>>
      %dma_start3A_1420 = arith.constant 0 : i32
      %dma_start3A_1421 = arith.constant 0 : i32
      %dma_start3A_1422 = tpu.memref_slice %arg10[%dma_start3A_1420, %dma_start3A_1421] : memref<125x64xf32, #tpu.memory_space<vmem>> -> memref<125x64xf32, #tpu.memory_space<vmem>>
      %dma_start3A_1423 = arith.constant 0 : i32
      %dma_start3A_1424 = tpu.memref_slice %arg17[%add3A_1414, %dma_start3A_1423] : memref<10240x64xf32, #tpu.memory_space<vmem_shared>> -> memref<125x64xf32, #tpu.memory_space<vmem_shared>>
      tpu.enqueue_dma source(%dma_start3A_1424 : memref<125x64xf32, #tpu.memory_space<vmem_shared>>) target(%dma_start3A_1422 : memref<125x64xf32, #tpu.memory_space<vmem>>) target_semaphore(%arg20 : memref<!tpu.dma_semaphore, #tpu.memory_space<semaphore_mem>>)
      %scan3A_1425 = arith.constant 0 : i32
      %scan3A_1426 = arith.constant 0 : i32
      %scan3A_1427 = arith.constant 125 : i32
      %scan3A_1428 = arith.addi %scan3A_1426, %scan3A_1427 : i32
      %scan3A_1429 = arith.constant 1 : i32
      scf.for %scan3A_1637 = %scan3A_1426 to %scan3A_1428 step %scan3A_1429  : i32 {
        %add3A_1638 = arith.constant 0 : i32
        %add3A_1639 = arith.addi %add3A_1638, %scan3A_1637 : i32
        %get3A_1640 = arith.index_cast %add3A_1639 : i32 to index
        %get3A_1641 = arith.constant 0 : index
        %get3A_1642 = tpu.vector_load %arg12[%get3A_1640, %get3A_1641] {strides = array<i32>} : memref<640x16xf32, #tpu.memory_space<vmem>>, vector<16xf32>,
        %get3A_1643 = arith.index_cast %scan3A_1637 : i32 to index
        %get3A_1644 = arith.constant 0 : index
        %get3A_1645 = tpu.vector_load %arg8[%get3A_1643, %get3A_1644] {strides = array<i32>} : memref<125x64xf32, #tpu.memory_space<vmem>>, vector<16xf32>,
        %mul3A_1646 = arith.mulf %get3A_1645, %get3A_1642 : vector<16xf32>
        %swap3A_1647 = arith.index_cast %scan3A_1637 : i32 to index
        %swap3A_1648 = arith.constant 0 : index
        %swap3A_1649 = tpu.vector_load %arg8[%swap3A_1647, %swap3A_1648] {strides = array<i32>} : memref<125x64xf32, #tpu.memory_space<vmem>>, vector<16xf32>,
        tpu.vector_store %arg8[%swap3A_1647, %swap3A_1648], %mul3A_1646 {strides = array<i32>} : memref<125x64xf32, #tpu.memory_space<vmem>>, vector<16xf32>,
        %get3A_1650 = arith.index_cast %scan3A_1637 : i32 to index
        %get3A_1651 = arith.constant 16 : index
        %get3A_1652 = tpu.vector_load %arg8[%get3A_1650, %get3A_1651] {strides = array<i32>} : memref<125x64xf32, #tpu.memory_space<vmem>>, vector<16xf32>,
        %mul3A_1653 = arith.mulf %get3A_1652, %get3A_1642 : vector<16xf32>
        %swap3A_1654 = arith.index_cast %scan3A_1637 : i32 to index
        %swap3A_1655 = arith.constant 16 : index
        %swap3A_1656 = tpu.vector_load %arg8[%swap3A_1654, %swap3A_1655] {strides = array<i32>} : memref<125x64xf32, #tpu.memory_space<vmem>>, vector<16xf32>,
        tpu.vector_store %arg8[%swap3A_1654, %swap3A_1655], %mul3A_1653 {strides = array<i32>} : memref<125x64xf32, #tpu.memory_space<vmem>>, vector<16xf32>,
        %get3A_1657 = arith.index_cast %scan3A_1637 : i32 to index
        %get3A_1658 = arith.constant 32 : index
        %get3A_1659 = tpu.vector_load %arg8[%get3A_1657, %get3A_1658] {strides = array<i32>} : memref<125x64xf32, #tpu.memory_space<vmem>>, vector<16xf32>,
        %mul3A_1660 = arith.mulf %get3A_1659, %get3A_1642 : vector<16xf32>
        %swap3A_1661 = arith.index_cast %scan3A_1637 : i32 to index
        %swap3A_1662 = arith.constant 32 : index
        %swap3A_1663 = tpu.vector_load %arg8[%swap3A_1661, %swap3A_1662] {strides = array<i32>} : memref<125x64xf32, #tpu.memory_space<vmem>>, vector<16xf32>,
        tpu.vector_store %arg8[%swap3A_1661, %swap3A_1662], %mul3A_1660 {strides = array<i32>} : memref<125x64xf32, #tpu.memory_space<vmem>>, vector<16xf32>,
        %get3A_1664 = arith.index_cast %scan3A_1637 : i32 to index
        %get3A_1665 = arith.constant 48 : index
        %get3A_1666 = tpu.vector_load %arg8[%get3A_1664, %get3A_1665] {strides = array<i32>} : memref<125x64xf32, #tpu.memory_space<vmem>>, vector<16xf32>,
        %mul3A_1667 = arith.mulf %get3A_1666, %get3A_1642 : vector<16xf32>
        %swap3A_1668 = arith.index_cast %scan3A_1637 : i32 to index
        %swap3A_1669 = arith.constant 48 : index
        %swap3A_1670 = tpu.vector_load %arg8[%swap3A_1668, %swap3A_1669] {strides = array<i32>} : memref<125x64xf32, #tpu.memory_space<vmem>>, vector<16xf32>,
        tpu.vector_store %arg8[%swap3A_1668, %swap3A_1669], %mul3A_1667 {strides = array<i32>} : memref<125x64xf32, #tpu.memory_space<vmem>>, vector<16xf32>,
      }
      %scan3A_1430 = arith.constant 125 : i32
      %dma_start3A_1431 = arith.constant 0 : i32
      %dma_start3A_1432 = arith.constant 0 : i32
      %dma_start3A_1433 = arith.constant 0 : i32
      %dma_start3A_1434 = tpu.memref_slice %arg8[%dma_start3A_1432, %dma_start3A_1433] : memref<125x64xf32, #tpu.memory_space<vmem>> -> memref<125x64xf32, #tpu.memory_space<vmem>>
      %dma_start3A_1435 = arith.constant 0 : i32
      %dma_start3A_1436 = tpu.memref_slice %arg14[%dma_start3A_1431, %dma_start3A_1435] : memref<5x125xi32, #tpu.memory_space<vmem>> -> memref<1x125xi32, #tpu.memory_space<vmem>>
      %dma_start3A_1437 = tpu.memref_squeeze %dma_start3A_1436 : memref<1x125xi32, #tpu.memory_space<vmem>> -> memref<125xi32, #tpu.memory_space<vmem>>
      %dma_start3A_1438 = arith.constant 0 : i32
      %dma_start3A_1439 = arith.constant 0 : i32
      %dma_start3A_1440 = tpu.memref_slice %arg5[%dma_start3A_1438, %dma_start3A_1439] : memref<20000x64xf32, #tpu.memory_space<hbm>> -> memref<20000x64xf32, #tpu.memory_space<hbm>>
      tpu.enqueue_indirect_dma source(%dma_start3A_1434 : memref<125x64xf32, #tpu.memory_space<vmem>>) target(%dma_start3A_1440 : memref<20000x64xf32, #tpu.memory_space<hbm>>) offsets(%dma_start3A_1437 : memref<125xi32, #tpu.memory_space<vmem>>) semaphore(%arg21 : memref<!tpu.dma_semaphore, #tpu.memory_space<semaphore_mem>>)
      %dma_wait3A_1441 = arith.constant 0 : i32
      %dma_wait3A_1442 = arith.constant 0 : i32
      %dma_wait3A_1443 = tpu.memref_slice %arg10[%dma_wait3A_1441, %dma_wait3A_1442] : memref<125x64xf32, #tpu.memory_space<vmem>> -> memref<125x64xf32, #tpu.memory_space<vmem>>
      %dma_wait3A_1444 = arith.constant 0 : i32
      %dma_wait3A_1445 = tpu.memref_slice %arg17[%add3A_1414, %dma_wait3A_1444] : memref<10240x64xf32, #tpu.memory_space<vmem_shared>> -> memref<125x64xf32, #tpu.memory_space<vmem_shared>>
      %dma_wait3A_1446 = arith.constant 0 : i32
      %dma_wait3A_1447 = arith.constant 0 : i32
      %dma_wait3A_1448 = tpu.memref_slice %arg10[%dma_wait3A_1446, %dma_wait3A_1447] : memref<125x64xf32, #tpu.memory_space<vmem>> -> memref<125x64xf32, #tpu.memory_space<vmem>>
      %dma_wait3A_1449 = arith.constant 0 : i32
      %dma_wait3A_1450 = tpu.memref_slice %arg17[%add3A_1414, %dma_wait3A_1449] : memref<10240x64xf32, #tpu.memory_space<vmem_shared>> -> memref<125x64xf32, #tpu.memory_space<vmem_shared>>
      tpu.wait_dma2 semaphore(%arg20 : memref<!tpu.dma_semaphore, #tpu.memory_space<semaphore_mem>>) src(%dma_wait3A_1450 : memref<125x64xf32, #tpu.memory_space<vmem_shared>>) dst(%dma_wait3A_1448 : memref<125x64xf32, #tpu.memory_space<vmem>>)
      %dma_wait3A_1451 = arith.constant 0 : i32
      %dma_wait3A_1452 = arith.constant 0 : i32
      %dma_wait3A_1453 = arith.constant 0 : i32
      %dma_wait3A_1454 = tpu.memref_slice %arg8[%dma_wait3A_1452, %dma_wait3A_1453] : memref<125x64xf32, #tpu.memory_space<vmem>> -> memref<125x64xf32, #tpu.memory_space<vmem>>
      %dma_wait3A_1455 = arith.constant 0 : i32
      %dma_wait3A_1456 = tpu.memref_slice %arg14[%dma_wait3A_1451, %dma_wait3A_1455] : memref<5x125xi32, #tpu.memory_space<vmem>> -> memref<1x125xi32, #tpu.memory_space<vmem>>
      %dma_wait3A_1457 = tpu.memref_squeeze %dma_wait3A_1456 : memref<1x125xi32, #tpu.memory_space<vmem>> -> memref<125xi32, #tpu.memory_space<vmem>>
      %dma_wait3A_1458 = arith.constant 0 : i32
      %dma_wait3A_1459 = arith.constant 0 : i32
      %dma_wait3A_1460 = tpu.memref_slice %arg5[%dma_wait3A_1458, %dma_wait3A_1459] : memref<20000x64xf32, #tpu.memory_space<hbm>> -> memref<20000x64xf32, #tpu.memory_space<hbm>>
      tpu.wait_indirect_dma semaphore(%arg21 : memref<!tpu.dma_semaphore, #tpu.memory_space<semaphore_mem>>) src(%dma_wait3A_1454 : memref<125x64xf32, #tpu.memory_space<vmem>>) dst(%dma_wait3A_1460 : memref<20000x64xf32, #tpu.memory_space<hbm>>)
      %mul3A_1461 = arith.constant 640 : i32
      %mul3A_1462 = arith.muli %arg1, %mul3A_1461 : i32
      %add3A_1463 = arith.constant 250 : i32
      %add3A_1464 = arith.addi %mul3A_1462, %add3A_1463 : i32
      %dma_start3A_1465 = arith.constant 0 : i32
      %dma_start3A_1466 = arith.constant 0 : i32
      %dma_start3A_1467 = tpu.memref_slice %arg8[%dma_start3A_1465, %dma_start3A_1466] : memref<125x64xf32, #tpu.memory_space<vmem>> -> memref<125x64xf32, #tpu.memory_space<vmem>>
      %dma_start3A_1468 = arith.constant 0 : i32
      %dma_start3A_1469 = tpu.memref_slice %arg17[%add3A_1464, %dma_start3A_1468] : memref<10240x64xf32, #tpu.memory_space<vmem_shared>> -> memref<125x64xf32, #tpu.memory_space<vmem_shared>>
      %dma_start3A_1470 = arith.constant 0 : i32
      %dma_start3A_1471 = arith.constant 0 : i32
      %dma_start3A_1472 = tpu.memref_slice %arg8[%dma_start3A_1470, %dma_start3A_1471] : memref<125x64xf32, #tpu.memory_space<vmem>> -> memref<125x64xf32, #tpu.memory_space<vmem>>
      %dma_start3A_1473 = arith.constant 0 : i32
      %dma_start3A_1474 = tpu.memref_slice %arg17[%add3A_1464, %dma_start3A_1473] : memref<10240x64xf32, #tpu.memory_space<vmem_shared>> -> memref<125x64xf32, #tpu.memory_space<vmem_shared>>
      tpu.enqueue_dma source(%dma_start3A_1474 : memref<125x64xf32, #tpu.memory_space<vmem_shared>>) target(%dma_start3A_1472 : memref<125x64xf32, #tpu.memory_space<vmem>>) target_semaphore(%arg19 : memref<!tpu.dma_semaphore, #tpu.memory_space<semaphore_mem>>)
      %scan3A_1475 = arith.constant 0 : i32
      %scan3A_1476 = arith.constant 0 : i32
      %scan3A_1477 = arith.constant 125 : i32
      %scan3A_1478 = arith.addi %scan3A_1476, %scan3A_1477 : i32
      %scan3A_1479 = arith.constant 1 : i32
      scf.for %scan3A_1637 = %scan3A_1476 to %scan3A_1478 step %scan3A_1479  : i32 {
        %add3A_1638 = arith.constant 125 : i32
        %add3A_1639 = arith.addi %add3A_1638, %scan3A_1637 : i32
        %get3A_1640 = arith.index_cast %add3A_1639 : i32 to index
        %get3A_1641 = arith.constant 0 : index
        %get3A_1642 = tpu.vector_load %arg12[%get3A_1640, %get3A_1641] {strides = array<i32>} : memref<640x16xf32, #tpu.memory_space<vmem>>, vector<16xf32>,
        %get3A_1643 = arith.index_cast %scan3A_1637 : i32 to index
        %get3A_1644 = arith.constant 0 : index
        %get3A_1645 = tpu.vector_load %arg10[%get3A_1643, %get3A_1644] {strides = array<i32>} : memref<125x64xf32, #tpu.memory_space<vmem>>, vector<16xf32>,
        %mul3A_1646 = arith.mulf %get3A_1645, %get3A_1642 : vector<16xf32>
        %swap3A_1647 = arith.index_cast %scan3A_1637 : i32 to index
        %swap3A_1648 = arith.constant 0 : index
        %swap3A_1649 = tpu.vector_load %arg10[%swap3A_1647, %swap3A_1648] {strides = array<i32>} : memref<125x64xf32, #tpu.memory_space<vmem>>, vector<16xf32>,
        tpu.vector_store %arg10[%swap3A_1647, %swap3A_1648], %mul3A_1646 {strides = array<i32>} : memref<125x64xf32, #tpu.memory_space<vmem>>, vector<16xf32>,
        %get3A_1650 = arith.index_cast %scan3A_1637 : i32 to index
        %get3A_1651 = arith.constant 16 : index
        %get3A_1652 = tpu.vector_load %arg10[%get3A_1650, %get3A_1651] {strides = array<i32>} : memref<125x64xf32, #tpu.memory_space<vmem>>, vector<16xf32>,
        %mul3A_1653 = arith.mulf %get3A_1652, %get3A_1642 : vector<16xf32>
        %swap3A_1654 = arith.index_cast %scan3A_1637 : i32 to index
        %swap3A_1655 = arith.constant 16 : index
        %swap3A_1656 = tpu.vector_load %arg10[%swap3A_1654, %swap3A_1655] {strides = array<i32>} : memref<125x64xf32, #tpu.memory_space<vmem>>, vector<16xf32>,
        tpu.vector_store %arg10[%swap3A_1654, %swap3A_1655], %mul3A_1653 {strides = array<i32>} : memref<125x64xf32, #tpu.memory_space<vmem>>, vector<16xf32>,
        %get3A_1657 = arith.index_cast %scan3A_1637 : i32 to index
        %get3A_1658 = arith.constant 32 : index
        %get3A_1659 = tpu.vector_load %arg10[%get3A_1657, %get3A_1658] {strides = array<i32>} : memref<125x64xf32, #tpu.memory_space<vmem>>, vector<16xf32>,
        %mul3A_1660 = arith.mulf %get3A_1659, %get3A_1642 : vector<16xf32>
        %swap3A_1661 = arith.index_cast %scan3A_1637 : i32 to index
        %swap3A_1662 = arith.constant 32 : index
        %swap3A_1663 = tpu.vector_load %arg10[%swap3A_1661, %swap3A_1662] {strides = array<i32>} : memref<125x64xf32, #tpu.memory_space<vmem>>, vector<16xf32>,
        tpu.vector_store %arg10[%swap3A_1661, %swap3A_1662], %mul3A_1660 {strides = array<i32>} : memref<125x64xf32, #tpu.memory_space<vmem>>, vector<16xf32>,
        %get3A_1664 = arith.index_cast %scan3A_1637 : i32 to index
        %get3A_1665 = arith.constant 48 : index
        %get3A_1666 = tpu.vector_load %arg10[%get3A_1664, %get3A_1665] {strides = array<i32>} : memref<125x64xf32, #tpu.memory_space<vmem>>, vector<16xf32>,
        %mul3A_1667 = arith.mulf %get3A_1666, %get3A_1642 : vector<16xf32>
        %swap3A_1668 = arith.index_cast %scan3A_1637 : i32 to index
        %swap3A_1669 = arith.constant 48 : index
        %swap3A_1670 = tpu.vector_load %arg10[%swap3A_1668, %swap3A_1669] {strides = array<i32>} : memref<125x64xf32, #tpu.memory_space<vmem>>, vector<16xf32>,
        tpu.vector_store %arg10[%swap3A_1668, %swap3A_1669], %mul3A_1667 {strides = array<i32>} : memref<125x64xf32, #tpu.memory_space<vmem>>, vector<16xf32>,
      }
      %scan3A_1480 = arith.constant 125 : i32
      %dma_start3A_1481 = arith.constant 1 : i32
      %dma_start3A_1482 = arith.constant 0 : i32
      %dma_start3A_1483 = arith.constant 0 : i32
      %dma_start3A_1484 = tpu.memref_slice %arg10[%dma_start3A_1482, %dma_start3A_1483] : memref<125x64xf32, #tpu.memory_space<vmem>> -> memref<125x64xf32, #tpu.memory_space<vmem>>
      %dma_start3A_1485 = arith.constant 0 : i32
      %dma_start3A_1486 = tpu.memref_slice %arg14[%dma_start3A_1481, %dma_start3A_1485] : memref<5x125xi32, #tpu.memory_space<vmem>> -> memref<1x125xi32, #tpu.memory_space<vmem>>
      %dma_start3A_1487 = tpu.memref_squeeze %dma_start3A_1486 : memref<1x125xi32, #tpu.memory_space<vmem>> -> memref<125xi32, #tpu.memory_space<vmem>>
      %dma_start3A_1488 = arith.constant 0 : i32
      %dma_start3A_1489 = arith.constant 0 : i32
      %dma_start3A_1490 = tpu.memref_slice %arg5[%dma_start3A_1488, %dma_start3A_1489] : memref<20000x64xf32, #tpu.memory_space<hbm>> -> memref<20000x64xf32, #tpu.memory_space<hbm>>
      tpu.enqueue_indirect_dma source(%dma_start3A_1484 : memref<125x64xf32, #tpu.memory_space<vmem>>) target(%dma_start3A_1490 : memref<20000x64xf32, #tpu.memory_space<hbm>>) offsets(%dma_start3A_1487 : memref<125xi32, #tpu.memory_space<vmem>>) semaphore(%arg21 : memref<!tpu.dma_semaphore, #tpu.memory_space<semaphore_mem>>)
      %dma_wait3A_1491 = arith.constant 0 : i32
      %dma_wait3A_1492 = arith.constant 0 : i32
      %dma_wait3A_1493 = tpu.memref_slice %arg8[%dma_wait3A_1491, %dma_wait3A_1492] : memref<125x64xf32, #tpu.memory_space<vmem>> -> memref<125x64xf32, #tpu.memory_space<vmem>>
      %dma_wait3A_1494 = arith.constant 0 : i32
      %dma_wait3A_1495 = tpu.memref_slice %arg17[%add3A_1464, %dma_wait3A_1494] : memref<10240x64xf32, #tpu.memory_space<vmem_shared>> -> memref<125x64xf32, #tpu.memory_space<vmem_shared>>
      %dma_wait3A_1496 = arith.constant 0 : i32
      %dma_wait3A_1497 = arith.constant 0 : i32
      %dma_wait3A_1498 = tpu.memref_slice %arg8[%dma_wait3A_1496, %dma_wait3A_1497] : memref<125x64xf32, #tpu.memory_space<vmem>> -> memref<125x64xf32, #tpu.memory_space<vmem>>
      %dma_wait3A_1499 = arith.constant 0 : i32
      %dma_wait3A_1500 = tpu.memref_slice %arg17[%add3A_1464, %dma_wait3A_1499] : memref<10240x64xf32, #tpu.memory_space<vmem_shared>> -> memref<125x64xf32, #tpu.memory_space<vmem_shared>>
      tpu.wait_dma2 semaphore(%arg19 : memref<!tpu.dma_semaphore, #tpu.memory_space<semaphore_mem>>) src(%dma_wait3A_1500 : memref<125x64xf32, #tpu.memory_space<vmem_shared>>) dst(%dma_wait3A_1498 : memref<125x64xf32, #tpu.memory_space<vmem>>)
      %dma_wait3A_1501 = arith.constant 1 : i32
      %dma_wait3A_1502 = arith.constant 0 : i32
      %dma_wait3A_1503 = arith.constant 0 : i32
      %dma_wait3A_1504 = tpu.memref_slice %arg10[%dma_wait3A_1502, %dma_wait3A_1503] : memref<125x64xf32, #tpu.memory_space<vmem>> -> memref<125x64xf32, #tpu.memory_space<vmem>>
      %dma_wait3A_1505 = arith.constant 0 : i32
      %dma_wait3A_1506 = tpu.memref_slice %arg14[%dma_wait3A_1501, %dma_wait3A_1505] : memref<5x125xi32, #tpu.memory_space<vmem>> -> memref<1x125xi32, #tpu.memory_space<vmem>>
      %dma_wait3A_1507 = tpu.memref_squeeze %dma_wait3A_1506 : memref<1x125xi32, #tpu.memory_space<vmem>> -> memref<125xi32, #tpu.memory_space<vmem>>
      %dma_wait3A_1508 = arith.constant 0 : i32
      %dma_wait3A_1509 = arith.constant 0 : i32
      %dma_wait3A_1510 = tpu.memref_slice %arg5[%dma_wait3A_1508, %dma_wait3A_1509] : memref<20000x64xf32, #tpu.memory_space<hbm>> -> memref<20000x64xf32, #tpu.memory_space<hbm>>
      tpu.wait_indirect_dma semaphore(%arg21 : memref<!tpu.dma_semaphore, #tpu.memory_space<semaphore_mem>>) src(%dma_wait3A_1504 : memref<125x64xf32, #tpu.memory_space<vmem>>) dst(%dma_wait3A_1510 : memref<20000x64xf32, #tpu.memory_space<hbm>>)
      %mul3A_1511 = arith.constant 640 : i32
      %mul3A_1512 = arith.muli %arg1, %mul3A_1511 : i32
      %add3A_1513 = arith.constant 375 : i32
      %add3A_1514 = arith.addi %mul3A_1512, %add3A_1513 : i32
      %dma_start3A_1515 = arith.constant 0 : i32
      %dma_start3A_1516 = arith.constant 0 : i32
      %dma_start3A_1517 = tpu.memref_slice %arg10[%dma_start3A_1515, %dma_start3A_1516] : memref<125x64xf32, #tpu.memory_space<vmem>> -> memref<16x64xf32, #tpu.memory_space<vmem>>
      %dma_start3A_1518 = arith.constant 0 : i32
      %dma_start3A_1519 = tpu.memref_slice %arg17[%add3A_1514, %dma_start3A_1518] : memref<10240x64xf32, #tpu.memory_space<vmem_shared>> -> memref<16x64xf32, #tpu.memory_space<vmem_shared>>
      %dma_start3A_1520 = arith.constant 0 : i32
      %dma_start3A_1521 = arith.constant 0 : i32
      %dma_start3A_1522 = tpu.memref_slice %arg10[%dma_start3A_1520, %dma_start3A_1521] : memref<125x64xf32, #tpu.memory_space<vmem>> -> memref<16x64xf32, #tpu.memory_space<vmem>>
      %dma_start3A_1523 = arith.constant 0 : i32
      %dma_start3A_1524 = tpu.memref_slice %arg17[%add3A_1514, %dma_start3A_1523] : memref<10240x64xf32, #tpu.memory_space<vmem_shared>> -> memref<16x64xf32, #tpu.memory_space<vmem_shared>>
      tpu.enqueue_dma source(%dma_start3A_1524 : memref<16x64xf32, #tpu.memory_space<vmem_shared>>) target(%dma_start3A_1522 : memref<16x64xf32, #tpu.memory_space<vmem>>) target_semaphore(%arg20 : memref<!tpu.dma_semaphore, #tpu.memory_space<semaphore_mem>>)
      %scan3A_1525 = arith.constant 0 : i32
      %scan3A_1526 = arith.constant 0 : i32
      %scan3A_1527 = arith.constant 125 : i32
      %scan3A_1528 = arith.addi %scan3A_1526, %scan3A_1527 : i32
      %scan3A_1529 = arith.constant 1 : i32
      scf.for %scan3A_1637 = %scan3A_1526 to %scan3A_1528 step %scan3A_1529  : i32 {
        %add3A_1638 = arith.constant 250 : i32
        %add3A_1639 = arith.addi %add3A_1638, %scan3A_1637 : i32
        %get3A_1640 = arith.index_cast %add3A_1639 : i32 to index
        %get3A_1641 = arith.constant 0 : index
        %get3A_1642 = tpu.vector_load %arg12[%get3A_1640, %get3A_1641] {strides = array<i32>} : memref<640x16xf32, #tpu.memory_space<vmem>>, vector<16xf32>,
        %get3A_1643 = arith.index_cast %scan3A_1637 : i32 to index
        %get3A_1644 = arith.constant 0 : index
        %get3A_1645 = tpu.vector_load %arg8[%get3A_1643, %get3A_1644] {strides = array<i32>} : memref<125x64xf32, #tpu.memory_space<vmem>>, vector<16xf32>,
        %mul3A_1646 = arith.mulf %get3A_1645, %get3A_1642 : vector<16xf32>
        %swap3A_1647 = arith.index_cast %scan3A_1637 : i32 to index
        %swap3A_1648 = arith.constant 0 : index
        %swap3A_1649 = tpu.vector_load %arg8[%swap3A_1647, %swap3A_1648] {strides = array<i32>} : memref<125x64xf32, #tpu.memory_space<vmem>>, vector<16xf32>,
        tpu.vector_store %arg8[%swap3A_1647, %swap3A_1648], %mul3A_1646 {strides = array<i32>} : memref<125x64xf32, #tpu.memory_space<vmem>>, vector<16xf32>,
        %get3A_1650 = arith.index_cast %scan3A_1637 : i32 to index
        %get3A_1651 = arith.constant 16 : index
        %get3A_1652 = tpu.vector_load %arg8[%get3A_1650, %get3A_1651] {strides = array<i32>} : memref<125x64xf32, #tpu.memory_space<vmem>>, vector<16xf32>,
        %mul3A_1653 = arith.mulf %get3A_1652, %get3A_1642 : vector<16xf32>
        %swap3A_1654 = arith.index_cast %scan3A_1637 : i32 to index
        %swap3A_1655 = arith.constant 16 : index
        %swap3A_1656 = tpu.vector_load %arg8[%swap3A_1654, %swap3A_1655] {strides = array<i32>} : memref<125x64xf32, #tpu.memory_space<vmem>>, vector<16xf32>,
        tpu.vector_store %arg8[%swap3A_1654, %swap3A_1655], %mul3A_1653 {strides = array<i32>} : memref<125x64xf32, #tpu.memory_space<vmem>>, vector<16xf32>,
        %get3A_1657 = arith.index_cast %scan3A_1637 : i32 to index
        %get3A_1658 = arith.constant 32 : index
        %get3A_1659 = tpu.vector_load %arg8[%get3A_1657, %get3A_1658] {strides = array<i32>} : memref<125x64xf32, #tpu.memory_space<vmem>>, vector<16xf32>,
        %mul3A_1660 = arith.mulf %get3A_1659, %get3A_1642 : vector<16xf32>
        %swap3A_1661 = arith.index_cast %scan3A_1637 : i32 to index
        %swap3A_1662 = arith.constant 32 : index
        %swap3A_1663 = tpu.vector_load %arg8[%swap3A_1661, %swap3A_1662] {strides = array<i32>} : memref<125x64xf32, #tpu.memory_space<vmem>>, vector<16xf32>,
        tpu.vector_store %arg8[%swap3A_1661, %swap3A_1662], %mul3A_1660 {strides = array<i32>} : memref<125x64xf32, #tpu.memory_space<vmem>>, vector<16xf32>,
        %get3A_1664 = arith.index_cast %scan3A_1637 : i32 to index
        %get3A_1665 = arith.constant 48 : index
        %get3A_1666 = tpu.vector_load %arg8[%get3A_1664, %get3A_1665] {strides = array<i32>} : memref<125x64xf32, #tpu.memory_space<vmem>>, vector<16xf32>,
        %mul3A_1667 = arith.mulf %get3A_1666, %get3A_1642 : vector<16xf32>
        %swap3A_1668 = arith.index_cast %scan3A_1637 : i32 to index
        %swap3A_1669 = arith.constant 48 : index
        %swap3A_1670 = tpu.vector_load %arg8[%swap3A_1668, %swap3A_1669] {strides = array<i32>} : memref<125x64xf32, #tpu.memory_space<vmem>>, vector<16xf32>,
        tpu.vector_store %arg8[%swap3A_1668, %swap3A_1669], %mul3A_1667 {strides = array<i32>} : memref<125x64xf32, #tpu.memory_space<vmem>>, vector<16xf32>,
      }
      %scan3A_1530 = arith.constant 125 : i32
      %dma_start3A_1531 = arith.constant 2 : i32
      %dma_start3A_1532 = arith.constant 0 : i32
      %dma_start3A_1533 = arith.constant 0 : i32
      %dma_start3A_1534 = tpu.memref_slice %arg8[%dma_start3A_1532, %dma_start3A_1533] : memref<125x64xf32, #tpu.memory_space<vmem>> -> memref<125x64xf32, #tpu.memory_space<vmem>>
      %dma_start3A_1535 = arith.constant 0 : i32
      %dma_start3A_1536 = tpu.memref_slice %arg14[%dma_start3A_1531, %dma_start3A_1535] : memref<5x125xi32, #tpu.memory_space<vmem>> -> memref<1x125xi32, #tpu.memory_space<vmem>>
      %dma_start3A_1537 = tpu.memref_squeeze %dma_start3A_1536 : memref<1x125xi32, #tpu.memory_space<vmem>> -> memref<125xi32, #tpu.memory_space<vmem>>
      %dma_start3A_1538 = arith.constant 0 : i32
      %dma_start3A_1539 = arith.constant 0 : i32
      %dma_start3A_1540 = tpu.memref_slice %arg5[%dma_start3A_1538, %dma_start3A_1539] : memref<20000x64xf32, #tpu.memory_space<hbm>> -> memref<20000x64xf32, #tpu.memory_space<hbm>>
      tpu.enqueue_indirect_dma source(%dma_start3A_1534 : memref<125x64xf32, #tpu.memory_space<vmem>>) target(%dma_start3A_1540 : memref<20000x64xf32, #tpu.memory_space<hbm>>) offsets(%dma_start3A_1537 : memref<125xi32, #tpu.memory_space<vmem>>) semaphore(%arg21 : memref<!tpu.dma_semaphore, #tpu.memory_space<semaphore_mem>>)
      %dma_wait3A_1541 = arith.constant 0 : i32
      %dma_wait3A_1542 = arith.constant 0 : i32
      %dma_wait3A_1543 = tpu.memref_slice %arg10[%dma_wait3A_1541, %dma_wait3A_1542] : memref<125x64xf32, #tpu.memory_space<vmem>> -> memref<16x64xf32, #tpu.memory_space<vmem>>
      %dma_wait3A_1544 = arith.constant 0 : i32
      %dma_wait3A_1545 = tpu.memref_slice %arg17[%add3A_1514, %dma_wait3A_1544] : memref<10240x64xf32, #tpu.memory_space<vmem_shared>> -> memref<16x64xf32, #tpu.memory_space<vmem_shared>>
      %dma_wait3A_1546 = arith.constant 0 : i32
      %dma_wait3A_1547 = arith.constant 0 : i32
      %dma_wait3A_1548 = tpu.memref_slice %arg10[%dma_wait3A_1546, %dma_wait3A_1547] : memref<125x64xf32, #tpu.memory_space<vmem>> -> memref<16x64xf32, #tpu.memory_space<vmem>>
      %dma_wait3A_1549 = arith.constant 0 : i32
      %dma_wait3A_1550 = tpu.memref_slice %arg17[%add3A_1514, %dma_wait3A_1549] : memref<10240x64xf32, #tpu.memory_space<vmem_shared>> -> memref<16x64xf32, #tpu.memory_space<vmem_shared>>
      tpu.wait_dma2 semaphore(%arg20 : memref<!tpu.dma_semaphore, #tpu.memory_space<semaphore_mem>>) src(%dma_wait3A_1550 : memref<16x64xf32, #tpu.memory_space<vmem_shared>>) dst(%dma_wait3A_1548 : memref<16x64xf32, #tpu.memory_space<vmem>>)
      %dma_wait3A_1551 = arith.constant 2 : i32
      %dma_wait3A_1552 = arith.constant 0 : i32
      %dma_wait3A_1553 = arith.constant 0 : i32
      %dma_wait3A_1554 = tpu.memref_slice %arg8[%dma_wait3A_1552, %dma_wait3A_1553] : memref<125x64xf32, #tpu.memory_space<vmem>> -> memref<125x64xf32, #tpu.memory_space<vmem>>
      %dma_wait3A_1555 = arith.constant 0 : i32
      %dma_wait3A_1556 = tpu.memref_slice %arg14[%dma_wait3A_1551, %dma_wait3A_1555] : memref<5x125xi32, #tpu.memory_space<vmem>> -> memref<1x125xi32, #tpu.memory_space<vmem>>
      %dma_wait3A_1557 = tpu.memref_squeeze %dma_wait3A_1556 : memref<1x125xi32, #tpu.memory_space<vmem>> -> memref<125xi32, #tpu.memory_space<vmem>>
      %dma_wait3A_1558 = arith.constant 0 : i32
      %dma_wait3A_1559 = arith.constant 0 : i32
      %dma_wait3A_1560 = tpu.memref_slice %arg5[%dma_wait3A_1558, %dma_wait3A_1559] : memref<20000x64xf32, #tpu.memory_space<hbm>> -> memref<20000x64xf32, #tpu.memory_space<hbm>>
      tpu.wait_indirect_dma semaphore(%arg21 : memref<!tpu.dma_semaphore, #tpu.memory_space<semaphore_mem>>) src(%dma_wait3A_1554 : memref<125x64xf32, #tpu.memory_space<vmem>>) dst(%dma_wait3A_1560 : memref<20000x64xf32, #tpu.memory_space<hbm>>)
      %mul3A_1561 = arith.constant 640 : i32
      %mul3A_1562 = arith.muli %arg1, %mul3A_1561 : i32
      %add3A_1563 = arith.constant 384 : i32
      %add3A_1564 = arith.addi %mul3A_1562, %add3A_1563 : i32
      %dma_start3A_1565 = arith.constant 0 : i32
      %dma_start3A_1566 = arith.constant 0 : i32
      %dma_start3A_1567 = tpu.memref_slice %arg8[%dma_start3A_1565, %dma_start3A_1566] : memref<125x64xf32, #tpu.memory_space<vmem>> -> memref<16x64xf32, #tpu.memory_space<vmem>>
      %dma_start3A_1568 = arith.constant 0 : i32
      %dma_start3A_1569 = tpu.memref_slice %arg17[%add3A_1564, %dma_start3A_1568] : memref<10240x64xf32, #tpu.memory_space<vmem_shared>> -> memref<16x64xf32, #tpu.memory_space<vmem_shared>>
      %dma_start3A_1570 = arith.constant 0 : i32
      %dma_start3A_1571 = arith.constant 0 : i32
      %dma_start3A_1572 = tpu.memref_slice %arg8[%dma_start3A_1570, %dma_start3A_1571] : memref<125x64xf32, #tpu.memory_space<vmem>> -> memref<16x64xf32, #tpu.memory_space<vmem>>
      %dma_start3A_1573 = arith.constant 0 : i32
      %dma_start3A_1574 = tpu.memref_slice %arg17[%add3A_1564, %dma_start3A_1573] : memref<10240x64xf32, #tpu.memory_space<vmem_shared>> -> memref<16x64xf32, #tpu.memory_space<vmem_shared>>
      tpu.enqueue_dma source(%dma_start3A_1574 : memref<16x64xf32, #tpu.memory_space<vmem_shared>>) target(%dma_start3A_1572 : memref<16x64xf32, #tpu.memory_space<vmem>>) target_semaphore(%arg19 : memref<!tpu.dma_semaphore, #tpu.memory_space<semaphore_mem>>)
      %scan3A_1575 = arith.constant 0 : i32
      %scan3A_1576 = arith.constant 0 : i32
      %scan3A_1577 = arith.constant 16 : i32
      %scan3A_1578 = arith.addi %scan3A_1576, %scan3A_1577 : i32
      %scan3A_1579 = arith.constant 1 : i32
      scf.for %scan3A_1637 = %scan3A_1576 to %scan3A_1578 step %scan3A_1579  : i32 {
        %add3A_1638 = arith.constant 375 : i32
        %add3A_1639 = arith.addi %add3A_1638, %scan3A_1637 : i32
        %get3A_1640 = arith.index_cast %add3A_1639 : i32 to index
        %get3A_1641 = arith.constant 0 : index
        %get3A_1642 = tpu.vector_load %arg12[%get3A_1640, %get3A_1641] {strides = array<i32>} : memref<640x16xf32, #tpu.memory_space<vmem>>, vector<16xf32>,
        %get3A_1643 = arith.index_cast %scan3A_1637 : i32 to index
        %get3A_1644 = arith.constant 0 : index
        %get3A_1645 = tpu.vector_load %arg10[%get3A_1643, %get3A_1644] {strides = array<i32>} : memref<125x64xf32, #tpu.memory_space<vmem>>, vector<16xf32>,
        %mul3A_1646 = arith.mulf %get3A_1645, %get3A_1642 : vector<16xf32>
        %swap3A_1647 = arith.index_cast %scan3A_1637 : i32 to index
        %swap3A_1648 = arith.constant 0 : index
        %swap3A_1649 = tpu.vector_load %arg10[%swap3A_1647, %swap3A_1648] {strides = array<i32>} : memref<125x64xf32, #tpu.memory_space<vmem>>, vector<16xf32>,
        tpu.vector_store %arg10[%swap3A_1647, %swap3A_1648], %mul3A_1646 {strides = array<i32>} : memref<125x64xf32, #tpu.memory_space<vmem>>, vector<16xf32>,
        %get3A_1650 = arith.index_cast %scan3A_1637 : i32 to index
        %get3A_1651 = arith.constant 16 : index
        %get3A_1652 = tpu.vector_load %arg10[%get3A_1650, %get3A_1651] {strides = array<i32>} : memref<125x64xf32, #tpu.memory_space<vmem>>, vector<16xf32>,
        %mul3A_1653 = arith.mulf %get3A_1652, %get3A_1642 : vector<16xf32>
        %swap3A_1654 = arith.index_cast %scan3A_1637 : i32 to index
        %swap3A_1655 = arith.constant 16 : index
        %swap3A_1656 = tpu.vector_load %arg10[%swap3A_1654, %swap3A_1655] {strides = array<i32>} : memref<125x64xf32, #tpu.memory_space<vmem>>, vector<16xf32>,
        tpu.vector_store %arg10[%swap3A_1654, %swap3A_1655], %mul3A_1653 {strides = array<i32>} : memref<125x64xf32, #tpu.memory_space<vmem>>, vector<16xf32>,
        %get3A_1657 = arith.index_cast %scan3A_1637 : i32 to index
        %get3A_1658 = arith.constant 32 : index
        %get3A_1659 = tpu.vector_load %arg10[%get3A_1657, %get3A_1658] {strides = array<i32>} : memref<125x64xf32, #tpu.memory_space<vmem>>, vector<16xf32>,
        %mul3A_1660 = arith.mulf %get3A_1659, %get3A_1642 : vector<16xf32>
        %swap3A_1661 = arith.index_cast %scan3A_1637 : i32 to index
        %swap3A_1662 = arith.constant 32 : index
        %swap3A_1663 = tpu.vector_load %arg10[%swap3A_1661, %swap3A_1662] {strides = array<i32>} : memref<125x64xf32, #tpu.memory_space<vmem>>, vector<16xf32>,
        tpu.vector_store %arg10[%swap3A_1661, %swap3A_1662], %mul3A_1660 {strides = array<i32>} : memref<125x64xf32, #tpu.memory_space<vmem>>, vector<16xf32>,
        %get3A_1664 = arith.index_cast %scan3A_1637 : i32 to index
        %get3A_1665 = arith.constant 48 : index
        %get3A_1666 = tpu.vector_load %arg10[%get3A_1664, %get3A_1665] {strides = array<i32>} : memref<125x64xf32, #tpu.memory_space<vmem>>, vector<16xf32>,
        %mul3A_1667 = arith.mulf %get3A_1666, %get3A_1642 : vector<16xf32>
        %swap3A_1668 = arith.index_cast %scan3A_1637 : i32 to index
        %swap3A_1669 = arith.constant 48 : index
        %swap3A_1670 = tpu.vector_load %arg10[%swap3A_1668, %swap3A_1669] {strides = array<i32>} : memref<125x64xf32, #tpu.memory_space<vmem>>, vector<16xf32>,
        tpu.vector_store %arg10[%swap3A_1668, %swap3A_1669], %mul3A_1667 {strides = array<i32>} : memref<125x64xf32, #tpu.memory_space<vmem>>, vector<16xf32>,
      }
      %scan3A_1580 = arith.constant 16 : i32
      %dma_start3A_1581 = arith.constant 1 : i32
      %dma_start3A_1582 = arith.constant 0 : i32
      %dma_start3A_1583 = arith.constant 0 : i32
      %dma_start3A_1584 = tpu.memref_slice %arg10[%dma_start3A_1582, %dma_start3A_1583] : memref<125x64xf32, #tpu.memory_space<vmem>> -> memref<16x64xf32, #tpu.memory_space<vmem>>
      %dma_start3A_1585 = arith.constant 0 : i32
      %dma_start3A_1586 = tpu.memref_slice %arg15[%dma_start3A_1581, %dma_start3A_1585] : memref<3x16xi32, #tpu.memory_space<vmem>> -> memref<1x16xi32, #tpu.memory_space<vmem>>
      %dma_start3A_1587 = tpu.memref_squeeze %dma_start3A_1586 : memref<1x16xi32, #tpu.memory_space<vmem>> -> memref<16xi32, #tpu.memory_space<vmem>>
      %dma_start3A_1588 = arith.constant 0 : i32
      %dma_start3A_1589 = arith.constant 0 : i32
      %dma_start3A_1590 = tpu.memref_slice %arg5[%dma_start3A_1588, %dma_start3A_1589] : memref<20000x64xf32, #tpu.memory_space<hbm>> -> memref<20000x64xf32, #tpu.memory_space<hbm>>
      tpu.enqueue_indirect_dma source(%dma_start3A_1584 : memref<16x64xf32, #tpu.memory_space<vmem>>) target(%dma_start3A_1590 : memref<20000x64xf32, #tpu.memory_space<hbm>>) offsets(%dma_start3A_1587 : memref<16xi32, #tpu.memory_space<vmem>>) semaphore(%arg21 : memref<!tpu.dma_semaphore, #tpu.memory_space<semaphore_mem>>)
      %dma_wait3A_1591 = arith.constant 0 : i32
      %dma_wait3A_1592 = arith.constant 0 : i32
      %dma_wait3A_1593 = tpu.memref_slice %arg8[%dma_wait3A_1591, %dma_wait3A_1592] : memref<125x64xf32, #tpu.memory_space<vmem>> -> memref<16x64xf32, #tpu.memory_space<vmem>>
      %dma_wait3A_1594 = arith.constant 0 : i32
      %dma_wait3A_1595 = tpu.memref_slice %arg17[%add3A_1564, %dma_wait3A_1594] : memref<10240x64xf32, #tpu.memory_space<vmem_shared>> -> memref<16x64xf32, #tpu.memory_space<vmem_shared>>
      %dma_wait3A_1596 = arith.constant 0 : i32
      %dma_wait3A_1597 = arith.constant 0 : i32
      %dma_wait3A_1598 = tpu.memref_slice %arg8[%dma_wait3A_1596, %dma_wait3A_1597] : memref<125x64xf32, #tpu.memory_space<vmem>> -> memref<16x64xf32, #tpu.memory_space<vmem>>
      %dma_wait3A_1599 = arith.constant 0 : i32
      %dma_wait3A_1600 = tpu.memref_slice %arg17[%add3A_1564, %dma_wait3A_1599] : memref<10240x64xf32, #tpu.memory_space<vmem_shared>> -> memref<16x64xf32, #tpu.memory_space<vmem_shared>>
      tpu.wait_dma2 semaphore(%arg19 : memref<!tpu.dma_semaphore, #tpu.memory_space<semaphore_mem>>) src(%dma_wait3A_1600 : memref<16x64xf32, #tpu.memory_space<vmem_shared>>) dst(%dma_wait3A_1598 : memref<16x64xf32, #tpu.memory_space<vmem>>)
      %scan3A_1601 = arith.constant 0 : i32
      %scan3A_1602 = arith.constant 0 : i32
      %scan3A_1603 = arith.constant 16 : i32
      %scan3A_1604 = arith.addi %scan3A_1602, %scan3A_1603 : i32
      %scan3A_1605 = arith.constant 1 : i32
      scf.for %scan3A_1637 = %scan3A_1602 to %scan3A_1604 step %scan3A_1605  : i32 {
        %add3A_1638 = arith.constant 384 : i32
        %add3A_1639 = arith.addi %add3A_1638, %scan3A_1637 : i32
        %get3A_1640 = arith.index_cast %add3A_1639 : i32 to index
        %get3A_1641 = arith.constant 0 : index
        %get3A_1642 = tpu.vector_load %arg12[%get3A_1640, %get3A_1641] {strides = array<i32>} : memref<640x16xf32, #tpu.memory_space<vmem>>, vector<16xf32>,
        %get3A_1643 = arith.index_cast %scan3A_1637 : i32 to index
        %get3A_1644 = arith.constant 0 : index
        %get3A_1645 = tpu.vector_load %arg8[%get3A_1643, %get3A_1644] {strides = array<i32>} : memref<125x64xf32, #tpu.memory_space<vmem>>, vector<16xf32>,
        %mul3A_1646 = arith.mulf %get3A_1645, %get3A_1642 : vector<16xf32>
        %swap3A_1647 = arith.index_cast %scan3A_1637 : i32 to index
        %swap3A_1648 = arith.constant 0 : index
        %swap3A_1649 = tpu.vector_load %arg8[%swap3A_1647, %swap3A_1648] {strides = array<i32>} : memref<125x64xf32, #tpu.memory_space<vmem>>, vector<16xf32>,
        tpu.vector_store %arg8[%swap3A_1647, %swap3A_1648], %mul3A_1646 {strides = array<i32>} : memref<125x64xf32, #tpu.memory_space<vmem>>, vector<16xf32>,
        %get3A_1650 = arith.index_cast %scan3A_1637 : i32 to index
        %get3A_1651 = arith.constant 16 : index
        %get3A_1652 = tpu.vector_load %arg8[%get3A_1650, %get3A_1651] {strides = array<i32>} : memref<125x64xf32, #tpu.memory_space<vmem>>, vector<16xf32>,
        %mul3A_1653 = arith.mulf %get3A_1652, %get3A_1642 : vector<16xf32>
        %swap3A_1654 = arith.index_cast %scan3A_1637 : i32 to index
        %swap3A_1655 = arith.constant 16 : index
        %swap3A_1656 = tpu.vector_load %arg8[%swap3A_1654, %swap3A_1655] {strides = array<i32>} : memref<125x64xf32, #tpu.memory_space<vmem>>, vector<16xf32>,
        tpu.vector_store %arg8[%swap3A_1654, %swap3A_1655], %mul3A_1653 {strides = array<i32>} : memref<125x64xf32, #tpu.memory_space<vmem>>, vector<16xf32>,
        %get3A_1657 = arith.index_cast %scan3A_1637 : i32 to index
        %get3A_1658 = arith.constant 32 : index
        %get3A_1659 = tpu.vector_load %arg8[%get3A_1657, %get3A_1658] {strides = array<i32>} : memref<125x64xf32, #tpu.memory_space<vmem>>, vector<16xf32>,
        %mul3A_1660 = arith.mulf %get3A_1659, %get3A_1642 : vector<16xf32>
        %swap3A_1661 = arith.index_cast %scan3A_1637 : i32 to index
        %swap3A_1662 = arith.constant 32 : index
        %swap3A_1663 = tpu.vector_load %arg8[%swap3A_1661, %swap3A_1662] {strides = array<i32>} : memref<125x64xf32, #tpu.memory_space<vmem>>, vector<16xf32>,
        tpu.vector_store %arg8[%swap3A_1661, %swap3A_1662], %mul3A_1660 {strides = array<i32>} : memref<125x64xf32, #tpu.memory_space<vmem>>, vector<16xf32>,
        %get3A_1664 = arith.index_cast %scan3A_1637 : i32 to index
        %get3A_1665 = arith.constant 48 : index
        %get3A_1666 = tpu.vector_load %arg8[%get3A_1664, %get3A_1665] {strides = array<i32>} : memref<125x64xf32, #tpu.memory_space<vmem>>, vector<16xf32>,
        %mul3A_1667 = arith.mulf %get3A_1666, %get3A_1642 : vector<16xf32>
        %swap3A_1668 = arith.index_cast %scan3A_1637 : i32 to index
        %swap3A_1669 = arith.constant 48 : index
        %swap3A_1670 = tpu.vector_load %arg8[%swap3A_1668, %swap3A_1669] {strides = array<i32>} : memref<125x64xf32, #tpu.memory_space<vmem>>, vector<16xf32>,
        tpu.vector_store %arg8[%swap3A_1668, %swap3A_1669], %mul3A_1667 {strides = array<i32>} : memref<125x64xf32, #tpu.memory_space<vmem>>, vector<16xf32>,
      }
      %scan3A_1606 = arith.constant 16 : i32
      %dma_start3A_1607 = arith.constant 2 : i32
      %dma_start3A_1608 = arith.constant 0 : i32
      %dma_start3A_1609 = arith.constant 0 : i32
      %dma_start3A_1610 = tpu.memref_slice %arg8[%dma_start3A_1608, %dma_start3A_1609] : memref<125x64xf32, #tpu.memory_space<vmem>> -> memref<16x64xf32, #tpu.memory_space<vmem>>
      %dma_start3A_1611 = arith.constant 0 : i32
      %dma_start3A_1612 = tpu.memref_slice %arg15[%dma_start3A_1607, %dma_start3A_1611] : memref<3x16xi32, #tpu.memory_space<vmem>> -> memref<1x16xi32, #tpu.memory_space<vmem>>
      %dma_start3A_1613 = tpu.memref_squeeze %dma_start3A_1612 : memref<1x16xi32, #tpu.memory_space<vmem>> -> memref<16xi32, #tpu.memory_space<vmem>>
      %dma_start3A_1614 = arith.constant 0 : i32
      %dma_start3A_1615 = arith.constant 0 : i32
      %dma_start3A_1616 = tpu.memref_slice %arg5[%dma_start3A_1614, %dma_start3A_1615] : memref<20000x64xf32, #tpu.memory_space<hbm>> -> memref<20000x64xf32, #tpu.memory_space<hbm>>
      tpu.enqueue_indirect_dma source(%dma_start3A_1610 : memref<16x64xf32, #tpu.memory_space<vmem>>) target(%dma_start3A_1616 : memref<20000x64xf32, #tpu.memory_space<hbm>>) offsets(%dma_start3A_1613 : memref<16xi32, #tpu.memory_space<vmem>>) semaphore(%arg21 : memref<!tpu.dma_semaphore, #tpu.memory_space<semaphore_mem>>)
      %dma_wait3A_1617 = arith.constant 1 : i32
      %dma_wait3A_1618 = arith.constant 0 : i32
      %dma_wait3A_1619 = arith.constant 0 : i32
      %dma_wait3A_1620 = tpu.memref_slice %arg10[%dma_wait3A_1618, %dma_wait3A_1619] : memref<125x64xf32, #tpu.memory_space<vmem>> -> memref<16x64xf32, #tpu.memory_space<vmem>>
      %dma_wait3A_1621 = arith.constant 0 : i32
      %dma_wait3A_1622 = tpu.memref_slice %arg15[%dma_wait3A_1617, %dma_wait3A_1621] : memref<3x16xi32, #tpu.memory_space<vmem>> -> memref<1x16xi32, #tpu.memory_space<vmem>>
      %dma_wait3A_1623 = tpu.memref_squeeze %dma_wait3A_1622 : memref<1x16xi32, #tpu.memory_space<vmem>> -> memref<16xi32, #tpu.memory_space<vmem>>
      %dma_wait3A_1624 = arith.constant 0 : i32
      %dma_wait3A_1625 = arith.constant 0 : i32
      %dma_wait3A_1626 = tpu.memref_slice %arg5[%dma_wait3A_1624, %dma_wait3A_1625] : memref<20000x64xf32, #tpu.memory_space<hbm>> -> memref<20000x64xf32, #tpu.memory_space<hbm>>
      tpu.wait_indirect_dma semaphore(%arg21 : memref<!tpu.dma_semaphore, #tpu.memory_space<semaphore_mem>>) src(%dma_wait3A_1620 : memref<16x64xf32, #tpu.memory_space<vmem>>) dst(%dma_wait3A_1626 : memref<20000x64xf32, #tpu.memory_space<hbm>>)
      %dma_wait3A_1627 = arith.constant 2 : i32
      %dma_wait3A_1628 = arith.constant 0 : i32
      %dma_wait3A_1629 = arith.constant 0 : i32
      %dma_wait3A_1630 = tpu.memref_slice %arg8[%dma_wait3A_1628, %dma_wait3A_1629] : memref<125x64xf32, #tpu.memory_space<vmem>> -> memref<16x64xf32, #tpu.memory_space<vmem>>
      %dma_wait3A_1631 = arith.constant 0 : i32
      %dma_wait3A_1632 = tpu.memref_slice %arg15[%dma_wait3A_1627, %dma_wait3A_1631] : memref<3x16xi32, #tpu.memory_space<vmem>> -> memref<1x16xi32, #tpu.memory_space<vmem>>
      %dma_wait3A_1633 = tpu.memref_squeeze %dma_wait3A_1632 : memref<1x16xi32, #tpu.memory_space<vmem>> -> memref<16xi32, #tpu.memory_space<vmem>>
      %dma_wait3A_1634 = arith.constant 0 : i32
      %dma_wait3A_1635 = arith.constant 0 : i32
      %dma_wait3A_1636 = tpu.memref_slice %arg5[%dma_wait3A_1634, %dma_wait3A_1635] : memref<20000x64xf32, #tpu.memory_space<hbm>> -> memref<20000x64xf32, #tpu.memory_space<hbm>>
      tpu.wait_indirect_dma semaphore(%arg21 : memref<!tpu.dma_semaphore, #tpu.memory_space<semaphore_mem>>) src(%dma_wait3A_1630 : memref<16x64xf32, #tpu.memory_space<vmem>>) dst(%dma_wait3A_1636 : memref<20000x64xf32, #tpu.memory_space<hbm>>)
    } else {
    }
    return
  }
}

</mosaic_0001>

<sc_bundles>
// kernel: kernel.3.cloned.1.call-start
scs
__scs_entry_jumppad:
0x0: {  	(pc) =	sbr.rel $0x88, $3  }
0x1: {  	(tag) =	ssettag $0x0;
	lr =	simm.s32 $0x1  }
0x2: {  	[smem:$0x3F9F] =	sst lr;
	_ =	strace $0xD0000000  }
0x3: {  	_ = 	snop  }
0x4: {  	_ = 	snop  }
0x5: {  	_ = 	snop  }
0x6: {  	_ = 	snop  }
0x7: {  	_ = 	snop  }
__scs_overlays_trampoline_lowered:
0x8: {  	[smem:$0x3FAE] =	sst s0  }
0x9: {  	[smem:$0x3FAF] =	sst s1  }
0xa: {  	[smem:$0x3FB0] =	sst s2  }
0xb: {  	[smem:$0x3FB1] =	sst s3  }
0xc: {  	[smem:$0x3FB2] =	sst s4  }
0xd: {  	[smem:$0x3FB3] =	sst s5  }
0xe: {  	[smem:$0x3FB4] =	sst s6  }
0xf: {  	[smem:$0x3FB5] =	sst s7  }
0x10: {  	[smem:$0x3FB6] =	sst s8  }
0x11: {  	[smem:$0x3FB7] =	sst s9;
	s0 =	simm.s32 @!p0 $0x0  }
0x12: {  	s1 =	sld [smem:$0x3F9D];
	s0 =	simm.s32 @p0 $0x1  }
0x13: {  	[smem:$0x3FB8] =	sst s0;
	s0 =	simm.s32 @!p1 $0x0  }
0x14: {  	s2 =	sld [smem:$0x3F9C];
	s0 =	simm.s32 @p1 $0x1  }
0x15: {  	[smem:$0x3FB9] =	sst s0;
	s0 =	simm.s32 @!p2 $0x0  }
0x16: {  	s3 =	sld [smem:$0x3FDB];
	s0 =	simm.s32 @p2 $0x1  }
0x17: {  	s4 =	simm.s32 $0x1BF5;
	[smem:$0x3FBB] =	sst s0  }
0x18: {  	s0 =	sld [smem:$0x3F9E];
	_ =	swait.ge [sflag:s4], $0x0  }
0x19: {  	s7 =	sld [smem:$0x3F9F]  }
0x1a: {  	s8 =	sadd.s32 $0xFFFFE003, lr  }
0x1b: {  	s9 =	sadd.s32 $0xFFFFFEF7, lr;
	s5 =	simm.s32 $0xFFFFFFFF;
	p2 =	slt.u32 s8, $0xFFFFF086  }
0x1c: {  	p1 =	slt.u32 s9, $0xF7A;
	s5 =	simm.s32 @!p2 $0x0  }
0x1d: {  	s5 =	simm.s32 @p1 $0x1;
	p0 =	seq.s32 s7, s2  }
0x1e: {  	s7 =	smul.u32 @!p0 $0xF7A, s2;
	p2 =	seq.s32 @!p0 s5, $0x0  }
0x1f: {  	s9 =	smul.u32 $0xF7A, s1;
	s8 =	simm.s32 @!p0 $0x1BF5;
	p2 =	por !p2, p0  }
0x20: {  	[sflag:s8] =	ssyncset.s32 @!p0 $0xFFFFF086;
	s6 =	sadd.s32 @!p0 s3, s7;
	s7 =	simm.s32 @!p0 $0x108  }
0x21: {  	s3 =	sadd.s32 s3, s9;
	s6 =	sadd.s32 @!p0 $0x88, s6;
	s7 =	simm.s32 @p2 $0x1082  }
0x22: {  	[simem:s7], [sflag:s8] =	dma.local @!p0 [hbm:s6], $0xF7A  }
0x23: {  	s9 =	sor.u32 $0xD0000000, s2;
	s6 =	simm.s32 $0x108;
	_ =	swait.ge @!p0 [sflag:s8], $0x0  }
0x24: {  	s3 =	sadd.s32 $0x88, s3;
	s6 =	simm.s32 @!p1 $0x1082;
	[sflag:s4] =	ssyncset.s32 $0xFFFFF086  }
0x25: {  	[simem:s6], [sflag:s4] =	dma.local [hbm:s3], $0xF7A  }
0x26: {  	[smem:$0x3F9F] =	sst s1;
	(tag) =	ssettag s2;
	_ =	strace s9  }
0x27: {  	s1 =	sld [smem:$0x3FAF]  }
0x28: {  	s2 =	sld [smem:$0x3FB0]  }
0x29: {  	s4 =	sld [smem:$0x3FB2]  }
0x2a: {  	p0 =	seq.s32 s5, $0x0;
	s5 =	sld [smem:$0x3FB3]  }
0x2b: {  	s6 =	sld [smem:$0x3FB4]  }
0x2c: {  	s7 =	sld [smem:$0x3FB5]  }
0x2d: {  	s3 =	simm.s32 $0x108;
	s8 =	sld [smem:$0x3FB6]  }
0x2e: {  	s3 =	simm.s32 @!p0 $0x1082;
	s9 =	sld [smem:$0x3FB7]  }
0x2f: {  	lr =	sadd.s32 s0, s3;
	s0 =	sld [smem:$0x3FAE]  }
0x30: {  	s3 =	sld [smem:$0x3FB1]  }
0x31: {  	[smem:$0x3FBA] =	sst s10  }
0x32: {  	s10 =	sld [smem:$0x3FB8];
	_ =	sdelay $0x3  }
0x33: {  	p0 =	seq.s32 s10, $0x1;
	s10 =	sld [smem:$0x3FBA];
	_ =	sdelay $0x3  }
0x34: {  	[smem:$0x3FBA] =	sst s10  }
0x35: {  	s10 =	sld [smem:$0x3FB9];
	_ =	sdelay $0x3  }
0x36: {  	p1 =	seq.s32 s10, $0x1;
	s10 =	sld [smem:$0x3FBA];
	_ =	sdelay $0x3  }
0x37: {  	[smem:$0x3FBA] =	sst s10  }
0x38: {  	s10 =	sld [smem:$0x3FBB]  }
0x39: {  	_ = 	snop;
	(pc) =	sbr.ind lr, $3  }
0x3a: {  	_ = 	snop  }
0x3b: {  	_ = 	snop  }
0x3c: {  	p2 =	seq.s32 s10, $0x1;
	s10 =	sld [smem:$0x3FBA]  }
0x3d: {  	_ =	shalt  }
0x3e: {  	_ =	shalt  }
0x3f: {  	_ =	shalt  }
0x40: {  	_ =	shalt  }
0x41: {  	_ =	shalt  }
0x42: {  	_ =	shalt  }
0x43: {  	_ =	shalt  }
0x44: {  	_ =	shalt  }
0x45: {  	_ =	shalt  }
0x46: {  	_ =	shalt  }
0x47: {  	_ =	shalt  }
0x48: {  	_ =	shalt  }
0x49: {  	_ =	shalt  }
0x4a: {  	_ =	shalt  }
0x4b: {  	_ =	shalt  }
0x4c: {  	_ =	shalt  }
0x4d: {  	_ =	shalt  }
0x4e: {  	_ =	shalt  }
0x4f: {  	_ =	shalt  }
0x50: {  	_ =	shalt  }
0x51: {  	_ =	shalt  }
0x52: {  	_ =	shalt  }
0x53: {  	_ =	shalt  }
0x54: {  	_ =	shalt  }
0x55: {  	_ =	shalt  }
0x56: {  	_ =	shalt  }
0x57: {  	_ =	shalt  }
0x58: {  	_ =	shalt  }
0x59: {  	_ =	shalt  }
0x5a: {  	_ =	shalt  }
0x5b: {  	_ =	shalt  }
0x5c: {  	_ =	shalt  }
0x5d: {  	_ =	shalt  }
0x5e: {  	_ =	shalt  }
0x5f: {  	_ =	shalt  }
0x60: {  	_ =	shalt  }
0x61: {  	_ =	shalt  }
0x62: {  	_ =	shalt  }
0x63: {  	_ =	shalt  }
0x64: {  	_ =	shalt  }
0x65: {  	_ =	shalt  }
0x66: {  	_ =	shalt  }
0x67: {  	_ =	shalt  }
0x68: {  	_ =	shalt  }
0x69: {  	_ =	shalt  }
0x6a: {  	_ =	shalt  }
0x6b: {  	_ =	shalt  }
0x6c: {  	_ =	shalt  }
0x6d: {  	_ =	shalt  }
0x6e: {  	_ =	shalt  }
0x6f: {  	_ =	shalt  }
0x70: {  	_ =	shalt  }
0x71: {  	_ =	shalt  }
0x72: {  	_ =	shalt  }
0x73: {  	_ =	shalt  }
0x74: {  	_ =	shalt  }
0x75: {  	_ =	shalt  }
0x76: {  	_ =	shalt  }
0x77: {  	_ =	shalt  }
0x78: {  	_ =	shalt  }
0x79: {  	_ =	shalt  }
0x7a: {  	_ =	shalt  }
0x7b: {  	_ =	shalt  }
0x7c: {  	_ =	shalt  }
0x7d: {  	_ =	shalt  }
0x7e: {  	_ =	shalt  }
0x7f: {  	_ =	shalt  }
0x80: {  	_ =	shalt  }
0x81: {  	_ =	shalt  }
0x82: {  	_ =	shalt  }
0x83: {  	_ =	shalt  }
0x84: {  	_ =	shalt  }
0x85: {  	_ =	shalt  }
0x86: {  	_ =	shalt  }
0x87: {  	_ =	shalt  }
.Lfunc_end0:
.L_simem_size_0:
called_computation_lowered:
.L_overlay_start_0:
0x88: {  	s2 =	sld [smem:$0x3FD9]  }
0x89: {  	s3 =	sld [smem:$0x3FFE];
	_ =	sdelay $0x1  }
0x8a: {  	s1 =	srdreg.scid  }
0x8b: {  	s0 =	sand.u32 $0x1, s1  }
0x8c: {  	s17 =	sshll.u32 s0, $0xA;
	s2 =	sadd.s32 s3, s2  }
0x8d: {  	s2 =	sadd.s32 s2, s17  }
0x8e: {  	[smem:$0x3FC6] =	sst s2  }
0x8f: {  	_ = 	snop  }
0x90: {  	s2 =	sld [smem:$0x3FC9]  }
0x91: {  	s18 =	sld [smem:$0x3FD0];
	(tm) =	ssettm $0x1  }
0x92: {  	s4 =	sld [smem:$0x3FFB];
	_ =	sdelay $0x3  }
0x93: {  	_ =	strace s4  }
0x94: {  	s4 =	sld [smem:$0x3FFC];
	_ =	sdelay $0x3  }
0x95: {  	_ =	strace s4  }
0x96: {  	s4 =	sld [smem:$0x3FFD];
	_ =	sdelay $0x3  }
0x97: {  	_ =	strace s4  }
0x98: {  	_ =	strace $0x8FFFFFFF  }
0x99: {  	s19 =	sld [smem:$0x3FDB];
	_ =	sdelay $0x1  }
0x9a: {  	s5 =	simm.s32 $_scs_section_size  }
0x9b: {  	s6 =	simm.s32 $_size__tile_overlayer_lowered;
	s7 =	simm.s32 $_tile_overlayer_lowered  }
0x9c: {  	s22 =	simm.s32 $0x1BFF;
	s21 =	sshll.u32 s7, $0x1;
	s4 =	sadd.s32 s5, s19  }
0x9d: {  	s8 =	simm.s32 $0x0;
	s20 =	sshll.u32 s6, $0x1;
	s6 =	sadd.s32 s21, s4  }
0x9e: {  	[timem:s8], [sflag:s22] =	dma.local [hbm:s6], s20  }
0x9f: {  	_ =	swait.ge [sflag:s22], s20  }
0xa0: {  	s5 =	ssub.s32 $0x0, s20;
	[sflag:s22] =	ssyncset.done $0x0  }
0xa1: {  	[sflag:s22] =	ssyncadd.s32 s5;
	_ =	sdelay $0x1  }
0xa2: {  	s23 =	simm.s32 $0x1B8B  }
0xa3: {  	_ =	swait.ge [sflag:s23], $0x1  }
0xa4: {  	[sflag:s23] =	ssyncset.done $0x0  }
0xa5: {  	s25 =	simm.s32 $0x1B8E;
	s24 =	sld [smem:$0x3FFE];
	[sflag:s23] =	ssyncadd.s32 $0xFFFFFFFF  }
0xa6: {  	s26 =	simm.s32 $execute0_lowered;
	[smem:$0x3FD2] =	sst s25  }
0xa7: {  	s6 =	sshll.u32 s26, $0x1;
	_ =	strace $0x80000046;
	[dreg:$0x1] =	wrdreg $0xFFFFFFFF  }
0xa8: {  	s28 =	simm.s32 $_size_execute0_lowered;
	s4 =	sadd.s32 s4, s6;
	[dreg:$0x0] =	wrdreg $0x0  }
0xa9: {  	s6 =	sshll.u32 s28, $0x1;
	[dreg:$0x2] =	wrdreg s4  }
0xaa: {  	[dreg:$0x3] =	wrdreg s6  }
0xab: {  	[dreg:$0x4] =	wrdreg $0xC0  }
0xac: {  	_ =	task [dreg:s8], $0x5FFFF  }
0xad: {  	[dreg:$0x1] =	wrdreg $0xFFFFFFFF  }
0xae: {  	[dreg:$0x0] =	wrdreg $0x60  }
0xaf: {  	[dreg:$0x2] =	wrdreg s2  }
0xb0: {  	[dreg:$0x3] =	wrdreg s24  }
0xb1: {  	[dreg:$0x4] =	wrdreg s18  }
0xb2: {  	[dreg:$0x5] =	wrdreg $0x152300  }
0xb3: {  	[dreg:$0x6] =	wrdreg $0x1F2300  }
0xb4: {  	[dreg:$0x7] =	wrdreg $0x9  }
0xb5: {  	_ =	task.clear_ibuf [dreg:s8], $0x8FFFF;
	_ =	strace $0x90000046  }
0xb6: {  	s29 =	simm.s32 $0x9;
	_ =	strace $0x80000048  }
0xb7: {  	_ =	swait.ge [sflag:s29], $0x1  }
0xb8: {  	[sflag:s29] =	ssyncadd.s32 $0xFFFFFFFF  }
0xb9: {  	_ =	strace $0x90000048  }
0xba: {  	_ =	sfence  }
0xbb: {  	s30 =	sld [smem:$0x0];
	_ =	sdelay $0x2  }
0xbc: {  	s31 =	sshll.u32 s1, $0xD;
	s1 =	sshrl.u32 s1, $0x2  }
0xbd: {  	s3 =	sand.u32 $0x4000, s31;
	s1 =	sadd.s32 s1, s30  }
0xbe: {  	s0 =	sor.u32 s3, s0;
	s1 =	sshll.u32 s1, $0x11  }
0xbf: {  	s0 =	sor.u32 s1, s0  }
0xc0: {  	s0 =	sadd.s32 $0x8F2B, s0  }
0xc1: {  	[sflag:s0] =	ssyncadd.remote.s32 $0x1  }
0xc2: {  	_ =	sfence.sel $0xFFFF  }
0xc3: {  	[dreg:$0x0] =	wrdreg $0xFFFFFFFF;
	(pc) =	sbr.abs _section_cstart, $3  }
0xc4: {  	[dreg:$0x1] =	wrdreg $0xFFFFFFFF  }
0xc5: {  	_ =	task.clear_ibuf [dreg:s8], $0x2FFFF;
	_ =	strace $0x9FFFFFFF  }
0xc6: {  	(tm) =	ssettm $0x7FFFFFFF  }
0xc7: {  	_ =	shalt  }
tec
execute0_lowered:
.L_overlay_start_1:
0x0: {  	(tag) =	ssettag $0x1  }
0x1: {  	s10 =	stileid.u32  }
0x2: {  	s0 =	srdreg.scid;
	v0 =	vlaneseq.u32;
	s1 =	smul.u32 $0x500, s10  }
0x3: {  	s0 =	sand.u32 $0x1, s0;
	v2 =	vmul.u32 $0x2, v0  }
0x4: {  	s13 =	sor.u32 s0, s1  }
0x5: {  	v3 =	vor.u32 s13, v2  }
0x6: {  	[tilespmem:$0x1FF50] =	vst v3;
	v3 =	vor.u32 $0x20, v2  }
0x7: {  	v4 =	vor.u32 $0x40, v2;
	v3 =	vor.u32 s13, v3  }
0x8: {  	[tilespmem:$0x1FF60] =	vst v3;
	v3 =	vor.u32 s13, v4  }
0x9: {  	[tilespmem:$0x1FF70] =	vst v3;
	v3 =	vor.u32 $0x60, v2  }
0xa: {  	v3 =	vor.u32 s13, v3  }
0xb: {  	[tilespmem:$0x1FF80] =	vst v3;
	v3 =	vor.u32 $0x80, v2  }
0xc: {  	v52 =	vor.u32 $0xA0, v2;
	v3 =	vor.u32 s13, v3  }
0xd: {  	[tilespmem:$0x1FF90] =	vst v3;
	v3 =	vor.u32 s13, v52  }
0xe: {  	[tilespmem:$0x1FFA0] =	vst v3;
	v3 =	vor.u32 $0xC0, v2  }
0xf: {  	v3 =	vor.u32 s13, v3  }
0x10: {  	s4 =	rddreg [dreg:$0x1];
	[tilespmem:$0x1FFB0] =	vst v3;
	v3 =	vadd.s32 $0xDA, v2  }
0x11: {  	s2 =	rddreg [dreg:$0x2];
	v53 =	vadd.s32 $0xFA, v2;
	v3 =	vor.u32 s13, v3  }
0x12: {  	s3 =	rddreg [dreg:$0x3];
	v44 =	vimm.f32 $0.0e+00;
	vm0 =	vcmask $0x3F0C;
	[tilespmem:$0x1FFC0] =	vst v3;
	v3 =	vadd.s32 s13, v53  }
0x13: {  	s5 =	rddreg [dreg:$0x4];
	s7 =	simm.s32 $0x0;
	s6 =	smul.u32 $0xA00, s10;
	v45 =	vor.u32 $0x10, v0;
	v46 =	vor.u32 $0x20, v0;
	[tilespmem:$0x1FFD0] =	vst v3;
	v3 =	vadd.s32 $0x11A, v2  }
0x14: {  	[smem:$0x7FF] =	sst s7;
	s8 =	smul.u32 $0x28000, s10;
	v47 =	vor.u32 $0x30, v0;
	v48 =	vor.u32 $0x40, v0;
	v3 =	vadd.s32 s13, v3  }
0x15: {  	v49 =	vor.u32 $0x50, v0;
	v1 =	vmov s0;
	s1 =	rddreg [dreg:$0x0];
	s0 =	ssub.s32 $0x2, s0;
	[tilespmem:$0x1FFE0] =	vst v3;
	v3 =	vadd.s32 $0x13A, v2  }
0x16: {  	v50 =	vor.u32 $0x60, v0;
	v51 =	vor.u32 $0x70, v0;
	s7 =	sadd.s32 s4, s6;
	s17 =	sshrl.u32 s8, $0x2;
	s9 =	sshrl.u32 s0, $0x1;
	v3 =	vadd.s32 s13, v3  }
0x17: {  	v54 =	vadd.s32 $0x15A, v2;
	v55 =	vadd.s32 $0x1BA, v2;
	v56 =	vadd.s32 $0x214, v2;
	s18 =	sadd.s32 $0xA000, s7;
	s0 =	ssub.s32 s0, s9;
	s9 =	sadd.s32 s17, s3;
	[tilespmem:$0x1FFF0] =	vst v3  }
0x18: {  	v57 =	vadd.s32 $0x274, v2;
	v58 =	vadd.s32 $0x2CE, v2;
	v59 =	vadd.s32 $0x32E, v2;
	s4 =	sadd.s32 $0x800, s9;
	_ =	strace $0x80000047;
	[dreg:$0x6] =	wrdreg s18  }
0x19: {  	v60 =	vadd.s32 $0x38E, v2;
	v61 =	vadd.s32 $0x3E8, v2;
	v62 =	vadd.s32 $0x448, v2;
	s19 =	sadd.s32 $0x1000, s9;
	[dreg:$0x7] =	wrdreg s4  }
0x1a: {  	v63 =	vadd.s32 $0x4A8, v2;
	v13 =	vadd.s32 s13, v54;
	v16 =	vadd.s32 s13, v55;
	s20 =	sadd.s32 $0x1800, s9;
	[dreg:$0x8] =	wrdreg s19  }
0x1b: {  	v19 =	vadd.s32 s13, v56;
	v22 =	vadd.s32 s13, v57;
	s21 =	sadd.s32 $0x2000, s9;
	v3 =	vadd.s32 $0x17A, v2;
	[dreg:$0x9] =	wrdreg s20  }
0x1c: {  	v25 =	vadd.s32 s13, v58;
	s22 =	sadd.s32 $0x2800, s9;
	v14 =	vadd.s32 s13, v3;
	v3 =	vadd.s32 $0x19A, v2;
	[dreg:$0xa] =	wrdreg s21  }
0x1d: {  	p0 =	seq.s32 s10, $0xF;
	v28 =	vadd.s32 s13, v59;
	s23 =	sadd.s32 $0x3000, s9;
	[dreg:$0xb] =	wrdreg s22;
	v15 =	vadd.s32 s13, v3;
	v3 =	vadd.s32 $0x1D4, v2  }
0x1e: {  	s10 =	simm.s32 $0x3;
	v31 =	vadd.s32 s13, v60;
	s24 =	sadd.s32 $0x3800, s9;
	[dreg:$0xc] =	wrdreg s23;
	v17 =	vadd.s32 s13, v3;
	v3 =	vadd.s32 $0x1F4, v2  }
0x1f: {  	s12 =	sshrl.u32 s6, $0x2;
	v34 =	vadd.s32 s13, v61;
	s25 =	sadd.s32 $0x4000, s9;
	[dreg:$0xd] =	wrdreg s24;
	v18 =	vadd.s32 s13, v3;
	v3 =	vadd.s32 $0x234, v2  }
0x20: {  	s6 =	simm.s32 $0x1;
	v37 =	vadd.s32 s13, v62;
	s26 =	sadd.s32 $0x4800, s9;
	[dreg:$0xe] =	wrdreg s25;
	v20 =	vadd.s32 s13, v3;
	v3 =	vadd.s32 $0x254, v2  }
0x21: {  	v40 =	vadd.s32 s13, v63;
	s8 =	sadd.s32 $0x5000, s9;
	s11 =	sadd.s32 $0x5800, s9;
	[dreg:$0xf] =	wrdreg s26;
	v21 =	vadd.s32 s13, v3;
	v3 =	vadd.s32 $0x294, v2  }
0x22: {  	v54 =	vor.u32 $0xA0, v0;
	s14 =	sadd.s32 $0x6800, s9;
	s0 =	smax.u32 s0, $0x1;
	[dreg:$0x10] =	wrdreg s8;
	v23 =	vadd.s32 s13, v3;
	v3 =	vadd.s32 $0x2B4, v2  }
0x23: {  	v55 =	vor.u32 $0xB0, v0;
	s28 =	sadd.s32 $0x8000, s9;
	s29 =	sadd.s32 $0x8800, s9;
	[dreg:$0x11] =	wrdreg s11;
	v24 =	vadd.s32 s13, v3;
	v3 =	vadd.s32 $0x2EE, v2  }
0x24: {  	v56 =	vor.u32 $0xC0, v0;
	s30 =	sadd.s32 $0x9000, s9;
	s31 =	sadd.s32 $0x9800, s9;
	[dreg:$0x12] =	wrdreg s14;
	v26 =	vadd.s32 s13, v3;
	v3 =	vadd.s32 $0x30E, v2  }
0x25: {  	v57 =	vor.u32 $0xD0, v0;
	s15 =	sadd.s32 $0x1F40, s9;
	s16 =	sadd.s32 $0x3E80, s9;
	[dreg:$0x13] =	wrdreg s0;
	v27 =	vadd.s32 s13, v3;
	v3 =	vadd.s32 $0x34E, v2  }
0x26: {  	v58 =	vor.u32 $0xE0, v0;
	s17 =	sadd.s32 $0x5DC0, s9;
	s21 =	sadd.s32 $0x6000, s9;
	[dreg:$0x14] =	wrdreg s15;
	v29 =	vadd.s32 s13, v3;
	v3 =	vadd.s32 $0x36E, v2  }
0x27: {  	v59 =	vor.u32 $0xF0, v0;
	s23 =	sadd.s32 s12, s5;
	s25 =	sadd.s32 $0x7000, s9;
	[dreg:$0x15] =	wrdreg s16;
	v30 =	vadd.s32 s13, v3;
	v3 =	vadd.s32 $0x3AE, v2  }
0x28: {  	v60 =	vor.u32 $0x100, v0;
	s26 =	sadd.s32 $0x7800, s9;
	[dreg:$0x16] =	wrdreg s17;
	s18 =	sadd.s32 $0x7D00, s9;
	v32 =	vadd.s32 s13, v3;
	v3 =	vadd.s32 $0x3C8, v2  }
0x29: {  	v61 =	vor.u32 $0x110, v0;
	s19 =	sadd.s32 $0x9C00, s9;
	s20 =	sadd.s32 $0x97F40, s3;
	s22 =	sadd.s32 $0x99E80, s3;
	v33 =	vadd.s32 s13, v3;
	v3 =	vadd.s32 $0x408, v2  }
0x2a: {  	v62 =	vor.u32 $0x120, v0;
	s24 =	sadd.s32 $0x9BDC0, s3;
	s4 =	simm.s32 $0x14A30;
	s0 =	simm.s32 $0x11D00;
	v35 =	vadd.s32 s13, v3;
	v3 =	vadd.s32 $0x428, v2  }
.Ltmp0:
0x2b: {  	v63 =	vor.u32 $0x130, v0;
	s8 =	simm.s32 $0x2;
	[dreg:$0x17] =	wrdreg s18;
	v36 =	vadd.s32 s13, v3;
	v3 =	vadd.s32 $0x468, v2;
	(pc) =	sbr.rel .LBB2_1-.Ltmp0, $4  }
0x2c: {  	v52 =	vor.u32 $0x80, v0;
	s11 =	simm.s32 $0x7D;
	s12 =	simm.s32 $0xA000;
	[dreg:$0x18] =	wrdreg s19;
	v38 =	vadd.s32 s13, v3;
	v3 =	vadd.s32 $0x488, v2  }
0x2d: {  	v53 =	vor.u32 $0x90, v0;
	s14 =	simm.s32 $0xBF40;
	s15 =	simm.s32 $0xDE80;
	[dreg:$0x19] =	wrdreg s20;
	v39 =	vadd.s32 s13, v3;
	v3 =	vadd.s32 $0x4C2, v2  }
0x2e: {  	s16 =	simm.s32 $0xFDC0;
	s17 =	simm.s32 $0x4;
	[dreg:$0x1a] =	wrdreg s22;
	v41 =	vadd.s32 s13, v3;
	v3 =	vor.u32 $0x4E0, v2;
	v2 =	vor.u32 $0x300, v2  }
0x2f: {  	[dreg:$0x1b] =	wrdreg s24;
	s18 =	simm.s32 $0x0;
	v42 =	vadd.s32 s13, v3;
	v43 =	vadd.s32 s13, v2;
	s13 =	simm.s32 $0x80;
	v2 =	vimm.f32 $1.000000000e+00  }
.LBB2_24:
0x30: {  	[tilespmem:s19+$0x10] =	vst v6  }
0x31: {  	[tilespmem:s19+$0xFFFFFFE0] =	vst v4  }
0x32: {  	[tilespmem:s19+$0xFFFFFFF0] =	vst v5  }
0x33: {  	[tilespmem:s19+$0x0] =	vst v3;
	s24 =	simm.s32 $0x10;
	s20 =	simm.s32 $0x14A00  }
0x34: {  	[hbm4b:s2+s24] =	stream.indirect.scatter [tilespmem:s15], [sflag:$0x3], $0x40, s20, s24, $0xb8;
	[tilespmem:$0x1F4B0] =	vst v63  }
0x35: {  	_ =	swait.ge [sflag:s10], $0x1F40  }
0x36: {  	[sflag:s10] =	ssyncset.done $0x0  }
0x37: {  	[sflag:s10] =	ssyncadd.s32 $0xFFFFE0C0  }
.LBB2_36:
0x38: {  	_ =	swait.ge [sflag:s10], $0x400  }
0x39: {  	s18 =	sadd.s32 $0x1, s18;
	s19 =	rddreg [dreg:$0x13]  }
0x3a: {  	p1 =	sne.s32 s18, s19  }
.Ltmp1:
0x3b: {  	_ = 	snop;
	(pc) =	sbr.rel @!p1 .LBB2_37-.Ltmp1, $3  }
0x3c: {  	_ =	sdelay $0x1  }
0x3d: {  	[sflag:s10] =	ssyncset.done $0x0  }
0x3e: {  	[sflag:s10] =	ssyncadd.s32 $0xFFFFFC00  }
.LBB2_1:
0x3f: {  	s19 =	simm.s32 $0x0;
	s20 =	rddreg [dreg:$0x6]  }
0x40: {  	[tilespmem:s19], [sflag:$0x1] =	stream.linear.gather [hbm4b:s20+s19], $0x5000, $0x38;
	[tilespmem:$0x1F4B0] =	vst v63  }
0x41: {  	s24 =	simm.s32 $0x5000  }
0x42: {  	[tilespmem:s24], [sflag:$0x2] =	stream.linear.gather [hbm4b:s7+s19], $0x5000, $0x38;
	[tilespmem:$0x1F4B0] =	vst v63  }
0x43: {  	s20 =	simm.s32 $0x100;
	s19 =	simm.s32 $0x0  }
.LBB2_2:
0x44: {  	p1 =	sne.s32 s20, $0x1F00;
	[tilespmem:s19+$0x14A60] =	vst v44;
	s22 =	smov.u32 s20;
	s20 =	sadd.s32 $0x100, s20  }
.Ltmp2:
0x45: {  	[tilespmem:s19+$0x14A50] =	vst v44;
	(pc) =	sbr.rel @p1 .LBB2_2-.Ltmp2, $3  }
0x46: {  	[tilespmem:s19+$0x14A30] =	vst v44  }
0x47: {  	[tilespmem:s19+$0x14A40] =	vst v44;
	_ =	sdelay $0x1  }
0x48: {  	s19 =	sshra.s32 s22, $0x2  }
0x49: {  	[tilespmem:s19+$0x14A60] =	vst v44  }
0x4a: {  	[tilespmem:s19+$0x14A50] =	vst v44  }
0x4b: {  	[tilespmem:s19+$0x14A30] =	vst v44  }
0x4c: {  	[tilespmem:s19+$0x14A40] =	vst v44  }
0x4d: {  	[spmem:s9] =	stream.linear.scatter [tilespmem:s4], [sflag:$0x3], $0x800, $0x38;
	[tilespmem:$0x1F4B0] =	vst v63  }
0x4e: {  	s20 =	rddreg [dreg:$0x7]  }
0x4f: {  	[spmem:s20] =	stream.linear.scatter [tilespmem:s4], [sflag:$0x3], $0x800, $0x38;
	[tilespmem:$0x1F4B0] =	vst v63  }
0x50: {  	s22 =	rddreg [dreg:$0x8]  }
0x51: {  	[spmem:s22] =	stream.linear.scatter [tilespmem:s4], [sflag:$0x3], $0x800, $0x38;
	[tilespmem:$0x1F4B0] =	vst v63  }
0x52: {  	s24 =	rddreg [dreg:$0x9]  }
0x53: {  	[spmem:s24] =	stream.linear.scatter [tilespmem:s4], [sflag:$0x3], $0x800, $0x38;
	[tilespmem:$0x1F4B0] =	vst v63  }
0x54: {  	s20 =	rddreg [dreg:$0xa]  }
0x55: {  	[spmem:s20] =	stream.linear.scatter [tilespmem:s4], [sflag:$0x3], $0x800, $0x38;
	[tilespmem:$0x1F4B0] =	vst v63  }
0x56: {  	s22 =	rddreg [dreg:$0xb]  }
0x57: {  	[spmem:s22] =	stream.linear.scatter [tilespmem:s4], [sflag:$0x3], $0x800, $0x38;
	[tilespmem:$0x1F4B0] =	vst v63  }
0x58: {  	s24 =	rddreg [dreg:$0xc]  }
0x59: {  	[spmem:s24] =	stream.linear.scatter [tilespmem:s4], [sflag:$0x3], $0x800, $0x38;
	[tilespmem:$0x1F4B0] =	vst v63  }
0x5a: {  	s20 =	rddreg [dreg:$0xd]  }
0x5b: {  	[spmem:s20] =	stream.linear.scatter [tilespmem:s4], [sflag:$0x3], $0x800, $0x38;
	[tilespmem:$0x1F4B0] =	vst v63  }
0x5c: {  	s22 =	rddreg [dreg:$0xe]  }
0x5d: {  	[spmem:s22] =	stream.linear.scatter [tilespmem:s4], [sflag:$0x3], $0x800, $0x38;
	[tilespmem:$0x1F4B0] =	vst v63  }
0x5e: {  	s24 =	rddreg [dreg:$0xf]  }
0x5f: {  	[spmem:s24] =	stream.linear.scatter [tilespmem:s4], [sflag:$0x3], $0x800, $0x38;
	[tilespmem:$0x1F4B0] =	vst v63  }
0x60: {  	s20 =	rddreg [dreg:$0x10]  }
0x61: {  	[spmem:s20] =	stream.linear.scatter [tilespmem:s4], [sflag:$0x3], $0x800, $0x38;
	[tilespmem:$0x1F4B0] =	vst v63  }
0x62: {  	s22 =	rddreg [dreg:$0x11]  }
0x63: {  	[spmem:s22] =	stream.linear.scatter [tilespmem:s4], [sflag:$0x3], $0x800, $0x38;
	[tilespmem:$0x1F4B0] =	vst v63  }
0x64: {  	_ = 	snop  }
0x65: {  	[spmem:s21] =	stream.linear.scatter [tilespmem:s4], [sflag:$0x3], $0x800, $0x38;
	[tilespmem:$0x1F4B0] =	vst v63  }
0x66: {  	s24 =	rddreg [dreg:$0x12]  }
0x67: {  	[spmem:s24] =	stream.linear.scatter [tilespmem:s4], [sflag:$0x3], $0x800, $0x38;
	[tilespmem:$0x1F4B0] =	vst v63  }
0x68: {  	_ = 	snop  }
0x69: {  	[spmem:s25] =	stream.linear.scatter [tilespmem:s4], [sflag:$0x3], $0x800, $0x38;
	[tilespmem:$0x1F4B0] =	vst v63  }
0x6a: {  	_ = 	snop  }
0x6b: {  	[spmem:s26] =	stream.linear.scatter [tilespmem:s4], [sflag:$0x3], $0x800, $0x38;
	[tilespmem:$0x1F4B0] =	vst v63  }
0x6c: {  	_ = 	snop  }
0x6d: {  	[spmem:s28] =	stream.linear.scatter [tilespmem:s4], [sflag:$0x3], $0x800, $0x38;
	[tilespmem:$0x1F4B0] =	vst v63  }
0x6e: {  	_ = 	snop  }
0x6f: {  	[spmem:s29] =	stream.linear.scatter [tilespmem:s4], [sflag:$0x3], $0x800, $0x38;
	[tilespmem:$0x1F4B0] =	vst v63  }
0x70: {  	_ = 	snop  }
0x71: {  	[spmem:s30] =	stream.linear.scatter [tilespmem:s4], [sflag:$0x3], $0x800, $0x38;
	[tilespmem:$0x1F4B0] =	vst v63  }
0x72: {  	s19 =	simm.s32 $0x40;
	s20 =	simm.s32 $0x0  }
0x73: {  	[spmem:s31] =	stream.linear.scatter [tilespmem:s4], [sflag:$0x3], $0x800, $0x38;
	[tilespmem:$0x1F4B0] =	vst v63  }
.LBB2_4:
0x74: {  	p1 =	sne.s32 s19, $0x9FC0;
	[tilespmem:s20+$0x11D00] =	vst v44;
	s20 =	smov.u32 s19;
	s19 =	sadd.s32 $0x40, s19  }
.Ltmp3:
0x75: {  	(pc) =	sbr.rel @p1 .LBB2_4-.Ltmp3, $2  }
0x76: {  	_ =	sdelay $0x2  }
0x77: {  	s20 =	sshra.s32 s20, $0x2  }
0x78: {  	[tilespmem:s20+$0x11D00] =	vst v44  }
0x79: {  	[spmem:s23] =	stream.linear.scatter [tilespmem:s0], [sflag:$0x3], $0x280, $0x38;
	[tilespmem:$0x1F4B0] =	vst v63  }
0x7a: {  	[tilespmem:$0x14500] =	vst v0  }
0x7b: {  	[tilespmem:$0x14510] =	vst v45  }
0x7c: {  	[tilespmem:$0x14520] =	vst v46  }
0x7d: {  	[tilespmem:$0x14530] =	vst v47  }
0x7e: {  	[tilespmem:$0x14540] =	vst v48  }
0x7f: {  	[tilespmem:$0x14550] =	vst v49  }
0x80: {  	[tilespmem:$0x14560] =	vst v50  }
0x81: {  	v3 =	vor.u32 $0x140, v0;
	[tilespmem:$0x14570] =	vst v51  }
0x82: {  	[tilespmem:$0x14640] =	vst v3;
	v3 =	vor.u32 $0x150, v0  }
0x83: {  	[tilespmem:$0x14650] =	vst v3;
	v3 =	vor.u32 $0x160, v0  }
0x84: {  	[tilespmem:$0x14660] =	vst v3;
	v3 =	vor.u32 $0x170, v0  }
0x85: {  	[tilespmem:$0x14670] =	vst v3;
	v3 =	vor.u32 $0x180, v0  }
0x86: {  	[tilespmem:$0x14680] =	vst v3;
	v3 =	vor.u32 $0x190, v0  }
0x87: {  	[tilespmem:$0x14690] =	vst v3;
	v3 =	vor.u32 $0x1A0, v0  }
0x88: {  	[tilespmem:$0x146A0] =	vst v3;
	v3 =	vor.u32 $0x1B0, v0  }
0x89: {  	[tilespmem:$0x146B0] =	vst v3;
	v3 =	vor.u32 $0x1C0, v0  }
0x8a: {  	[tilespmem:$0x146C0] =	vst v3;
	v3 =	vor.u32 $0x1D0, v0  }
0x8b: {  	[tilespmem:$0x146D0] =	vst v3;
	v3 =	vor.u32 $0x1E0, v0  }
0x8c: {  	[tilespmem:$0x146E0] =	vst v3;
	v3 =	vor.u32 $0x1F0, v0  }
0x8d: {  	[tilespmem:$0x146F0] =	vst v3;
	v3 =	vor.u32 $0x200, v0  }
0x8e: {  	[tilespmem:$0x14700] =	vst v3;
	v3 =	vor.u32 $0x210, v0  }
0x8f: {  	[tilespmem:$0x14710] =	vst v3;
	v3 =	vor.u32 $0x220, v0  }
0x90: {  	[tilespmem:$0x14720] =	vst v3;
	v3 =	vor.u32 $0x230, v0  }
0x91: {  	[tilespmem:$0x14730] =	vst v3;
	v3 =	vor.u32 $0x240, v0  }
0x92: {  	[tilespmem:$0x14740] =	vst v3;
	v3 =	vor.u32 $0x250, v0  }
0x93: {  	[tilespmem:$0x14750] =	vst v3;
	v3 =	vor.u32 $0x260, v0  }
0x94: {  	[tilespmem:$0x14760] =	vst v3;
	v3 =	vor.u32 $0x270, v0  }
0x95: {  	[tilespmem:$0x14770] =	vst v3;
	v3 =	vld [tilespmem:$0x1FF50]  }
0x96: {  	[tilespmem:$0x14580] =	vst v52  }
0x97: {  	[tilespmem:$0x14590] =	vst v53  }
0x98: {  	[tilespmem:$0x145A0] =	vst v54  }
0x99: {  	[tilespmem:$0x145B0] =	vst v55  }
0x9a: {  	[tilespmem:$0x14780] =	vst v3;
	v3 =	vld [tilespmem:$0x1FF60]  }
0x9b: {  	[tilespmem:$0x145C0] =	vst v56  }
0x9c: {  	[tilespmem:$0x145D0] =	vst v57  }
0x9d: {  	[tilespmem:$0x145E0] =	vst v58  }
0x9e: {  	[tilespmem:$0x145F0] =	vst v59  }
0x9f: {  	[tilespmem:$0x14790] =	vst v3;
	v3 =	vld [tilespmem:$0x1FF70]  }
0xa0: {  	[tilespmem:$0x14600] =	vst v60  }
0xa1: {  	[tilespmem:$0x14610] =	vst v61  }
0xa2: {  	[tilespmem:$0x14620] =	vst v62  }
0xa3: {  	[tilespmem:$0x14630] =	vst v63  }
0xa4: {  	[tilespmem:$0x147A0] =	vst v3;
	v3 =	vld [tilespmem:$0x1FF80]  }
0xa5: {  	[tilespmem:$0x14830] =	vst v13  }
0xa6: {  	[tilespmem:$0x14840] =	vst v14  }
0xa7: {  	[tilespmem:$0x14850] =	vst v15  }
0xa8: {  	[tilespmem:$0x14860] =	vst v16  }
0xa9: {  	[tilespmem:$0x147B0] =	vst v3;
	v3 =	vld [tilespmem:$0x1FF90]  }
0xaa: {  	[tilespmem:$0x14880] =	vst v18  }
0xab: {  	[tilespmem:$0x14890] =	vst v19  }
0xac: {  	[tilespmem:$0x148A0] =	vst v20  }
0xad: {  	[tilespmem:$0x148B0] =	vst v21  }
0xae: {  	[tilespmem:$0x147C0] =	vst v3;
	v3 =	vld [tilespmem:$0x1FFA0]  }
0xaf: {  	[tilespmem:$0x148C0] =	vst v22  }
0xb0: {  	[tilespmem:$0x148D0] =	vst v23  }
0xb1: {  	[tilespmem:$0x148E0] =	vst v24  }
0xb2: {  	[tilespmem:$0x14900] =	vst v26  }
0xb3: {  	[tilespmem:$0x147D0] =	vst v3;
	v3 =	vld [tilespmem:$0x1FFB0]  }
0xb4: {  	[tilespmem:$0x14910] =	vst v27  }
0xb5: {  	[tilespmem:$0x14920] =	vst v28  }
0xb6: {  	[tilespmem:$0x14930] =	vst v29  }
0xb7: {  	[tilespmem:$0x14940] =	vst v30  }
0xb8: {  	[tilespmem:$0x147E0] =	vst v3;
	v3 =	vld [tilespmem:$0x1FFC0]  }
0xb9: {  	[tilespmem:$0x14950] =	vst v31  }
0xba: {  	[tilespmem:$0x14960] =	vst v32  }
0xbb: {  	[tilespmem:$0x14980] =	vst v34  }
0xbc: {  	[tilespmem:$0x14990] =	vst v35  }
0xbd: {  	[tilespmem:$0x147ED] =	vst v3;
	v3 =	vld [tilespmem:$0x1FFD0]  }
0xbe: {  	[tilespmem:$0x149A0] =	vst v36  }
0xbf: {  	[tilespmem:$0x149B0] =	vst v37  }
0xc0: {  	[tilespmem:$0x149C0] =	vst v38  }
0xc1: {  	[tilespmem:$0x149D0] =	vst v39  }
0xc2: {  	[tilespmem:$0x14800] =	vst v3;
	v3 =	vld [tilespmem:$0x1FFE0]  }
0xc3: {  	[tilespmem:$0x149E0] =	vst v40  }
0xc4: {  	[tilespmem:$0x14A00] =	vst v42  }
0xc5: {  	[tilespmem:$0x14A10] =	vst v26  }
0xc6: {  	[tilespmem:$0x14A20] =	vst v43  }
0xc7: {  	[tilespmem:$0x14810] =	vst v3;
	v3 =	vld [tilespmem:$0x1FFF0]  }
0xc8: {  	[tilespmem:$0x1486D] =	vst v17  }
0xc9: {  	[tilespmem:$0x148ED] =	vst v25  }
0xca: {  	[tilespmem:$0x1496D] =	vst v33  }
0xcb: {  	[tilespmem:$0x149ED] =	vst v41  }
0xcc: {  	[tilespmem:$0x14820] =	vst v3  }
0xcd: {  	_ =	swait.ge [sflag:s6], $0x5000  }
0xce: {  	[sflag:s6] =	ssyncset.done $0x0  }
0xcf: {  	[sflag:s6] =	ssyncadd.s32 $0xFFFFB000  }
0xd0: {  	_ =	swait.ge [sflag:s8], $0x5000  }
0xd1: {  	[sflag:s8] =	ssyncset.done $0x0  }
0xd2: {  	[sflag:s8] =	ssyncadd.s32 $0xFFFFB000  }
0xd3: {  	v3 =	vld [tilespmem:$0x0]  }
0xd4: {  	v4 =	vld [tilespmem:$0x10]  }
0xd5: {  	v5 =	vld [tilespmem:$0x20]  }
0xd6: {  	v6 =	vld [tilespmem:$0x30]  }
0xd7: {  	v7 =	vld [tilespmem:$0x40]  }
0xd8: {  	v8 =	vld [tilespmem:$0x50];
	v3 =	vshll.u32 v3, $0x1  }
0xd9: {  	v9 =	vld [tilespmem:$0x60];
	v4 =	vshll.u32 v4, $0x1;
	v3 =	vor.u32 v1, v3  }
0xda: {  	v5 =	vshll.u32 v5, $0x1;
	v4 =	vor.u32 v1, v4;
	[tilespmem:$0x0] =	vst v3;
	v3 =	vld [tilespmem:$0x6D]  }
0xdb: {  	v10 =	vshll.u32 v6, $0x1;
	v6 =	vld [tilespmem:$0x80];
	v11 =	vor.u32 v1, v5;
	[tilespmem:$0x10] =	vst v4  }
0xdc: {  	[tilespmem:$0x20] =	vst v11;
	v11 =	vor.u32 v1, v10;
	v10 =	vshll.u32 v7, $0x1;
	v7 =	vld [tilespmem:$0x90]  }
0xdd: {  	v5 =	vshll.u32 v8, $0x1;
	v8 =	vld [tilespmem:$0xA0];
	[tilespmem:$0x30] =	vst v11;
	v4 =	vor.u32 v1, v10  }
0xde: {  	[tilespmem:$0x40] =	vst v4;
	v4 =	vor.u32 v1, v5;
	v5 =	vshll.u32 v9, $0x1;
	v9 =	vld [tilespmem:$0xB0]  }
0xdf: {  	[tilespmem:$0x50] =	vst v4;
	v11 =	vor.u32 v1, v5;
	v5 =	vld [tilespmem:$0xC0];
	v3 =	vshll.u32 v3, $0x1  }
0xe0: {  	v4 =	vld [tilespmem:$0xD0];
	v6 =	vshll.u32 v6, $0x1;
	[tilespmem:$0x60] =	vst v11;
	v3 =	vor.u32 v1, v3  }
0xe1: {  	v6 =	vor.u32 v1, v6;
	v7 =	vshll.u32 v7, $0x1;
	[tilespmem:$0x6D] =	vst v3;
	v3 =	vld [tilespmem:$0xE0]  }
0xe2: {  	v8 =	vshll.u32 v8, $0x1;
	[tilespmem:$0x80] =	vst v6;
	v6 =	vld [tilespmem:$0xED];
	v7 =	vor.u32 v1, v7  }
0xe3: {  	[tilespmem:$0x90] =	vst v7;
	v7 =	vor.u32 v1, v8;
	v8 =	vshll.u32 v9, $0x1  }
0xe4: {  	[tilespmem:$0xA0] =	vst v7;
	v10 =	vor.u32 v1, v8;
	v5 =	vshll.u32 v5, $0x1  }
0xe5: {  	v4 =	vshll.u32 v4, $0x1;
	[tilespmem:$0xB0] =	vst v10;
	v5 =	vor.u32 v1, v5  }
0xe6: {  	v4 =	vor.u32 v1, v4;
	[tilespmem:$0xC0] =	vst v5;
	v3 =	vshll.u32 v3, $0x1  }
0xe7: {  	[tilespmem:$0xD0] =	vst v4;
	v11 =	vshll.u32 v6, $0x1;
	v3 =	vor.u32 v1, v3  }
0xe8: {  	[tilespmem:$0xE0] =	vst v3;
	v3 =	vor.u32 v1, v11  }
0xe9: {  	[tilespmem:$0xED] =	vst v3  }
0xea: {  	_ =	swait.ge [sflag:s10], $0x800  }
0xeb: {  	[sflag:s10] =	ssyncset.done $0x0  }
0xec: {  	[sflag:s10] =	ssyncadd.s32 $0xFFFFF800  }
0xed: {  	_ =	swait.ge [sflag:s10], $0x800  }
0xee: {  	[sflag:s10] =	ssyncset.done $0x0  }
0xef: {  	[sflag:s10] =	ssyncadd.s32 $0xFFFFF800  }
0xf0: {  	_ =	swait.ge [sflag:s10], $0x800  }
0xf1: {  	[sflag:s10] =	ssyncset.done $0x0  }
0xf2: {  	[sflag:s10] =	ssyncadd.s32 $0xFFFFF800  }
0xf3: {  	_ =	swait.ge [sflag:s10], $0x800  }
0xf4: {  	[sflag:s10] =	ssyncset.done $0x0  }
0xf5: {  	[sflag:s10] =	ssyncadd.s32 $0xFFFFF800  }
0xf6: {  	_ =	swait.ge [sflag:s10], $0x800  }
0xf7: {  	[sflag:s10] =	ssyncset.done $0x0  }
0xf8: {  	[sflag:s10] =	ssyncadd.s32 $0xFFFFF800  }
0xf9: {  	_ =	swait.ge [sflag:s10], $0x800  }
0xfa: {  	[sflag:s10] =	ssyncset.done $0x0  }
0xfb: {  	[sflag:s10] =	ssyncadd.s32 $0xFFFFF800  }
0xfc: {  	_ =	swait.ge [sflag:s10], $0x800  }
0xfd: {  	[sflag:s10] =	ssyncset.done $0x0  }
0xfe: {  	[sflag:s10] =	ssyncadd.s32 $0xFFFFF800  }
0xff: {  	_ =	swait.ge [sflag:s10], $0x800  }
0x100: {  	[sflag:s10] =	ssyncset.done $0x0  }
0x101: {  	[sflag:s10] =	ssyncadd.s32 $0xFFFFF800  }
0x102: {  	_ =	swait.ge [sflag:s10], $0x800  }
0x103: {  	[sflag:s10] =	ssyncset.done $0x0  }
0x104: {  	[sflag:s10] =	ssyncadd.s32 $0xFFFFF800  }
0x105: {  	_ =	swait.ge [sflag:s10], $0x800  }
0x106: {  	[sflag:s10] =	ssyncset.done $0x0  }
0x107: {  	[sflag:s10] =	ssyncadd.s32 $0xFFFFF800  }
0x108: {  	_ =	swait.ge [sflag:s10], $0x800  }
0x109: {  	[sflag:s10] =	ssyncset.done $0x0  }
0x10a: {  	[sflag:s10] =	ssyncadd.s32 $0xFFFFF800  }
0x10b: {  	_ =	swait.ge [sflag:s10], $0x800  }
0x10c: {  	[sflag:s10] =	ssyncset.done $0x0  }
0x10d: {  	[sflag:s10] =	ssyncadd.s32 $0xFFFFF800  }
0x10e: {  	_ =	swait.ge [sflag:s10], $0x800  }
0x10f: {  	[sflag:s10] =	ssyncset.done $0x0  }
0x110: {  	[sflag:s10] =	ssyncadd.s32 $0xFFFFF800  }
0x111: {  	_ =	swait.ge [sflag:s10], $0x800  }
0x112: {  	[sflag:s10] =	ssyncset.done $0x0  }
0x113: {  	[sflag:s10] =	ssyncadd.s32 $0xFFFFF800  }
0x114: {  	_ =	swait.ge [sflag:s10], $0x800  }
0x115: {  	[sflag:s10] =	ssyncset.done $0x0  }
0x116: {  	[sflag:s10] =	ssyncadd.s32 $0xFFFFF800  }
0x117: {  	_ =	swait.ge [sflag:s10], $0x800  }
0x118: {  	[sflag:s10] =	ssyncset.done $0x0  }
0x119: {  	[sflag:s10] =	ssyncadd.s32 $0xFFFFF800  }
0x11a: {  	_ =	swait.ge [sflag:s10], $0x800  }
0x11b: {  	[sflag:s10] =	ssyncset.done $0x0  }
0x11c: {  	[sflag:s10] =	ssyncadd.s32 $0xFFFFF800  }
0x11d: {  	_ =	swait.ge [sflag:s10], $0x800  }
0x11e: {  	[sflag:s10] =	ssyncset.done $0x0  }
0x11f: {  	[sflag:s10] =	ssyncadd.s32 $0xFFFFF800  }
0x120: {  	_ =	swait.ge [sflag:s10], $0x800  }
0x121: {  	[sflag:s10] =	ssyncset.done $0x0  }
0x122: {  	[sflag:s10] =	ssyncadd.s32 $0xFFFFF800  }
0x123: {  	_ =	swait.ge [sflag:s10], $0x800  }
0x124: {  	[sflag:s10] =	ssyncset.done $0x0  }
0x125: {  	[sflag:s10] =	ssyncadd.s32 $0xFFFFF800  }
0x126: {  	_ =	swait.ge [sflag:s10], $0x280  }
0x127: {  	[sflag:s10] =	ssyncset.done $0x0  }
.Ltmp4:
0x128: {  	[sflag:s10] =	ssyncadd.s32 $0xFFFFFD80;
	(pc) =	sbr.rel .LBB2_6-.Ltmp4, $4  }
0x129: {  	s19 =	simm.s32 $0x0;
	[bflag:$0x0] =	sbarrier.arrive $0xFFFF  }
0x12a: {  	[tilespmem:s12], [sflag:$0x1] =	stream.indirect.gather [hbm4b:s1+s11], $0x40, s19, s11, $0xb8;
	[tilespmem:$0x1F4B0] =	vst v63  }
0x12b: {  	_ = 	snop  }
0x12c: {  	[tilespmem:s14], [sflag:$0x1] =	stream.indirect.gather [hbm4b:s1+s11], $0x40, s13, s11, $0xb8;
	[tilespmem:$0x1F4B0] =	vst v63  }
.LBB2_8:
0x12d: {  	_ =	swait.ge [sflag:s8], $0x1F40  }
0x12e: {  	[sflag:s8] =	ssyncset.done $0x0  }
0x12f: {  	[sflag:s8] =	ssyncadd.s32 $0xFFFFE0C0  }
0x130: {  	_ =	swait.ge [sflag:s8], $0x1F40  }
0x131: {  	[sflag:s8] =	ssyncset.done $0x0  }
0x132: {  	s22 =	sadd.s32 $0x5100, s20;
	[sflag:s8] =	ssyncadd.s32 $0xFFFFE0C0  }
0x133: {  	[spmem:s3] =	stream.indirect.scatter.add.f32 [tilespmem:s15], [sflag:$0x3], $0x40, s22, s11, $0xb8;
	[tilespmem:$0x1F4B0] =	vst v63  }
0x134: {  	s24 =	sadd.s32 $0x5180, s20  }
0x135: {  	[spmem:s3] =	stream.indirect.scatter.add.f32 [tilespmem:s16], [sflag:$0x3], $0x40, s24, s11, $0xb8;
	[tilespmem:$0x1F4B0] =	vst v63  }
0x136: {  	v3 =	vld [tilespmem:s20+$0x5100];
	_ =	sdelay $0x7  }
0x137: {  	[tilespmem:v3+s0+$0x0] =	vst.idx.add.f32.msk $0xffff, v2  }
0x138: {  	v3 =	vld [tilespmem:s20+$0x5110];
	_ =	sdelay $0x7  }
0x139: {  	[tilespmem:v3+s0+$0x0] =	vst.idx.add.f32.msk $0xffff, v2  }
0x13a: {  	v3 =	vld [tilespmem:s20+$0x5120];
	_ =	sdelay $0x7  }
0x13b: {  	[tilespmem:v3+s0+$0x0] =	vst.idx.add.f32.msk $0xffff, v2  }
0x13c: {  	v3 =	vld [tilespmem:s20+$0x5130];
	_ =	sdelay $0x7  }
0x13d: {  	[tilespmem:v3+s0+$0x0] =	vst.idx.add.f32.msk $0xffff, v2  }
0x13e: {  	v3 =	vld [tilespmem:s20+$0x5140];
	_ =	sdelay $0x7  }
0x13f: {  	[tilespmem:v3+s0+$0x0] =	vst.idx.add.f32.msk $0xffff, v2  }
0x140: {  	v3 =	vld [tilespmem:s20+$0x5150];
	_ =	sdelay $0x7  }
0x141: {  	[tilespmem:v3+s0+$0x0] =	vst.idx.add.f32.msk $0xffff, v2  }
0x142: {  	v3 =	vld [tilespmem:s20+$0x5160];
	_ =	sdelay $0x7  }
0x143: {  	[tilespmem:v3+s0+$0x0] =	vst.idx.add.f32.msk $0xffff, v2  }
0x144: {  	v3 =	vld [tilespmem:s20+$0x516D];
	_ =	sdelay $0x7  }
0x145: {  	[tilespmem:v3+s0+$0x0] =	vst.idx.add.f32.msk vm0, v2  }
0x146: {  	v3 =	vld [tilespmem:s20+$0x5180];
	_ =	sdelay $0x7  }
0x147: {  	[tilespmem:v3+s0+$0x0] =	vst.idx.add.f32.msk $0xffff, v2  }
0x148: {  	v3 =	vld [tilespmem:s20+$0x5190];
	_ =	sdelay $0x7  }
0x149: {  	[tilespmem:v3+s0+$0x0] =	vst.idx.add.f32.msk $0xffff, v2  }
0x14a: {  	v3 =	vld [tilespmem:s20+$0x51A0];
	_ =	sdelay $0x7  }
0x14b: {  	[tilespmem:v3+s0+$0x0] =	vst.idx.add.f32.msk $0xffff, v2  }
0x14c: {  	v3 =	vld [tilespmem:s20+$0x51B0];
	_ =	sdelay $0x7  }
0x14d: {  	[tilespmem:v3+s0+$0x0] =	vst.idx.add.f32.msk $0xffff, v2  }
0x14e: {  	v3 =	vld [tilespmem:s20+$0x51C0];
	_ =	sdelay $0x7  }
0x14f: {  	[tilespmem:v3+s0+$0x0] =	vst.idx.add.f32.msk $0xffff, v2  }
0x150: {  	v3 =	vld [tilespmem:s20+$0x51D0];
	_ =	sdelay $0x7  }
0x151: {  	[tilespmem:v3+s0+$0x0] =	vst.idx.add.f32.msk $0xffff, v2  }
0x152: {  	v3 =	vld [tilespmem:s20+$0x51E0];
	_ =	sdelay $0x7  }
0x153: {  	[tilespmem:v3+s0+$0x0] =	vst.idx.add.f32.msk $0xffff, v2  }
0x154: {  	v3 =	vld [tilespmem:s20+$0x51ED];
	_ =	sdelay $0x7  }
0x155: {  	s19 =	sadd.s32 $0x800, s19;
	[tilespmem:v3+s0+$0x0] =	vst.idx.add.f32.msk vm0, v2  }
0x156: {  	p1 =	sne.s32 s19, $0x14000;
	_ =	swait.ge [sflag:s10], $0x1F40  }
.Ltmp5:
0x157: {  	[sflag:s10] =	ssyncset.done $0x0;
	(pc) =	sbr.rel @!p1 .LBB2_9-.Ltmp5, $4  }
0x158: {  	[sflag:s10] =	ssyncadd.s32 $0xFFFFE0C0  }
0x159: {  	_ =	swait.ge [sflag:s10], $0x1F40  }
0x15a: {  	[sflag:s10] =	ssyncset.done $0x0  }
0x15b: {  	[sflag:s10] =	ssyncadd.s32 $0xFFFFE0C0  }
.LBB2_6:
0x15c: {  	s20 =	sshra.s32 s19, $0x2  }
0x15d: {  	v3 =	vld [tilespmem:s20+$0x100]  }
0x15e: {  	v4 =	vld [tilespmem:s20+$0x110]  }
0x15f: {  	v5 =	vld [tilespmem:s20+$0x120]  }
0x160: {  	v6 =	vld [tilespmem:s20+$0x130]  }
0x161: {  	v7 =	vld [tilespmem:s20+$0x140]  }
0x162: {  	v8 =	vld [tilespmem:s20+$0x150];
	v3 =	vshll.u32 v3, $0x1  }
0x163: {  	v9 =	vld [tilespmem:s20+$0x160];
	v4 =	vshll.u32 v4, $0x1;
	v3 =	vor.u32 v1, v3  }
0x164: {  	v10 =	vld [tilespmem:s20+$0x16D];
	v11 =	vshll.u32 v5, $0x1;
	[tilespmem:s20+$0x100] =	vst v3;
	v3 =	vor.u32 v1, v4  }
0x165: {  	[tilespmem:s20+$0x110] =	vst v3;
	v3 =	vor.u32 v1, v11;
	v11 =	vshll.u32 v6, $0x1  }
0x166: {  	[tilespmem:s20+$0x120] =	vst v3;
	v3 =	vor.u32 v1, v11;
	v11 =	vshll.u32 v7, $0x1  }
0x167: {  	v8 =	vshll.u32 v8, $0x1;
	[tilespmem:s20+$0x130] =	vst v3;
	v3 =	vor.u32 v1, v11  }
0x168: {  	v9 =	vshll.u32 v9, $0x1;
	[tilespmem:s20+$0x140] =	vst v3;
	v3 =	vor.u32 v1, v8  }
0x169: {  	v10 =	vshll.u32 v10, $0x1;
	[tilespmem:s20+$0x150] =	vst v3;
	v3 =	vor.u32 v1, v9  }
0x16a: {  	[tilespmem:s20+$0x160] =	vst v3;
	v3 =	vor.u32 v1, v10  }
0x16b: {  	s22 =	sadd.s32 $0x100, s20;
	[tilespmem:s20+$0x16D] =	vst v3  }
0x16c: {  	[tilespmem:s15], [sflag:$0x2] =	stream.indirect.gather [hbm4b:s1+s11], $0x40, s22, s11, $0xb8;
	[tilespmem:$0x1F4B0] =	vst v63  }
0x16d: {  	v3 =	vld [tilespmem:s20+$0x180]  }
0x16e: {  	v4 =	vld [tilespmem:s20+$0x190]  }
0x16f: {  	v5 =	vld [tilespmem:s20+$0x1A0]  }
0x170: {  	v6 =	vld [tilespmem:s20+$0x1B0]  }
0x171: {  	v7 =	vld [tilespmem:s20+$0x1C0]  }
0x172: {  	v8 =	vld [tilespmem:s20+$0x1D0];
	v3 =	vshll.u32 v3, $0x1  }
0x173: {  	v9 =	vld [tilespmem:s20+$0x1E0];
	v4 =	vshll.u32 v4, $0x1;
	v3 =	vor.u32 v1, v3  }
0x174: {  	v10 =	vld [tilespmem:s20+$0x1ED];
	v11 =	vshll.u32 v5, $0x1;
	[tilespmem:s20+$0x180] =	vst v3;
	v3 =	vor.u32 v1, v4  }
0x175: {  	[tilespmem:s20+$0x190] =	vst v3;
	v3 =	vor.u32 v1, v11;
	v11 =	vshll.u32 v6, $0x1  }
0x176: {  	[tilespmem:s20+$0x1A0] =	vst v3;
	v3 =	vor.u32 v1, v11;
	v11 =	vshll.u32 v7, $0x1  }
0x177: {  	v8 =	vshll.u32 v8, $0x1;
	[tilespmem:s20+$0x1B0] =	vst v3;
	v3 =	vor.u32 v1, v11  }
0x178: {  	v9 =	vshll.u32 v9, $0x1;
	[tilespmem:s20+$0x1C0] =	vst v3;
	v3 =	vor.u32 v1, v8  }
0x179: {  	v11 =	vshll.u32 v10, $0x1;
	[tilespmem:s20+$0x1D0] =	vst v3;
	v3 =	vor.u32 v1, v9  }
0x17a: {  	[tilespmem:s20+$0x1E0] =	vst v3;
	v3 =	vor.u32 v1, v11  }
0x17b: {  	s24 =	sadd.s32 $0x180, s20;
	[tilespmem:s20+$0x1ED] =	vst v3  }
0x17c: {  	[tilespmem:s16], [sflag:$0x2] =	stream.indirect.gather [hbm4b:s1+s11], $0x40, s24, s11, $0xb8;
	[tilespmem:$0x1F4B0] =	vst v63  }
0x17d: {  	_ =	swait.ge [sflag:s6], $0x1F40  }
0x17e: {  	[sflag:s6] =	ssyncset.done $0x0  }
0x17f: {  	[sflag:s6] =	ssyncadd.s32 $0xFFFFE0C0  }
0x180: {  	_ =	swait.ge [sflag:s6], $0x1F40  }
0x181: {  	[sflag:s6] =	ssyncset.done $0x0  }
0x182: {  	s24 =	sadd.s32 $0x5000, s20;
	[sflag:s6] =	ssyncadd.s32 $0xFFFFE0C0  }
0x183: {  	[spmem:s3] =	stream.indirect.scatter.add.f32 [tilespmem:s12], [sflag:$0x3], $0x40, s24, s11, $0xb8;
	[tilespmem:$0x1F4B0] =	vst v63  }
0x184: {  	s24 =	sadd.s32 $0x5080, s20  }
0x185: {  	[spmem:s3] =	stream.indirect.scatter.add.f32 [tilespmem:s14], [sflag:$0x3], $0x40, s24, s11, $0xb8;
	[tilespmem:$0x1F4B0] =	vst v63  }
0x186: {  	v3 =	vld [tilespmem:s20+$0x5000];
	_ =	sdelay $0x7  }
0x187: {  	[tilespmem:v3+s0+$0x0] =	vst.idx.add.f32.msk $0xffff, v2  }
0x188: {  	v3 =	vld [tilespmem:s20+$0x5010];
	_ =	sdelay $0x7  }
0x189: {  	[tilespmem:v3+s0+$0x0] =	vst.idx.add.f32.msk $0xffff, v2  }
0x18a: {  	v3 =	vld [tilespmem:s20+$0x5020];
	_ =	sdelay $0x7  }
0x18b: {  	[tilespmem:v3+s0+$0x0] =	vst.idx.add.f32.msk $0xffff, v2  }
0x18c: {  	v3 =	vld [tilespmem:s20+$0x5030];
	_ =	sdelay $0x7  }
0x18d: {  	[tilespmem:v3+s0+$0x0] =	vst.idx.add.f32.msk $0xffff, v2  }
0x18e: {  	v3 =	vld [tilespmem:s20+$0x5040];
	_ =	sdelay $0x7  }
0x18f: {  	[tilespmem:v3+s0+$0x0] =	vst.idx.add.f32.msk $0xffff, v2  }
0x190: {  	v3 =	vld [tilespmem:s20+$0x5050];
	_ =	sdelay $0x7  }
0x191: {  	[tilespmem:v3+s0+$0x0] =	vst.idx.add.f32.msk $0xffff, v2  }
0x192: {  	v3 =	vld [tilespmem:s20+$0x5060];
	_ =	sdelay $0x7  }
0x193: {  	[tilespmem:v3+s0+$0x0] =	vst.idx.add.f32.msk $0xffff, v2  }
0x194: {  	v3 =	vld [tilespmem:s20+$0x506D];
	_ =	sdelay $0x7  }
0x195: {  	[tilespmem:v3+s0+$0x0] =	vst.idx.add.f32.msk vm0, v2  }
0x196: {  	v3 =	vld [tilespmem:s20+$0x5080];
	_ =	sdelay $0x7  }
0x197: {  	[tilespmem:v3+s0+$0x0] =	vst.idx.add.f32.msk $0xffff, v2  }
0x198: {  	v3 =	vld [tilespmem:s20+$0x5090];
	_ =	sdelay $0x7  }
0x199: {  	[tilespmem:v3+s0+$0x0] =	vst.idx.add.f32.msk $0xffff, v2  }
0x19a: {  	v3 =	vld [tilespmem:s20+$0x50A0];
	_ =	sdelay $0x7  }
0x19b: {  	[tilespmem:v3+s0+$0x0] =	vst.idx.add.f32.msk $0xffff, v2  }
0x19c: {  	v3 =	vld [tilespmem:s20+$0x50B0];
	_ =	sdelay $0x7  }
0x19d: {  	[tilespmem:v3+s0+$0x0] =	vst.idx.add.f32.msk $0xffff, v2  }
0x19e: {  	v3 =	vld [tilespmem:s20+$0x50C0];
	_ =	sdelay $0x7  }
0x19f: {  	[tilespmem:v3+s0+$0x0] =	vst.idx.add.f32.msk $0xffff, v2  }
0x1a0: {  	v3 =	vld [tilespmem:s20+$0x50D0];
	_ =	sdelay $0x7  }
0x1a1: {  	[tilespmem:v3+s0+$0x0] =	vst.idx.add.f32.msk $0xffff, v2  }
0x1a2: {  	v3 =	vld [tilespmem:s20+$0x50E0];
	_ =	sdelay $0x7  }
0x1a3: {  	[tilespmem:v3+s0+$0x0] =	vst.idx.add.f32.msk $0xffff, v2  }
0x1a4: {  	v3 =	vld [tilespmem:s20+$0x50ED];
	_ =	sdelay $0x7  }
0x1a5: {  	[tilespmem:v3+s0+$0x0] =	vst.idx.add.f32.msk vm0, v2  }
0x1a6: {  	p1 =	seq.s32 s19, $0x13800;
	_ =	swait.ge [sflag:s10], $0x1F40  }
.Ltmp6:
0x1a7: {  	[sflag:s10] =	ssyncset.done $0x0;
	(pc) =	sbr.rel @p1 .LBB2_8-.Ltmp6, $4  }
0x1a8: {  	[sflag:s10] =	ssyncadd.s32 $0xFFFFE0C0  }
0x1a9: {  	_ =	swait.ge [sflag:s10], $0x1F40  }
0x1aa: {  	[sflag:s10] =	ssyncset.done $0x0  }
0x1ab: {  	[sflag:s10] =	ssyncadd.s32 $0xFFFFE0C0  }
0x1ac: {  	v3 =	vld [tilespmem:s20+$0x200]  }
0x1ad: {  	v4 =	vld [tilespmem:s20+$0x210]  }
0x1ae: {  	v5 =	vld [tilespmem:s20+$0x220]  }
0x1af: {  	v6 =	vld [tilespmem:s20+$0x230]  }
0x1b0: {  	v7 =	vld [tilespmem:s20+$0x240]  }
0x1b1: {  	v8 =	vld [tilespmem:s20+$0x250];
	v3 =	vshll.u32 v3, $0x1  }
0x1b2: {  	v9 =	vld [tilespmem:s20+$0x260];
	v4 =	vshll.u32 v4, $0x1;
	v3 =	vor.u32 v1, v3  }
0x1b3: {  	v10 =	vld [tilespmem:s20+$0x26D];
	v11 =	vshll.u32 v5, $0x1;
	[tilespmem:s20+$0x200] =	vst v3;
	v3 =	vor.u32 v1, v4  }
0x1b4: {  	[tilespmem:s20+$0x210] =	vst v3;
	v3 =	vor.u32 v1, v11;
	v11 =	vshll.u32 v6, $0x1  }
0x1b5: {  	[tilespmem:s20+$0x220] =	vst v3;
	v3 =	vor.u32 v1, v11;
	v11 =	vshll.u32 v7, $0x1  }
0x1b6: {  	v8 =	vshll.u32 v8, $0x1;
	[tilespmem:s20+$0x230] =	vst v3;
	v3 =	vor.u32 v1, v11  }
0x1b7: {  	v9 =	vshll.u32 v9, $0x1;
	[tilespmem:s20+$0x240] =	vst v3;
	v3 =	vor.u32 v1, v8  }
0x1b8: {  	v10 =	vshll.u32 v10, $0x1;
	[tilespmem:s20+$0x250] =	vst v3;
	v3 =	vor.u32 v1, v9  }
0x1b9: {  	[tilespmem:s20+$0x260] =	vst v3;
	v3 =	vor.u32 v1, v10  }
0x1ba: {  	s22 =	sadd.s32 $0x200, s20;
	[tilespmem:s20+$0x26D] =	vst v3  }
0x1bb: {  	[tilespmem:s12], [sflag:$0x1] =	stream.indirect.gather [hbm4b:s1+s11], $0x40, s22, s11, $0xb8;
	[tilespmem:$0x1F4B0] =	vst v63  }
0x1bc: {  	v3 =	vld [tilespmem:s20+$0x280]  }
0x1bd: {  	v4 =	vld [tilespmem:s20+$0x290]  }
0x1be: {  	v5 =	vld [tilespmem:s20+$0x2A0]  }
0x1bf: {  	v6 =	vld [tilespmem:s20+$0x2B0]  }
0x1c0: {  	v7 =	vld [tilespmem:s20+$0x2C0]  }
0x1c1: {  	v8 =	vld [tilespmem:s20+$0x2D0];
	v3 =	vshll.u32 v3, $0x1  }
0x1c2: {  	v9 =	vld [tilespmem:s20+$0x2E0];
	v4 =	vshll.u32 v4, $0x1;
	v3 =	vor.u32 v1, v3  }
0x1c3: {  	v10 =	vld [tilespmem:s20+$0x2ED];
	v11 =	vshll.u32 v5, $0x1;
	[tilespmem:s20+$0x280] =	vst v3;
	v3 =	vor.u32 v1, v4  }
0x1c4: {  	[tilespmem:s20+$0x290] =	vst v3;
	v3 =	vor.u32 v1, v11;
	v11 =	vshll.u32 v6, $0x1  }
0x1c5: {  	[tilespmem:s20+$0x2A0] =	vst v3;
	v3 =	vor.u32 v1, v11;
	v11 =	vshll.u32 v7, $0x1  }
0x1c6: {  	v8 =	vshll.u32 v8, $0x1;
	[tilespmem:s20+$0x2B0] =	vst v3;
	v3 =	vor.u32 v1, v11  }
.Ltmp7:
0x1c7: {  	v9 =	vshll.u32 v9, $0x1;
	[tilespmem:s20+$0x2C0] =	vst v3;
	v3 =	vor.u32 v1, v8;
	(pc) =	sbr.rel .LBB2_8-.Ltmp7, $4  }
0x1c8: {  	v11 =	vshll.u32 v10, $0x1;
	[tilespmem:s20+$0x2D0] =	vst v3;
	v3 =	vor.u32 v1, v9  }
0x1c9: {  	[tilespmem:s20+$0x2E0] =	vst v3;
	v3 =	vor.u32 v1, v11  }
0x1ca: {  	s24 =	sadd.s32 $0x280, s20;
	[tilespmem:s20+$0x2ED] =	vst v3  }
0x1cb: {  	[tilespmem:s14], [sflag:$0x1] =	stream.indirect.gather [hbm4b:s1+s11], $0x40, s24, s11, $0xb8;
	[tilespmem:$0x1F4B0] =	vst v63  }
.LBB2_9:
0x1cc: {  	s19 =	simm.s32 $0x14500  }
0x1cd: {  	[spmem:s5] =	stream.indirect.scatter.add.f32 [tilespmem:s0], [sflag:$0x3], $0x10, s19, s13, $0xb8;
	[tilespmem:$0x1F4B0] =	vst v63  }
0x1ce: {  	s24 =	simm.s32 $0x14580;
	s20 =	simm.s32 $0x12500  }
0x1cf: {  	[spmem:s5] =	stream.indirect.scatter.add.f32 [tilespmem:s20], [sflag:$0x3], $0x10, s24, s13, $0xb8;
	[tilespmem:$0x1F4B0] =	vst v63  }
0x1d0: {  	s22 =	simm.s32 $0x14600;
	s24 =	simm.s32 $0x12D00  }
0x1d1: {  	[spmem:s5] =	stream.indirect.scatter.add.f32 [tilespmem:s24], [sflag:$0x3], $0x10, s22, s13, $0xb8;
	[tilespmem:$0x1F4B0] =	vst v63  }
0x1d2: {  	s22 =	simm.s32 $0x14680;
	s24 =	simm.s32 $0x13500  }
0x1d3: {  	[spmem:s5] =	stream.indirect.scatter.add.f32 [tilespmem:s24], [sflag:$0x3], $0x10, s22, s13, $0xb8;
	[tilespmem:$0x1F4B0] =	vst v63  }
0x1d4: {  	s20 =	simm.s32 $0x14700;
	s22 =	simm.s32 $0x13D00  }
0x1d5: {  	[spmem:s5] =	stream.indirect.scatter.add.f32 [tilespmem:s22], [sflag:$0x3], $0x10, s20, s13, $0xb8;
	[tilespmem:$0x1F4B0] =	vst v63  }
0x1d6: {  	_ =	swait.ge [sflag:s10], $0x800  }
0x1d7: {  	[sflag:s10] =	ssyncset.done $0x0  }
0x1d8: {  	[sflag:s10] =	ssyncadd.s32 $0xFFFFF800  }
0x1d9: {  	_ =	swait.ge [sflag:s10], $0x800  }
0x1da: {  	[sflag:s10] =	ssyncset.done $0x0  }
0x1db: {  	[sflag:s10] =	ssyncadd.s32 $0xFFFFF800  }
0x1dc: {  	_ =	swait.ge [sflag:s10], $0x800  }
0x1dd: {  	[sflag:s10] =	ssyncset.done $0x0  }
0x1de: {  	[sflag:s10] =	ssyncadd.s32 $0xFFFFF800  }
0x1df: {  	_ =	swait.ge [sflag:s10], $0x800  }
0x1e0: {  	[sflag:s10] =	ssyncset.done $0x0  }
0x1e1: {  	[sflag:s10] =	ssyncadd.s32 $0xFFFFF800  }
0x1e2: {  	_ =	swait.ge [sflag:s10], $0x800  }
0x1e3: {  	[sflag:s10] =	ssyncset.done $0x0  }
0x1e4: {  	[sflag:s10] =	ssyncadd.s32 $0xFFFFF800  }
0x1e5: {  	[bflag:$0x0] =	sbarrier.arrive $0xFFFF  }
0x1e6: {  	[tilespmem:s0], [sflag:$0x4] =	stream.linear.gather [spmem:s23], $0x280, $0x38;
	[tilespmem:$0x1F4B0] =	vst v63  }
0x1e7: {  	_ =	swait.ge [sflag:s17], $0x280  }
0x1e8: {  	[sflag:s17] =	ssyncset.done $0x0  }
0x1e9: {  	s24 =	simm.s32 $0x270;
	[sflag:s17] =	ssyncadd.s32 $0xFFFFFD80  }
0x1ea: {  	v3 =	vld [tilespmem:s24+$0x11D00];
	_ =	sdelay $0x4  }
0x1eb: {  	v3 =	vmax.f32 v3, $1.000000000e+00  }
0x1ec: {  	(erf) = vrcp.f32 v3;
	_ =	sdelay $0x8  }
0x1ed: {  	v3 =	vpop (erf)  }
0x1ee: {  	v4 =	vbroadcast v3, $0x0  }
0x1ef: {  	s19 =	simm.s32 $0x144F0;
	v5 =	vbroadcast v3, $0x1  }
0x1f0: {  	v6 =	vbroadcast v3, $0x2;
	[tilespmem:s19+$0xFFFFFF10] =	vst v4  }
0x1f1: {  	v9 =	vbroadcast v3, $0x3;
	[tilespmem:s19+$0xFFFFFF20] =	vst v5  }
0x1f2: {  	v10 =	vbroadcast v3, $0x4;
	[tilespmem:s19+$0xFFFFFF30] =	vst v6  }
0x1f3: {  	v11 =	vbroadcast v3, $0x5;
	[tilespmem:s19+$0xFFFFFF40] =	vst v9  }
0x1f4: {  	v9 =	vbroadcast v3, $0x6;
	[tilespmem:s19+$0xFFFFFF50] =	vst v10  }
0x1f5: {  	v10 =	vbroadcast v3, $0x7;
	[tilespmem:s19+$0xFFFFFF60] =	vst v11  }
0x1f6: {  	v11 =	vbroadcast v3, $0x8;
	[tilespmem:s19+$0xFFFFFF70] =	vst v9  }
0x1f7: {  	v9 =	vbroadcast v3, $0x9;
	[tilespmem:s19+$0xFFFFFF80] =	vst v10  }
0x1f8: {  	v10 =	vbroadcast v3, $0xA;
	[tilespmem:s19+$0xFFFFFF90] =	vst v11  }
0x1f9: {  	v11 =	vbroadcast v3, $0xB;
	[tilespmem:s19+$0xFFFFFFA0] =	vst v9  }
0x1fa: {  	v9 =	vbroadcast v3, $0xC;
	[tilespmem:s19+$0xFFFFFFB0] =	vst v10  }
0x1fb: {  	v10 =	vbroadcast v3, $0xD;
	[tilespmem:s19+$0xFFFFFFC0] =	vst v11  }
0x1fc: {  	v11 =	vbroadcast v3, $0xE;
	[tilespmem:s19+$0xFFFFFFD0] =	vst v9  }
0x1fd: {  	v3 =	vbroadcast v3, $0xF;
	[tilespmem:s19+$0xFFFFFFE0] =	vst v10  }
0x1fe: {  	[tilespmem:s19+$0xFFFFFFF0] =	vst v11  }
0x1ff: {  	s22 =	simm.s32 $0x260;
	s20 =	simm.s32 $0x940;
	[tilespmem:s19+$0x0] =	vst v3  }
.LBB2_10:
0x200: {  	p1 =	sne.s32 s20, $0x0;
	v3 =	vld [tilespmem:s22+$0x11D00];
	_ =	sdelay $0x4  }
0x201: {  	v3 =	vmax.f32 v3, $1.000000000e+00  }
0x202: {  	(erf) = vrcp.f32 v3;
	_ =	sdelay $0x8  }
0x203: {  	v3 =	vpop (erf)  }
0x204: {  	v4 =	vbroadcast v3, $0x0;
	v5 =	vbroadcast v3, $0x1  }
0x205: {  	s19 =	sadd.s32 $0xFFFFFF00, s19;
	v6 =	vbroadcast v3, $0x2;
	v7 =	vbroadcast v3, $0x3  }
0x206: {  	v8 =	vbroadcast v3, $0x5;
	[tilespmem:s19+$0xFFFFFF10] =	vst v4;
	v4 =	vbroadcast v3, $0x4  }
0x207: {  	v9 =	vbroadcast v3, $0x7;
	[tilespmem:s19+$0xFFFFFF20] =	vst v5;
	v5 =	vbroadcast v3, $0x6  }
0x208: {  	v10 =	vbroadcast v3, $0x9;
	[tilespmem:s19+$0xFFFFFF30] =	vst v6;
	v6 =	vbroadcast v3, $0x8  }
0x209: {  	v11 =	vbroadcast v3, $0xB;
	[tilespmem:s19+$0xFFFFFF40] =	vst v7;
	v7 =	vbroadcast v3, $0xA  }
0x20a: {  	v12 =	vbroadcast v3, $0xD;
	[tilespmem:s19+$0xFFFFFF50] =	vst v4;
	v4 =	vbroadcast v3, $0xC  }
0x20b: {  	[tilespmem:s19+$0xFFFFFF60] =	vst v8;
	v8 =	vbroadcast v3, $0xE;
	v3 =	vbroadcast v3, $0xF  }
0x20c: {  	[tilespmem:s19+$0xFFFFFF70] =	vst v5  }
0x20d: {  	[tilespmem:s19+$0xFFFFFF80] =	vst v9  }
0x20e: {  	[tilespmem:s19+$0xFFFFFF90] =	vst v6  }
0x20f: {  	[tilespmem:s19+$0xFFFFFFA0] =	vst v10  }
0x210: {  	[tilespmem:s19+$0xFFFFFFB0] =	vst v7  }
.Ltmp8:
0x211: {  	[tilespmem:s19+$0xFFFFFFC0] =	vst v11;
	(pc) =	sbr.rel @p1 .LBB2_10-.Ltmp8, $4  }
0x212: {  	[tilespmem:s19+$0xFFFFFFD0] =	vst v4  }
0x213: {  	[tilespmem:s19+$0xFFFFFFE0] =	vst v12  }
0x214: {  	[tilespmem:s19+$0xFFFFFFF0] =	vst v8  }
0x215: {  	s22 =	sshra.s32 s20, $0x2;
	s20 =	sadd.s32 $0xFFFFFFC0, s20;
	[tilespmem:s19+$0x0] =	vst v3  }
0x216: {  	v3 =	vld [tilespmem:s22+$0x11D00];
	_ =	sdelay $0x4  }
0x217: {  	v3 =	vmax.f32 v3, $1.000000000e+00  }
0x218: {  	(erf) = vrcp.f32 v3;
	_ =	sdelay $0x8  }
0x219: {  	v3 =	vpop (erf)  }
0x21a: {  	v4 =	vbroadcast v3, $0x0  }
0x21b: {  	s19 =	sadd.s32 $0xFFFFFF00, s19;
	v5 =	vbroadcast v3, $0x1  }
0x21c: {  	v6 =	vbroadcast v3, $0x2;
	[tilespmem:s19+$0xFFFFFF10] =	vst v4  }
0x21d: {  	v9 =	vbroadcast v3, $0x3;
	[tilespmem:s19+$0xFFFFFF20] =	vst v5  }
0x21e: {  	v10 =	vbroadcast v3, $0x4;
	[tilespmem:s19+$0xFFFFFF30] =	vst v6  }
0x21f: {  	v11 =	vbroadcast v3, $0x5;
	[tilespmem:s19+$0xFFFFFF40] =	vst v9  }
0x220: {  	v9 =	vbroadcast v3, $0x6;
	[tilespmem:s19+$0xFFFFFF50] =	vst v10  }
0x221: {  	v10 =	vbroadcast v3, $0x7;
	[tilespmem:s19+$0xFFFFFF60] =	vst v11  }
0x222: {  	v11 =	vbroadcast v3, $0x8;
	[tilespmem:s19+$0xFFFFFF70] =	vst v9  }
0x223: {  	v9 =	vbroadcast v3, $0x9;
	[tilespmem:s19+$0xFFFFFF80] =	vst v10  }
0x224: {  	v10 =	vbroadcast v3, $0xA;
	[tilespmem:s19+$0xFFFFFF90] =	vst v11  }
0x225: {  	v11 =	vbroadcast v3, $0xB;
	[tilespmem:s19+$0xFFFFFFA0] =	vst v9  }
0x226: {  	v9 =	vbroadcast v3, $0xC;
	[tilespmem:s19+$0xFFFFFFB0] =	vst v10  }
0x227: {  	v10 =	vbroadcast v3, $0xD;
	[tilespmem:s19+$0xFFFFFFC0] =	vst v11  }
0x228: {  	v11 =	vbroadcast v3, $0xE;
	[tilespmem:s19+$0xFFFFFFD0] =	vst v9  }
0x229: {  	v3 =	vbroadcast v3, $0xF;
	[tilespmem:s19+$0xFFFFFFE0] =	vst v10  }
0x22a: {  	[tilespmem:s19+$0xFFFFFFF0] =	vst v11  }
.Ltmp9:
0x22b: {  	[tilespmem:s19+$0x0] =	vst v3;
	(pc) =	sbr.rel @!p0 .LBB2_12-.Ltmp9, $4  }
0x22c: {  	[tilespmem:s12], [sflag:$0x1] =	stream.linear.gather [spmem:s9], $0x1F40, $0x38;
	[tilespmem:$0x1F4B0] =	vst v63  }
0x22d: {  	_ =	swait.ge [sflag:s6], $0x1F40  }
0x22e: {  	[sflag:s6] =	ssyncset.done $0x0  }
0x22f: {  	[sflag:s6] =	ssyncadd.s32 $0xFFFFE0C0  }
0x230: {  	s19 =	rddreg [dreg:$0x19]  }
0x231: {  	[tilespmem:s15], [sflag:$0x2] =	stream.linear.gather [spmem:s19], $0x1F40, $0x38;
	[tilespmem:$0x1F4B0] =	vst v63  }
0x232: {  	s19 =	simm.s32 $0xA020  }
0x233: {  	v3 =	vld [tilespmem:s19+$0xFFFFFFF0]  }
0x234: {  	v5 =	vld [tilespmem:s19+$0x10]  }
0x235: {  	s20 =	simm.s32 $0x0;
	v4 =	vld [tilespmem:s19+$0xFFFFFFE0]  }
0x236: {  	v7 =	vld [tilespmem:s20+$0x11D00]  }
0x237: {  	v8 =	vld [tilespmem:s19+$0x0];
	_ =	sdelay $0x3  }
0x238: {  	v4 =	vmul.f32 v4, v7;
	v6 =	vmul.f32 v5, v7  }
0x239: {  	s22 =	simm.s32 $0xA020;
	s20 =	simm.s32 $0x40;
	v5 =	vmul.f32 v3, v7;
	v3 =	vmul.f32 v8, v7  }
.LBB2_26:
0x23a: {  	p1 =	sne.s32 s20, $0x1F00  }
0x23b: {  	[tilespmem:s19+$0x10] =	vst v6;
	s22 =	sadd.s32 $0x40, s22;
	s24 =	smov.u32 s20;
	s20 =	sadd.s32 $0x40, s20  }
0x23c: {  	v7 =	vld [tilespmem:s22+$0xFFFFFFF0];
	[tilespmem:s19+$0xFFFFFFE0] =	vst v4  }
0x23d: {  	v6 =	vld [tilespmem:s22+$0x10];
	[tilespmem:s19+$0xFFFFFFF0] =	vst v5  }
0x23e: {  	s24 =	sshra.s32 s24, $0x2;
	v4 =	vld [tilespmem:s22+$0xFFFFFFE0];
	[tilespmem:s19+$0x0] =	vst v3;
	s19 =	smov.u32 s22  }
0x23f: {  	v3 =	vld [tilespmem:s24+$0x11D00]  }
0x240: {  	v8 =	vld [tilespmem:s22+$0x0]  }
.Ltmp10:
0x241: {  	(pc) =	sbr.rel @p1 .LBB2_26-.Ltmp10, $3  }
0x242: {  	_ =	sdelay $0x1  }
0x243: {  	v4 =	vmul.f32 v4, v3;
	v6 =	vmul.f32 v6, v3  }
0x244: {  	v5 =	vmul.f32 v7, v3;
	v3 =	vmul.f32 v8, v3  }
0x245: {  	[tilespmem:s19+$0x10] =	vst v6  }
0x246: {  	[tilespmem:s19+$0xFFFFFFE0] =	vst v4  }
0x247: {  	[tilespmem:s19+$0xFFFFFFF0] =	vst v5  }
0x248: {  	s22 =	simm.s32 $0x14780;
	[tilespmem:s19+$0x0] =	vst v3  }
0x249: {  	[hbm4b:s2+s11] =	stream.indirect.scatter [tilespmem:s12], [sflag:$0x3], $0x40, s22, s11, $0xb8;
	[tilespmem:$0x1F4B0] =	vst v63  }
0x24a: {  	_ =	swait.ge [sflag:s8], $0x1F40  }
0x24b: {  	[sflag:s8] =	ssyncset.done $0x0  }
0x24c: {  	[sflag:s8] =	ssyncadd.s32 $0xFFFFE0C0  }
0x24d: {  	_ =	swait.ge [sflag:s10], $0x1F40  }
0x24e: {  	[sflag:s10] =	ssyncset.done $0x0  }
0x24f: {  	s19 =	simm.s32 $0xDEA0;
	s24 =	rddreg [dreg:$0x1a];
	[sflag:s10] =	ssyncadd.s32 $0xFFFFE0C0  }
0x250: {  	[tilespmem:s12], [sflag:$0x1] =	stream.linear.gather [spmem:s24], $0x1F40, $0x38;
	[tilespmem:$0x1F4B0] =	vst v63  }
0x251: {  	v3 =	vld [tilespmem:s19+$0xFFFFFFF0]  }
0x252: {  	v5 =	vld [tilespmem:s19+$0x10]  }
0x253: {  	s20 =	simm.s32 $0x0;
	v4 =	vld [tilespmem:s19+$0xFFFFFFE0]  }
0x254: {  	v7 =	vld [tilespmem:s20+$0x124D0]  }
0x255: {  	v8 =	vld [tilespmem:s19+$0x0];
	_ =	sdelay $0x3  }
0x256: {  	v4 =	vmul.f32 v4, v7;
	v6 =	vmul.f32 v5, v7  }
0x257: {  	s22 =	simm.s32 $0xDEA0;
	s20 =	simm.s32 $0x40;
	v5 =	vmul.f32 v3, v7;
	v3 =	vmul.f32 v8, v7  }
.LBB2_28:
0x258: {  	p1 =	sne.s32 s20, $0x1F00  }
0x259: {  	[tilespmem:s19+$0x10] =	vst v6;
	s22 =	sadd.s32 $0x40, s22;
	s24 =	smov.u32 s20;
	s20 =	sadd.s32 $0x40, s20  }
0x25a: {  	v7 =	vld [tilespmem:s22+$0xFFFFFFF0];
	[tilespmem:s19+$0xFFFFFFE0] =	vst v4  }
0x25b: {  	v6 =	vld [tilespmem:s22+$0x10];
	[tilespmem:s19+$0xFFFFFFF0] =	vst v5  }
0x25c: {  	s24 =	sshra.s32 s24, $0x2;
	v4 =	vld [tilespmem:s22+$0xFFFFFFE0];
	[tilespmem:s19+$0x0] =	vst v3;
	s19 =	smov.u32 s22  }
0x25d: {  	v3 =	vld [tilespmem:s24+$0x124D0]  }
0x25e: {  	v8 =	vld [tilespmem:s22+$0x0]  }
.Ltmp11:
0x25f: {  	(pc) =	sbr.rel @p1 .LBB2_28-.Ltmp11, $3  }
0x260: {  	_ =	sdelay $0x1  }
0x261: {  	v4 =	vmul.f32 v4, v3;
	v6 =	vmul.f32 v6, v3  }
0x262: {  	v5 =	vmul.f32 v7, v3;
	v3 =	vmul.f32 v8, v3  }
0x263: {  	[tilespmem:s19+$0x10] =	vst v6  }
0x264: {  	[tilespmem:s19+$0xFFFFFFE0] =	vst v4  }
0x265: {  	[tilespmem:s19+$0xFFFFFFF0] =	vst v5  }
0x266: {  	s22 =	simm.s32 $0x14800;
	[tilespmem:s19+$0x0] =	vst v3  }
0x267: {  	[hbm4b:s2+s11] =	stream.indirect.scatter [tilespmem:s15], [sflag:$0x3], $0x40, s22, s11, $0xb8;
	[tilespmem:$0x1F4B0] =	vst v63  }
0x268: {  	_ =	swait.ge [sflag:s6], $0x1F40  }
0x269: {  	[sflag:s6] =	ssyncset.done $0x0  }
0x26a: {  	[sflag:s6] =	ssyncadd.s32 $0xFFFFE0C0  }
0x26b: {  	_ =	swait.ge [sflag:s10], $0x1F40  }
0x26c: {  	[sflag:s10] =	ssyncset.done $0x0  }
0x26d: {  	s19 =	simm.s32 $0xA020;
	s24 =	rddreg [dreg:$0x1b];
	[sflag:s10] =	ssyncadd.s32 $0xFFFFE0C0  }
0x26e: {  	[tilespmem:s15], [sflag:$0x2] =	stream.linear.gather [spmem:s24], $0x400, $0x38;
	[tilespmem:$0x1F4B0] =	vst v63  }
0x26f: {  	v3 =	vld [tilespmem:s19+$0xFFFFFFF0]  }
0x270: {  	v5 =	vld [tilespmem:s19+$0x10]  }
0x271: {  	s20 =	simm.s32 $0x0;
	v4 =	vld [tilespmem:s19+$0xFFFFFFE0]  }
0x272: {  	v7 =	vld [tilespmem:s20+$0x12CA0]  }
0x273: {  	v8 =	vld [tilespmem:s19+$0x0];
	_ =	sdelay $0x3  }
0x274: {  	v4 =	vmul.f32 v4, v7;
	v6 =	vmul.f32 v5, v7  }
0x275: {  	s22 =	simm.s32 $0xA020;
	s20 =	simm.s32 $0x40;
	v5 =	vmul.f32 v3, v7;
	v3 =	vmul.f32 v8, v7  }
.LBB2_30:
0x276: {  	p1 =	sne.s32 s20, $0x1F00  }
0x277: {  	[tilespmem:s19+$0x10] =	vst v6;
	s22 =	sadd.s32 $0x40, s22;
	s24 =	smov.u32 s20;
	s20 =	sadd.s32 $0x40, s20  }
0x278: {  	v7 =	vld [tilespmem:s22+$0xFFFFFFF0];
	[tilespmem:s19+$0xFFFFFFE0] =	vst v4  }
0x279: {  	v6 =	vld [tilespmem:s22+$0x10];
	[tilespmem:s19+$0xFFFFFFF0] =	vst v5  }
0x27a: {  	s24 =	sshra.s32 s24, $0x2;
	v4 =	vld [tilespmem:s22+$0xFFFFFFE0];
	[tilespmem:s19+$0x0] =	vst v3;
	s19 =	smov.u32 s22  }
0x27b: {  	v3 =	vld [tilespmem:s24+$0x12CA0]  }
0x27c: {  	v8 =	vld [tilespmem:s22+$0x0]  }
.Ltmp12:
0x27d: {  	(pc) =	sbr.rel @p1 .LBB2_30-.Ltmp12, $3  }
0x27e: {  	_ =	sdelay $0x1  }
0x27f: {  	v4 =	vmul.f32 v4, v3;
	v6 =	vmul.f32 v6, v3  }
0x280: {  	v5 =	vmul.f32 v7, v3;
	v3 =	vmul.f32 v8, v3  }
0x281: {  	[tilespmem:s19+$0x10] =	vst v6  }
0x282: {  	[tilespmem:s19+$0xFFFFFFE0] =	vst v4  }
0x283: {  	[tilespmem:s19+$0xFFFFFFF0] =	vst v5  }
0x284: {  	s24 =	simm.s32 $0x14880;
	[tilespmem:s19+$0x0] =	vst v3  }
0x285: {  	[hbm4b:s2+s11] =	stream.indirect.scatter [tilespmem:s12], [sflag:$0x3], $0x40, s24, s11, $0xb8;
	[tilespmem:$0x1F4B0] =	vst v63  }
0x286: {  	_ =	swait.ge [sflag:s8], $0x400  }
0x287: {  	[sflag:s8] =	ssyncset.done $0x0  }
0x288: {  	[sflag:s8] =	ssyncadd.s32 $0xFFFFFC00  }
0x289: {  	_ =	swait.ge [sflag:s10], $0x1F40  }
0x28a: {  	[sflag:s10] =	ssyncset.done $0x0  }
0x28b: {  	s19 =	simm.s32 $0xDEA0;
	[sflag:s10] =	ssyncadd.s32 $0xFFFFE0C0  }
0x28c: {  	[tilespmem:s12], [sflag:$0x1] =	stream.linear.gather [spmem:s21], $0x400, $0x38;
	[tilespmem:$0x1F4B0] =	vst v63  }
0x28d: {  	v3 =	vld [tilespmem:s19+$0xFFFFFFF0]  }
0x28e: {  	v5 =	vld [tilespmem:s19+$0x10]  }
0x28f: {  	s20 =	simm.s32 $0x0;
	v4 =	vld [tilespmem:s19+$0xFFFFFFE0]  }
0x290: {  	v7 =	vld [tilespmem:s20+$0x13470]  }
0x291: {  	v8 =	vld [tilespmem:s19+$0x0];
	_ =	sdelay $0x3  }
0x292: {  	v4 =	vmul.f32 v4, v7;
	v6 =	vmul.f32 v5, v7  }
0x293: {  	s22 =	simm.s32 $0xDEA0;
	s20 =	simm.s32 $0x40;
	v5 =	vmul.f32 v3, v7;
	v3 =	vmul.f32 v8, v7  }
.LBB2_32:
0x294: {  	p1 =	sne.s32 s20, $0x3C0  }
0x295: {  	[tilespmem:s19+$0x10] =	vst v6;
	s22 =	sadd.s32 $0x40, s22;
	s24 =	smov.u32 s20;
	s20 =	sadd.s32 $0x40, s20  }
0x296: {  	v7 =	vld [tilespmem:s22+$0xFFFFFFF0];
	[tilespmem:s19+$0xFFFFFFE0] =	vst v4  }
0x297: {  	v6 =	vld [tilespmem:s22+$0x10];
	[tilespmem:s19+$0xFFFFFFF0] =	vst v5  }
0x298: {  	s24 =	sshra.s32 s24, $0x2;
	v4 =	vld [tilespmem:s22+$0xFFFFFFE0];
	[tilespmem:s19+$0x0] =	vst v3;
	s19 =	smov.u32 s22  }
0x299: {  	v3 =	vld [tilespmem:s24+$0x13470]  }
0x29a: {  	v8 =	vld [tilespmem:s22+$0x0]  }
.Ltmp13:
0x29b: {  	(pc) =	sbr.rel @p1 .LBB2_32-.Ltmp13, $3  }
0x29c: {  	_ =	sdelay $0x1  }
0x29d: {  	v4 =	vmul.f32 v4, v3;
	v6 =	vmul.f32 v6, v3  }
0x29e: {  	v5 =	vmul.f32 v7, v3;
	v3 =	vmul.f32 v8, v3  }
0x29f: {  	[tilespmem:s19+$0x10] =	vst v6  }
0x2a0: {  	[tilespmem:s19+$0xFFFFFFE0] =	vst v4  }
0x2a1: {  	[tilespmem:s19+$0xFFFFFFF0] =	vst v5  }
0x2a2: {  	s22 =	simm.s32 $0x10;
	s20 =	simm.s32 $0x14A10;
	[tilespmem:s19+$0x0] =	vst v3  }
0x2a3: {  	[hbm4b:s2+s22] =	stream.indirect.scatter [tilespmem:s15], [sflag:$0x3], $0x40, s20, s22, $0xb8;
	[tilespmem:$0x1F4B0] =	vst v63  }
0x2a4: {  	_ =	swait.ge [sflag:s6], $0x400  }
0x2a5: {  	[sflag:s6] =	ssyncset.done $0x0  }
0x2a6: {  	s19 =	simm.s32 $0xA020;
	[sflag:s6] =	ssyncadd.s32 $0xFFFFFC00  }
0x2a7: {  	v3 =	vld [tilespmem:s19+$0xFFFFFFF0]  }
0x2a8: {  	v5 =	vld [tilespmem:s19+$0x10]  }
0x2a9: {  	s24 =	simm.s32 $0x0;
	v4 =	vld [tilespmem:s19+$0xFFFFFFE0]  }
0x2aa: {  	v7 =	vld [tilespmem:s24+$0x13500]  }
0x2ab: {  	v8 =	vld [tilespmem:s19+$0x0];
	_ =	sdelay $0x3  }
0x2ac: {  	v4 =	vmul.f32 v4, v7;
	v6 =	vmul.f32 v5, v7  }
0x2ad: {  	s20 =	simm.s32 $0x40;
	s22 =	simm.s32 $0xA020;
	v5 =	vmul.f32 v3, v7;
	v3 =	vmul.f32 v8, v7  }
.LBB2_34:
0x2ae: {  	p1 =	sne.s32 s20, $0x3C0  }
0x2af: {  	[tilespmem:s19+$0x10] =	vst v6;
	s22 =	sadd.s32 $0x40, s22;
	s24 =	smov.u32 s20;
	s20 =	sadd.s32 $0x40, s20  }
0x2b0: {  	v7 =	vld [tilespmem:s22+$0xFFFFFFF0];
	[tilespmem:s19+$0xFFFFFFE0] =	vst v4  }
0x2b1: {  	v6 =	vld [tilespmem:s22+$0x10];
	[tilespmem:s19+$0xFFFFFFF0] =	vst v5  }
0x2b2: {  	s24 =	sshra.s32 s24, $0x2;
	v4 =	vld [tilespmem:s22+$0xFFFFFFE0];
	[tilespmem:s19+$0x0] =	vst v3;
	s19 =	smov.u32 s22  }
0x2b3: {  	v3 =	vld [tilespmem:s24+$0x13500]  }
0x2b4: {  	v8 =	vld [tilespmem:s22+$0x0]  }
.Ltmp14:
0x2b5: {  	(pc) =	sbr.rel @p1 .LBB2_34-.Ltmp14, $3  }
0x2b6: {  	_ =	sdelay $0x1  }
0x2b7: {  	v4 =	vmul.f32 v4, v3;
	v6 =	vmul.f32 v6, v3  }
0x2b8: {  	v5 =	vmul.f32 v7, v3;
	v3 =	vmul.f32 v8, v3  }
0x2b9: {  	[tilespmem:s19+$0x10] =	vst v6  }
0x2ba: {  	[tilespmem:s19+$0xFFFFFFE0] =	vst v4  }
0x2bb: {  	[tilespmem:s19+$0xFFFFFFF0] =	vst v5  }
.Ltmp15:
0x2bc: {  	s24 =	simm.s32 $0x10;
	s20 =	simm.s32 $0x14A20;
	[tilespmem:s19+$0x0] =	vst v3;
	(pc) =	sbr.rel .LBB2_36-.Ltmp15, $4  }
0x2bd: {  	[hbm4b:s2+s24] =	stream.indirect.scatter [tilespmem:s12], [sflag:$0x3], $0x40, s20, s24, $0xb8;
	[tilespmem:$0x1F4B0] =	vst v63  }
0x2be: {  	_ =	swait.ge [sflag:s10], $0x400  }
0x2bf: {  	[sflag:s10] =	ssyncset.done $0x0  }
0x2c0: {  	[sflag:s10] =	ssyncadd.s32 $0xFFFFFC00  }
.LBB2_12:
0x2c1: {  	s19 =	rddreg [dreg:$0x14]  }
0x2c2: {  	[tilespmem:s15], [sflag:$0x2] =	stream.linear.gather [spmem:s19], $0x1F40, $0x38;
	[tilespmem:$0x1F4B0] =	vst v63  }
0x2c3: {  	s19 =	simm.s32 $0xA020  }
0x2c4: {  	v3 =	vld [tilespmem:s19+$0xFFFFFFF0]  }
0x2c5: {  	v5 =	vld [tilespmem:s19+$0x10]  }
0x2c6: {  	s20 =	simm.s32 $0x0;
	v4 =	vld [tilespmem:s19+$0xFFFFFFE0]  }
0x2c7: {  	v7 =	vld [tilespmem:s20+$0x11D00]  }
0x2c8: {  	v8 =	vld [tilespmem:s19+$0x0];
	_ =	sdelay $0x3  }
0x2c9: {  	v4 =	vmul.f32 v4, v7;
	v6 =	vmul.f32 v5, v7  }
0x2ca: {  	s22 =	simm.s32 $0xA020;
	s20 =	simm.s32 $0x40;
	v5 =	vmul.f32 v3, v7;
	v3 =	vmul.f32 v8, v7  }
.LBB2_13:
0x2cb: {  	p1 =	sne.s32 s20, $0x1F00  }
0x2cc: {  	[tilespmem:s19+$0x10] =	vst v6;
	s22 =	sadd.s32 $0x40, s22;
	s24 =	smov.u32 s20;
	s20 =	sadd.s32 $0x40, s20  }
0x2cd: {  	v7 =	vld [tilespmem:s22+$0xFFFFFFF0];
	[tilespmem:s19+$0xFFFFFFE0] =	vst v4  }
0x2ce: {  	v6 =	vld [tilespmem:s22+$0x10];
	[tilespmem:s19+$0xFFFFFFF0] =	vst v5  }
0x2cf: {  	s24 =	sshra.s32 s24, $0x2;
	v4 =	vld [tilespmem:s22+$0xFFFFFFE0];
	[tilespmem:s19+$0x0] =	vst v3;
	s19 =	smov.u32 s22  }
0x2d0: {  	v3 =	vld [tilespmem:s24+$0x11D00]  }
0x2d1: {  	v8 =	vld [tilespmem:s22+$0x0]  }
.Ltmp16:
0x2d2: {  	(pc) =	sbr.rel @p1 .LBB2_13-.Ltmp16, $3  }
0x2d3: {  	_ =	sdelay $0x1  }
0x2d4: {  	v4 =	vmul.f32 v4, v3;
	v6 =	vmul.f32 v6, v3  }
0x2d5: {  	v5 =	vmul.f32 v7, v3;
	v3 =	vmul.f32 v8, v3  }
0x2d6: {  	[tilespmem:s19+$0x10] =	vst v6  }
0x2d7: {  	[tilespmem:s19+$0xFFFFFFE0] =	vst v4  }
0x2d8: {  	[tilespmem:s19+$0xFFFFFFF0] =	vst v5  }
0x2d9: {  	s22 =	simm.s32 $0x14780;
	[tilespmem:s19+$0x0] =	vst v3  }
0x2da: {  	[hbm4b:s2+s11] =	stream.indirect.scatter [tilespmem:s12], [sflag:$0x3], $0x40, s22, s11, $0xb8;
	[tilespmem:$0x1F4B0] =	vst v63  }
0x2db: {  	_ =	swait.ge [sflag:s8], $0x1F40  }
0x2dc: {  	[sflag:s8] =	ssyncset.done $0x0  }
0x2dd: {  	[sflag:s8] =	ssyncadd.s32 $0xFFFFE0C0  }
0x2de: {  	_ =	swait.ge [sflag:s10], $0x1F40  }
0x2df: {  	[sflag:s10] =	ssyncset.done $0x0  }
0x2e0: {  	s19 =	simm.s32 $0xDEA0;
	s24 =	rddreg [dreg:$0x15];
	[sflag:s10] =	ssyncadd.s32 $0xFFFFE0C0  }
0x2e1: {  	[tilespmem:s12], [sflag:$0x1] =	stream.linear.gather [spmem:s24], $0x1F40, $0x38;
	[tilespmem:$0x1F4B0] =	vst v63  }
0x2e2: {  	v3 =	vld [tilespmem:s19+$0xFFFFFFF0]  }
0x2e3: {  	v5 =	vld [tilespmem:s19+$0x10]  }
0x2e4: {  	s20 =	simm.s32 $0x0;
	v4 =	vld [tilespmem:s19+$0xFFFFFFE0]  }
0x2e5: {  	v7 =	vld [tilespmem:s20+$0x124D0]  }
0x2e6: {  	v8 =	vld [tilespmem:s19+$0x0];
	_ =	sdelay $0x3  }
0x2e7: {  	v4 =	vmul.f32 v4, v7;
	v6 =	vmul.f32 v5, v7  }
0x2e8: {  	s22 =	simm.s32 $0xDEA0;
	s20 =	simm.s32 $0x40;
	v5 =	vmul.f32 v3, v7;
	v3 =	vmul.f32 v8, v7  }
.LBB2_15:
0x2e9: {  	p1 =	sne.s32 s20, $0x1F00  }
0x2ea: {  	[tilespmem:s19+$0x10] =	vst v6;
	s22 =	sadd.s32 $0x40, s22;
	s24 =	smov.u32 s20;
	s20 =	sadd.s32 $0x40, s20  }
0x2eb: {  	v7 =	vld [tilespmem:s22+$0xFFFFFFF0];
	[tilespmem:s19+$0xFFFFFFE0] =	vst v4  }
0x2ec: {  	v6 =	vld [tilespmem:s22+$0x10];
	[tilespmem:s19+$0xFFFFFFF0] =	vst v5  }
0x2ed: {  	s24 =	sshra.s32 s24, $0x2;
	v4 =	vld [tilespmem:s22+$0xFFFFFFE0];
	[tilespmem:s19+$0x0] =	vst v3;
	s19 =	smov.u32 s22  }
0x2ee: {  	v3 =	vld [tilespmem:s24+$0x124D0]  }
0x2ef: {  	v8 =	vld [tilespmem:s22+$0x0]  }
.Ltmp17:
0x2f0: {  	(pc) =	sbr.rel @p1 .LBB2_15-.Ltmp17, $3  }
0x2f1: {  	_ =	sdelay $0x1  }
0x2f2: {  	v4 =	vmul.f32 v4, v3;
	v6 =	vmul.f32 v6, v3  }
0x2f3: {  	v5 =	vmul.f32 v7, v3;
	v3 =	vmul.f32 v8, v3  }
0x2f4: {  	[tilespmem:s19+$0x10] =	vst v6  }
0x2f5: {  	[tilespmem:s19+$0xFFFFFFE0] =	vst v4  }
0x2f6: {  	[tilespmem:s19+$0xFFFFFFF0] =	vst v5  }
0x2f7: {  	s22 =	simm.s32 $0x14800;
	[tilespmem:s19+$0x0] =	vst v3  }
0x2f8: {  	[hbm4b:s2+s11] =	stream.indirect.scatter [tilespmem:s15], [sflag:$0x3], $0x40, s22, s11, $0xb8;
	[tilespmem:$0x1F4B0] =	vst v63  }
0x2f9: {  	_ =	swait.ge [sflag:s6], $0x1F40  }
0x2fa: {  	[sflag:s6] =	ssyncset.done $0x0  }
0x2fb: {  	[sflag:s6] =	ssyncadd.s32 $0xFFFFE0C0  }
0x2fc: {  	_ =	swait.ge [sflag:s10], $0x1F40  }
0x2fd: {  	[sflag:s10] =	ssyncset.done $0x0  }
0x2fe: {  	s19 =	simm.s32 $0xA020;
	s24 =	rddreg [dreg:$0x16];
	[sflag:s10] =	ssyncadd.s32 $0xFFFFE0C0  }
0x2ff: {  	[tilespmem:s15], [sflag:$0x2] =	stream.linear.gather [spmem:s24], $0x1F40, $0x38;
	[tilespmem:$0x1F4B0] =	vst v63  }
0x300: {  	v3 =	vld [tilespmem:s19+$0xFFFFFFF0]  }
0x301: {  	v5 =	vld [tilespmem:s19+$0x10]  }
0x302: {  	s20 =	simm.s32 $0x0;
	v4 =	vld [tilespmem:s19+$0xFFFFFFE0]  }
0x303: {  	v7 =	vld [tilespmem:s20+$0x12CA0]  }
0x304: {  	v8 =	vld [tilespmem:s19+$0x0];
	_ =	sdelay $0x3  }
0x305: {  	v4 =	vmul.f32 v4, v7;
	v6 =	vmul.f32 v5, v7  }
0x306: {  	s22 =	simm.s32 $0xA020;
	s20 =	simm.s32 $0x40;
	v5 =	vmul.f32 v3, v7;
	v3 =	vmul.f32 v8, v7  }
.LBB2_17:
0x307: {  	p1 =	sne.s32 s20, $0x1F00  }
0x308: {  	[tilespmem:s19+$0x10] =	vst v6;
	s22 =	sadd.s32 $0x40, s22;
	s24 =	smov.u32 s20;
	s20 =	sadd.s32 $0x40, s20  }
0x309: {  	v7 =	vld [tilespmem:s22+$0xFFFFFFF0];
	[tilespmem:s19+$0xFFFFFFE0] =	vst v4  }
0x30a: {  	v6 =	vld [tilespmem:s22+$0x10];
	[tilespmem:s19+$0xFFFFFFF0] =	vst v5  }
0x30b: {  	s24 =	sshra.s32 s24, $0x2;
	v4 =	vld [tilespmem:s22+$0xFFFFFFE0];
	[tilespmem:s19+$0x0] =	vst v3;
	s19 =	smov.u32 s22  }
0x30c: {  	v3 =	vld [tilespmem:s24+$0x12CA0]  }
0x30d: {  	v8 =	vld [tilespmem:s22+$0x0]  }
.Ltmp18:
0x30e: {  	(pc) =	sbr.rel @p1 .LBB2_17-.Ltmp18, $3  }
0x30f: {  	_ =	sdelay $0x1  }
0x310: {  	v4 =	vmul.f32 v4, v3;
	v6 =	vmul.f32 v6, v3  }
0x311: {  	v5 =	vmul.f32 v7, v3;
	v3 =	vmul.f32 v8, v3  }
0x312: {  	[tilespmem:s19+$0x10] =	vst v6  }
0x313: {  	[tilespmem:s19+$0xFFFFFFE0] =	vst v4  }
0x314: {  	[tilespmem:s19+$0xFFFFFFF0] =	vst v5  }
0x315: {  	s22 =	simm.s32 $0x14880;
	[tilespmem:s19+$0x0] =	vst v3  }
0x316: {  	[hbm4b:s2+s11] =	stream.indirect.scatter [tilespmem:s12], [sflag:$0x3], $0x40, s22, s11, $0xb8;
	[tilespmem:$0x1F4B0] =	vst v63  }
0x317: {  	_ =	swait.ge [sflag:s8], $0x1F40  }
0x318: {  	[sflag:s8] =	ssyncset.done $0x0  }
0x319: {  	[sflag:s8] =	ssyncadd.s32 $0xFFFFE0C0  }
0x31a: {  	_ =	swait.ge [sflag:s10], $0x1F40  }
0x31b: {  	[sflag:s10] =	ssyncset.done $0x0  }
0x31c: {  	s19 =	simm.s32 $0xDEA0;
	s24 =	rddreg [dreg:$0x17];
	[sflag:s10] =	ssyncadd.s32 $0xFFFFE0C0  }
0x31d: {  	[tilespmem:s12], [sflag:$0x1] =	stream.linear.gather [spmem:s24], $0x1F40, $0x38;
	[tilespmem:$0x1F4B0] =	vst v63  }
0x31e: {  	v3 =	vld [tilespmem:s19+$0xFFFFFFF0]  }
0x31f: {  	v5 =	vld [tilespmem:s19+$0x10]  }
0x320: {  	s20 =	simm.s32 $0x0;
	v4 =	vld [tilespmem:s19+$0xFFFFFFE0]  }
0x321: {  	v7 =	vld [tilespmem:s20+$0x13470]  }
0x322: {  	v8 =	vld [tilespmem:s19+$0x0];
	_ =	sdelay $0x3  }
0x323: {  	v4 =	vmul.f32 v4, v7;
	v6 =	vmul.f32 v5, v7  }
0x324: {  	s22 =	simm.s32 $0xDEA0;
	s20 =	simm.s32 $0x40;
	v5 =	vmul.f32 v3, v7;
	v3 =	vmul.f32 v8, v7  }
.LBB2_19:
0x325: {  	p1 =	sne.s32 s20, $0x1F00  }
0x326: {  	[tilespmem:s19+$0x10] =	vst v6;
	s22 =	sadd.s32 $0x40, s22;
	s24 =	smov.u32 s20;
	s20 =	sadd.s32 $0x40, s20  }
0x327: {  	v7 =	vld [tilespmem:s22+$0xFFFFFFF0];
	[tilespmem:s19+$0xFFFFFFE0] =	vst v4  }
0x328: {  	v6 =	vld [tilespmem:s22+$0x10];
	[tilespmem:s19+$0xFFFFFFF0] =	vst v5  }
0x329: {  	s24 =	sshra.s32 s24, $0x2;
	v4 =	vld [tilespmem:s22+$0xFFFFFFE0];
	[tilespmem:s19+$0x0] =	vst v3;
	s19 =	smov.u32 s22  }
0x32a: {  	v3 =	vld [tilespmem:s24+$0x13470]  }
0x32b: {  	v8 =	vld [tilespmem:s22+$0x0]  }
.Ltmp19:
0x32c: {  	(pc) =	sbr.rel @p1 .LBB2_19-.Ltmp19, $3  }
0x32d: {  	_ =	sdelay $0x1  }
0x32e: {  	v4 =	vmul.f32 v4, v3;
	v6 =	vmul.f32 v6, v3  }
0x32f: {  	v5 =	vmul.f32 v7, v3;
	v3 =	vmul.f32 v8, v3  }
0x330: {  	[tilespmem:s19+$0x10] =	vst v6  }
0x331: {  	[tilespmem:s19+$0xFFFFFFE0] =	vst v4  }
0x332: {  	[tilespmem:s19+$0xFFFFFFF0] =	vst v5  }
0x333: {  	s22 =	simm.s32 $0x14900;
	[tilespmem:s19+$0x0] =	vst v3  }
0x334: {  	[hbm4b:s2+s11] =	stream.indirect.scatter [tilespmem:s15], [sflag:$0x3], $0x40, s22, s11, $0xb8;
	[tilespmem:$0x1F4B0] =	vst v63  }
0x335: {  	_ =	swait.ge [sflag:s6], $0x1F40  }
0x336: {  	[sflag:s6] =	ssyncset.done $0x0  }
0x337: {  	[sflag:s6] =	ssyncadd.s32 $0xFFFFE0C0  }
0x338: {  	_ =	swait.ge [sflag:s10], $0x1F40  }
0x339: {  	[sflag:s10] =	ssyncset.done $0x0  }
0x33a: {  	s19 =	simm.s32 $0xA020;
	s24 =	rddreg [dreg:$0x18];
	[sflag:s10] =	ssyncadd.s32 $0xFFFFE0C0  }
0x33b: {  	[tilespmem:s15], [sflag:$0x2] =	stream.linear.gather [spmem:s24], $0x400, $0x38;
	[tilespmem:$0x1F4B0] =	vst v63  }
0x33c: {  	v3 =	vld [tilespmem:s19+$0xFFFFFFF0]  }
0x33d: {  	v5 =	vld [tilespmem:s19+$0x10]  }
0x33e: {  	s20 =	simm.s32 $0x0;
	v4 =	vld [tilespmem:s19+$0xFFFFFFE0]  }
0x33f: {  	v7 =	vld [tilespmem:s20+$0x13C40]  }
0x340: {  	v8 =	vld [tilespmem:s19+$0x0];
	_ =	sdelay $0x3  }
0x341: {  	v4 =	vmul.f32 v4, v7;
	v6 =	vmul.f32 v5, v7  }
0x342: {  	s22 =	simm.s32 $0xA020;
	s20 =	simm.s32 $0x40;
	v5 =	vmul.f32 v3, v7;
	v3 =	vmul.f32 v8, v7  }
.LBB2_21:
0x343: {  	p1 =	sne.s32 s20, $0x1F00  }
0x344: {  	[tilespmem:s19+$0x10] =	vst v6;
	s22 =	sadd.s32 $0x40, s22;
	s24 =	smov.u32 s20;
	s20 =	sadd.s32 $0x40, s20  }
0x345: {  	v7 =	vld [tilespmem:s22+$0xFFFFFFF0];
	[tilespmem:s19+$0xFFFFFFE0] =	vst v4  }
0x346: {  	v6 =	vld [tilespmem:s22+$0x10];
	[tilespmem:s19+$0xFFFFFFF0] =	vst v5  }
0x347: {  	s24 =	sshra.s32 s24, $0x2;
	v4 =	vld [tilespmem:s22+$0xFFFFFFE0];
	[tilespmem:s19+$0x0] =	vst v3;
	s19 =	smov.u32 s22  }
0x348: {  	v3 =	vld [tilespmem:s24+$0x13C40]  }
0x349: {  	v8 =	vld [tilespmem:s22+$0x0]  }
.Ltmp20:
0x34a: {  	(pc) =	sbr.rel @p1 .LBB2_21-.Ltmp20, $3  }
0x34b: {  	_ =	sdelay $0x1  }
0x34c: {  	v4 =	vmul.f32 v4, v3;
	v6 =	vmul.f32 v6, v3  }
0x34d: {  	v5 =	vmul.f32 v7, v3;
	v3 =	vmul.f32 v8, v3  }
0x34e: {  	[tilespmem:s19+$0x10] =	vst v6  }
0x34f: {  	[tilespmem:s19+$0xFFFFFFE0] =	vst v4  }
0x350: {  	[tilespmem:s19+$0xFFFFFFF0] =	vst v5  }
0x351: {  	s24 =	simm.s32 $0x14980;
	[tilespmem:s19+$0x0] =	vst v3  }
0x352: {  	[hbm4b:s2+s11] =	stream.indirect.scatter [tilespmem:s12], [sflag:$0x3], $0x40, s24, s11, $0xb8;
	[tilespmem:$0x1F4B0] =	vst v63  }
0x353: {  	_ =	swait.ge [sflag:s8], $0x400  }
0x354: {  	[sflag:s8] =	ssyncset.done $0x0  }
0x355: {  	s19 =	simm.s32 $0xDEA0;
	[sflag:s8] =	ssyncadd.s32 $0xFFFFFC00  }
0x356: {  	v3 =	vld [tilespmem:s19+$0xFFFFFFF0]  }
0x357: {  	v5 =	vld [tilespmem:s19+$0x10]  }
0x358: {  	s20 =	simm.s32 $0x0;
	v4 =	vld [tilespmem:s19+$0xFFFFFFE0]  }
0x359: {  	v7 =	vld [tilespmem:s20+$0x14400]  }
0x35a: {  	v8 =	vld [tilespmem:s19+$0x0];
	_ =	sdelay $0x3  }
0x35b: {  	v4 =	vmul.f32 v4, v7;
	v6 =	vmul.f32 v5, v7  }
0x35c: {  	s22 =	simm.s32 $0xDEA0;
	s20 =	simm.s32 $0x40;
	v5 =	vmul.f32 v3, v7;
	v3 =	vmul.f32 v8, v7  }
.LBB2_23:
0x35d: {  	p1 =	sne.s32 s20, $0x3C0  }
0x35e: {  	[tilespmem:s19+$0x10] =	vst v6;
	s22 =	sadd.s32 $0x40, s22;
	s24 =	smov.u32 s20;
	s20 =	sadd.s32 $0x40, s20  }
0x35f: {  	v7 =	vld [tilespmem:s22+$0xFFFFFFF0];
	[tilespmem:s19+$0xFFFFFFE0] =	vst v4  }
0x360: {  	v6 =	vld [tilespmem:s22+$0x10];
	[tilespmem:s19+$0xFFFFFFF0] =	vst v5  }
0x361: {  	s24 =	sshra.s32 s24, $0x2;
	v4 =	vld [tilespmem:s22+$0xFFFFFFE0];
	[tilespmem:s19+$0x0] =	vst v3;
	s19 =	smov.u32 s22  }
0x362: {  	v3 =	vld [tilespmem:s24+$0x14400]  }
0x363: {  	v8 =	vld [tilespmem:s22+$0x0]  }
.Ltmp21:
0x364: {  	(pc) =	sbr.rel @p1 .LBB2_23-.Ltmp21, $3  }
0x365: {  	_ =	sdelay $0x1  }
0x366: {  	v4 =	vmul.f32 v4, v3;
	v6 =	vmul.f32 v6, v3  }
0x367: {  	v5 =	vmul.f32 v7, v3;
	v3 =	vmul.f32 v8, v3  }
.Ltmp22:
0x368: {  	_ = 	snop;
	(pc) =	sbr.rel .LBB2_24-.Ltmp22, $1  }
0x369: {  	_ =	sdelay $0x3  }
.LBB2_37:
0x36a: {  	_ =	sfence.sel $0x180000  }
0x36b: {  	[bflag:$0x0] =	sbarrier.arrive $0xFFFF  }
0x36c: {  	_ =	strace $0x90000047  }
0x36d: {  	s0 =	stileid.u32;
	[bflag:$0x2] =	sbarrier.arrive $0xFFFF  }
0x36e: {  	p0 =	sne.s32 s0, $0x0;
	s0 =	rddreg [dreg:$0x5]  }
0x36f: {  	s0 =	sadd.s32 @!p0 $0x100000, s0  }
0x370: {  	[sflag:s0] =	ssyncadd.tile.s32 @!p0 $0x1;
	_ =	shalt  }
.Lfunc_end2:
_tile_overlayer_lowered:
.L_overlay_start_2:
0x371: {  	(tag) =	ssettag $0x2  }
0x372: {  	s0 =	rddreg [dreg:$0x0];
	s2 =	stileid.u32  }
0x373: {  	s1 =	rddreg [dreg:$0x1];
	p0 =	sne.s32 s2, $0x0  }
0x374: {  	s3 =	rddreg [dreg:$0x2];
	[bflag:$0x3] =	sbarrier.arrive $0xFFFF;
	s2 =	simm.s32 @!p0 $0x1C04  }
0x375: {  	[timem:s3], [sflag:s2] =	dma.local @!p0 [hbm:s0], s1  }
0x376: {  	s0 =	simm.s32 @!p0 $0x4  }
0x377: {  	_ =	swait.ge @!p0 [sflag:s0], s1  }
0x378: {  	s1 =	ssub.s32 @!p0 $0x0, s1;
	[sflag:s0] =	ssyncset.done @!p0 $0x0  }
0x379: {  	[sflag:s0] =	ssyncadd.s32 @!p0 s1  }
0x37a: {  	[bflag:$0x3] =	sbarrier.arrive $0xFFFF  }
0x37b: {  	_ =	shalt  }

</sc_bundles>
